<compile_context>
chip_gen: v7x
topology: tpu7x:2x2x1
jax: 0.10.2.dev20260603
libtpu: 0.0.44.dev20260713+nightly
codegen_flags: <defaults>
</compile_context>

<pallas_src>
import functools

import jax
import jax.numpy as jnp
from jax import lax
from jax.experimental import pallas as pl
from jax.experimental.pallas import tpu as pltpu
from jax.experimental.pallas import tpu_sc as plsc

_B = 16384
_BLK = 8192
_NB = _B // _BLK

_NC, _NS, _L = 2, 16, 16
_NW = _NC * _NS
_BPW = _B // _NW


def _sc_body(sid_hbm, kid_hbm, tid_hbm, tbl_hbm, e_hbm,
             sidx_v, kidx_v, tidx_v, tbl_v, e_v, sem, osem):
    wid = lax.axis_index("s") * _NC + lax.axis_index("c")
    base = wid * _BPW
    copies = [
        pltpu.async_copy(sid_hbm.at[pl.ds(base, _BPW)], sidx_v, sem),
        pltpu.async_copy(kid_hbm.at[pl.ds(base, _BPW)], kidx_v, sem),
        pltpu.async_copy(tid_hbm.at[pl.ds(base, _BPW)], tidx_v, sem),
        pltpu.async_copy(tbl_hbm, tbl_v, sem),
    ]
    for c in copies:
        c.wait()

    it0 = lax.iota(jnp.int32, _L)
    it16 = it0 + 16

    _SLAB = 128
    _NSLAB = _BPW // _SLAB
    outs = []
    for s in range(_NSLAB):
        def group(g, carry, s=s):
            off = s * _SLAB + g * _L
            sid16 = sidx_v[pl.ds(off, _L)]
            kid16 = kidx_v[pl.ds(off, _L)] + 50
            tid16 = tidx_v[pl.ds(off, _L)] + 74
            for l in range(_L):
                r = off + l
                sb = jnp.full((_L,), sid16[l], jnp.int32)
                kb = jnp.full((_L,), kid16[l], jnp.int32)
                tb = jnp.full((_L,), tid16[l], jnp.int32)
                e_v[r, pl.ds(0, _L)] = plsc.load_gather(tbl_v, [sb, it0])
                e_v[r, pl.ds(16, _L)] = plsc.load_gather(tbl_v, [sb, it16])
                e_v[r, pl.ds(32, _L)] = plsc.load_gather(tbl_v, [kb, it0])
                e_v[r, pl.ds(48, _L)] = plsc.load_gather(tbl_v, [tb, it0])
            return carry

        lax.fori_loop(0, _SLAB // _L, group, 0)
        outs.append(pltpu.async_copy(
            e_v.at[pl.ds(s * _SLAB, _SLAB)],
            e_hbm.at[pl.ds(base + s * _SLAB, _SLAB)], osem))
    for c in outs:
        c.wait()


@functools.lru_cache(maxsize=1)
def _sc_gather():
    return functools.partial(
        pl.kernel,
        out_type=jax.ShapeDtypeStruct((_B, 64), jnp.float32),
        mesh=plsc.VectorSubcoreMesh(core_axis_name="c", subcore_axis_name="s",
                                    num_cores=_NC, num_subcores=_NS),
        compiler_params=pltpu.CompilerParams(needs_layout_passes=False),
        scratch_types=[
            pltpu.VMEM((_BPW,), jnp.int32),
            pltpu.VMEM((_BPW,), jnp.int32),
            pltpu.VMEM((_BPW,), jnp.int32),
            pltpu.VMEM((94, 32), jnp.float32),
            pltpu.VMEM((_BPW, 64), jnp.float32),
            pltpu.SemaphoreType.DMA,
            pltpu.SemaphoreType.DMA,
        ],
    )(_sc_body)


def _tc_body(e_ref, tmp_ref, str_ref,
             tw_ref, tb_ref, sw_ref, sb_ref, fw_ref, fb_ref, out_ref):
    f32 = jnp.float32
    fw = fw_ref[...]
    W64 = fw[:, 0:64]
    Wtem = fw[:, 64:80]
    Wstr = fw[:, 80:112]

    tW = jnp.dot(tw_ref[...].T, Wtem.T, preferred_element_type=f32)
    sW = jnp.dot(sw_ref[...].T, Wstr.T, preferred_element_type=f32)
    bias = (fb_ref[...]
            + jnp.dot(tb_ref[...], Wtem.T, preferred_element_type=f32)
            + jnp.dot(sb_ref[...], Wstr.T, preferred_element_type=f32))

    out = jnp.dot(e_ref[...], W64.T, preferred_element_type=f32)
    out += lax.dot_general(str_ref[...], sW, (((0,), (0,)), ((), ())),
                           preferred_element_type=f32)
    out += tmp_ref[0, 0, :][:, None] * tW
    out_ref[...] = out + bias


def _tc_combine(e, tempos, structures_t,
                tempo_W, tempo_b, structure_W, structure_b, final_W, final_b):
    tmp3 = tempos.reshape(_NB, 1, _BLK)
    tb2 = tempo_b.reshape(1, 16)
    sb2 = structure_b.reshape(1, 32)
    fb2 = final_b.reshape(1, 128)
    full = lambda shape: pl.BlockSpec(shape, lambda i: (0,) * len(shape))
    return pl.pallas_call(
        _tc_body,
        grid=(_NB,),
        in_specs=[
            pl.BlockSpec((_BLK, 64), lambda i: (i, 0)),
            pl.BlockSpec((1, 1, _BLK), lambda i: (i, 0, 0)),
            pl.BlockSpec((10, _BLK), lambda i: (0, i)),
            full((16, 1)),
            full((1, 16)),
            full((32, 10)),
            full((1, 32)),
            full((128, 112)),
            full((1, 128)),
        ],
        out_specs=pl.BlockSpec((_BLK, 128), lambda i: (i, 0)),
        out_shape=jax.ShapeDtypeStruct((_B, 128), jnp.float32),
    )(e, tmp3, structures_t, tempo_W, tb2, structure_W, sb2, final_W, fb2)


def kernel(style_ids, key_ids, timefeel_ids, tempos, structures,
           style_table, key_table, timefeel_table,
           tempo_W, tempo_b, structure_W, structure_b,
           final_W, final_b):
    sid = style_ids.astype(jnp.int32)
    kid = key_ids.astype(jnp.int32)
    tid = timefeel_ids.astype(jnp.int32)
    tbl = jnp.concatenate([style_table,
                           jnp.pad(key_table, ((0, 0), (0, 16))),
                           jnp.pad(timefeel_table, ((0, 0), (0, 16)))])
    e = _sc_gather()(sid, kid, tid, tbl)
    return _tc_combine(e, tempos.reshape(_B), structures.T,
                       tempo_W, tempo_b, structure_W, structure_b,
                       final_W, final_b)

# --- scband reference (transcript-rebuilt; emitter-appended) ---
"""Pipeline reference for scband-control-jsonencoder-68186900791652 (READ-ONLY COPY).

The authoritative reference and input builder live on the scoring server;
editing this copy changes nothing except your own understanding.
"""

import jax, jax.numpy as jnp
import numpy as np

B = 16384
OUTPUT_DIM = 128


def setup_inputs(seed: int = 0) -> dict:
    key = jax.random.key(seed)
    ks = jax.random.split(key, 16)
    style_ids = jax.random.randint(ks[0], (B,), 0, 50, dtype=jnp.int64 if jax.config.jax_enable_x64 else jnp.int32)
    key_ids = jax.random.randint(ks[1], (B,), 0, 24, dtype=jnp.int32)
    timefeel_ids = jax.random.randint(ks[2], (B,), 0, 20, dtype=jnp.int32)
    tempos = jax.random.uniform(ks[3], (B, 1), dtype=jnp.float32)
    structures = jax.random.uniform(ks[4], (B, 10), dtype=jnp.float32)
    # learned parameters
    style_table = jax.random.normal(ks[5], (50, 32), dtype=jnp.float32) * 0.02
    key_table = jax.random.normal(ks[6], (24, 16), dtype=jnp.float32) * 0.02
    timefeel_table = jax.random.normal(ks[7], (20, 16), dtype=jnp.float32) * 0.02
    tempo_W = jax.random.normal(ks[8], (16, 1), dtype=jnp.float32) * 0.02
    tempo_b = jnp.zeros((16,), dtype=jnp.float32)
    structure_W = jax.random.normal(ks[9], (32, 10), dtype=jnp.float32) * 0.02
    structure_b = jnp.zeros((32,), dtype=jnp.float32)
    final_W = jax.random.normal(ks[10], (OUTPUT_DIM, 32 + 16 + 16 + 16 + 32), dtype=jnp.float32) * 0.02
    final_b = jnp.zeros((OUTPUT_DIM,), dtype=jnp.float32)
    return {
        "style_ids": style_ids,
        "key_ids": key_ids,
        "timefeel_ids": timefeel_ids,
        "tempos": tempos,
        "structures": structures,
        "style_table": style_table,
        "key_table": key_table,
        "timefeel_table": timefeel_table,
        "tempo_W": tempo_W,
        "tempo_b": tempo_b,
        "structure_W": structure_W,
        "structure_b": structure_b,
        "final_W": final_W,
        "final_b": final_b,
    }


def reference(style_ids, key_ids, timefeel_ids, tempos, structures,
              style_table, key_table, timefeel_table,
              tempo_W, tempo_b, structure_W, structure_b,
              final_W, final_b):
    style_emb = jnp.take(style_table, style_ids, axis=0)          # [B, 32]
    key_emb = jnp.take(key_table, key_ids, axis=0)                # [B, 16]
    timefeel_emb = jnp.take(timefeel_table, timefeel_ids, axis=0)  # [B, 16]
    tempo_emb = tempos @ tempo_W.T + tempo_b                      # [B, 16]
    structure_emb = structures @ structure_W.T + structure_b      # [B, 32]
    combined = jnp.concatenate([style_emb, key_emb, timefeel_emb, tempo_emb, structure_emb], axis=1)
    output = combined @ final_W.T + final_b                       # [B, 128]
    return output

if __name__ == "__main__":
    import jax
    _d = setup_inputs()
    print(jax.jit(kernel)(*tuple(_d.values())))

</pallas_src>

<mosaic_0001>
#map = affine_map<(d0, d1) -> (0)>
#map1 = affine_map<(d0, d1) -> (0, 0)>
module attributes {stable_mosaic.version = 14 : i64} {
  func.func @_sc_body(%arg0: i32, %arg1: i32, %arg2: memref<16384xi32, #tpu.memory_space<hbm>>, %arg3: memref<16384xi32, #tpu.memory_space<hbm>>, %arg4: memref<16384xi32, #tpu.memory_space<hbm>>, %arg5: memref<94x32xf32, #tpu.memory_space<hbm>>, %arg6: memref<16384x64xf32, #tpu.memory_space<hbm>>, %arg7: memref<512xi32, #tpu.memory_space<vmem>>, %arg8: memref<512xi32, #tpu.memory_space<vmem>>, %arg9: memref<512xi32, #tpu.memory_space<vmem>>, %arg10: memref<94x32xf32, #tpu.memory_space<vmem>>, %arg11: memref<512x64xf32, #tpu.memory_space<vmem>>, %arg12: memref<!tpu.dma_semaphore, #tpu.memory_space<semaphore_mem>>, %arg13: memref<!tpu.dma_semaphore, #tpu.memory_space<semaphore_mem>>) attributes {dimension_semantics = [#tpu.dimension_semantics<core_parallel>, #tpu.dimension_semantics<subcore_parallel>], iteration_bounds = array<i64: 2, 16>, scalar_prefetch = 0 : i64, scratch_operands = 7 : i64, tpu.core_type = #tpu.core_type<sc_vector_subcore>, window_params = [{transform_indices = #map}, {transform_indices = #map}, {transform_indices = #map}, {transform_indices = #map1}, {transform_indices = #map1}]} {
    %mul3A = arith.constant 2 : i32
    %mul3A_0 = arith.muli %arg1, %mul3A : i32
    %add3A = arith.addi %mul3A_0, %arg0 : i32
    %mul3A_1 = arith.constant 512 : i32
    %mul3A_2 = arith.muli %add3A, %mul3A_1 : i32
    %dma_start3A = tpu.memref_slice %arg2[%mul3A_2] : memref<16384xi32, #tpu.memory_space<hbm>> -> memref<512xi32, #tpu.memory_space<hbm>>
    %dma_start3A_3 = tpu.memref_slice %arg2[%mul3A_2] : memref<16384xi32, #tpu.memory_space<hbm>> -> memref<512xi32, #tpu.memory_space<hbm>>
    tpu.enqueue_dma source(%dma_start3A_3 : memref<512xi32, #tpu.memory_space<hbm>>) target(%arg7 : memref<512xi32, #tpu.memory_space<vmem>>) target_semaphore(%arg12 : memref<!tpu.dma_semaphore, #tpu.memory_space<semaphore_mem>>)
    %dma_start3A_4 = tpu.memref_slice %arg3[%mul3A_2] : memref<16384xi32, #tpu.memory_space<hbm>> -> memref<512xi32, #tpu.memory_space<hbm>>
    %dma_start3A_5 = tpu.memref_slice %arg3[%mul3A_2] : memref<16384xi32, #tpu.memory_space<hbm>> -> memref<512xi32, #tpu.memory_space<hbm>>
    tpu.enqueue_dma source(%dma_start3A_5 : memref<512xi32, #tpu.memory_space<hbm>>) target(%arg8 : memref<512xi32, #tpu.memory_space<vmem>>) target_semaphore(%arg12 : memref<!tpu.dma_semaphore, #tpu.memory_space<semaphore_mem>>)
    %dma_start3A_6 = tpu.memref_slice %arg4[%mul3A_2] : memref<16384xi32, #tpu.memory_space<hbm>> -> memref<512xi32, #tpu.memory_space<hbm>>
    %dma_start3A_7 = tpu.memref_slice %arg4[%mul3A_2] : memref<16384xi32, #tpu.memory_space<hbm>> -> memref<512xi32, #tpu.memory_space<hbm>>
    tpu.enqueue_dma source(%dma_start3A_7 : memref<512xi32, #tpu.memory_space<hbm>>) target(%arg9 : memref<512xi32, #tpu.memory_space<vmem>>) target_semaphore(%arg12 : memref<!tpu.dma_semaphore, #tpu.memory_space<semaphore_mem>>)
    tpu.enqueue_dma source(%arg5 : memref<94x32xf32, #tpu.memory_space<hbm>>) target(%arg10 : memref<94x32xf32, #tpu.memory_space<vmem>>) target_semaphore(%arg12 : memref<!tpu.dma_semaphore, #tpu.memory_space<semaphore_mem>>)
    %dma_wait3A = tpu.memref_slice %arg2[%mul3A_2] : memref<16384xi32, #tpu.memory_space<hbm>> -> memref<512xi32, #tpu.memory_space<hbm>>
    %dma_wait3A_8 = tpu.memref_slice %arg2[%mul3A_2] : memref<16384xi32, #tpu.memory_space<hbm>> -> memref<512xi32, #tpu.memory_space<hbm>>
    tpu.wait_dma2 semaphore(%arg12 : memref<!tpu.dma_semaphore, #tpu.memory_space<semaphore_mem>>) src(%dma_wait3A_8 : memref<512xi32, #tpu.memory_space<hbm>>) dst(%arg7 : memref<512xi32, #tpu.memory_space<vmem>>)
    %dma_wait3A_9 = tpu.memref_slice %arg3[%mul3A_2] : memref<16384xi32, #tpu.memory_space<hbm>> -> memref<512xi32, #tpu.memory_space<hbm>>
    %dma_wait3A_10 = tpu.memref_slice %arg3[%mul3A_2] : memref<16384xi32, #tpu.memory_space<hbm>> -> memref<512xi32, #tpu.memory_space<hbm>>
    tpu.wait_dma2 semaphore(%arg12 : memref<!tpu.dma_semaphore, #tpu.memory_space<semaphore_mem>>) src(%dma_wait3A_10 : memref<512xi32, #tpu.memory_space<hbm>>) dst(%arg8 : memref<512xi32, #tpu.memory_space<vmem>>)
    %dma_wait3A_11 = tpu.memref_slice %arg4[%mul3A_2] : memref<16384xi32, #tpu.memory_space<hbm>> -> memref<512xi32, #tpu.memory_space<hbm>>
    %dma_wait3A_12 = tpu.memref_slice %arg4[%mul3A_2] : memref<16384xi32, #tpu.memory_space<hbm>> -> memref<512xi32, #tpu.memory_space<hbm>>
    tpu.wait_dma2 semaphore(%arg12 : memref<!tpu.dma_semaphore, #tpu.memory_space<semaphore_mem>>) src(%dma_wait3A_12 : memref<512xi32, #tpu.memory_space<hbm>>) dst(%arg9 : memref<512xi32, #tpu.memory_space<vmem>>)
    tpu.wait_dma2 semaphore(%arg12 : memref<!tpu.dma_semaphore, #tpu.memory_space<semaphore_mem>>) src(%arg5 : memref<94x32xf32, #tpu.memory_space<hbm>>) dst(%arg10 : memref<94x32xf32, #tpu.memory_space<vmem>>)
    %iota3A = tpu.iota {dimensions = array<i32: 0>} : vector<16xi32>
    %add3A_13 = arith.constant 16 : i32
    %add3A_14 = vector.broadcast %add3A_13 : i32 to vector<16xi32>
    %add3A_15 = arith.addi %iota3A, %add3A_14 : vector<16xi32>
    %scan3A = arith.constant 0 : i32
    %scan3A_16 = arith.constant 0 : i32
    %scan3A_17 = arith.constant 8 : i32
    %scan3A_18 = arith.addi %scan3A_16, %scan3A_17 : i32
    %scan3A_19 = arith.constant 1 : i32
    scf.for %scan3A_127 = %scan3A_16 to %scan3A_18 step %scan3A_19  : i32 {
      %mul3A_128 = arith.constant 16 : i32
      %mul3A_129 = arith.muli %scan3A_127, %mul3A_128 : i32
      %add3A_130 = arith.constant 0 : i32
      %add3A_131 = arith.addi %add3A_130, %mul3A_129 : i32
      %get3A = arith.index_cast %add3A_131 : i32 to index
      %get3A_132 = tpu.vector_load %arg7[%get3A] {strides = array<i32>} : memref<512xi32, #tpu.memory_space<vmem>>, vector<16xi32>,
      %get3A_133 = arith.index_cast %add3A_131 : i32 to index
      %get3A_134 = tpu.vector_load %arg8[%get3A_133] {strides = array<i32>} : memref<512xi32, #tpu.memory_space<vmem>>, vector<16xi32>,
      %add3A_135 = arith.constant 50 : i32
      %add3A_136 = vector.broadcast %add3A_135 : i32 to vector<16xi32>
      %add3A_137 = arith.addi %get3A_134, %add3A_136 : vector<16xi32>
      %get3A_138 = arith.index_cast %add3A_131 : i32 to index
      %get3A_139 = tpu.vector_load %arg9[%get3A_138] {strides = array<i32>} : memref<512xi32, #tpu.memory_space<vmem>>, vector<16xi32>,
      %add3A_140 = arith.constant 74 : i32
      %add3A_141 = vector.broadcast %add3A_140 : i32 to vector<16xi32>
      %add3A_142 = arith.addi %get3A_139, %add3A_141 : vector<16xi32>
      %add3A_143 = arith.constant 0 : i32
      %add3A_144 = arith.addi %add3A_131, %add3A_143 : i32
      %slice3A = vector.extract_strided_slice %get3A_132 {offsets = [0], sizes = [1], strides = [1]} : vector<16xi32> to vector<1xi32>
      %squeeze3A = vector.extract %slice3A[0] : i32 from vector<1xi32>
      %broadcast_in_dim3A = vector.broadcast %squeeze3A : i32 to vector<16xi32>
      %slice3A_145 = vector.extract_strided_slice %add3A_137 {offsets = [0], sizes = [1], strides = [1]} : vector<16xi32> to vector<1xi32>
      %squeeze3A_146 = vector.extract %slice3A_145[0] : i32 from vector<1xi32>
      %broadcast_in_dim3A_147 = vector.broadcast %squeeze3A_146 : i32 to vector<16xi32>
      %slice3A_148 = vector.extract_strided_slice %add3A_142 {offsets = [0], sizes = [1], strides = [1]} : vector<16xi32> to vector<1xi32>
      %squeeze3A_149 = vector.extract %slice3A_148[0] : i32 from vector<1xi32>
      %broadcast_in_dim3A_150 = vector.broadcast %squeeze3A_149 : i32 to vector<16xi32>
      %gather3A = tpu.vector_load_idx %arg10[%broadcast_in_dim3A, %iota3A] : memref<94x32xf32, #tpu.memory_space<vmem>>[vector<16xi32>, vector<16xi32>], vector<16xf32>,
      %swap3A = arith.index_cast %add3A_144 : i32 to index
      %swap3A_151 = arith.constant 0 : index
      %swap3A_152 = tpu.vector_load %arg11[%swap3A, %swap3A_151] {strides = array<i32>} : memref<512x64xf32, #tpu.memory_space<vmem>>, vector<16xf32>,
      tpu.vector_store %arg11[%swap3A, %swap3A_151], %gather3A {strides = array<i32>} : memref<512x64xf32, #tpu.memory_space<vmem>>, vector<16xf32>,
      %gather3A_153 = tpu.vector_load_idx %arg10[%broadcast_in_dim3A, %add3A_15] : memref<94x32xf32, #tpu.memory_space<vmem>>[vector<16xi32>, vector<16xi32>], vector<16xf32>,
      %swap3A_154 = arith.index_cast %add3A_144 : i32 to index
      %swap3A_155 = arith.constant 16 : index
      %swap3A_156 = tpu.vector_load %arg11[%swap3A_154, %swap3A_155] {strides = array<i32>} : memref<512x64xf32, #tpu.memory_space<vmem>>, vector<16xf32>,
      tpu.vector_store %arg11[%swap3A_154, %swap3A_155], %gather3A_153 {strides = array<i32>} : memref<512x64xf32, #tpu.memory_space<vmem>>, vector<16xf32>,
      %gather3A_157 = tpu.vector_load_idx %arg10[%broadcast_in_dim3A_147, %iota3A] : memref<94x32xf32, #tpu.memory_space<vmem>>[vector<16xi32>, vector<16xi32>], vector<16xf32>,
      %swap3A_158 = arith.index_cast %add3A_144 : i32 to index
      %swap3A_159 = arith.constant 32 : index
      %swap3A_160 = tpu.vector_load %arg11[%swap3A_158, %swap3A_159] {strides = array<i32>} : memref<512x64xf32, #tpu.memory_space<vmem>>, vector<16xf32>,
      tpu.vector_store %arg11[%swap3A_158, %swap3A_159], %gather3A_157 {strides = array<i32>} : memref<512x64xf32, #tpu.memory_space<vmem>>, vector<16xf32>,
      %gather3A_161 = tpu.vector_load_idx %arg10[%broadcast_in_dim3A_150, %iota3A] : memref<94x32xf32, #tpu.memory_space<vmem>>[vector<16xi32>, vector<16xi32>], vector<16xf32>,
      %swap3A_162 = arith.index_cast %add3A_144 : i32 to index
      %swap3A_163 = arith.constant 48 : index
      %swap3A_164 = tpu.vector_load %arg11[%swap3A_162, %swap3A_163] {strides = array<i32>} : memref<512x64xf32, #tpu.memory_space<vmem>>, vector<16xf32>,
      tpu.vector_store %arg11[%swap3A_162, %swap3A_163], %gather3A_161 {strides = array<i32>} : memref<512x64xf32, #tpu.memory_space<vmem>>, vector<16xf32>,
      %add3A_165 = arith.constant 1 : i32
      %add3A_166 = arith.addi %add3A_131, %add3A_165 : i32
      %slice3A_167 = vector.extract_strided_slice %get3A_132 {offsets = [1], sizes = [1], strides = [1]} : vector<16xi32> to vector<1xi32>
      %squeeze3A_168 = vector.extract %slice3A_167[0] : i32 from vector<1xi32>
      %broadcast_in_dim3A_169 = vector.broadcast %squeeze3A_168 : i32 to vector<16xi32>
      %slice3A_170 = vector.extract_strided_slice %add3A_137 {offsets = [1], sizes = [1], strides = [1]} : vector<16xi32> to vector<1xi32>
      %squeeze3A_171 = vector.extract %slice3A_170[0] : i32 from vector<1xi32>
      %broadcast_in_dim3A_172 = vector.broadcast %squeeze3A_171 : i32 to vector<16xi32>
      %slice3A_173 = vector.extract_strided_slice %add3A_142 {offsets = [1], sizes = [1], strides = [1]} : vector<16xi32> to vector<1xi32>
      %squeeze3A_174 = vector.extract %slice3A_173[0] : i32 from vector<1xi32>
      %broadcast_in_dim3A_175 = vector.broadcast %squeeze3A_174 : i32 to vector<16xi32>
      %gather3A_176 = tpu.vector_load_idx %arg10[%broadcast_in_dim3A_169, %iota3A] : memref<94x32xf32, #tpu.memory_space<vmem>>[vector<16xi32>, vector<16xi32>], vector<16xf32>,
      %swap3A_177 = arith.index_cast %add3A_166 : i32 to index
      %swap3A_178 = arith.constant 0 : index
      %swap3A_179 = tpu.vector_load %arg11[%swap3A_177, %swap3A_178] {strides = array<i32>} : memref<512x64xf32, #tpu.memory_space<vmem>>, vector<16xf32>,
      tpu.vector_store %arg11[%swap3A_177, %swap3A_178], %gather3A_176 {strides = array<i32>} : memref<512x64xf32, #tpu.memory_space<vmem>>, vector<16xf32>,
      %gather3A_180 = tpu.vector_load_idx %arg10[%broadcast_in_dim3A_169, %add3A_15] : memref<94x32xf32, #tpu.memory_space<vmem>>[vector<16xi32>, vector<16xi32>], vector<16xf32>,
      %swap3A_181 = arith.index_cast %add3A_166 : i32 to index
      %swap3A_182 = arith.constant 16 : index
      %swap3A_183 = tpu.vector_load %arg11[%swap3A_181, %swap3A_182] {strides = array<i32>} : memref<512x64xf32, #tpu.memory_space<vmem>>, vector<16xf32>,
      tpu.vector_store %arg11[%swap3A_181, %swap3A_182], %gather3A_180 {strides = array<i32>} : memref<512x64xf32, #tpu.memory_space<vmem>>, vector<16xf32>,
      %gather3A_184 = tpu.vector_load_idx %arg10[%broadcast_in_dim3A_172, %iota3A] : memref<94x32xf32, #tpu.memory_space<vmem>>[vector<16xi32>, vector<16xi32>], vector<16xf32>,
      %swap3A_185 = arith.index_cast %add3A_166 : i32 to index
      %swap3A_186 = arith.constant 32 : index
      %swap3A_187 = tpu.vector_load %arg11[%swap3A_185, %swap3A_186] {strides = array<i32>} : memref<512x64xf32, #tpu.memory_space<vmem>>, vector<16xf32>,
      tpu.vector_store %arg11[%swap3A_185, %swap3A_186], %gather3A_184 {strides = array<i32>} : memref<512x64xf32, #tpu.memory_space<vmem>>, vector<16xf32>,
      %gather3A_188 = tpu.vector_load_idx %arg10[%broadcast_in_dim3A_175, %iota3A] : memref<94x32xf32, #tpu.memory_space<vmem>>[vector<16xi32>, vector<16xi32>], vector<16xf32>,
      %swap3A_189 = arith.index_cast %add3A_166 : i32 to index
      %swap3A_190 = arith.constant 48 : index
      %swap3A_191 = tpu.vector_load %arg11[%swap3A_189, %swap3A_190] {strides = array<i32>} : memref<512x64xf32, #tpu.memory_space<vmem>>, vector<16xf32>,
      tpu.vector_store %arg11[%swap3A_189, %swap3A_190], %gather3A_188 {strides = array<i32>} : memref<512x64xf32, #tpu.memory_space<vmem>>, vector<16xf32>,
      %add3A_192 = arith.constant 2 : i32
      %add3A_193 = arith.addi %add3A_131, %add3A_192 : i32
      %slice3A_194 = vector.extract_strided_slice %get3A_132 {offsets = [2], sizes = [1], strides = [1]} : vector<16xi32> to vector<1xi32>
      %squeeze3A_195 = vector.extract %slice3A_194[0] : i32 from vector<1xi32>
      %broadcast_in_dim3A_196 = vector.broadcast %squeeze3A_195 : i32 to vector<16xi32>
      %slice3A_197 = vector.extract_strided_slice %add3A_137 {offsets = [2], sizes = [1], strides = [1]} : vector<16xi32> to vector<1xi32>
      %squeeze3A_198 = vector.extract %slice3A_197[0] : i32 from vector<1xi32>
      %broadcast_in_dim3A_199 = vector.broadcast %squeeze3A_198 : i32 to vector<16xi32>
      %slice3A_200 = vector.extract_strided_slice %add3A_142 {offsets = [2], sizes = [1], strides = [1]} : vector<16xi32> to vector<1xi32>
      %squeeze3A_201 = vector.extract %slice3A_200[0] : i32 from vector<1xi32>
      %broadcast_in_dim3A_202 = vector.broadcast %squeeze3A_201 : i32 to vector<16xi32>
      %gather3A_203 = tpu.vector_load_idx %arg10[%broadcast_in_dim3A_196, %iota3A] : memref<94x32xf32, #tpu.memory_space<vmem>>[vector<16xi32>, vector<16xi32>], vector<16xf32>,
      %swap3A_204 = arith.index_cast %add3A_193 : i32 to index
      %swap3A_205 = arith.constant 0 : index
      %swap3A_206 = tpu.vector_load %arg11[%swap3A_204, %swap3A_205] {strides = array<i32>} : memref<512x64xf32, #tpu.memory_space<vmem>>, vector<16xf32>,
      tpu.vector_store %arg11[%swap3A_204, %swap3A_205], %gather3A_203 {strides = array<i32>} : memref<512x64xf32, #tpu.memory_space<vmem>>, vector<16xf32>,
      %gather3A_207 = tpu.vector_load_idx %arg10[%broadcast_in_dim3A_196, %add3A_15] : memref<94x32xf32, #tpu.memory_space<vmem>>[vector<16xi32>, vector<16xi32>], vector<16xf32>,
      %swap3A_208 = arith.index_cast %add3A_193 : i32 to index
      %swap3A_209 = arith.constant 16 : index
      %swap3A_210 = tpu.vector_load %arg11[%swap3A_208, %swap3A_209] {strides = array<i32>} : memref<512x64xf32, #tpu.memory_space<vmem>>, vector<16xf32>,
      tpu.vector_store %arg11[%swap3A_208, %swap3A_209], %gather3A_207 {strides = array<i32>} : memref<512x64xf32, #tpu.memory_space<vmem>>, vector<16xf32>,
      %gather3A_211 = tpu.vector_load_idx %arg10[%broadcast_in_dim3A_199, %iota3A] : memref<94x32xf32, #tpu.memory_space<vmem>>[vector<16xi32>, vector<16xi32>], vector<16xf32>,
      %swap3A_212 = arith.index_cast %add3A_193 : i32 to index
      %swap3A_213 = arith.constant 32 : index
      %swap3A_214 = tpu.vector_load %arg11[%swap3A_212, %swap3A_213] {strides = array<i32>} : memref<512x64xf32, #tpu.memory_space<vmem>>, vector<16xf32>,
      tpu.vector_store %arg11[%swap3A_212, %swap3A_213], %gather3A_211 {strides = array<i32>} : memref<512x64xf32, #tpu.memory_space<vmem>>, vector<16xf32>,
      %gather3A_215 = tpu.vector_load_idx %arg10[%broadcast_in_dim3A_202, %iota3A] : memref<94x32xf32, #tpu.memory_space<vmem>>[vector<16xi32>, vector<16xi32>], vector<16xf32>,
      %swap3A_216 = arith.index_cast %add3A_193 : i32 to index
      %swap3A_217 = arith.constant 48 : index
      %swap3A_218 = tpu.vector_load %arg11[%swap3A_216, %swap3A_217] {strides = array<i32>} : memref<512x64xf32, #tpu.memory_space<vmem>>, vector<16xf32>,
      tpu.vector_store %arg11[%swap3A_216, %swap3A_217], %gather3A_215 {strides = array<i32>} : memref<512x64xf32, #tpu.memory_space<vmem>>, vector<16xf32>,
      %add3A_219 = arith.constant 3 : i32
      %add3A_220 = arith.addi %add3A_131, %add3A_219 : i32
      %slice3A_221 = vector.extract_strided_slice %get3A_132 {offsets = [3], sizes = [1], strides = [1]} : vector<16xi32> to vector<1xi32>
      %squeeze3A_222 = vector.extract %slice3A_221[0] : i32 from vector<1xi32>
      %broadcast_in_dim3A_223 = vector.broadcast %squeeze3A_222 : i32 to vector<16xi32>
      %slice3A_224 = vector.extract_strided_slice %add3A_137 {offsets = [3], sizes = [1], strides = [1]} : vector<16xi32> to vector<1xi32>
      %squeeze3A_225 = vector.extract %slice3A_224[0] : i32 from vector<1xi32>
      %broadcast_in_dim3A_226 = vector.broadcast %squeeze3A_225 : i32 to vector<16xi32>
      %slice3A_227 = vector.extract_strided_slice %add3A_142 {offsets = [3], sizes = [1], strides = [1]} : vector<16xi32> to vector<1xi32>
      %squeeze3A_228 = vector.extract %slice3A_227[0] : i32 from vector<1xi32>
      %broadcast_in_dim3A_229 = vector.broadcast %squeeze3A_228 : i32 to vector<16xi32>
      %gather3A_230 = tpu.vector_load_idx %arg10[%broadcast_in_dim3A_223, %iota3A] : memref<94x32xf32, #tpu.memory_space<vmem>>[vector<16xi32>, vector<16xi32>], vector<16xf32>,
      %swap3A_231 = arith.index_cast %add3A_220 : i32 to index
      %swap3A_232 = arith.constant 0 : index
      %swap3A_233 = tpu.vector_load %arg11[%swap3A_231, %swap3A_232] {strides = array<i32>} : memref<512x64xf32, #tpu.memory_space<vmem>>, vector<16xf32>,
      tpu.vector_store %arg11[%swap3A_231, %swap3A_232], %gather3A_230 {strides = array<i32>} : memref<512x64xf32, #tpu.memory_space<vmem>>, vector<16xf32>,
      %gather3A_234 = tpu.vector_load_idx %arg10[%broadcast_in_dim3A_223, %add3A_15] : memref<94x32xf32, #tpu.memory_space<vmem>>[vector<16xi32>, vector<16xi32>], vector<16xf32>,
      %swap3A_235 = arith.index_cast %add3A_220 : i32 to index
      %swap3A_236 = arith.constant 16 : index
      %swap3A_237 = tpu.vector_load %arg11[%swap3A_235, %swap3A_236] {strides = array<i32>} : memref<512x64xf32, #tpu.memory_space<vmem>>, vector<16xf32>,
      tpu.vector_store %arg11[%swap3A_235, %swap3A_236], %gather3A_234 {strides = array<i32>} : memref<512x64xf32, #tpu.memory_space<vmem>>, vector<16xf32>,
      %gather3A_238 = tpu.vector_load_idx %arg10[%broadcast_in_dim3A_226, %iota3A] : memref<94x32xf32, #tpu.memory_space<vmem>>[vector<16xi32>, vector<16xi32>], vector<16xf32>,
      %swap3A_239 = arith.index_cast %add3A_220 : i32 to index
      %swap3A_240 = arith.constant 32 : index
      %swap3A_241 = tpu.vector_load %arg11[%swap3A_239, %swap3A_240] {strides = array<i32>} : memref<512x64xf32, #tpu.memory_space<vmem>>, vector<16xf32>,
      tpu.vector_store %arg11[%swap3A_239, %swap3A_240], %gather3A_238 {strides = array<i32>} : memref<512x64xf32, #tpu.memory_space<vmem>>, vector<16xf32>,
      %gather3A_242 = tpu.vector_load_idx %arg10[%broadcast_in_dim3A_229, %iota3A] : memref<94x32xf32, #tpu.memory_space<vmem>>[vector<16xi32>, vector<16xi32>], vector<16xf32>,
      %swap3A_243 = arith.index_cast %add3A_220 : i32 to index
      %swap3A_244 = arith.constant 48 : index
      %swap3A_245 = tpu.vector_load %arg11[%swap3A_243, %swap3A_244] {strides = array<i32>} : memref<512x64xf32, #tpu.memory_space<vmem>>, vector<16xf32>,
      tpu.vector_store %arg11[%swap3A_243, %swap3A_244], %gather3A_242 {strides = array<i32>} : memref<512x64xf32, #tpu.memory_space<vmem>>, vector<16xf32>,
      %add3A_246 = arith.constant 4 : i32
      %add3A_247 = arith.addi %add3A_131, %add3A_246 : i32
      %slice3A_248 = vector.extract_strided_slice %get3A_132 {offsets = [4], sizes = [1], strides = [1]} : vector<16xi32> to vector<1xi32>
      %squeeze3A_249 = vector.extract %slice3A_248[0] : i32 from vector<1xi32>
      %broadcast_in_dim3A_250 = vector.broadcast %squeeze3A_249 : i32 to vector<16xi32>
      %slice3A_251 = vector.extract_strided_slice %add3A_137 {offsets = [4], sizes = [1], strides = [1]} : vector<16xi32> to vector<1xi32>
      %squeeze3A_252 = vector.extract %slice3A_251[0] : i32 from vector<1xi32>
      %broadcast_in_dim3A_253 = vector.broadcast %squeeze3A_252 : i32 to vector<16xi32>
      %slice3A_254 = vector.extract_strided_slice %add3A_142 {offsets = [4], sizes = [1], strides = [1]} : vector<16xi32> to vector<1xi32>
      %squeeze3A_255 = vector.extract %slice3A_254[0] : i32 from vector<1xi32>
      %broadcast_in_dim3A_256 = vector.broadcast %squeeze3A_255 : i32 to vector<16xi32>
      %gather3A_257 = tpu.vector_load_idx %arg10[%broadcast_in_dim3A_250, %iota3A] : memref<94x32xf32, #tpu.memory_space<vmem>>[vector<16xi32>, vector<16xi32>], vector<16xf32>,
      %swap3A_258 = arith.index_cast %add3A_247 : i32 to index
      %swap3A_259 = arith.constant 0 : index
      %swap3A_260 = tpu.vector_load %arg11[%swap3A_258, %swap3A_259] {strides = array<i32>} : memref<512x64xf32, #tpu.memory_space<vmem>>, vector<16xf32>,
      tpu.vector_store %arg11[%swap3A_258, %swap3A_259], %gather3A_257 {strides = array<i32>} : memref<512x64xf32, #tpu.memory_space<vmem>>, vector<16xf32>,
      %gather3A_261 = tpu.vector_load_idx %arg10[%broadcast_in_dim3A_250, %add3A_15] : memref<94x32xf32, #tpu.memory_space<vmem>>[vector<16xi32>, vector<16xi32>], vector<16xf32>,
      %swap3A_262 = arith.index_cast %add3A_247 : i32 to index
      %swap3A_263 = arith.constant 16 : index
      %swap3A_264 = tpu.vector_load %arg11[%swap3A_262, %swap3A_263] {strides = array<i32>} : memref<512x64xf32, #tpu.memory_space<vmem>>, vector<16xf32>,
      tpu.vector_store %arg11[%swap3A_262, %swap3A_263], %gather3A_261 {strides = array<i32>} : memref<512x64xf32, #tpu.memory_space<vmem>>, vector<16xf32>,
      %gather3A_265 = tpu.vector_load_idx %arg10[%broadcast_in_dim3A_253, %iota3A] : memref<94x32xf32, #tpu.memory_space<vmem>>[vector<16xi32>, vector<16xi32>], vector<16xf32>,
      %swap3A_266 = arith.index_cast %add3A_247 : i32 to index
      %swap3A_267 = arith.constant 32 : index
      %swap3A_268 = tpu.vector_load %arg11[%swap3A_266, %swap3A_267] {strides = array<i32>} : memref<512x64xf32, #tpu.memory_space<vmem>>, vector<16xf32>,
      tpu.vector_store %arg11[%swap3A_266, %swap3A_267], %gather3A_265 {strides = array<i32>} : memref<512x64xf32, #tpu.memory_space<vmem>>, vector<16xf32>,
      %gather3A_269 = tpu.vector_load_idx %arg10[%broadcast_in_dim3A_256, %iota3A] : memref<94x32xf32, #tpu.memory_space<vmem>>[vector<16xi32>, vector<16xi32>], vector<16xf32>,
      %swap3A_270 = arith.index_cast %add3A_247 : i32 to index
      %swap3A_271 = arith.constant 48 : index
      %swap3A_272 = tpu.vector_load %arg11[%swap3A_270, %swap3A_271] {strides = array<i32>} : memref<512x64xf32, #tpu.memory_space<vmem>>, vector<16xf32>,
      tpu.vector_store %arg11[%swap3A_270, %swap3A_271], %gather3A_269 {strides = array<i32>} : memref<512x64xf32, #tpu.memory_space<vmem>>, vector<16xf32>,
      %add3A_273 = arith.constant 5 : i32
      %add3A_274 = arith.addi %add3A_131, %add3A_273 : i32
      %slice3A_275 = vector.extract_strided_slice %get3A_132 {offsets = [5], sizes = [1], strides = [1]} : vector<16xi32> to vector<1xi32>
      %squeeze3A_276 = vector.extract %slice3A_275[0] : i32 from vector<1xi32>
      %broadcast_in_dim3A_277 = vector.broadcast %squeeze3A_276 : i32 to vector<16xi32>
      %slice3A_278 = vector.extract_strided_slice %add3A_137 {offsets = [5], sizes = [1], strides = [1]} : vector<16xi32> to vector<1xi32>
      %squeeze3A_279 = vector.extract %slice3A_278[0] : i32 from vector<1xi32>
      %broadcast_in_dim3A_280 = vector.broadcast %squeeze3A_279 : i32 to vector<16xi32>
      %slice3A_281 = vector.extract_strided_slice %add3A_142 {offsets = [5], sizes = [1], strides = [1]} : vector<16xi32> to vector<1xi32>
      %squeeze3A_282 = vector.extract %slice3A_281[0] : i32 from vector<1xi32>
      %broadcast_in_dim3A_283 = vector.broadcast %squeeze3A_282 : i32 to vector<16xi32>
      %gather3A_284 = tpu.vector_load_idx %arg10[%broadcast_in_dim3A_277, %iota3A] : memref<94x32xf32, #tpu.memory_space<vmem>>[vector<16xi32>, vector<16xi32>], vector<16xf32>,
      %swap3A_285 = arith.index_cast %add3A_274 : i32 to index
      %swap3A_286 = arith.constant 0 : index
      %swap3A_287 = tpu.vector_load %arg11[%swap3A_285, %swap3A_286] {strides = array<i32>} : memref<512x64xf32, #tpu.memory_space<vmem>>, vector<16xf32>,
      tpu.vector_store %arg11[%swap3A_285, %swap3A_286], %gather3A_284 {strides = array<i32>} : memref<512x64xf32, #tpu.memory_space<vmem>>, vector<16xf32>,
      %gather3A_288 = tpu.vector_load_idx %arg10[%broadcast_in_dim3A_277, %add3A_15] : memref<94x32xf32, #tpu.memory_space<vmem>>[vector<16xi32>, vector<16xi32>], vector<16xf32>,
      %swap3A_289 = arith.index_cast %add3A_274 : i32 to index
      %swap3A_290 = arith.constant 16 : index
      %swap3A_291 = tpu.vector_load %arg11[%swap3A_289, %swap3A_290] {strides = array<i32>} : memref<512x64xf32, #tpu.memory_space<vmem>>, vector<16xf32>,
      tpu.vector_store %arg11[%swap3A_289, %swap3A_290], %gather3A_288 {strides = array<i32>} : memref<512x64xf32, #tpu.memory_space<vmem>>, vector<16xf32>,
      %gather3A_292 = tpu.vector_load_idx %arg10[%broadcast_in_dim3A_280, %iota3A] : memref<94x32xf32, #tpu.memory_space<vmem>>[vector<16xi32>, vector<16xi32>], vector<16xf32>,
      %swap3A_293 = arith.index_cast %add3A_274 : i32 to index
      %swap3A_294 = arith.constant 32 : index
      %swap3A_295 = tpu.vector_load %arg11[%swap3A_293, %swap3A_294] {strides = array<i32>} : memref<512x64xf32, #tpu.memory_space<vmem>>, vector<16xf32>,
      tpu.vector_store %arg11[%swap3A_293, %swap3A_294], %gather3A_292 {strides = array<i32>} : memref<512x64xf32, #tpu.memory_space<vmem>>, vector<16xf32>,
      %gather3A_296 = tpu.vector_load_idx %arg10[%broadcast_in_dim3A_283, %iota3A] : memref<94x32xf32, #tpu.memory_space<vmem>>[vector<16xi32>, vector<16xi32>], vector<16xf32>,
      %swap3A_297 = arith.index_cast %add3A_274 : i32 to index
      %swap3A_298 = arith.constant 48 : index
      %swap3A_299 = tpu.vector_load %arg11[%swap3A_297, %swap3A_298] {strides = array<i32>} : memref<512x64xf32, #tpu.memory_space<vmem>>, vector<16xf32>,
      tpu.vector_store %arg11[%swap3A_297, %swap3A_298], %gather3A_296 {strides = array<i32>} : memref<512x64xf32, #tpu.memory_space<vmem>>, vector<16xf32>,
      %add3A_300 = arith.constant 6 : i32
      %add3A_301 = arith.addi %add3A_131, %add3A_300 : i32
      %slice3A_302 = vector.extract_strided_slice %get3A_132 {offsets = [6], sizes = [1], strides = [1]} : vector<16xi32> to vector<1xi32>
      %squeeze3A_303 = vector.extract %slice3A_302[0] : i32 from vector<1xi32>
      %broadcast_in_dim3A_304 = vector.broadcast %squeeze3A_303 : i32 to vector<16xi32>
      %slice3A_305 = vector.extract_strided_slice %add3A_137 {offsets = [6], sizes = [1], strides = [1]} : vector<16xi32> to vector<1xi32>
      %squeeze3A_306 = vector.extract %slice3A_305[0] : i32 from vector<1xi32>
      %broadcast_in_dim3A_307 = vector.broadcast %squeeze3A_306 : i32 to vector<16xi32>
      %slice3A_308 = vector.extract_strided_slice %add3A_142 {offsets = [6], sizes = [1], strides = [1]} : vector<16xi32> to vector<1xi32>
      %squeeze3A_309 = vector.extract %slice3A_308[0] : i32 from vector<1xi32>
      %broadcast_in_dim3A_310 = vector.broadcast %squeeze3A_309 : i32 to vector<16xi32>
      %gather3A_311 = tpu.vector_load_idx %arg10[%broadcast_in_dim3A_304, %iota3A] : memref<94x32xf32, #tpu.memory_space<vmem>>[vector<16xi32>, vector<16xi32>], vector<16xf32>,
      %swap3A_312 = arith.index_cast %add3A_301 : i32 to index
      %swap3A_313 = arith.constant 0 : index
      %swap3A_314 = tpu.vector_load %arg11[%swap3A_312, %swap3A_313] {strides = array<i32>} : memref<512x64xf32, #tpu.memory_space<vmem>>, vector<16xf32>,
      tpu.vector_store %arg11[%swap3A_312, %swap3A_313], %gather3A_311 {strides = array<i32>} : memref<512x64xf32, #tpu.memory_space<vmem>>, vector<16xf32>,
      %gather3A_315 = tpu.vector_load_idx %arg10[%broadcast_in_dim3A_304, %add3A_15] : memref<94x32xf32, #tpu.memory_space<vmem>>[vector<16xi32>, vector<16xi32>], vector<16xf32>,
      %swap3A_316 = arith.index_cast %add3A_301 : i32 to index
      %swap3A_317 = arith.constant 16 : index
      %swap3A_318 = tpu.vector_load %arg11[%swap3A_316, %swap3A_317] {strides = array<i32>} : memref<512x64xf32, #tpu.memory_space<vmem>>, vector<16xf32>,
      tpu.vector_store %arg11[%swap3A_316, %swap3A_317], %gather3A_315 {strides = array<i32>} : memref<512x64xf32, #tpu.memory_space<vmem>>, vector<16xf32>,
      %gather3A_319 = tpu.vector_load_idx %arg10[%broadcast_in_dim3A_307, %iota3A] : memref<94x32xf32, #tpu.memory_space<vmem>>[vector<16xi32>, vector<16xi32>], vector<16xf32>,
      %swap3A_320 = arith.index_cast %add3A_301 : i32 to index
      %swap3A_321 = arith.constant 32 : index
      %swap3A_322 = tpu.vector_load %arg11[%swap3A_320, %swap3A_321] {strides = array<i32>} : memref<512x64xf32, #tpu.memory_space<vmem>>, vector<16xf32>,
      tpu.vector_store %arg11[%swap3A_320, %swap3A_321], %gather3A_319 {strides = array<i32>} : memref<512x64xf32, #tpu.memory_space<vmem>>, vector<16xf32>,
      %gather3A_323 = tpu.vector_load_idx %arg10[%broadcast_in_dim3A_310, %iota3A] : memref<94x32xf32, #tpu.memory_space<vmem>>[vector<16xi32>, vector<16xi32>], vector<16xf32>,
      %swap3A_324 = arith.index_cast %add3A_301 : i32 to index
      %swap3A_325 = arith.constant 48 : index
      %swap3A_326 = tpu.vector_load %arg11[%swap3A_324, %swap3A_325] {strides = array<i32>} : memref<512x64xf32, #tpu.memory_space<vmem>>, vector<16xf32>,
      tpu.vector_store %arg11[%swap3A_324, %swap3A_325], %gather3A_323 {strides = array<i32>} : memref<512x64xf32, #tpu.memory_space<vmem>>, vector<16xf32>,
      %add3A_327 = arith.constant 7 : i32
      %add3A_328 = arith.addi %add3A_131, %add3A_327 : i32
      %slice3A_329 = vector.extract_strided_slice %get3A_132 {offsets = [7], sizes = [1], strides = [1]} : vector<16xi32> to vector<1xi32>
      %squeeze3A_330 = vector.extract %slice3A_329[0] : i32 from vector<1xi32>
      %broadcast_in_dim3A_331 = vector.broadcast %squeeze3A_330 : i32 to vector<16xi32>
      %slice3A_332 = vector.extract_strided_slice %add3A_137 {offsets = [7], sizes = [1], strides = [1]} : vector<16xi32> to vector<1xi32>
      %squeeze3A_333 = vector.extract %slice3A_332[0] : i32 from vector<1xi32>
      %broadcast_in_dim3A_334 = vector.broadcast %squeeze3A_333 : i32 to vector<16xi32>
      %slice3A_335 = vector.extract_strided_slice %add3A_142 {offsets = [7], sizes = [1], strides = [1]} : vector<16xi32> to vector<1xi32>
      %squeeze3A_336 = vector.extract %slice3A_335[0] : i32 from vector<1xi32>
      %broadcast_in_dim3A_337 = vector.broadcast %squeeze3A_336 : i32 to vector<16xi32>
      %gather3A_338 = tpu.vector_load_idx %arg10[%broadcast_in_dim3A_331, %iota3A] : memref<94x32xf32, #tpu.memory_space<vmem>>[vector<16xi32>, vector<16xi32>], vector<16xf32>,
      %swap3A_339 = arith.index_cast %add3A_328 : i32 to index
      %swap3A_340 = arith.constant 0 : index
      %swap3A_341 = tpu.vector_load %arg11[%swap3A_339, %swap3A_340] {strides = array<i32>} : memref<512x64xf32, #tpu.memory_space<vmem>>, vector<16xf32>,
      tpu.vector_store %arg11[%swap3A_339, %swap3A_340], %gather3A_338 {strides = array<i32>} : memref<512x64xf32, #tpu.memory_space<vmem>>, vector<16xf32>,
      %gather3A_342 = tpu.vector_load_idx %arg10[%broadcast_in_dim3A_331, %add3A_15] : memref<94x32xf32, #tpu.memory_space<vmem>>[vector<16xi32>, vector<16xi32>], vector<16xf32>,
      %swap3A_343 = arith.index_cast %add3A_328 : i32 to index
      %swap3A_344 = arith.constant 16 : index
      %swap3A_345 = tpu.vector_load %arg11[%swap3A_343, %swap3A_344] {strides = array<i32>} : memref<512x64xf32, #tpu.memory_space<vmem>>, vector<16xf32>,
      tpu.vector_store %arg11[%swap3A_343, %swap3A_344], %gather3A_342 {strides = array<i32>} : memref<512x64xf32, #tpu.memory_space<vmem>>, vector<16xf32>,
      %gather3A_346 = tpu.vector_load_idx %arg10[%broadcast_in_dim3A_334, %iota3A] : memref<94x32xf32, #tpu.memory_space<vmem>>[vector<16xi32>, vector<16xi32>], vector<16xf32>,
      %swap3A_347 = arith.index_cast %add3A_328 : i32 to index
      %swap3A_348 = arith.constant 32 : index
      %swap3A_349 = tpu.vector_load %arg11[%swap3A_347, %swap3A_348] {strides = array<i32>} : memref<512x64xf32, #tpu.memory_space<vmem>>, vector<16xf32>,
      tpu.vector_store %arg11[%swap3A_347, %swap3A_348], %gather3A_346 {strides = array<i32>} : memref<512x64xf32, #tpu.memory_space<vmem>>, vector<16xf32>,
      %gather3A_350 = tpu.vector_load_idx %arg10[%broadcast_in_dim3A_337, %iota3A] : memref<94x32xf32, #tpu.memory_space<vmem>>[vector<16xi32>, vector<16xi32>], vector<16xf32>,
      %swap3A_351 = arith.index_cast %add3A_328 : i32 to index
      %swap3A_352 = arith.constant 48 : index
      %swap3A_353 = tpu.vector_load %arg11[%swap3A_351, %swap3A_352] {strides = array<i32>} : memref<512x64xf32, #tpu.memory_space<vmem>>, vector<16xf32>,
      tpu.vector_store %arg11[%swap3A_351, %swap3A_352], %gather3A_350 {strides = array<i32>} : memref<512x64xf32, #tpu.memory_space<vmem>>, vector<16xf32>,
      %add3A_354 = arith.constant 8 : i32
      %add3A_355 = arith.addi %add3A_131, %add3A_354 : i32
      %slice3A_356 = vector.extract_strided_slice %get3A_132 {offsets = [8], sizes = [1], strides = [1]} : vector<16xi32> to vector<1xi32>
      %squeeze3A_357 = vector.extract %slice3A_356[0] : i32 from vector<1xi32>
      %broadcast_in_dim3A_358 = vector.broadcast %squeeze3A_357 : i32 to vector<16xi32>
      %slice3A_359 = vector.extract_strided_slice %add3A_137 {offsets = [8], sizes = [1], strides = [1]} : vector<16xi32> to vector<1xi32>
      %squeeze3A_360 = vector.extract %slice3A_359[0] : i32 from vector<1xi32>
      %broadcast_in_dim3A_361 = vector.broadcast %squeeze3A_360 : i32 to vector<16xi32>
      %slice3A_362 = vector.extract_strided_slice %add3A_142 {offsets = [8], sizes = [1], strides = [1]} : vector<16xi32> to vector<1xi32>
      %squeeze3A_363 = vector.extract %slice3A_362[0] : i32 from vector<1xi32>
      %broadcast_in_dim3A_364 = vector.broadcast %squeeze3A_363 : i32 to vector<16xi32>
      %gather3A_365 = tpu.vector_load_idx %arg10[%broadcast_in_dim3A_358, %iota3A] : memref<94x32xf32, #tpu.memory_space<vmem>>[vector<16xi32>, vector<16xi32>], vector<16xf32>,
      %swap3A_366 = arith.index_cast %add3A_355 : i32 to index
      %swap3A_367 = arith.constant 0 : index
      %swap3A_368 = tpu.vector_load %arg11[%swap3A_366, %swap3A_367] {strides = array<i32>} : memref<512x64xf32, #tpu.memory_space<vmem>>, vector<16xf32>,
      tpu.vector_store %arg11[%swap3A_366, %swap3A_367], %gather3A_365 {strides = array<i32>} : memref<512x64xf32, #tpu.memory_space<vmem>>, vector<16xf32>,
      %gather3A_369 = tpu.vector_load_idx %arg10[%broadcast_in_dim3A_358, %add3A_15] : memref<94x32xf32, #tpu.memory_space<vmem>>[vector<16xi32>, vector<16xi32>], vector<16xf32>,
      %swap3A_370 = arith.index_cast %add3A_355 : i32 to index
      %swap3A_371 = arith.constant 16 : index
      %swap3A_372 = tpu.vector_load %arg11[%swap3A_370, %swap3A_371] {strides = array<i32>} : memref<512x64xf32, #tpu.memory_space<vmem>>, vector<16xf32>,
      tpu.vector_store %arg11[%swap3A_370, %swap3A_371], %gather3A_369 {strides = array<i32>} : memref<512x64xf32, #tpu.memory_space<vmem>>, vector<16xf32>,
      %gather3A_373 = tpu.vector_load_idx %arg10[%broadcast_in_dim3A_361, %iota3A] : memref<94x32xf32, #tpu.memory_space<vmem>>[vector<16xi32>, vector<16xi32>], vector<16xf32>,
      %swap3A_374 = arith.index_cast %add3A_355 : i32 to index
      %swap3A_375 = arith.constant 32 : index
      %swap3A_376 = tpu.vector_load %arg11[%swap3A_374, %swap3A_375] {strides = array<i32>} : memref<512x64xf32, #tpu.memory_space<vmem>>, vector<16xf32>,
      tpu.vector_store %arg11[%swap3A_374, %swap3A_375], %gather3A_373 {strides = array<i32>} : memref<512x64xf32, #tpu.memory_space<vmem>>, vector<16xf32>,
      %gather3A_377 = tpu.vector_load_idx %arg10[%broadcast_in_dim3A_364, %iota3A] : memref<94x32xf32, #tpu.memory_space<vmem>>[vector<16xi32>, vector<16xi32>], vector<16xf32>,
      %swap3A_378 = arith.index_cast %add3A_355 : i32 to index
      %swap3A_379 = arith.constant 48 : index
      %swap3A_380 = tpu.vector_load %arg11[%swap3A_378, %swap3A_379] {strides = array<i32>} : memref<512x64xf32, #tpu.memory_space<vmem>>, vector<16xf32>,
      tpu.vector_store %arg11[%swap3A_378, %swap3A_379], %gather3A_377 {strides = array<i32>} : memref<512x64xf32, #tpu.memory_space<vmem>>, vector<16xf32>,
      %add3A_381 = arith.constant 9 : i32
      %add3A_382 = arith.addi %add3A_131, %add3A_381 : i32
      %slice3A_383 = vector.extract_strided_slice %get3A_132 {offsets = [9], sizes = [1], strides = [1]} : vector<16xi32> to vector<1xi32>
      %squeeze3A_384 = vector.extract %slice3A_383[0] : i32 from vector<1xi32>
      %broadcast_in_dim3A_385 = vector.broadcast %squeeze3A_384 : i32 to vector<16xi32>
      %slice3A_386 = vector.extract_strided_slice %add3A_137 {offsets = [9], sizes = [1], strides = [1]} : vector<16xi32> to vector<1xi32>
      %squeeze3A_387 = vector.extract %slice3A_386[0] : i32 from vector<1xi32>
      %broadcast_in_dim3A_388 = vector.broadcast %squeeze3A_387 : i32 to vector<16xi32>
      %slice3A_389 = vector.extract_strided_slice %add3A_142 {offsets = [9], sizes = [1], strides = [1]} : vector<16xi32> to vector<1xi32>
      %squeeze3A_390 = vector.extract %slice3A_389[0] : i32 from vector<1xi32>
      %broadcast_in_dim3A_391 = vector.broadcast %squeeze3A_390 : i32 to vector<16xi32>
      %gather3A_392 = tpu.vector_load_idx %arg10[%broadcast_in_dim3A_385, %iota3A] : memref<94x32xf32, #tpu.memory_space<vmem>>[vector<16xi32>, vector<16xi32>], vector<16xf32>,
      %swap3A_393 = arith.index_cast %add3A_382 : i32 to index
      %swap3A_394 = arith.constant 0 : index
      %swap3A_395 = tpu.vector_load %arg11[%swap3A_393, %swap3A_394] {strides = array<i32>} : memref<512x64xf32, #tpu.memory_space<vmem>>, vector<16xf32>,
      tpu.vector_store %arg11[%swap3A_393, %swap3A_394], %gather3A_392 {strides = array<i32>} : memref<512x64xf32, #tpu.memory_space<vmem>>, vector<16xf32>,
      %gather3A_396 = tpu.vector_load_idx %arg10[%broadcast_in_dim3A_385, %add3A_15] : memref<94x32xf32, #tpu.memory_space<vmem>>[vector<16xi32>, vector<16xi32>], vector<16xf32>,
      %swap3A_397 = arith.index_cast %add3A_382 : i32 to index
      %swap3A_398 = arith.constant 16 : index
      %swap3A_399 = tpu.vector_load %arg11[%swap3A_397, %swap3A_398] {strides = array<i32>} : memref<512x64xf32, #tpu.memory_space<vmem>>, vector<16xf32>,
      tpu.vector_store %arg11[%swap3A_397, %swap3A_398], %gather3A_396 {strides = array<i32>} : memref<512x64xf32, #tpu.memory_space<vmem>>, vector<16xf32>,
      %gather3A_400 = tpu.vector_load_idx %arg10[%broadcast_in_dim3A_388, %iota3A] : memref<94x32xf32, #tpu.memory_space<vmem>>[vector<16xi32>, vector<16xi32>], vector<16xf32>,
      %swap3A_401 = arith.index_cast %add3A_382 : i32 to index
      %swap3A_402 = arith.constant 32 : index
      %swap3A_403 = tpu.vector_load %arg11[%swap3A_401, %swap3A_402] {strides = array<i32>} : memref<512x64xf32, #tpu.memory_space<vmem>>, vector<16xf32>,
      tpu.vector_store %arg11[%swap3A_401, %swap3A_402], %gather3A_400 {strides = array<i32>} : memref<512x64xf32, #tpu.memory_space<vmem>>, vector<16xf32>,
      %gather3A_404 = tpu.vector_load_idx %arg10[%broadcast_in_dim3A_391, %iota3A] : memref<94x32xf32, #tpu.memory_space<vmem>>[vector<16xi32>, vector<16xi32>], vector<16xf32>,
      %swap3A_405 = arith.index_cast %add3A_382 : i32 to index
      %swap3A_406 = arith.constant 48 : index
      %swap3A_407 = tpu.vector_load %arg11[%swap3A_405, %swap3A_406] {strides = array<i32>} : memref<512x64xf32, #tpu.memory_space<vmem>>, vector<16xf32>,
      tpu.vector_store %arg11[%swap3A_405, %swap3A_406], %gather3A_404 {strides = array<i32>} : memref<512x64xf32, #tpu.memory_space<vmem>>, vector<16xf32>,
      %add3A_408 = arith.constant 10 : i32
      %add3A_409 = arith.addi %add3A_131, %add3A_408 : i32
      %slice3A_410 = vector.extract_strided_slice %get3A_132 {offsets = [10], sizes = [1], strides = [1]} : vector<16xi32> to vector<1xi32>
      %squeeze3A_411 = vector.extract %slice3A_410[0] : i32 from vector<1xi32>
      %broadcast_in_dim3A_412 = vector.broadcast %squeeze3A_411 : i32 to vector<16xi32>
      %slice3A_413 = vector.extract_strided_slice %add3A_137 {offsets = [10], sizes = [1], strides = [1]} : vector<16xi32> to vector<1xi32>
      %squeeze3A_414 = vector.extract %slice3A_413[0] : i32 from vector<1xi32>
      %broadcast_in_dim3A_415 = vector.broadcast %squeeze3A_414 : i32 to vector<16xi32>
      %slice3A_416 = vector.extract_strided_slice %add3A_142 {offsets = [10], sizes = [1], strides = [1]} : vector<16xi32> to vector<1xi32>
      %squeeze3A_417 = vector.extract %slice3A_416[0] : i32 from vector<1xi32>
      %broadcast_in_dim3A_418 = vector.broadcast %squeeze3A_417 : i32 to vector<16xi32>
      %gather3A_419 = tpu.vector_load_idx %arg10[%broadcast_in_dim3A_412, %iota3A] : memref<94x32xf32, #tpu.memory_space<vmem>>[vector<16xi32>, vector<16xi32>], vector<16xf32>,
      %swap3A_420 = arith.index_cast %add3A_409 : i32 to index
      %swap3A_421 = arith.constant 0 : index
      %swap3A_422 = tpu.vector_load %arg11[%swap3A_420, %swap3A_421] {strides = array<i32>} : memref<512x64xf32, #tpu.memory_space<vmem>>, vector<16xf32>,
      tpu.vector_store %arg11[%swap3A_420, %swap3A_421], %gather3A_419 {strides = array<i32>} : memref<512x64xf32, #tpu.memory_space<vmem>>, vector<16xf32>,
      %gather3A_423 = tpu.vector_load_idx %arg10[%broadcast_in_dim3A_412, %add3A_15] : memref<94x32xf32, #tpu.memory_space<vmem>>[vector<16xi32>, vector<16xi32>], vector<16xf32>,
      %swap3A_424 = arith.index_cast %add3A_409 : i32 to index
      %swap3A_425 = arith.constant 16 : index
      %swap3A_426 = tpu.vector_load %arg11[%swap3A_424, %swap3A_425] {strides = array<i32>} : memref<512x64xf32, #tpu.memory_space<vmem>>, vector<16xf32>,
      tpu.vector_store %arg11[%swap3A_424, %swap3A_425], %gather3A_423 {strides = array<i32>} : memref<512x64xf32, #tpu.memory_space<vmem>>, vector<16xf32>,
      %gather3A_427 = tpu.vector_load_idx %arg10[%broadcast_in_dim3A_415, %iota3A] : memref<94x32xf32, #tpu.memory_space<vmem>>[vector<16xi32>, vector<16xi32>], vector<16xf32>,
      %swap3A_428 = arith.index_cast %add3A_409 : i32 to index
      %swap3A_429 = arith.constant 32 : index
      %swap3A_430 = tpu.vector_load %arg11[%swap3A_428, %swap3A_429] {strides = array<i32>} : memref<512x64xf32, #tpu.memory_space<vmem>>, vector<16xf32>,
      tpu.vector_store %arg11[%swap3A_428, %swap3A_429], %gather3A_427 {strides = array<i32>} : memref<512x64xf32, #tpu.memory_space<vmem>>, vector<16xf32>,
      %gather3A_431 = tpu.vector_load_idx %arg10[%broadcast_in_dim3A_418, %iota3A] : memref<94x32xf32, #tpu.memory_space<vmem>>[vector<16xi32>, vector<16xi32>], vector<16xf32>,
      %swap3A_432 = arith.index_cast %add3A_409 : i32 to index
      %swap3A_433 = arith.constant 48 : index
      %swap3A_434 = tpu.vector_load %arg11[%swap3A_432, %swap3A_433] {strides = array<i32>} : memref<512x64xf32, #tpu.memory_space<vmem>>, vector<16xf32>,
      tpu.vector_store %arg11[%swap3A_432, %swap3A_433], %gather3A_431 {strides = array<i32>} : memref<512x64xf32, #tpu.memory_space<vmem>>, vector<16xf32>,
      %add3A_435 = arith.constant 11 : i32
      %add3A_436 = arith.addi %add3A_131, %add3A_435 : i32
      %slice3A_437 = vector.extract_strided_slice %get3A_132 {offsets = [11], sizes = [1], strides = [1]} : vector<16xi32> to vector<1xi32>
      %squeeze3A_438 = vector.extract %slice3A_437[0] : i32 from vector<1xi32>
      %broadcast_in_dim3A_439 = vector.broadcast %squeeze3A_438 : i32 to vector<16xi32>
      %slice3A_440 = vector.extract_strided_slice %add3A_137 {offsets = [11], sizes = [1], strides = [1]} : vector<16xi32> to vector<1xi32>
      %squeeze3A_441 = vector.extract %slice3A_440[0] : i32 from vector<1xi32>
      %broadcast_in_dim3A_442 = vector.broadcast %squeeze3A_441 : i32 to vector<16xi32>
      %slice3A_443 = vector.extract_strided_slice %add3A_142 {offsets = [11], sizes = [1], strides = [1]} : vector<16xi32> to vector<1xi32>
      %squeeze3A_444 = vector.extract %slice3A_443[0] : i32 from vector<1xi32>
      %broadcast_in_dim3A_445 = vector.broadcast %squeeze3A_444 : i32 to vector<16xi32>
      %gather3A_446 = tpu.vector_load_idx %arg10[%broadcast_in_dim3A_439, %iota3A] : memref<94x32xf32, #tpu.memory_space<vmem>>[vector<16xi32>, vector<16xi32>], vector<16xf32>,
      %swap3A_447 = arith.index_cast %add3A_436 : i32 to index
      %swap3A_448 = arith.constant 0 : index
      %swap3A_449 = tpu.vector_load %arg11[%swap3A_447, %swap3A_448] {strides = array<i32>} : memref<512x64xf32, #tpu.memory_space<vmem>>, vector<16xf32>,
      tpu.vector_store %arg11[%swap3A_447, %swap3A_448], %gather3A_446 {strides = array<i32>} : memref<512x64xf32, #tpu.memory_space<vmem>>, vector<16xf32>,
      %gather3A_450 = tpu.vector_load_idx %arg10[%broadcast_in_dim3A_439, %add3A_15] : memref<94x32xf32, #tpu.memory_space<vmem>>[vector<16xi32>, vector<16xi32>], vector<16xf32>,
      %swap3A_451 = arith.index_cast %add3A_436 : i32 to index
      %swap3A_452 = arith.constant 16 : index
      %swap3A_453 = tpu.vector_load %arg11[%swap3A_451, %swap3A_452] {strides = array<i32>} : memref<512x64xf32, #tpu.memory_space<vmem>>, vector<16xf32>,
      tpu.vector_store %arg11[%swap3A_451, %swap3A_452], %gather3A_450 {strides = array<i32>} : memref<512x64xf32, #tpu.memory_space<vmem>>, vector<16xf32>,
      %gather3A_454 = tpu.vector_load_idx %arg10[%broadcast_in_dim3A_442, %iota3A] : memref<94x32xf32, #tpu.memory_space<vmem>>[vector<16xi32>, vector<16xi32>], vector<16xf32>,
      %swap3A_455 = arith.index_cast %add3A_436 : i32 to index
      %swap3A_456 = arith.constant 32 : index
      %swap3A_457 = tpu.vector_load %arg11[%swap3A_455, %swap3A_456] {strides = array<i32>} : memref<512x64xf32, #tpu.memory_space<vmem>>, vector<16xf32>,
      tpu.vector_store %arg11[%swap3A_455, %swap3A_456], %gather3A_454 {strides = array<i32>} : memref<512x64xf32, #tpu.memory_space<vmem>>, vector<16xf32>,
      %gather3A_458 = tpu.vector_load_idx %arg10[%broadcast_in_dim3A_445, %iota3A] : memref<94x32xf32, #tpu.memory_space<vmem>>[vector<16xi32>, vector<16xi32>], vector<16xf32>,
      %swap3A_459 = arith.index_cast %add3A_436 : i32 to index
      %swap3A_460 = arith.constant 48 : index
      %swap3A_461 = tpu.vector_load %arg11[%swap3A_459, %swap3A_460] {strides = array<i32>} : memref<512x64xf32, #tpu.memory_space<vmem>>, vector<16xf32>,
      tpu.vector_store %arg11[%swap3A_459, %swap3A_460], %gather3A_458 {strides = array<i32>} : memref<512x64xf32, #tpu.memory_space<vmem>>, vector<16xf32>,
      %add3A_462 = arith.constant 12 : i32
      %add3A_463 = arith.addi %add3A_131, %add3A_462 : i32
      %slice3A_464 = vector.extract_strided_slice %get3A_132 {offsets = [12], sizes = [1], strides = [1]} : vector<16xi32> to vector<1xi32>
      %squeeze3A_465 = vector.extract %slice3A_464[0] : i32 from vector<1xi32>
      %broadcast_in_dim3A_466 = vector.broadcast %squeeze3A_465 : i32 to vector<16xi32>
      %slice3A_467 = vector.extract_strided_slice %add3A_137 {offsets = [12], sizes = [1], strides = [1]} : vector<16xi32> to vector<1xi32>
      %squeeze3A_468 = vector.extract %slice3A_467[0] : i32 from vector<1xi32>
      %broadcast_in_dim3A_469 = vector.broadcast %squeeze3A_468 : i32 to vector<16xi32>
      %slice3A_470 = vector.extract_strided_slice %add3A_142 {offsets = [12], sizes = [1], strides = [1]} : vector<16xi32> to vector<1xi32>
      %squeeze3A_471 = vector.extract %slice3A_470[0] : i32 from vector<1xi32>
      %broadcast_in_dim3A_472 = vector.broadcast %squeeze3A_471 : i32 to vector<16xi32>
      %gather3A_473 = tpu.vector_load_idx %arg10[%broadcast_in_dim3A_466, %iota3A] : memref<94x32xf32, #tpu.memory_space<vmem>>[vector<16xi32>, vector<16xi32>], vector<16xf32>,
      %swap3A_474 = arith.index_cast %add3A_463 : i32 to index
      %swap3A_475 = arith.constant 0 : index
      %swap3A_476 = tpu.vector_load %arg11[%swap3A_474, %swap3A_475] {strides = array<i32>} : memref<512x64xf32, #tpu.memory_space<vmem>>, vector<16xf32>,
      tpu.vector_store %arg11[%swap3A_474, %swap3A_475], %gather3A_473 {strides = array<i32>} : memref<512x64xf32, #tpu.memory_space<vmem>>, vector<16xf32>,
      %gather3A_477 = tpu.vector_load_idx %arg10[%broadcast_in_dim3A_466, %add3A_15] : memref<94x32xf32, #tpu.memory_space<vmem>>[vector<16xi32>, vector<16xi32>], vector<16xf32>,
      %swap3A_478 = arith.index_cast %add3A_463 : i32 to index
      %swap3A_479 = arith.constant 16 : index
      %swap3A_480 = tpu.vector_load %arg11[%swap3A_478, %swap3A_479] {strides = array<i32>} : memref<512x64xf32, #tpu.memory_space<vmem>>, vector<16xf32>,
      tpu.vector_store %arg11[%swap3A_478, %swap3A_479], %gather3A_477 {strides = array<i32>} : memref<512x64xf32, #tpu.memory_space<vmem>>, vector<16xf32>,
      %gather3A_481 = tpu.vector_load_idx %arg10[%broadcast_in_dim3A_469, %iota3A] : memref<94x32xf32, #tpu.memory_space<vmem>>[vector<16xi32>, vector<16xi32>], vector<16xf32>,
      %swap3A_482 = arith.index_cast %add3A_463 : i32 to index
      %swap3A_483 = arith.constant 32 : index
      %swap3A_484 = tpu.vector_load %arg11[%swap3A_482, %swap3A_483] {strides = array<i32>} : memref<512x64xf32, #tpu.memory_space<vmem>>, vector<16xf32>,
      tpu.vector_store %arg11[%swap3A_482, %swap3A_483], %gather3A_481 {strides = array<i32>} : memref<512x64xf32, #tpu.memory_space<vmem>>, vector<16xf32>,
      %gather3A_485 = tpu.vector_load_idx %arg10[%broadcast_in_dim3A_472, %iota3A] : memref<94x32xf32, #tpu.memory_space<vmem>>[vector<16xi32>, vector<16xi32>], vector<16xf32>,
      %swap3A_486 = arith.index_cast %add3A_463 : i32 to index
      %swap3A_487 = arith.constant 48 : index
      %swap3A_488 = tpu.vector_load %arg11[%swap3A_486, %swap3A_487] {strides = array<i32>} : memref<512x64xf32, #tpu.memory_space<vmem>>, vector<16xf32>,
      tpu.vector_store %arg11[%swap3A_486, %swap3A_487], %gather3A_485 {strides = array<i32>} : memref<512x64xf32, #tpu.memory_space<vmem>>, vector<16xf32>,
      %add3A_489 = arith.constant 13 : i32
      %add3A_490 = arith.addi %add3A_131, %add3A_489 : i32
      %slice3A_491 = vector.extract_strided_slice %get3A_132 {offsets = [13], sizes = [1], strides = [1]} : vector<16xi32> to vector<1xi32>
      %squeeze3A_492 = vector.extract %slice3A_491[0] : i32 from vector<1xi32>
      %broadcast_in_dim3A_493 = vector.broadcast %squeeze3A_492 : i32 to vector<16xi32>
      %slice3A_494 = vector.extract_strided_slice %add3A_137 {offsets = [13], sizes = [1], strides = [1]} : vector<16xi32> to vector<1xi32>
      %squeeze3A_495 = vector.extract %slice3A_494[0] : i32 from vector<1xi32>
      %broadcast_in_dim3A_496 = vector.broadcast %squeeze3A_495 : i32 to vector<16xi32>
      %slice3A_497 = vector.extract_strided_slice %add3A_142 {offsets = [13], sizes = [1], strides = [1]} : vector<16xi32> to vector<1xi32>
      %squeeze3A_498 = vector.extract %slice3A_497[0] : i32 from vector<1xi32>
      %broadcast_in_dim3A_499 = vector.broadcast %squeeze3A_498 : i32 to vector<16xi32>
      %gather3A_500 = tpu.vector_load_idx %arg10[%broadcast_in_dim3A_493, %iota3A] : memref<94x32xf32, #tpu.memory_space<vmem>>[vector<16xi32>, vector<16xi32>], vector<16xf32>,
      %swap3A_501 = arith.index_cast %add3A_490 : i32 to index
      %swap3A_502 = arith.constant 0 : index
      %swap3A_503 = tpu.vector_load %arg11[%swap3A_501, %swap3A_502] {strides = array<i32>} : memref<512x64xf32, #tpu.memory_space<vmem>>, vector<16xf32>,
      tpu.vector_store %arg11[%swap3A_501, %swap3A_502], %gather3A_500 {strides = array<i32>} : memref<512x64xf32, #tpu.memory_space<vmem>>, vector<16xf32>,
      %gather3A_504 = tpu.vector_load_idx %arg10[%broadcast_in_dim3A_493, %add3A_15] : memref<94x32xf32, #tpu.memory_space<vmem>>[vector<16xi32>, vector<16xi32>], vector<16xf32>,
      %swap3A_505 = arith.index_cast %add3A_490 : i32 to index
      %swap3A_506 = arith.constant 16 : index
      %swap3A_507 = tpu.vector_load %arg11[%swap3A_505, %swap3A_506] {strides = array<i32>} : memref<512x64xf32, #tpu.memory_space<vmem>>, vector<16xf32>,
      tpu.vector_store %arg11[%swap3A_505, %swap3A_506], %gather3A_504 {strides = array<i32>} : memref<512x64xf32, #tpu.memory_space<vmem>>, vector<16xf32>,
      %gather3A_508 = tpu.vector_load_idx %arg10[%broadcast_in_dim3A_496, %iota3A] : memref<94x32xf32, #tpu.memory_space<vmem>>[vector<16xi32>, vector<16xi32>], vector<16xf32>,
      %swap3A_509 = arith.index_cast %add3A_490 : i32 to index
      %swap3A_510 = arith.constant 32 : index
      %swap3A_511 = tpu.vector_load %arg11[%swap3A_509, %swap3A_510] {strides = array<i32>} : memref<512x64xf32, #tpu.memory_space<vmem>>, vector<16xf32>,
      tpu.vector_store %arg11[%swap3A_509, %swap3A_510], %gather3A_508 {strides = array<i32>} : memref<512x64xf32, #tpu.memory_space<vmem>>, vector<16xf32>,
      %gather3A_512 = tpu.vector_load_idx %arg10[%broadcast_in_dim3A_499, %iota3A] : memref<94x32xf32, #tpu.memory_space<vmem>>[vector<16xi32>, vector<16xi32>], vector<16xf32>,
      %swap3A_513 = arith.index_cast %add3A_490 : i32 to index
      %swap3A_514 = arith.constant 48 : index
      %swap3A_515 = tpu.vector_load %arg11[%swap3A_513, %swap3A_514] {strides = array<i32>} : memref<512x64xf32, #tpu.memory_space<vmem>>, vector<16xf32>,
      tpu.vector_store %arg11[%swap3A_513, %swap3A_514], %gather3A_512 {strides = array<i32>} : memref<512x64xf32, #tpu.memory_space<vmem>>, vector<16xf32>,
      %add3A_516 = arith.constant 14 : i32
      %add3A_517 = arith.addi %add3A_131, %add3A_516 : i32
      %slice3A_518 = vector.extract_strided_slice %get3A_132 {offsets = [14], sizes = [1], strides = [1]} : vector<16xi32> to vector<1xi32>
      %squeeze3A_519 = vector.extract %slice3A_518[0] : i32 from vector<1xi32>
      %broadcast_in_dim3A_520 = vector.broadcast %squeeze3A_519 : i32 to vector<16xi32>
      %slice3A_521 = vector.extract_strided_slice %add3A_137 {offsets = [14], sizes = [1], strides = [1]} : vector<16xi32> to vector<1xi32>
      %squeeze3A_522 = vector.extract %slice3A_521[0] : i32 from vector<1xi32>
      %broadcast_in_dim3A_523 = vector.broadcast %squeeze3A_522 : i32 to vector<16xi32>
      %slice3A_524 = vector.extract_strided_slice %add3A_142 {offsets = [14], sizes = [1], strides = [1]} : vector<16xi32> to vector<1xi32>
      %squeeze3A_525 = vector.extract %slice3A_524[0] : i32 from vector<1xi32>
      %broadcast_in_dim3A_526 = vector.broadcast %squeeze3A_525 : i32 to vector<16xi32>
      %gather3A_527 = tpu.vector_load_idx %arg10[%broadcast_in_dim3A_520, %iota3A] : memref<94x32xf32, #tpu.memory_space<vmem>>[vector<16xi32>, vector<16xi32>], vector<16xf32>,
      %swap3A_528 = arith.index_cast %add3A_517 : i32 to index
      %swap3A_529 = arith.constant 0 : index
      %swap3A_530 = tpu.vector_load %arg11[%swap3A_528, %swap3A_529] {strides = array<i32>} : memref<512x64xf32, #tpu.memory_space<vmem>>, vector<16xf32>,
      tpu.vector_store %arg11[%swap3A_528, %swap3A_529], %gather3A_527 {strides = array<i32>} : memref<512x64xf32, #tpu.memory_space<vmem>>, vector<16xf32>,
      %gather3A_531 = tpu.vector_load_idx %arg10[%broadcast_in_dim3A_520, %add3A_15] : memref<94x32xf32, #tpu.memory_space<vmem>>[vector<16xi32>, vector<16xi32>], vector<16xf32>,
      %swap3A_532 = arith.index_cast %add3A_517 : i32 to index
      %swap3A_533 = arith.constant 16 : index
      %swap3A_534 = tpu.vector_load %arg11[%swap3A_532, %swap3A_533] {strides = array<i32>} : memref<512x64xf32, #tpu.memory_space<vmem>>, vector<16xf32>,
      tpu.vector_store %arg11[%swap3A_532, %swap3A_533], %gather3A_531 {strides = array<i32>} : memref<512x64xf32, #tpu.memory_space<vmem>>, vector<16xf32>,
      %gather3A_535 = tpu.vector_load_idx %arg10[%broadcast_in_dim3A_523, %iota3A] : memref<94x32xf32, #tpu.memory_space<vmem>>[vector<16xi32>, vector<16xi32>], vector<16xf32>,
      %swap3A_536 = arith.index_cast %add3A_517 : i32 to index
      %swap3A_537 = arith.constant 32 : index
      %swap3A_538 = tpu.vector_load %arg11[%swap3A_536, %swap3A_537] {strides = array<i32>} : memref<512x64xf32, #tpu.memory_space<vmem>>, vector<16xf32>,
      tpu.vector_store %arg11[%swap3A_536, %swap3A_537], %gather3A_535 {strides = array<i32>} : memref<512x64xf32, #tpu.memory_space<vmem>>, vector<16xf32>,
      %gather3A_539 = tpu.vector_load_idx %arg10[%broadcast_in_dim3A_526, %iota3A] : memref<94x32xf32, #tpu.memory_space<vmem>>[vector<16xi32>, vector<16xi32>], vector<16xf32>,
      %swap3A_540 = arith.index_cast %add3A_517 : i32 to index
      %swap3A_541 = arith.constant 48 : index
      %swap3A_542 = tpu.vector_load %arg11[%swap3A_540, %swap3A_541] {strides = array<i32>} : memref<512x64xf32, #tpu.memory_space<vmem>>, vector<16xf32>,
      tpu.vector_store %arg11[%swap3A_540, %swap3A_541], %gather3A_539 {strides = array<i32>} : memref<512x64xf32, #tpu.memory_space<vmem>>, vector<16xf32>,
      %add3A_543 = arith.constant 15 : i32
      %add3A_544 = arith.addi %add3A_131, %add3A_543 : i32
      %slice3A_545 = vector.extract_strided_slice %get3A_132 {offsets = [15], sizes = [1], strides = [1]} : vector<16xi32> to vector<1xi32>
      %squeeze3A_546 = vector.extract %slice3A_545[0] : i32 from vector<1xi32>
      %broadcast_in_dim3A_547 = vector.broadcast %squeeze3A_546 : i32 to vector<16xi32>
      %slice3A_548 = vector.extract_strided_slice %add3A_137 {offsets = [15], sizes = [1], strides = [1]} : vector<16xi32> to vector<1xi32>
      %squeeze3A_549 = vector.extract %slice3A_548[0] : i32 from vector<1xi32>
      %broadcast_in_dim3A_550 = vector.broadcast %squeeze3A_549 : i32 to vector<16xi32>
      %slice3A_551 = vector.extract_strided_slice %add3A_142 {offsets = [15], sizes = [1], strides = [1]} : vector<16xi32> to vector<1xi32>
      %squeeze3A_552 = vector.extract %slice3A_551[0] : i32 from vector<1xi32>
      %broadcast_in_dim3A_553 = vector.broadcast %squeeze3A_552 : i32 to vector<16xi32>
      %gather3A_554 = tpu.vector_load_idx %arg10[%broadcast_in_dim3A_547, %iota3A] : memref<94x32xf32, #tpu.memory_space<vmem>>[vector<16xi32>, vector<16xi32>], vector<16xf32>,
      %swap3A_555 = arith.index_cast %add3A_544 : i32 to index
      %swap3A_556 = arith.constant 0 : index
      %swap3A_557 = tpu.vector_load %arg11[%swap3A_555, %swap3A_556] {strides = array<i32>} : memref<512x64xf32, #tpu.memory_space<vmem>>, vector<16xf32>,
      tpu.vector_store %arg11[%swap3A_555, %swap3A_556], %gather3A_554 {strides = array<i32>} : memref<512x64xf32, #tpu.memory_space<vmem>>, vector<16xf32>,
      %gather3A_558 = tpu.vector_load_idx %arg10[%broadcast_in_dim3A_547, %add3A_15] : memref<94x32xf32, #tpu.memory_space<vmem>>[vector<16xi32>, vector<16xi32>], vector<16xf32>,
      %swap3A_559 = arith.index_cast %add3A_544 : i32 to index
      %swap3A_560 = arith.constant 16 : index
      %swap3A_561 = tpu.vector_load %arg11[%swap3A_559, %swap3A_560] {strides = array<i32>} : memref<512x64xf32, #tpu.memory_space<vmem>>, vector<16xf32>,
      tpu.vector_store %arg11[%swap3A_559, %swap3A_560], %gather3A_558 {strides = array<i32>} : memref<512x64xf32, #tpu.memory_space<vmem>>, vector<16xf32>,
      %gather3A_562 = tpu.vector_load_idx %arg10[%broadcast_in_dim3A_550, %iota3A] : memref<94x32xf32, #tpu.memory_space<vmem>>[vector<16xi32>, vector<16xi32>], vector<16xf32>,
      %swap3A_563 = arith.index_cast %add3A_544 : i32 to index
      %swap3A_564 = arith.constant 32 : index
      %swap3A_565 = tpu.vector_load %arg11[%swap3A_563, %swap3A_564] {strides = array<i32>} : memref<512x64xf32, #tpu.memory_space<vmem>>, vector<16xf32>,
      tpu.vector_store %arg11[%swap3A_563, %swap3A_564], %gather3A_562 {strides = array<i32>} : memref<512x64xf32, #tpu.memory_space<vmem>>, vector<16xf32>,
      %gather3A_566 = tpu.vector_load_idx %arg10[%broadcast_in_dim3A_553, %iota3A] : memref<94x32xf32, #tpu.memory_space<vmem>>[vector<16xi32>, vector<16xi32>], vector<16xf32>,
      %swap3A_567 = arith.index_cast %add3A_544 : i32 to index
      %swap3A_568 = arith.constant 48 : index
      %swap3A_569 = tpu.vector_load %arg11[%swap3A_567, %swap3A_568] {strides = array<i32>} : memref<512x64xf32, #tpu.memory_space<vmem>>, vector<16xf32>,
      tpu.vector_store %arg11[%swap3A_567, %swap3A_568], %gather3A_566 {strides = array<i32>} : memref<512x64xf32, #tpu.memory_space<vmem>>, vector<16xf32>,
    }
    %scan3A_20 = arith.constant 8 : i32
    %add3A_21 = arith.constant 0 : i32
    %add3A_22 = arith.addi %mul3A_2, %add3A_21 : i32
    %dma_start3A_23 = arith.constant 0 : i32
    %dma_start3A_24 = arith.constant 0 : i32
    %dma_start3A_25 = tpu.memref_slice %arg11[%dma_start3A_23, %dma_start3A_24] : memref<512x64xf32, #tpu.memory_space<vmem>> -> memref<128x64xf32, #tpu.memory_space<vmem>>
    %dma_start3A_26 = arith.constant 0 : i32
    %dma_start3A_27 = tpu.memref_slice %arg6[%add3A_22, %dma_start3A_26] : memref<16384x64xf32, #tpu.memory_space<hbm>> -> memref<128x64xf32, #tpu.memory_space<hbm>>
    %dma_start3A_28 = arith.constant 0 : i32
    %dma_start3A_29 = tpu.memref_slice %arg6[%add3A_22, %dma_start3A_28] : memref<16384x64xf32, #tpu.memory_space<hbm>> -> memref<128x64xf32, #tpu.memory_space<hbm>>
    %dma_start3A_30 = arith.constant 0 : i32
    %dma_start3A_31 = arith.constant 0 : i32
    %dma_start3A_32 = tpu.memref_slice %arg11[%dma_start3A_30, %dma_start3A_31] : memref<512x64xf32, #tpu.memory_space<vmem>> -> memref<128x64xf32, #tpu.memory_space<vmem>>
    tpu.enqueue_dma source(%dma_start3A_32 : memref<128x64xf32, #tpu.memory_space<vmem>>) target(%dma_start3A_29 : memref<128x64xf32, #tpu.memory_space<hbm>>) target_semaphore(%arg13 : memref<!tpu.dma_semaphore, #tpu.memory_space<semaphore_mem>>)
    %scan3A_33 = arith.constant 0 : i32
    %scan3A_34 = arith.constant 0 : i32
    %scan3A_35 = arith.constant 8 : i32
    %scan3A_36 = arith.addi %scan3A_34, %scan3A_35 : i32
    %scan3A_37 = arith.constant 1 : i32
    scf.for %scan3A_127 = %scan3A_34 to %scan3A_36 step %scan3A_37  : i32 {
      %mul3A_128 = arith.constant 16 : i32
      %mul3A_129 = arith.muli %scan3A_127, %mul3A_128 : i32
      %add3A_130 = arith.constant 128 : i32
      %add3A_131 = arith.addi %add3A_130, %mul3A_129 : i32
      %get3A = arith.index_cast %add3A_131 : i32 to index
      %get3A_132 = tpu.vector_load %arg7[%get3A] {strides = array<i32>} : memref<512xi32, #tpu.memory_space<vmem>>, vector<16xi32>,
      %get3A_133 = arith.index_cast %add3A_131 : i32 to index
      %get3A_134 = tpu.vector_load %arg8[%get3A_133] {strides = array<i32>} : memref<512xi32, #tpu.memory_space<vmem>>, vector<16xi32>,
      %add3A_135 = arith.constant 50 : i32
      %add3A_136 = vector.broadcast %add3A_135 : i32 to vector<16xi32>
      %add3A_137 = arith.addi %get3A_134, %add3A_136 : vector<16xi32>
      %get3A_138 = arith.index_cast %add3A_131 : i32 to index
      %get3A_139 = tpu.vector_load %arg9[%get3A_138] {strides = array<i32>} : memref<512xi32, #tpu.memory_space<vmem>>, vector<16xi32>,
      %add3A_140 = arith.constant 74 : i32
      %add3A_141 = vector.broadcast %add3A_140 : i32 to vector<16xi32>
      %add3A_142 = arith.addi %get3A_139, %add3A_141 : vector<16xi32>
      %add3A_143 = arith.constant 0 : i32
      %add3A_144 = arith.addi %add3A_131, %add3A_143 : i32
      %slice3A = vector.extract_strided_slice %get3A_132 {offsets = [0], sizes = [1], strides = [1]} : vector<16xi32> to vector<1xi32>
      %squeeze3A = vector.extract %slice3A[0] : i32 from vector<1xi32>
      %broadcast_in_dim3A = vector.broadcast %squeeze3A : i32 to vector<16xi32>
      %slice3A_145 = vector.extract_strided_slice %add3A_137 {offsets = [0], sizes = [1], strides = [1]} : vector<16xi32> to vector<1xi32>
      %squeeze3A_146 = vector.extract %slice3A_145[0] : i32 from vector<1xi32>
      %broadcast_in_dim3A_147 = vector.broadcast %squeeze3A_146 : i32 to vector<16xi32>
      %slice3A_148 = vector.extract_strided_slice %add3A_142 {offsets = [0], sizes = [1], strides = [1]} : vector<16xi32> to vector<1xi32>
      %squeeze3A_149 = vector.extract %slice3A_148[0] : i32 from vector<1xi32>
      %broadcast_in_dim3A_150 = vector.broadcast %squeeze3A_149 : i32 to vector<16xi32>
      %gather3A = tpu.vector_load_idx %arg10[%broadcast_in_dim3A, %iota3A] : memref<94x32xf32, #tpu.memory_space<vmem>>[vector<16xi32>, vector<16xi32>], vector<16xf32>,
      %swap3A = arith.index_cast %add3A_144 : i32 to index
      %swap3A_151 = arith.constant 0 : index
      %swap3A_152 = tpu.vector_load %arg11[%swap3A, %swap3A_151] {strides = array<i32>} : memref<512x64xf32, #tpu.memory_space<vmem>>, vector<16xf32>,
      tpu.vector_store %arg11[%swap3A, %swap3A_151], %gather3A {strides = array<i32>} : memref<512x64xf32, #tpu.memory_space<vmem>>, vector<16xf32>,
      %gather3A_153 = tpu.vector_load_idx %arg10[%broadcast_in_dim3A, %add3A_15] : memref<94x32xf32, #tpu.memory_space<vmem>>[vector<16xi32>, vector<16xi32>], vector<16xf32>,
      %swap3A_154 = arith.index_cast %add3A_144 : i32 to index
      %swap3A_155 = arith.constant 16 : index
      %swap3A_156 = tpu.vector_load %arg11[%swap3A_154, %swap3A_155] {strides = array<i32>} : memref<512x64xf32, #tpu.memory_space<vmem>>, vector<16xf32>,
      tpu.vector_store %arg11[%swap3A_154, %swap3A_155], %gather3A_153 {strides = array<i32>} : memref<512x64xf32, #tpu.memory_space<vmem>>, vector<16xf32>,
      %gather3A_157 = tpu.vector_load_idx %arg10[%broadcast_in_dim3A_147, %iota3A] : memref<94x32xf32, #tpu.memory_space<vmem>>[vector<16xi32>, vector<16xi32>], vector<16xf32>,
      %swap3A_158 = arith.index_cast %add3A_144 : i32 to index
      %swap3A_159 = arith.constant 32 : index
      %swap3A_160 = tpu.vector_load %arg11[%swap3A_158, %swap3A_159] {strides = array<i32>} : memref<512x64xf32, #tpu.memory_space<vmem>>, vector<16xf32>,
      tpu.vector_store %arg11[%swap3A_158, %swap3A_159], %gather3A_157 {strides = array<i32>} : memref<512x64xf32, #tpu.memory_space<vmem>>, vector<16xf32>,
      %gather3A_161 = tpu.vector_load_idx %arg10[%broadcast_in_dim3A_150, %iota3A] : memref<94x32xf32, #tpu.memory_space<vmem>>[vector<16xi32>, vector<16xi32>], vector<16xf32>,
      %swap3A_162 = arith.index_cast %add3A_144 : i32 to index
      %swap3A_163 = arith.constant 48 : index
      %swap3A_164 = tpu.vector_load %arg11[%swap3A_162, %swap3A_163] {strides = array<i32>} : memref<512x64xf32, #tpu.memory_space<vmem>>, vector<16xf32>,
      tpu.vector_store %arg11[%swap3A_162, %swap3A_163], %gather3A_161 {strides = array<i32>} : memref<512x64xf32, #tpu.memory_space<vmem>>, vector<16xf32>,
      %add3A_165 = arith.constant 1 : i32
      %add3A_166 = arith.addi %add3A_131, %add3A_165 : i32
      %slice3A_167 = vector.extract_strided_slice %get3A_132 {offsets = [1], sizes = [1], strides = [1]} : vector<16xi32> to vector<1xi32>
      %squeeze3A_168 = vector.extract %slice3A_167[0] : i32 from vector<1xi32>
      %broadcast_in_dim3A_169 = vector.broadcast %squeeze3A_168 : i32 to vector<16xi32>
      %slice3A_170 = vector.extract_strided_slice %add3A_137 {offsets = [1], sizes = [1], strides = [1]} : vector<16xi32> to vector<1xi32>
      %squeeze3A_171 = vector.extract %slice3A_170[0] : i32 from vector<1xi32>
      %broadcast_in_dim3A_172 = vector.broadcast %squeeze3A_171 : i32 to vector<16xi32>
      %slice3A_173 = vector.extract_strided_slice %add3A_142 {offsets = [1], sizes = [1], strides = [1]} : vector<16xi32> to vector<1xi32>
      %squeeze3A_174 = vector.extract %slice3A_173[0] : i32 from vector<1xi32>
      %broadcast_in_dim3A_175 = vector.broadcast %squeeze3A_174 : i32 to vector<16xi32>
      %gather3A_176 = tpu.vector_load_idx %arg10[%broadcast_in_dim3A_169, %iota3A] : memref<94x32xf32, #tpu.memory_space<vmem>>[vector<16xi32>, vector<16xi32>], vector<16xf32>,
      %swap3A_177 = arith.index_cast %add3A_166 : i32 to index
      %swap3A_178 = arith.constant 0 : index
      %swap3A_179 = tpu.vector_load %arg11[%swap3A_177, %swap3A_178] {strides = array<i32>} : memref<512x64xf32, #tpu.memory_space<vmem>>, vector<16xf32>,
      tpu.vector_store %arg11[%swap3A_177, %swap3A_178], %gather3A_176 {strides = array<i32>} : memref<512x64xf32, #tpu.memory_space<vmem>>, vector<16xf32>,
      %gather3A_180 = tpu.vector_load_idx %arg10[%broadcast_in_dim3A_169, %add3A_15] : memref<94x32xf32, #tpu.memory_space<vmem>>[vector<16xi32>, vector<16xi32>], vector<16xf32>,
      %swap3A_181 = arith.index_cast %add3A_166 : i32 to index
      %swap3A_182 = arith.constant 16 : index
      %swap3A_183 = tpu.vector_load %arg11[%swap3A_181, %swap3A_182] {strides = array<i32>} : memref<512x64xf32, #tpu.memory_space<vmem>>, vector<16xf32>,
      tpu.vector_store %arg11[%swap3A_181, %swap3A_182], %gather3A_180 {strides = array<i32>} : memref<512x64xf32, #tpu.memory_space<vmem>>, vector<16xf32>,
      %gather3A_184 = tpu.vector_load_idx %arg10[%broadcast_in_dim3A_172, %iota3A] : memref<94x32xf32, #tpu.memory_space<vmem>>[vector<16xi32>, vector<16xi32>], vector<16xf32>,
      %swap3A_185 = arith.index_cast %add3A_166 : i32 to index
      %swap3A_186 = arith.constant 32 : index
      %swap3A_187 = tpu.vector_load %arg11[%swap3A_185, %swap3A_186] {strides = array<i32>} : memref<512x64xf32, #tpu.memory_space<vmem>>, vector<16xf32>,
      tpu.vector_store %arg11[%swap3A_185, %swap3A_186], %gather3A_184 {strides = array<i32>} : memref<512x64xf32, #tpu.memory_space<vmem>>, vector<16xf32>,
      %gather3A_188 = tpu.vector_load_idx %arg10[%broadcast_in_dim3A_175, %iota3A] : memref<94x32xf32, #tpu.memory_space<vmem>>[vector<16xi32>, vector<16xi32>], vector<16xf32>,
      %swap3A_189 = arith.index_cast %add3A_166 : i32 to index
      %swap3A_190 = arith.constant 48 : index
      %swap3A_191 = tpu.vector_load %arg11[%swap3A_189, %swap3A_190] {strides = array<i32>} : memref<512x64xf32, #tpu.memory_space<vmem>>, vector<16xf32>,
      tpu.vector_store %arg11[%swap3A_189, %swap3A_190], %gather3A_188 {strides = array<i32>} : memref<512x64xf32, #tpu.memory_space<vmem>>, vector<16xf32>,
      %add3A_192 = arith.constant 2 : i32
      %add3A_193 = arith.addi %add3A_131, %add3A_192 : i32
      %slice3A_194 = vector.extract_strided_slice %get3A_132 {offsets = [2], sizes = [1], strides = [1]} : vector<16xi32> to vector<1xi32>
      %squeeze3A_195 = vector.extract %slice3A_194[0] : i32 from vector<1xi32>
      %broadcast_in_dim3A_196 = vector.broadcast %squeeze3A_195 : i32 to vector<16xi32>
      %slice3A_197 = vector.extract_strided_slice %add3A_137 {offsets = [2], sizes = [1], strides = [1]} : vector<16xi32> to vector<1xi32>
      %squeeze3A_198 = vector.extract %slice3A_197[0] : i32 from vector<1xi32>
      %broadcast_in_dim3A_199 = vector.broadcast %squeeze3A_198 : i32 to vector<16xi32>
      %slice3A_200 = vector.extract_strided_slice %add3A_142 {offsets = [2], sizes = [1], strides = [1]} : vector<16xi32> to vector<1xi32>
      %squeeze3A_201 = vector.extract %slice3A_200[0] : i32 from vector<1xi32>
      %broadcast_in_dim3A_202 = vector.broadcast %squeeze3A_201 : i32 to vector<16xi32>
      %gather3A_203 = tpu.vector_load_idx %arg10[%broadcast_in_dim3A_196, %iota3A] : memref<94x32xf32, #tpu.memory_space<vmem>>[vector<16xi32>, vector<16xi32>], vector<16xf32>,
      %swap3A_204 = arith.index_cast %add3A_193 : i32 to index
      %swap3A_205 = arith.constant 0 : index
      %swap3A_206 = tpu.vector_load %arg11[%swap3A_204, %swap3A_205] {strides = array<i32>} : memref<512x64xf32, #tpu.memory_space<vmem>>, vector<16xf32>,
      tpu.vector_store %arg11[%swap3A_204, %swap3A_205], %gather3A_203 {strides = array<i32>} : memref<512x64xf32, #tpu.memory_space<vmem>>, vector<16xf32>,
      %gather3A_207 = tpu.vector_load_idx %arg10[%broadcast_in_dim3A_196, %add3A_15] : memref<94x32xf32, #tpu.memory_space<vmem>>[vector<16xi32>, vector<16xi32>], vector<16xf32>,
      %swap3A_208 = arith.index_cast %add3A_193 : i32 to index
      %swap3A_209 = arith.constant 16 : index
      %swap3A_210 = tpu.vector_load %arg11[%swap3A_208, %swap3A_209] {strides = array<i32>} : memref<512x64xf32, #tpu.memory_space<vmem>>, vector<16xf32>,
      tpu.vector_store %arg11[%swap3A_208, %swap3A_209], %gather3A_207 {strides = array<i32>} : memref<512x64xf32, #tpu.memory_space<vmem>>, vector<16xf32>,
      %gather3A_211 = tpu.vector_load_idx %arg10[%broadcast_in_dim3A_199, %iota3A] : memref<94x32xf32, #tpu.memory_space<vmem>>[vector<16xi32>, vector<16xi32>], vector<16xf32>,
      %swap3A_212 = arith.index_cast %add3A_193 : i32 to index
      %swap3A_213 = arith.constant 32 : index
      %swap3A_214 = tpu.vector_load %arg11[%swap3A_212, %swap3A_213] {strides = array<i32>} : memref<512x64xf32, #tpu.memory_space<vmem>>, vector<16xf32>,
      tpu.vector_store %arg11[%swap3A_212, %swap3A_213], %gather3A_211 {strides = array<i32>} : memref<512x64xf32, #tpu.memory_space<vmem>>, vector<16xf32>,
      %gather3A_215 = tpu.vector_load_idx %arg10[%broadcast_in_dim3A_202, %iota3A] : memref<94x32xf32, #tpu.memory_space<vmem>>[vector<16xi32>, vector<16xi32>], vector<16xf32>,
      %swap3A_216 = arith.index_cast %add3A_193 : i32 to index
      %swap3A_217 = arith.constant 48 : index
      %swap3A_218 = tpu.vector_load %arg11[%swap3A_216, %swap3A_217] {strides = array<i32>} : memref<512x64xf32, #tpu.memory_space<vmem>>, vector<16xf32>,
      tpu.vector_store %arg11[%swap3A_216, %swap3A_217], %gather3A_215 {strides = array<i32>} : memref<512x64xf32, #tpu.memory_space<vmem>>, vector<16xf32>,
      %add3A_219 = arith.constant 3 : i32
      %add3A_220 = arith.addi %add3A_131, %add3A_219 : i32
      %slice3A_221 = vector.extract_strided_slice %get3A_132 {offsets = [3], sizes = [1], strides = [1]} : vector<16xi32> to vector<1xi32>
      %squeeze3A_222 = vector.extract %slice3A_221[0] : i32 from vector<1xi32>
      %broadcast_in_dim3A_223 = vector.broadcast %squeeze3A_222 : i32 to vector<16xi32>
      %slice3A_224 = vector.extract_strided_slice %add3A_137 {offsets = [3], sizes = [1], strides = [1]} : vector<16xi32> to vector<1xi32>
      %squeeze3A_225 = vector.extract %slice3A_224[0] : i32 from vector<1xi32>
      %broadcast_in_dim3A_226 = vector.broadcast %squeeze3A_225 : i32 to vector<16xi32>
      %slice3A_227 = vector.extract_strided_slice %add3A_142 {offsets = [3], sizes = [1], strides = [1]} : vector<16xi32> to vector<1xi32>
      %squeeze3A_228 = vector.extract %slice3A_227[0] : i32 from vector<1xi32>
      %broadcast_in_dim3A_229 = vector.broadcast %squeeze3A_228 : i32 to vector<16xi32>
      %gather3A_230 = tpu.vector_load_idx %arg10[%broadcast_in_dim3A_223, %iota3A] : memref<94x32xf32, #tpu.memory_space<vmem>>[vector<16xi32>, vector<16xi32>], vector<16xf32>,
      %swap3A_231 = arith.index_cast %add3A_220 : i32 to index
      %swap3A_232 = arith.constant 0 : index
      %swap3A_233 = tpu.vector_load %arg11[%swap3A_231, %swap3A_232] {strides = array<i32>} : memref<512x64xf32, #tpu.memory_space<vmem>>, vector<16xf32>,
      tpu.vector_store %arg11[%swap3A_231, %swap3A_232], %gather3A_230 {strides = array<i32>} : memref<512x64xf32, #tpu.memory_space<vmem>>, vector<16xf32>,
      %gather3A_234 = tpu.vector_load_idx %arg10[%broadcast_in_dim3A_223, %add3A_15] : memref<94x32xf32, #tpu.memory_space<vmem>>[vector<16xi32>, vector<16xi32>], vector<16xf32>,
      %swap3A_235 = arith.index_cast %add3A_220 : i32 to index
      %swap3A_236 = arith.constant 16 : index
      %swap3A_237 = tpu.vector_load %arg11[%swap3A_235, %swap3A_236] {strides = array<i32>} : memref<512x64xf32, #tpu.memory_space<vmem>>, vector<16xf32>,
      tpu.vector_store %arg11[%swap3A_235, %swap3A_236], %gather3A_234 {strides = array<i32>} : memref<512x64xf32, #tpu.memory_space<vmem>>, vector<16xf32>,
      %gather3A_238 = tpu.vector_load_idx %arg10[%broadcast_in_dim3A_226, %iota3A] : memref<94x32xf32, #tpu.memory_space<vmem>>[vector<16xi32>, vector<16xi32>], vector<16xf32>,
      %swap3A_239 = arith.index_cast %add3A_220 : i32 to index
      %swap3A_240 = arith.constant 32 : index
      %swap3A_241 = tpu.vector_load %arg11[%swap3A_239, %swap3A_240] {strides = array<i32>} : memref<512x64xf32, #tpu.memory_space<vmem>>, vector<16xf32>,
      tpu.vector_store %arg11[%swap3A_239, %swap3A_240], %gather3A_238 {strides = array<i32>} : memref<512x64xf32, #tpu.memory_space<vmem>>, vector<16xf32>,
      %gather3A_242 = tpu.vector_load_idx %arg10[%broadcast_in_dim3A_229, %iota3A] : memref<94x32xf32, #tpu.memory_space<vmem>>[vector<16xi32>, vector<16xi32>], vector<16xf32>,
      %swap3A_243 = arith.index_cast %add3A_220 : i32 to index
      %swap3A_244 = arith.constant 48 : index
      %swap3A_245 = tpu.vector_load %arg11[%swap3A_243, %swap3A_244] {strides = array<i32>} : memref<512x64xf32, #tpu.memory_space<vmem>>, vector<16xf32>,
      tpu.vector_store %arg11[%swap3A_243, %swap3A_244], %gather3A_242 {strides = array<i32>} : memref<512x64xf32, #tpu.memory_space<vmem>>, vector<16xf32>,
      %add3A_246 = arith.constant 4 : i32
      %add3A_247 = arith.addi %add3A_131, %add3A_246 : i32
      %slice3A_248 = vector.extract_strided_slice %get3A_132 {offsets = [4], sizes = [1], strides = [1]} : vector<16xi32> to vector<1xi32>
      %squeeze3A_249 = vector.extract %slice3A_248[0] : i32 from vector<1xi32>
      %broadcast_in_dim3A_250 = vector.broadcast %squeeze3A_249 : i32 to vector<16xi32>
      %slice3A_251 = vector.extract_strided_slice %add3A_137 {offsets = [4], sizes = [1], strides = [1]} : vector<16xi32> to vector<1xi32>
      %squeeze3A_252 = vector.extract %slice3A_251[0] : i32 from vector<1xi32>
      %broadcast_in_dim3A_253 = vector.broadcast %squeeze3A_252 : i32 to vector<16xi32>
      %slice3A_254 = vector.extract_strided_slice %add3A_142 {offsets = [4], sizes = [1], strides = [1]} : vector<16xi32> to vector<1xi32>
      %squeeze3A_255 = vector.extract %slice3A_254[0] : i32 from vector<1xi32>
      %broadcast_in_dim3A_256 = vector.broadcast %squeeze3A_255 : i32 to vector<16xi32>
      %gather3A_257 = tpu.vector_load_idx %arg10[%broadcast_in_dim3A_250, %iota3A] : memref<94x32xf32, #tpu.memory_space<vmem>>[vector<16xi32>, vector<16xi32>], vector<16xf32>,
      %swap3A_258 = arith.index_cast %add3A_247 : i32 to index
      %swap3A_259 = arith.constant 0 : index
      %swap3A_260 = tpu.vector_load %arg11[%swap3A_258, %swap3A_259] {strides = array<i32>} : memref<512x64xf32, #tpu.memory_space<vmem>>, vector<16xf32>,
      tpu.vector_store %arg11[%swap3A_258, %swap3A_259], %gather3A_257 {strides = array<i32>} : memref<512x64xf32, #tpu.memory_space<vmem>>, vector<16xf32>,
      %gather3A_261 = tpu.vector_load_idx %arg10[%broadcast_in_dim3A_250, %add3A_15] : memref<94x32xf32, #tpu.memory_space<vmem>>[vector<16xi32>, vector<16xi32>], vector<16xf32>,
      %swap3A_262 = arith.index_cast %add3A_247 : i32 to index
      %swap3A_263 = arith.constant 16 : index
      %swap3A_264 = tpu.vector_load %arg11[%swap3A_262, %swap3A_263] {strides = array<i32>} : memref<512x64xf32, #tpu.memory_space<vmem>>, vector<16xf32>,
      tpu.vector_store %arg11[%swap3A_262, %swap3A_263], %gather3A_261 {strides = array<i32>} : memref<512x64xf32, #tpu.memory_space<vmem>>, vector<16xf32>,
      %gather3A_265 = tpu.vector_load_idx %arg10[%broadcast_in_dim3A_253, %iota3A] : memref<94x32xf32, #tpu.memory_space<vmem>>[vector<16xi32>, vector<16xi32>], vector<16xf32>,
      %swap3A_266 = arith.index_cast %add3A_247 : i32 to index
      %swap3A_267 = arith.constant 32 : index
      %swap3A_268 = tpu.vector_load %arg11[%swap3A_266, %swap3A_267] {strides = array<i32>} : memref<512x64xf32, #tpu.memory_space<vmem>>, vector<16xf32>,
      tpu.vector_store %arg11[%swap3A_266, %swap3A_267], %gather3A_265 {strides = array<i32>} : memref<512x64xf32, #tpu.memory_space<vmem>>, vector<16xf32>,
      %gather3A_269 = tpu.vector_load_idx %arg10[%broadcast_in_dim3A_256, %iota3A] : memref<94x32xf32, #tpu.memory_space<vmem>>[vector<16xi32>, vector<16xi32>], vector<16xf32>,
      %swap3A_270 = arith.index_cast %add3A_247 : i32 to index
      %swap3A_271 = arith.constant 48 : index
      %swap3A_272 = tpu.vector_load %arg11[%swap3A_270, %swap3A_271] {strides = array<i32>} : memref<512x64xf32, #tpu.memory_space<vmem>>, vector<16xf32>,
      tpu.vector_store %arg11[%swap3A_270, %swap3A_271], %gather3A_269 {strides = array<i32>} : memref<512x64xf32, #tpu.memory_space<vmem>>, vector<16xf32>,
      %add3A_273 = arith.constant 5 : i32
      %add3A_274 = arith.addi %add3A_131, %add3A_273 : i32
      %slice3A_275 = vector.extract_strided_slice %get3A_132 {offsets = [5], sizes = [1], strides = [1]} : vector<16xi32> to vector<1xi32>
      %squeeze3A_276 = vector.extract %slice3A_275[0] : i32 from vector<1xi32>
      %broadcast_in_dim3A_277 = vector.broadcast %squeeze3A_276 : i32 to vector<16xi32>
      %slice3A_278 = vector.extract_strided_slice %add3A_137 {offsets = [5], sizes = [1], strides = [1]} : vector<16xi32> to vector<1xi32>
      %squeeze3A_279 = vector.extract %slice3A_278[0] : i32 from vector<1xi32>
      %broadcast_in_dim3A_280 = vector.broadcast %squeeze3A_279 : i32 to vector<16xi32>
      %slice3A_281 = vector.extract_strided_slice %add3A_142 {offsets = [5], sizes = [1], strides = [1]} : vector<16xi32> to vector<1xi32>
      %squeeze3A_282 = vector.extract %slice3A_281[0] : i32 from vector<1xi32>
      %broadcast_in_dim3A_283 = vector.broadcast %squeeze3A_282 : i32 to vector<16xi32>
      %gather3A_284 = tpu.vector_load_idx %arg10[%broadcast_in_dim3A_277, %iota3A] : memref<94x32xf32, #tpu.memory_space<vmem>>[vector<16xi32>, vector<16xi32>], vector<16xf32>,
      %swap3A_285 = arith.index_cast %add3A_274 : i32 to index
      %swap3A_286 = arith.constant 0 : index
      %swap3A_287 = tpu.vector_load %arg11[%swap3A_285, %swap3A_286] {strides = array<i32>} : memref<512x64xf32, #tpu.memory_space<vmem>>, vector<16xf32>,
      tpu.vector_store %arg11[%swap3A_285, %swap3A_286], %gather3A_284 {strides = array<i32>} : memref<512x64xf32, #tpu.memory_space<vmem>>, vector<16xf32>,
      %gather3A_288 = tpu.vector_load_idx %arg10[%broadcast_in_dim3A_277, %add3A_15] : memref<94x32xf32, #tpu.memory_space<vmem>>[vector<16xi32>, vector<16xi32>], vector<16xf32>,
      %swap3A_289 = arith.index_cast %add3A_274 : i32 to index
      %swap3A_290 = arith.constant 16 : index
      %swap3A_291 = tpu.vector_load %arg11[%swap3A_289, %swap3A_290] {strides = array<i32>} : memref<512x64xf32, #tpu.memory_space<vmem>>, vector<16xf32>,
      tpu.vector_store %arg11[%swap3A_289, %swap3A_290], %gather3A_288 {strides = array<i32>} : memref<512x64xf32, #tpu.memory_space<vmem>>, vector<16xf32>,
      %gather3A_292 = tpu.vector_load_idx %arg10[%broadcast_in_dim3A_280, %iota3A] : memref<94x32xf32, #tpu.memory_space<vmem>>[vector<16xi32>, vector<16xi32>], vector<16xf32>,
      %swap3A_293 = arith.index_cast %add3A_274 : i32 to index
      %swap3A_294 = arith.constant 32 : index
      %swap3A_295 = tpu.vector_load %arg11[%swap3A_293, %swap3A_294] {strides = array<i32>} : memref<512x64xf32, #tpu.memory_space<vmem>>, vector<16xf32>,
      tpu.vector_store %arg11[%swap3A_293, %swap3A_294], %gather3A_292 {strides = array<i32>} : memref<512x64xf32, #tpu.memory_space<vmem>>, vector<16xf32>,
      %gather3A_296 = tpu.vector_load_idx %arg10[%broadcast_in_dim3A_283, %iota3A] : memref<94x32xf32, #tpu.memory_space<vmem>>[vector<16xi32>, vector<16xi32>], vector<16xf32>,
      %swap3A_297 = arith.index_cast %add3A_274 : i32 to index
      %swap3A_298 = arith.constant 48 : index
      %swap3A_299 = tpu.vector_load %arg11[%swap3A_297, %swap3A_298] {strides = array<i32>} : memref<512x64xf32, #tpu.memory_space<vmem>>, vector<16xf32>,
      tpu.vector_store %arg11[%swap3A_297, %swap3A_298], %gather3A_296 {strides = array<i32>} : memref<512x64xf32, #tpu.memory_space<vmem>>, vector<16xf32>,
      %add3A_300 = arith.constant 6 : i32
      %add3A_301 = arith.addi %add3A_131, %add3A_300 : i32
      %slice3A_302 = vector.extract_strided_slice %get3A_132 {offsets = [6], sizes = [1], strides = [1]} : vector<16xi32> to vector<1xi32>
      %squeeze3A_303 = vector.extract %slice3A_302[0] : i32 from vector<1xi32>
      %broadcast_in_dim3A_304 = vector.broadcast %squeeze3A_303 : i32 to vector<16xi32>
      %slice3A_305 = vector.extract_strided_slice %add3A_137 {offsets = [6], sizes = [1], strides = [1]} : vector<16xi32> to vector<1xi32>
      %squeeze3A_306 = vector.extract %slice3A_305[0] : i32 from vector<1xi32>
      %broadcast_in_dim3A_307 = vector.broadcast %squeeze3A_306 : i32 to vector<16xi32>
      %slice3A_308 = vector.extract_strided_slice %add3A_142 {offsets = [6], sizes = [1], strides = [1]} : vector<16xi32> to vector<1xi32>
      %squeeze3A_309 = vector.extract %slice3A_308[0] : i32 from vector<1xi32>
      %broadcast_in_dim3A_310 = vector.broadcast %squeeze3A_309 : i32 to vector<16xi32>
      %gather3A_311 = tpu.vector_load_idx %arg10[%broadcast_in_dim3A_304, %iota3A] : memref<94x32xf32, #tpu.memory_space<vmem>>[vector<16xi32>, vector<16xi32>], vector<16xf32>,
      %swap3A_312 = arith.index_cast %add3A_301 : i32 to index
      %swap3A_313 = arith.constant 0 : index
      %swap3A_314 = tpu.vector_load %arg11[%swap3A_312, %swap3A_313] {strides = array<i32>} : memref<512x64xf32, #tpu.memory_space<vmem>>, vector<16xf32>,
      tpu.vector_store %arg11[%swap3A_312, %swap3A_313], %gather3A_311 {strides = array<i32>} : memref<512x64xf32, #tpu.memory_space<vmem>>, vector<16xf32>,
      %gather3A_315 = tpu.vector_load_idx %arg10[%broadcast_in_dim3A_304, %add3A_15] : memref<94x32xf32, #tpu.memory_space<vmem>>[vector<16xi32>, vector<16xi32>], vector<16xf32>,
      %swap3A_316 = arith.index_cast %add3A_301 : i32 to index
      %swap3A_317 = arith.constant 16 : index
      %swap3A_318 = tpu.vector_load %arg11[%swap3A_316, %swap3A_317] {strides = array<i32>} : memref<512x64xf32, #tpu.memory_space<vmem>>, vector<16xf32>,
      tpu.vector_store %arg11[%swap3A_316, %swap3A_317], %gather3A_315 {strides = array<i32>} : memref<512x64xf32, #tpu.memory_space<vmem>>, vector<16xf32>,
      %gather3A_319 = tpu.vector_load_idx %arg10[%broadcast_in_dim3A_307, %iota3A] : memref<94x32xf32, #tpu.memory_space<vmem>>[vector<16xi32>, vector<16xi32>], vector<16xf32>,
      %swap3A_320 = arith.index_cast %add3A_301 : i32 to index
      %swap3A_321 = arith.constant 32 : index
      %swap3A_322 = tpu.vector_load %arg11[%swap3A_320, %swap3A_321] {strides = array<i32>} : memref<512x64xf32, #tpu.memory_space<vmem>>, vector<16xf32>,
      tpu.vector_store %arg11[%swap3A_320, %swap3A_321], %gather3A_319 {strides = array<i32>} : memref<512x64xf32, #tpu.memory_space<vmem>>, vector<16xf32>,
      %gather3A_323 = tpu.vector_load_idx %arg10[%broadcast_in_dim3A_310, %iota3A] : memref<94x32xf32, #tpu.memory_space<vmem>>[vector<16xi32>, vector<16xi32>], vector<16xf32>,
      %swap3A_324 = arith.index_cast %add3A_301 : i32 to index
      %swap3A_325 = arith.constant 48 : index
      %swap3A_326 = tpu.vector_load %arg11[%swap3A_324, %swap3A_325] {strides = array<i32>} : memref<512x64xf32, #tpu.memory_space<vmem>>, vector<16xf32>,
      tpu.vector_store %arg11[%swap3A_324, %swap3A_325], %gather3A_323 {strides = array<i32>} : memref<512x64xf32, #tpu.memory_space<vmem>>, vector<16xf32>,
      %add3A_327 = arith.constant 7 : i32
      %add3A_328 = arith.addi %add3A_131, %add3A_327 : i32
      %slice3A_329 = vector.extract_strided_slice %get3A_132 {offsets = [7], sizes = [1], strides = [1]} : vector<16xi32> to vector<1xi32>
      %squeeze3A_330 = vector.extract %slice3A_329[0] : i32 from vector<1xi32>
      %broadcast_in_dim3A_331 = vector.broadcast %squeeze3A_330 : i32 to vector<16xi32>
      %slice3A_332 = vector.extract_strided_slice %add3A_137 {offsets = [7], sizes = [1], strides = [1]} : vector<16xi32> to vector<1xi32>
      %squeeze3A_333 = vector.extract %slice3A_332[0] : i32 from vector<1xi32>
      %broadcast_in_dim3A_334 = vector.broadcast %squeeze3A_333 : i32 to vector<16xi32>
      %slice3A_335 = vector.extract_strided_slice %add3A_142 {offsets = [7], sizes = [1], strides = [1]} : vector<16xi32> to vector<1xi32>
      %squeeze3A_336 = vector.extract %slice3A_335[0] : i32 from vector<1xi32>
      %broadcast_in_dim3A_337 = vector.broadcast %squeeze3A_336 : i32 to vector<16xi32>
      %gather3A_338 = tpu.vector_load_idx %arg10[%broadcast_in_dim3A_331, %iota3A] : memref<94x32xf32, #tpu.memory_space<vmem>>[vector<16xi32>, vector<16xi32>], vector<16xf32>,
      %swap3A_339 = arith.index_cast %add3A_328 : i32 to index
      %swap3A_340 = arith.constant 0 : index
      %swap3A_341 = tpu.vector_load %arg11[%swap3A_339, %swap3A_340] {strides = array<i32>} : memref<512x64xf32, #tpu.memory_space<vmem>>, vector<16xf32>,
      tpu.vector_store %arg11[%swap3A_339, %swap3A_340], %gather3A_338 {strides = array<i32>} : memref<512x64xf32, #tpu.memory_space<vmem>>, vector<16xf32>,
      %gather3A_342 = tpu.vector_load_idx %arg10[%broadcast_in_dim3A_331, %add3A_15] : memref<94x32xf32, #tpu.memory_space<vmem>>[vector<16xi32>, vector<16xi32>], vector<16xf32>,
      %swap3A_343 = arith.index_cast %add3A_328 : i32 to index
      %swap3A_344 = arith.constant 16 : index
      %swap3A_345 = tpu.vector_load %arg11[%swap3A_343, %swap3A_344] {strides = array<i32>} : memref<512x64xf32, #tpu.memory_space<vmem>>, vector<16xf32>,
      tpu.vector_store %arg11[%swap3A_343, %swap3A_344], %gather3A_342 {strides = array<i32>} : memref<512x64xf32, #tpu.memory_space<vmem>>, vector<16xf32>,
      %gather3A_346 = tpu.vector_load_idx %arg10[%broadcast_in_dim3A_334, %iota3A] : memref<94x32xf32, #tpu.memory_space<vmem>>[vector<16xi32>, vector<16xi32>], vector<16xf32>,
      %swap3A_347 = arith.index_cast %add3A_328 : i32 to index
      %swap3A_348 = arith.constant 32 : index
      %swap3A_349 = tpu.vector_load %arg11[%swap3A_347, %swap3A_348] {strides = array<i32>} : memref<512x64xf32, #tpu.memory_space<vmem>>, vector<16xf32>,
      tpu.vector_store %arg11[%swap3A_347, %swap3A_348], %gather3A_346 {strides = array<i32>} : memref<512x64xf32, #tpu.memory_space<vmem>>, vector<16xf32>,
      %gather3A_350 = tpu.vector_load_idx %arg10[%broadcast_in_dim3A_337, %iota3A] : memref<94x32xf32, #tpu.memory_space<vmem>>[vector<16xi32>, vector<16xi32>], vector<16xf32>,
      %swap3A_351 = arith.index_cast %add3A_328 : i32 to index
      %swap3A_352 = arith.constant 48 : index
      %swap3A_353 = tpu.vector_load %arg11[%swap3A_351, %swap3A_352] {strides = array<i32>} : memref<512x64xf32, #tpu.memory_space<vmem>>, vector<16xf32>,
      tpu.vector_store %arg11[%swap3A_351, %swap3A_352], %gather3A_350 {strides = array<i32>} : memref<512x64xf32, #tpu.memory_space<vmem>>, vector<16xf32>,
      %add3A_354 = arith.constant 8 : i32
      %add3A_355 = arith.addi %add3A_131, %add3A_354 : i32
      %slice3A_356 = vector.extract_strided_slice %get3A_132 {offsets = [8], sizes = [1], strides = [1]} : vector<16xi32> to vector<1xi32>
      %squeeze3A_357 = vector.extract %slice3A_356[0] : i32 from vector<1xi32>
      %broadcast_in_dim3A_358 = vector.broadcast %squeeze3A_357 : i32 to vector<16xi32>
      %slice3A_359 = vector.extract_strided_slice %add3A_137 {offsets = [8], sizes = [1], strides = [1]} : vector<16xi32> to vector<1xi32>
      %squeeze3A_360 = vector.extract %slice3A_359[0] : i32 from vector<1xi32>
      %broadcast_in_dim3A_361 = vector.broadcast %squeeze3A_360 : i32 to vector<16xi32>
      %slice3A_362 = vector.extract_strided_slice %add3A_142 {offsets = [8], sizes = [1], strides = [1]} : vector<16xi32> to vector<1xi32>
      %squeeze3A_363 = vector.extract %slice3A_362[0] : i32 from vector<1xi32>
      %broadcast_in_dim3A_364 = vector.broadcast %squeeze3A_363 : i32 to vector<16xi32>
      %gather3A_365 = tpu.vector_load_idx %arg10[%broadcast_in_dim3A_358, %iota3A] : memref<94x32xf32, #tpu.memory_space<vmem>>[vector<16xi32>, vector<16xi32>], vector<16xf32>,
      %swap3A_366 = arith.index_cast %add3A_355 : i32 to index
      %swap3A_367 = arith.constant 0 : index
      %swap3A_368 = tpu.vector_load %arg11[%swap3A_366, %swap3A_367] {strides = array<i32>} : memref<512x64xf32, #tpu.memory_space<vmem>>, vector<16xf32>,
      tpu.vector_store %arg11[%swap3A_366, %swap3A_367], %gather3A_365 {strides = array<i32>} : memref<512x64xf32, #tpu.memory_space<vmem>>, vector<16xf32>,
      %gather3A_369 = tpu.vector_load_idx %arg10[%broadcast_in_dim3A_358, %add3A_15] : memref<94x32xf32, #tpu.memory_space<vmem>>[vector<16xi32>, vector<16xi32>], vector<16xf32>,
      %swap3A_370 = arith.index_cast %add3A_355 : i32 to index
      %swap3A_371 = arith.constant 16 : index
      %swap3A_372 = tpu.vector_load %arg11[%swap3A_370, %swap3A_371] {strides = array<i32>} : memref<512x64xf32, #tpu.memory_space<vmem>>, vector<16xf32>,
      tpu.vector_store %arg11[%swap3A_370, %swap3A_371], %gather3A_369 {strides = array<i32>} : memref<512x64xf32, #tpu.memory_space<vmem>>, vector<16xf32>,
      %gather3A_373 = tpu.vector_load_idx %arg10[%broadcast_in_dim3A_361, %iota3A] : memref<94x32xf32, #tpu.memory_space<vmem>>[vector<16xi32>, vector<16xi32>], vector<16xf32>,
      %swap3A_374 = arith.index_cast %add3A_355 : i32 to index
      %swap3A_375 = arith.constant 32 : index
      %swap3A_376 = tpu.vector_load %arg11[%swap3A_374, %swap3A_375] {strides = array<i32>} : memref<512x64xf32, #tpu.memory_space<vmem>>, vector<16xf32>,
      tpu.vector_store %arg11[%swap3A_374, %swap3A_375], %gather3A_373 {strides = array<i32>} : memref<512x64xf32, #tpu.memory_space<vmem>>, vector<16xf32>,
      %gather3A_377 = tpu.vector_load_idx %arg10[%broadcast_in_dim3A_364, %iota3A] : memref<94x32xf32, #tpu.memory_space<vmem>>[vector<16xi32>, vector<16xi32>], vector<16xf32>,
      %swap3A_378 = arith.index_cast %add3A_355 : i32 to index
      %swap3A_379 = arith.constant 48 : index
      %swap3A_380 = tpu.vector_load %arg11[%swap3A_378, %swap3A_379] {strides = array<i32>} : memref<512x64xf32, #tpu.memory_space<vmem>>, vector<16xf32>,
      tpu.vector_store %arg11[%swap3A_378, %swap3A_379], %gather3A_377 {strides = array<i32>} : memref<512x64xf32, #tpu.memory_space<vmem>>, vector<16xf32>,
      %add3A_381 = arith.constant 9 : i32
      %add3A_382 = arith.addi %add3A_131, %add3A_381 : i32
      %slice3A_383 = vector.extract_strided_slice %get3A_132 {offsets = [9], sizes = [1], strides = [1]} : vector<16xi32> to vector<1xi32>
      %squeeze3A_384 = vector.extract %slice3A_383[0] : i32 from vector<1xi32>
      %broadcast_in_dim3A_385 = vector.broadcast %squeeze3A_384 : i32 to vector<16xi32>
      %slice3A_386 = vector.extract_strided_slice %add3A_137 {offsets = [9], sizes = [1], strides = [1]} : vector<16xi32> to vector<1xi32>
      %squeeze3A_387 = vector.extract %slice3A_386[0] : i32 from vector<1xi32>
      %broadcast_in_dim3A_388 = vector.broadcast %squeeze3A_387 : i32 to vector<16xi32>
      %slice3A_389 = vector.extract_strided_slice %add3A_142 {offsets = [9], sizes = [1], strides = [1]} : vector<16xi32> to vector<1xi32>
      %squeeze3A_390 = vector.extract %slice3A_389[0] : i32 from vector<1xi32>
      %broadcast_in_dim3A_391 = vector.broadcast %squeeze3A_390 : i32 to vector<16xi32>
      %gather3A_392 = tpu.vector_load_idx %arg10[%broadcast_in_dim3A_385, %iota3A] : memref<94x32xf32, #tpu.memory_space<vmem>>[vector<16xi32>, vector<16xi32>], vector<16xf32>,
      %swap3A_393 = arith.index_cast %add3A_382 : i32 to index
      %swap3A_394 = arith.constant 0 : index
      %swap3A_395 = tpu.vector_load %arg11[%swap3A_393, %swap3A_394] {strides = array<i32>} : memref<512x64xf32, #tpu.memory_space<vmem>>, vector<16xf32>,
      tpu.vector_store %arg11[%swap3A_393, %swap3A_394], %gather3A_392 {strides = array<i32>} : memref<512x64xf32, #tpu.memory_space<vmem>>, vector<16xf32>,
      %gather3A_396 = tpu.vector_load_idx %arg10[%broadcast_in_dim3A_385, %add3A_15] : memref<94x32xf32, #tpu.memory_space<vmem>>[vector<16xi32>, vector<16xi32>], vector<16xf32>,
      %swap3A_397 = arith.index_cast %add3A_382 : i32 to index
      %swap3A_398 = arith.constant 16 : index
      %swap3A_399 = tpu.vector_load %arg11[%swap3A_397, %swap3A_398] {strides = array<i32>} : memref<512x64xf32, #tpu.memory_space<vmem>>, vector<16xf32>,
      tpu.vector_store %arg11[%swap3A_397, %swap3A_398], %gather3A_396 {strides = array<i32>} : memref<512x64xf32, #tpu.memory_space<vmem>>, vector<16xf32>,
      %gather3A_400 = tpu.vector_load_idx %arg10[%broadcast_in_dim3A_388, %iota3A] : memref<94x32xf32, #tpu.memory_space<vmem>>[vector<16xi32>, vector<16xi32>], vector<16xf32>,
      %swap3A_401 = arith.index_cast %add3A_382 : i32 to index
      %swap3A_402 = arith.constant 32 : index
      %swap3A_403 = tpu.vector_load %arg11[%swap3A_401, %swap3A_402] {strides = array<i32>} : memref<512x64xf32, #tpu.memory_space<vmem>>, vector<16xf32>,
      tpu.vector_store %arg11[%swap3A_401, %swap3A_402], %gather3A_400 {strides = array<i32>} : memref<512x64xf32, #tpu.memory_space<vmem>>, vector<16xf32>,
      %gather3A_404 = tpu.vector_load_idx %arg10[%broadcast_in_dim3A_391, %iota3A] : memref<94x32xf32, #tpu.memory_space<vmem>>[vector<16xi32>, vector<16xi32>], vector<16xf32>,
      %swap3A_405 = arith.index_cast %add3A_382 : i32 to index
      %swap3A_406 = arith.constant 48 : index
      %swap3A_407 = tpu.vector_load %arg11[%swap3A_405, %swap3A_406] {strides = array<i32>} : memref<512x64xf32, #tpu.memory_space<vmem>>, vector<16xf32>,
      tpu.vector_store %arg11[%swap3A_405, %swap3A_406], %gather3A_404 {strides = array<i32>} : memref<512x64xf32, #tpu.memory_space<vmem>>, vector<16xf32>,
      %add3A_408 = arith.constant 10 : i32
      %add3A_409 = arith.addi %add3A_131, %add3A_408 : i32
      %slice3A_410 = vector.extract_strided_slice %get3A_132 {offsets = [10], sizes = [1], strides = [1]} : vector<16xi32> to vector<1xi32>
      %squeeze3A_411 = vector.extract %slice3A_410[0] : i32 from vector<1xi32>
      %broadcast_in_dim3A_412 = vector.broadcast %squeeze3A_411 : i32 to vector<16xi32>
      %slice3A_413 = vector.extract_strided_slice %add3A_137 {offsets = [10], sizes = [1], strides = [1]} : vector<16xi32> to vector<1xi32>
      %squeeze3A_414 = vector.extract %slice3A_413[0] : i32 from vector<1xi32>
      %broadcast_in_dim3A_415 = vector.broadcast %squeeze3A_414 : i32 to vector<16xi32>
      %slice3A_416 = vector.extract_strided_slice %add3A_142 {offsets = [10], sizes = [1], strides = [1]} : vector<16xi32> to vector<1xi32>
      %squeeze3A_417 = vector.extract %slice3A_416[0] : i32 from vector<1xi32>
      %broadcast_in_dim3A_418 = vector.broadcast %squeeze3A_417 : i32 to vector<16xi32>
      %gather3A_419 = tpu.vector_load_idx %arg10[%broadcast_in_dim3A_412, %iota3A] : memref<94x32xf32, #tpu.memory_space<vmem>>[vector<16xi32>, vector<16xi32>], vector<16xf32>,
      %swap3A_420 = arith.index_cast %add3A_409 : i32 to index
      %swap3A_421 = arith.constant 0 : index
      %swap3A_422 = tpu.vector_load %arg11[%swap3A_420, %swap3A_421] {strides = array<i32>} : memref<512x64xf32, #tpu.memory_space<vmem>>, vector<16xf32>,
      tpu.vector_store %arg11[%swap3A_420, %swap3A_421], %gather3A_419 {strides = array<i32>} : memref<512x64xf32, #tpu.memory_space<vmem>>, vector<16xf32>,
      %gather3A_423 = tpu.vector_load_idx %arg10[%broadcast_in_dim3A_412, %add3A_15] : memref<94x32xf32, #tpu.memory_space<vmem>>[vector<16xi32>, vector<16xi32>], vector<16xf32>,
      %swap3A_424 = arith.index_cast %add3A_409 : i32 to index
      %swap3A_425 = arith.constant 16 : index
      %swap3A_426 = tpu.vector_load %arg11[%swap3A_424, %swap3A_425] {strides = array<i32>} : memref<512x64xf32, #tpu.memory_space<vmem>>, vector<16xf32>,
      tpu.vector_store %arg11[%swap3A_424, %swap3A_425], %gather3A_423 {strides = array<i32>} : memref<512x64xf32, #tpu.memory_space<vmem>>, vector<16xf32>,
      %gather3A_427 = tpu.vector_load_idx %arg10[%broadcast_in_dim3A_415, %iota3A] : memref<94x32xf32, #tpu.memory_space<vmem>>[vector<16xi32>, vector<16xi32>], vector<16xf32>,
      %swap3A_428 = arith.index_cast %add3A_409 : i32 to index
      %swap3A_429 = arith.constant 32 : index
      %swap3A_430 = tpu.vector_load %arg11[%swap3A_428, %swap3A_429] {strides = array<i32>} : memref<512x64xf32, #tpu.memory_space<vmem>>, vector<16xf32>,
      tpu.vector_store %arg11[%swap3A_428, %swap3A_429], %gather3A_427 {strides = array<i32>} : memref<512x64xf32, #tpu.memory_space<vmem>>, vector<16xf32>,
      %gather3A_431 = tpu.vector_load_idx %arg10[%broadcast_in_dim3A_418, %iota3A] : memref<94x32xf32, #tpu.memory_space<vmem>>[vector<16xi32>, vector<16xi32>], vector<16xf32>,
      %swap3A_432 = arith.index_cast %add3A_409 : i32 to index
      %swap3A_433 = arith.constant 48 : index
      %swap3A_434 = tpu.vector_load %arg11[%swap3A_432, %swap3A_433] {strides = array<i32>} : memref<512x64xf32, #tpu.memory_space<vmem>>, vector<16xf32>,
      tpu.vector_store %arg11[%swap3A_432, %swap3A_433], %gather3A_431 {strides = array<i32>} : memref<512x64xf32, #tpu.memory_space<vmem>>, vector<16xf32>,
      %add3A_435 = arith.constant 11 : i32
      %add3A_436 = arith.addi %add3A_131, %add3A_435 : i32
      %slice3A_437 = vector.extract_strided_slice %get3A_132 {offsets = [11], sizes = [1], strides = [1]} : vector<16xi32> to vector<1xi32>
      %squeeze3A_438 = vector.extract %slice3A_437[0] : i32 from vector<1xi32>
      %broadcast_in_dim3A_439 = vector.broadcast %squeeze3A_438 : i32 to vector<16xi32>
      %slice3A_440 = vector.extract_strided_slice %add3A_137 {offsets = [11], sizes = [1], strides = [1]} : vector<16xi32> to vector<1xi32>
      %squeeze3A_441 = vector.extract %slice3A_440[0] : i32 from vector<1xi32>
      %broadcast_in_dim3A_442 = vector.broadcast %squeeze3A_441 : i32 to vector<16xi32>
      %slice3A_443 = vector.extract_strided_slice %add3A_142 {offsets = [11], sizes = [1], strides = [1]} : vector<16xi32> to vector<1xi32>
      %squeeze3A_444 = vector.extract %slice3A_443[0] : i32 from vector<1xi32>
      %broadcast_in_dim3A_445 = vector.broadcast %squeeze3A_444 : i32 to vector<16xi32>
      %gather3A_446 = tpu.vector_load_idx %arg10[%broadcast_in_dim3A_439, %iota3A] : memref<94x32xf32, #tpu.memory_space<vmem>>[vector<16xi32>, vector<16xi32>], vector<16xf32>,
      %swap3A_447 = arith.index_cast %add3A_436 : i32 to index
      %swap3A_448 = arith.constant 0 : index
      %swap3A_449 = tpu.vector_load %arg11[%swap3A_447, %swap3A_448] {strides = array<i32>} : memref<512x64xf32, #tpu.memory_space<vmem>>, vector<16xf32>,
      tpu.vector_store %arg11[%swap3A_447, %swap3A_448], %gather3A_446 {strides = array<i32>} : memref<512x64xf32, #tpu.memory_space<vmem>>, vector<16xf32>,
      %gather3A_450 = tpu.vector_load_idx %arg10[%broadcast_in_dim3A_439, %add3A_15] : memref<94x32xf32, #tpu.memory_space<vmem>>[vector<16xi32>, vector<16xi32>], vector<16xf32>,
      %swap3A_451 = arith.index_cast %add3A_436 : i32 to index
      %swap3A_452 = arith.constant 16 : index
      %swap3A_453 = tpu.vector_load %arg11[%swap3A_451, %swap3A_452] {strides = array<i32>} : memref<512x64xf32, #tpu.memory_space<vmem>>, vector<16xf32>,
      tpu.vector_store %arg11[%swap3A_451, %swap3A_452], %gather3A_450 {strides = array<i32>} : memref<512x64xf32, #tpu.memory_space<vmem>>, vector<16xf32>,
      %gather3A_454 = tpu.vector_load_idx %arg10[%broadcast_in_dim3A_442, %iota3A] : memref<94x32xf32, #tpu.memory_space<vmem>>[vector<16xi32>, vector<16xi32>], vector<16xf32>,
      %swap3A_455 = arith.index_cast %add3A_436 : i32 to index
      %swap3A_456 = arith.constant 32 : index
      %swap3A_457 = tpu.vector_load %arg11[%swap3A_455, %swap3A_456] {strides = array<i32>} : memref<512x64xf32, #tpu.memory_space<vmem>>, vector<16xf32>,
      tpu.vector_store %arg11[%swap3A_455, %swap3A_456], %gather3A_454 {strides = array<i32>} : memref<512x64xf32, #tpu.memory_space<vmem>>, vector<16xf32>,
      %gather3A_458 = tpu.vector_load_idx %arg10[%broadcast_in_dim3A_445, %iota3A] : memref<94x32xf32, #tpu.memory_space<vmem>>[vector<16xi32>, vector<16xi32>], vector<16xf32>,
      %swap3A_459 = arith.index_cast %add3A_436 : i32 to index
      %swap3A_460 = arith.constant 48 : index
      %swap3A_461 = tpu.vector_load %arg11[%swap3A_459, %swap3A_460] {strides = array<i32>} : memref<512x64xf32, #tpu.memory_space<vmem>>, vector<16xf32>,
      tpu.vector_store %arg11[%swap3A_459, %swap3A_460], %gather3A_458 {strides = array<i32>} : memref<512x64xf32, #tpu.memory_space<vmem>>, vector<16xf32>,
      %add3A_462 = arith.constant 12 : i32
      %add3A_463 = arith.addi %add3A_131, %add3A_462 : i32
      %slice3A_464 = vector.extract_strided_slice %get3A_132 {offsets = [12], sizes = [1], strides = [1]} : vector<16xi32> to vector<1xi32>
      %squeeze3A_465 = vector.extract %slice3A_464[0] : i32 from vector<1xi32>
      %broadcast_in_dim3A_466 = vector.broadcast %squeeze3A_465 : i32 to vector<16xi32>
      %slice3A_467 = vector.extract_strided_slice %add3A_137 {offsets = [12], sizes = [1], strides = [1]} : vector<16xi32> to vector<1xi32>
      %squeeze3A_468 = vector.extract %slice3A_467[0] : i32 from vector<1xi32>
      %broadcast_in_dim3A_469 = vector.broadcast %squeeze3A_468 : i32 to vector<16xi32>
      %slice3A_470 = vector.extract_strided_slice %add3A_142 {offsets = [12], sizes = [1], strides = [1]} : vector<16xi32> to vector<1xi32>
      %squeeze3A_471 = vector.extract %slice3A_470[0] : i32 from vector<1xi32>
      %broadcast_in_dim3A_472 = vector.broadcast %squeeze3A_471 : i32 to vector<16xi32>
      %gather3A_473 = tpu.vector_load_idx %arg10[%broadcast_in_dim3A_466, %iota3A] : memref<94x32xf32, #tpu.memory_space<vmem>>[vector<16xi32>, vector<16xi32>], vector<16xf32>,
      %swap3A_474 = arith.index_cast %add3A_463 : i32 to index
      %swap3A_475 = arith.constant 0 : index
      %swap3A_476 = tpu.vector_load %arg11[%swap3A_474, %swap3A_475] {strides = array<i32>} : memref<512x64xf32, #tpu.memory_space<vmem>>, vector<16xf32>,
      tpu.vector_store %arg11[%swap3A_474, %swap3A_475], %gather3A_473 {strides = array<i32>} : memref<512x64xf32, #tpu.memory_space<vmem>>, vector<16xf32>,
      %gather3A_477 = tpu.vector_load_idx %arg10[%broadcast_in_dim3A_466, %add3A_15] : memref<94x32xf32, #tpu.memory_space<vmem>>[vector<16xi32>, vector<16xi32>], vector<16xf32>,
      %swap3A_478 = arith.index_cast %add3A_463 : i32 to index
      %swap3A_479 = arith.constant 16 : index
      %swap3A_480 = tpu.vector_load %arg11[%swap3A_478, %swap3A_479] {strides = array<i32>} : memref<512x64xf32, #tpu.memory_space<vmem>>, vector<16xf32>,
      tpu.vector_store %arg11[%swap3A_478, %swap3A_479], %gather3A_477 {strides = array<i32>} : memref<512x64xf32, #tpu.memory_space<vmem>>, vector<16xf32>,
      %gather3A_481 = tpu.vector_load_idx %arg10[%broadcast_in_dim3A_469, %iota3A] : memref<94x32xf32, #tpu.memory_space<vmem>>[vector<16xi32>, vector<16xi32>], vector<16xf32>,
      %swap3A_482 = arith.index_cast %add3A_463 : i32 to index
      %swap3A_483 = arith.constant 32 : index
      %swap3A_484 = tpu.vector_load %arg11[%swap3A_482, %swap3A_483] {strides = array<i32>} : memref<512x64xf32, #tpu.memory_space<vmem>>, vector<16xf32>,
      tpu.vector_store %arg11[%swap3A_482, %swap3A_483], %gather3A_481 {strides = array<i32>} : memref<512x64xf32, #tpu.memory_space<vmem>>, vector<16xf32>,
      %gather3A_485 = tpu.vector_load_idx %arg10[%broadcast_in_dim3A_472, %iota3A] : memref<94x32xf32, #tpu.memory_space<vmem>>[vector<16xi32>, vector<16xi32>], vector<16xf32>,
      %swap3A_486 = arith.index_cast %add3A_463 : i32 to index
      %swap3A_487 = arith.constant 48 : index
      %swap3A_488 = tpu.vector_load %arg11[%swap3A_486, %swap3A_487] {strides = array<i32>} : memref<512x64xf32, #tpu.memory_space<vmem>>, vector<16xf32>,
      tpu.vector_store %arg11[%swap3A_486, %swap3A_487], %gather3A_485 {strides = array<i32>} : memref<512x64xf32, #tpu.memory_space<vmem>>, vector<16xf32>,
      %add3A_489 = arith.constant 13 : i32
      %add3A_490 = arith.addi %add3A_131, %add3A_489 : i32
      %slice3A_491 = vector.extract_strided_slice %get3A_132 {offsets = [13], sizes = [1], strides = [1]} : vector<16xi32> to vector<1xi32>
      %squeeze3A_492 = vector.extract %slice3A_491[0] : i32 from vector<1xi32>
      %broadcast_in_dim3A_493 = vector.broadcast %squeeze3A_492 : i32 to vector<16xi32>
      %slice3A_494 = vector.extract_strided_slice %add3A_137 {offsets = [13], sizes = [1], strides = [1]} : vector<16xi32> to vector<1xi32>
      %squeeze3A_495 = vector.extract %slice3A_494[0] : i32 from vector<1xi32>
      %broadcast_in_dim3A_496 = vector.broadcast %squeeze3A_495 : i32 to vector<16xi32>
      %slice3A_497 = vector.extract_strided_slice %add3A_142 {offsets = [13], sizes = [1], strides = [1]} : vector<16xi32> to vector<1xi32>
      %squeeze3A_498 = vector.extract %slice3A_497[0] : i32 from vector<1xi32>
      %broadcast_in_dim3A_499 = vector.broadcast %squeeze3A_498 : i32 to vector<16xi32>
      %gather3A_500 = tpu.vector_load_idx %arg10[%broadcast_in_dim3A_493, %iota3A] : memref<94x32xf32, #tpu.memory_space<vmem>>[vector<16xi32>, vector<16xi32>], vector<16xf32>,
      %swap3A_501 = arith.index_cast %add3A_490 : i32 to index
      %swap3A_502 = arith.constant 0 : index
      %swap3A_503 = tpu.vector_load %arg11[%swap3A_501, %swap3A_502] {strides = array<i32>} : memref<512x64xf32, #tpu.memory_space<vmem>>, vector<16xf32>,
      tpu.vector_store %arg11[%swap3A_501, %swap3A_502], %gather3A_500 {strides = array<i32>} : memref<512x64xf32, #tpu.memory_space<vmem>>, vector<16xf32>,
      %gather3A_504 = tpu.vector_load_idx %arg10[%broadcast_in_dim3A_493, %add3A_15] : memref<94x32xf32, #tpu.memory_space<vmem>>[vector<16xi32>, vector<16xi32>], vector<16xf32>,
      %swap3A_505 = arith.index_cast %add3A_490 : i32 to index
      %swap3A_506 = arith.constant 16 : index
      %swap3A_507 = tpu.vector_load %arg11[%swap3A_505, %swap3A_506] {strides = array<i32>} : memref<512x64xf32, #tpu.memory_space<vmem>>, vector<16xf32>,
      tpu.vector_store %arg11[%swap3A_505, %swap3A_506], %gather3A_504 {strides = array<i32>} : memref<512x64xf32, #tpu.memory_space<vmem>>, vector<16xf32>,
      %gather3A_508 = tpu.vector_load_idx %arg10[%broadcast_in_dim3A_496, %iota3A] : memref<94x32xf32, #tpu.memory_space<vmem>>[vector<16xi32>, vector<16xi32>], vector<16xf32>,
      %swap3A_509 = arith.index_cast %add3A_490 : i32 to index
      %swap3A_510 = arith.constant 32 : index
      %swap3A_511 = tpu.vector_load %arg11[%swap3A_509, %swap3A_510] {strides = array<i32>} : memref<512x64xf32, #tpu.memory_space<vmem>>, vector<16xf32>,
      tpu.vector_store %arg11[%swap3A_509, %swap3A_510], %gather3A_508 {strides = array<i32>} : memref<512x64xf32, #tpu.memory_space<vmem>>, vector<16xf32>,
      %gather3A_512 = tpu.vector_load_idx %arg10[%broadcast_in_dim3A_499, %iota3A] : memref<94x32xf32, #tpu.memory_space<vmem>>[vector<16xi32>, vector<16xi32>], vector<16xf32>,
      %swap3A_513 = arith.index_cast %add3A_490 : i32 to index
      %swap3A_514 = arith.constant 48 : index
      %swap3A_515 = tpu.vector_load %arg11[%swap3A_513, %swap3A_514] {strides = array<i32>} : memref<512x64xf32, #tpu.memory_space<vmem>>, vector<16xf32>,
      tpu.vector_store %arg11[%swap3A_513, %swap3A_514], %gather3A_512 {strides = array<i32>} : memref<512x64xf32, #tpu.memory_space<vmem>>, vector<16xf32>,
      %add3A_516 = arith.constant 14 : i32
      %add3A_517 = arith.addi %add3A_131, %add3A_516 : i32
      %slice3A_518 = vector.extract_strided_slice %get3A_132 {offsets = [14], sizes = [1], strides = [1]} : vector<16xi32> to vector<1xi32>
      %squeeze3A_519 = vector.extract %slice3A_518[0] : i32 from vector<1xi32>
      %broadcast_in_dim3A_520 = vector.broadcast %squeeze3A_519 : i32 to vector<16xi32>
      %slice3A_521 = vector.extract_strided_slice %add3A_137 {offsets = [14], sizes = [1], strides = [1]} : vector<16xi32> to vector<1xi32>
      %squeeze3A_522 = vector.extract %slice3A_521[0] : i32 from vector<1xi32>
      %broadcast_in_dim3A_523 = vector.broadcast %squeeze3A_522 : i32 to vector<16xi32>
      %slice3A_524 = vector.extract_strided_slice %add3A_142 {offsets = [14], sizes = [1], strides = [1]} : vector<16xi32> to vector<1xi32>
      %squeeze3A_525 = vector.extract %slice3A_524[0] : i32 from vector<1xi32>
      %broadcast_in_dim3A_526 = vector.broadcast %squeeze3A_525 : i32 to vector<16xi32>
      %gather3A_527 = tpu.vector_load_idx %arg10[%broadcast_in_dim3A_520, %iota3A] : memref<94x32xf32, #tpu.memory_space<vmem>>[vector<16xi32>, vector<16xi32>], vector<16xf32>,
      %swap3A_528 = arith.index_cast %add3A_517 : i32 to index
      %swap3A_529 = arith.constant 0 : index
      %swap3A_530 = tpu.vector_load %arg11[%swap3A_528, %swap3A_529] {strides = array<i32>} : memref<512x64xf32, #tpu.memory_space<vmem>>, vector<16xf32>,
      tpu.vector_store %arg11[%swap3A_528, %swap3A_529], %gather3A_527 {strides = array<i32>} : memref<512x64xf32, #tpu.memory_space<vmem>>, vector<16xf32>,
      %gather3A_531 = tpu.vector_load_idx %arg10[%broadcast_in_dim3A_520, %add3A_15] : memref<94x32xf32, #tpu.memory_space<vmem>>[vector<16xi32>, vector<16xi32>], vector<16xf32>,
      %swap3A_532 = arith.index_cast %add3A_517 : i32 to index
      %swap3A_533 = arith.constant 16 : index
      %swap3A_534 = tpu.vector_load %arg11[%swap3A_532, %swap3A_533] {strides = array<i32>} : memref<512x64xf32, #tpu.memory_space<vmem>>, vector<16xf32>,
      tpu.vector_store %arg11[%swap3A_532, %swap3A_533], %gather3A_531 {strides = array<i32>} : memref<512x64xf32, #tpu.memory_space<vmem>>, vector<16xf32>,
      %gather3A_535 = tpu.vector_load_idx %arg10[%broadcast_in_dim3A_523, %iota3A] : memref<94x32xf32, #tpu.memory_space<vmem>>[vector<16xi32>, vector<16xi32>], vector<16xf32>,
      %swap3A_536 = arith.index_cast %add3A_517 : i32 to index
      %swap3A_537 = arith.constant 32 : index
      %swap3A_538 = tpu.vector_load %arg11[%swap3A_536, %swap3A_537] {strides = array<i32>} : memref<512x64xf32, #tpu.memory_space<vmem>>, vector<16xf32>,
      tpu.vector_store %arg11[%swap3A_536, %swap3A_537], %gather3A_535 {strides = array<i32>} : memref<512x64xf32, #tpu.memory_space<vmem>>, vector<16xf32>,
      %gather3A_539 = tpu.vector_load_idx %arg10[%broadcast_in_dim3A_526, %iota3A] : memref<94x32xf32, #tpu.memory_space<vmem>>[vector<16xi32>, vector<16xi32>], vector<16xf32>,
      %swap3A_540 = arith.index_cast %add3A_517 : i32 to index
      %swap3A_541 = arith.constant 48 : index
      %swap3A_542 = tpu.vector_load %arg11[%swap3A_540, %swap3A_541] {strides = array<i32>} : memref<512x64xf32, #tpu.memory_space<vmem>>, vector<16xf32>,
      tpu.vector_store %arg11[%swap3A_540, %swap3A_541], %gather3A_539 {strides = array<i32>} : memref<512x64xf32, #tpu.memory_space<vmem>>, vector<16xf32>,
      %add3A_543 = arith.constant 15 : i32
      %add3A_544 = arith.addi %add3A_131, %add3A_543 : i32
      %slice3A_545 = vector.extract_strided_slice %get3A_132 {offsets = [15], sizes = [1], strides = [1]} : vector<16xi32> to vector<1xi32>
      %squeeze3A_546 = vector.extract %slice3A_545[0] : i32 from vector<1xi32>
      %broadcast_in_dim3A_547 = vector.broadcast %squeeze3A_546 : i32 to vector<16xi32>
      %slice3A_548 = vector.extract_strided_slice %add3A_137 {offsets = [15], sizes = [1], strides = [1]} : vector<16xi32> to vector<1xi32>
      %squeeze3A_549 = vector.extract %slice3A_548[0] : i32 from vector<1xi32>
      %broadcast_in_dim3A_550 = vector.broadcast %squeeze3A_549 : i32 to vector<16xi32>
      %slice3A_551 = vector.extract_strided_slice %add3A_142 {offsets = [15], sizes = [1], strides = [1]} : vector<16xi32> to vector<1xi32>
      %squeeze3A_552 = vector.extract %slice3A_551[0] : i32 from vector<1xi32>
      %broadcast_in_dim3A_553 = vector.broadcast %squeeze3A_552 : i32 to vector<16xi32>
      %gather3A_554 = tpu.vector_load_idx %arg10[%broadcast_in_dim3A_547, %iota3A] : memref<94x32xf32, #tpu.memory_space<vmem>>[vector<16xi32>, vector<16xi32>], vector<16xf32>,
      %swap3A_555 = arith.index_cast %add3A_544 : i32 to index
      %swap3A_556 = arith.constant 0 : index
      %swap3A_557 = tpu.vector_load %arg11[%swap3A_555, %swap3A_556] {strides = array<i32>} : memref<512x64xf32, #tpu.memory_space<vmem>>, vector<16xf32>,
      tpu.vector_store %arg11[%swap3A_555, %swap3A_556], %gather3A_554 {strides = array<i32>} : memref<512x64xf32, #tpu.memory_space<vmem>>, vector<16xf32>,
      %gather3A_558 = tpu.vector_load_idx %arg10[%broadcast_in_dim3A_547, %add3A_15] : memref<94x32xf32, #tpu.memory_space<vmem>>[vector<16xi32>, vector<16xi32>], vector<16xf32>,
      %swap3A_559 = arith.index_cast %add3A_544 : i32 to index
      %swap3A_560 = arith.constant 16 : index
      %swap3A_561 = tpu.vector_load %arg11[%swap3A_559, %swap3A_560] {strides = array<i32>} : memref<512x64xf32, #tpu.memory_space<vmem>>, vector<16xf32>,
      tpu.vector_store %arg11[%swap3A_559, %swap3A_560], %gather3A_558 {strides = array<i32>} : memref<512x64xf32, #tpu.memory_space<vmem>>, vector<16xf32>,
      %gather3A_562 = tpu.vector_load_idx %arg10[%broadcast_in_dim3A_550, %iota3A] : memref<94x32xf32, #tpu.memory_space<vmem>>[vector<16xi32>, vector<16xi32>], vector<16xf32>,
      %swap3A_563 = arith.index_cast %add3A_544 : i32 to index
      %swap3A_564 = arith.constant 32 : index
      %swap3A_565 = tpu.vector_load %arg11[%swap3A_563, %swap3A_564] {strides = array<i32>} : memref<512x64xf32, #tpu.memory_space<vmem>>, vector<16xf32>,
      tpu.vector_store %arg11[%swap3A_563, %swap3A_564], %gather3A_562 {strides = array<i32>} : memref<512x64xf32, #tpu.memory_space<vmem>>, vector<16xf32>,
      %gather3A_566 = tpu.vector_load_idx %arg10[%broadcast_in_dim3A_553, %iota3A] : memref<94x32xf32, #tpu.memory_space<vmem>>[vector<16xi32>, vector<16xi32>], vector<16xf32>,
      %swap3A_567 = arith.index_cast %add3A_544 : i32 to index
      %swap3A_568 = arith.constant 48 : index
      %swap3A_569 = tpu.vector_load %arg11[%swap3A_567, %swap3A_568] {strides = array<i32>} : memref<512x64xf32, #tpu.memory_space<vmem>>, vector<16xf32>,
      tpu.vector_store %arg11[%swap3A_567, %swap3A_568], %gather3A_566 {strides = array<i32>} : memref<512x64xf32, #tpu.memory_space<vmem>>, vector<16xf32>,
    }
    %scan3A_38 = arith.constant 8 : i32
    %add3A_39 = arith.constant 128 : i32
    %add3A_40 = arith.addi %mul3A_2, %add3A_39 : i32
    %dma_start3A_41 = arith.constant 128 : i32
    %dma_start3A_42 = arith.constant 0 : i32
    %dma_start3A_43 = tpu.memref_slice %arg11[%dma_start3A_41, %dma_start3A_42] : memref<512x64xf32, #tpu.memory_space<vmem>> -> memref<128x64xf32, #tpu.memory_space<vmem>>
    %dma_start3A_44 = arith.constant 0 : i32
    %dma_start3A_45 = tpu.memref_slice %arg6[%add3A_40, %dma_start3A_44] : memref<16384x64xf32, #tpu.memory_space<hbm>> -> memref<128x64xf32, #tpu.memory_space<hbm>>
    %dma_start3A_46 = arith.constant 0 : i32
    %dma_start3A_47 = tpu.memref_slice %arg6[%add3A_40, %dma_start3A_46] : memref<16384x64xf32, #tpu.memory_space<hbm>> -> memref<128x64xf32, #tpu.memory_space<hbm>>
    %dma_start3A_48 = arith.constant 128 : i32
    %dma_start3A_49 = arith.constant 0 : i32
    %dma_start3A_50 = tpu.memref_slice %arg11[%dma_start3A_48, %dma_start3A_49] : memref<512x64xf32, #tpu.memory_space<vmem>> -> memref<128x64xf32, #tpu.memory_space<vmem>>
    tpu.enqueue_dma source(%dma_start3A_50 : memref<128x64xf32, #tpu.memory_space<vmem>>) target(%dma_start3A_47 : memref<128x64xf32, #tpu.memory_space<hbm>>) target_semaphore(%arg13 : memref<!tpu.dma_semaphore, #tpu.memory_space<semaphore_mem>>)
    %scan3A_51 = arith.constant 0 : i32
    %scan3A_52 = arith.constant 0 : i32
    %scan3A_53 = arith.constant 8 : i32
    %scan3A_54 = arith.addi %scan3A_52, %scan3A_53 : i32
    %scan3A_55 = arith.constant 1 : i32
    scf.for %scan3A_127 = %scan3A_52 to %scan3A_54 step %scan3A_55  : i32 {
      %mul3A_128 = arith.constant 16 : i32
      %mul3A_129 = arith.muli %scan3A_127, %mul3A_128 : i32
      %add3A_130 = arith.constant 256 : i32
      %add3A_131 = arith.addi %add3A_130, %mul3A_129 : i32
      %get3A = arith.index_cast %add3A_131 : i32 to index
      %get3A_132 = tpu.vector_load %arg7[%get3A] {strides = array<i32>} : memref<512xi32, #tpu.memory_space<vmem>>, vector<16xi32>,
      %get3A_133 = arith.index_cast %add3A_131 : i32 to index
      %get3A_134 = tpu.vector_load %arg8[%get3A_133] {strides = array<i32>} : memref<512xi32, #tpu.memory_space<vmem>>, vector<16xi32>,
      %add3A_135 = arith.constant 50 : i32
      %add3A_136 = vector.broadcast %add3A_135 : i32 to vector<16xi32>
      %add3A_137 = arith.addi %get3A_134, %add3A_136 : vector<16xi32>
      %get3A_138 = arith.index_cast %add3A_131 : i32 to index
      %get3A_139 = tpu.vector_load %arg9[%get3A_138] {strides = array<i32>} : memref<512xi32, #tpu.memory_space<vmem>>, vector<16xi32>,
      %add3A_140 = arith.constant 74 : i32
      %add3A_141 = vector.broadcast %add3A_140 : i32 to vector<16xi32>
      %add3A_142 = arith.addi %get3A_139, %add3A_141 : vector<16xi32>
      %add3A_143 = arith.constant 0 : i32
      %add3A_144 = arith.addi %add3A_131, %add3A_143 : i32
      %slice3A = vector.extract_strided_slice %get3A_132 {offsets = [0], sizes = [1], strides = [1]} : vector<16xi32> to vector<1xi32>
      %squeeze3A = vector.extract %slice3A[0] : i32 from vector<1xi32>
      %broadcast_in_dim3A = vector.broadcast %squeeze3A : i32 to vector<16xi32>
      %slice3A_145 = vector.extract_strided_slice %add3A_137 {offsets = [0], sizes = [1], strides = [1]} : vector<16xi32> to vector<1xi32>
      %squeeze3A_146 = vector.extract %slice3A_145[0] : i32 from vector<1xi32>
      %broadcast_in_dim3A_147 = vector.broadcast %squeeze3A_146 : i32 to vector<16xi32>
      %slice3A_148 = vector.extract_strided_slice %add3A_142 {offsets = [0], sizes = [1], strides = [1]} : vector<16xi32> to vector<1xi32>
      %squeeze3A_149 = vector.extract %slice3A_148[0] : i32 from vector<1xi32>
      %broadcast_in_dim3A_150 = vector.broadcast %squeeze3A_149 : i32 to vector<16xi32>
      %gather3A = tpu.vector_load_idx %arg10[%broadcast_in_dim3A, %iota3A] : memref<94x32xf32, #tpu.memory_space<vmem>>[vector<16xi32>, vector<16xi32>], vector<16xf32>,
      %swap3A = arith.index_cast %add3A_144 : i32 to index
      %swap3A_151 = arith.constant 0 : index
      %swap3A_152 = tpu.vector_load %arg11[%swap3A, %swap3A_151] {strides = array<i32>} : memref<512x64xf32, #tpu.memory_space<vmem>>, vector<16xf32>,
      tpu.vector_store %arg11[%swap3A, %swap3A_151], %gather3A {strides = array<i32>} : memref<512x64xf32, #tpu.memory_space<vmem>>, vector<16xf32>,
      %gather3A_153 = tpu.vector_load_idx %arg10[%broadcast_in_dim3A, %add3A_15] : memref<94x32xf32, #tpu.memory_space<vmem>>[vector<16xi32>, vector<16xi32>], vector<16xf32>,
      %swap3A_154 = arith.index_cast %add3A_144 : i32 to index
      %swap3A_155 = arith.constant 16 : index
      %swap3A_156 = tpu.vector_load %arg11[%swap3A_154, %swap3A_155] {strides = array<i32>} : memref<512x64xf32, #tpu.memory_space<vmem>>, vector<16xf32>,
      tpu.vector_store %arg11[%swap3A_154, %swap3A_155], %gather3A_153 {strides = array<i32>} : memref<512x64xf32, #tpu.memory_space<vmem>>, vector<16xf32>,
      %gather3A_157 = tpu.vector_load_idx %arg10[%broadcast_in_dim3A_147, %iota3A] : memref<94x32xf32, #tpu.memory_space<vmem>>[vector<16xi32>, vector<16xi32>], vector<16xf32>,
      %swap3A_158 = arith.index_cast %add3A_144 : i32 to index
      %swap3A_159 = arith.constant 32 : index
      %swap3A_160 = tpu.vector_load %arg11[%swap3A_158, %swap3A_159] {strides = array<i32>} : memref<512x64xf32, #tpu.memory_space<vmem>>, vector<16xf32>,
      tpu.vector_store %arg11[%swap3A_158, %swap3A_159], %gather3A_157 {strides = array<i32>} : memref<512x64xf32, #tpu.memory_space<vmem>>, vector<16xf32>,
      %gather3A_161 = tpu.vector_load_idx %arg10[%broadcast_in_dim3A_150, %iota3A] : memref<94x32xf32, #tpu.memory_space<vmem>>[vector<16xi32>, vector<16xi32>], vector<16xf32>,
      %swap3A_162 = arith.index_cast %add3A_144 : i32 to index
      %swap3A_163 = arith.constant 48 : index
      %swap3A_164 = tpu.vector_load %arg11[%swap3A_162, %swap3A_163] {strides = array<i32>} : memref<512x64xf32, #tpu.memory_space<vmem>>, vector<16xf32>,
      tpu.vector_store %arg11[%swap3A_162, %swap3A_163], %gather3A_161 {strides = array<i32>} : memref<512x64xf32, #tpu.memory_space<vmem>>, vector<16xf32>,
      %add3A_165 = arith.constant 1 : i32
      %add3A_166 = arith.addi %add3A_131, %add3A_165 : i32
      %slice3A_167 = vector.extract_strided_slice %get3A_132 {offsets = [1], sizes = [1], strides = [1]} : vector<16xi32> to vector<1xi32>
      %squeeze3A_168 = vector.extract %slice3A_167[0] : i32 from vector<1xi32>
      %broadcast_in_dim3A_169 = vector.broadcast %squeeze3A_168 : i32 to vector<16xi32>
      %slice3A_170 = vector.extract_strided_slice %add3A_137 {offsets = [1], sizes = [1], strides = [1]} : vector<16xi32> to vector<1xi32>
      %squeeze3A_171 = vector.extract %slice3A_170[0] : i32 from vector<1xi32>
      %broadcast_in_dim3A_172 = vector.broadcast %squeeze3A_171 : i32 to vector<16xi32>
      %slice3A_173 = vector.extract_strided_slice %add3A_142 {offsets = [1], sizes = [1], strides = [1]} : vector<16xi32> to vector<1xi32>
      %squeeze3A_174 = vector.extract %slice3A_173[0] : i32 from vector<1xi32>
      %broadcast_in_dim3A_175 = vector.broadcast %squeeze3A_174 : i32 to vector<16xi32>
      %gather3A_176 = tpu.vector_load_idx %arg10[%broadcast_in_dim3A_169, %iota3A] : memref<94x32xf32, #tpu.memory_space<vmem>>[vector<16xi32>, vector<16xi32>], vector<16xf32>,
      %swap3A_177 = arith.index_cast %add3A_166 : i32 to index
      %swap3A_178 = arith.constant 0 : index
      %swap3A_179 = tpu.vector_load %arg11[%swap3A_177, %swap3A_178] {strides = array<i32>} : memref<512x64xf32, #tpu.memory_space<vmem>>, vector<16xf32>,
      tpu.vector_store %arg11[%swap3A_177, %swap3A_178], %gather3A_176 {strides = array<i32>} : memref<512x64xf32, #tpu.memory_space<vmem>>, vector<16xf32>,
      %gather3A_180 = tpu.vector_load_idx %arg10[%broadcast_in_dim3A_169, %add3A_15] : memref<94x32xf32, #tpu.memory_space<vmem>>[vector<16xi32>, vector<16xi32>], vector<16xf32>,
      %swap3A_181 = arith.index_cast %add3A_166 : i32 to index
      %swap3A_182 = arith.constant 16 : index
      %swap3A_183 = tpu.vector_load %arg11[%swap3A_181, %swap3A_182] {strides = array<i32>} : memref<512x64xf32, #tpu.memory_space<vmem>>, vector<16xf32>,
      tpu.vector_store %arg11[%swap3A_181, %swap3A_182], %gather3A_180 {strides = array<i32>} : memref<512x64xf32, #tpu.memory_space<vmem>>, vector<16xf32>,
      %gather3A_184 = tpu.vector_load_idx %arg10[%broadcast_in_dim3A_172, %iota3A] : memref<94x32xf32, #tpu.memory_space<vmem>>[vector<16xi32>, vector<16xi32>], vector<16xf32>,
      %swap3A_185 = arith.index_cast %add3A_166 : i32 to index
      %swap3A_186 = arith.constant 32 : index
      %swap3A_187 = tpu.vector_load %arg11[%swap3A_185, %swap3A_186] {strides = array<i32>} : memref<512x64xf32, #tpu.memory_space<vmem>>, vector<16xf32>,
      tpu.vector_store %arg11[%swap3A_185, %swap3A_186], %gather3A_184 {strides = array<i32>} : memref<512x64xf32, #tpu.memory_space<vmem>>, vector<16xf32>,
      %gather3A_188 = tpu.vector_load_idx %arg10[%broadcast_in_dim3A_175, %iota3A] : memref<94x32xf32, #tpu.memory_space<vmem>>[vector<16xi32>, vector<16xi32>], vector<16xf32>,
      %swap3A_189 = arith.index_cast %add3A_166 : i32 to index
      %swap3A_190 = arith.constant 48 : index
      %swap3A_191 = tpu.vector_load %arg11[%swap3A_189, %swap3A_190] {strides = array<i32>} : memref<512x64xf32, #tpu.memory_space<vmem>>, vector<16xf32>,
      tpu.vector_store %arg11[%swap3A_189, %swap3A_190], %gather3A_188 {strides = array<i32>} : memref<512x64xf32, #tpu.memory_space<vmem>>, vector<16xf32>,
      %add3A_192 = arith.constant 2 : i32
      %add3A_193 = arith.addi %add3A_131, %add3A_192 : i32
      %slice3A_194 = vector.extract_strided_slice %get3A_132 {offsets = [2], sizes = [1], strides = [1]} : vector<16xi32> to vector<1xi32>
      %squeeze3A_195 = vector.extract %slice3A_194[0] : i32 from vector<1xi32>
      %broadcast_in_dim3A_196 = vector.broadcast %squeeze3A_195 : i32 to vector<16xi32>
      %slice3A_197 = vector.extract_strided_slice %add3A_137 {offsets = [2], sizes = [1], strides = [1]} : vector<16xi32> to vector<1xi32>
      %squeeze3A_198 = vector.extract %slice3A_197[0] : i32 from vector<1xi32>
      %broadcast_in_dim3A_199 = vector.broadcast %squeeze3A_198 : i32 to vector<16xi32>
      %slice3A_200 = vector.extract_strided_slice %add3A_142 {offsets = [2], sizes = [1], strides = [1]} : vector<16xi32> to vector<1xi32>
      %squeeze3A_201 = vector.extract %slice3A_200[0] : i32 from vector<1xi32>
      %broadcast_in_dim3A_202 = vector.broadcast %squeeze3A_201 : i32 to vector<16xi32>
      %gather3A_203 = tpu.vector_load_idx %arg10[%broadcast_in_dim3A_196, %iota3A] : memref<94x32xf32, #tpu.memory_space<vmem>>[vector<16xi32>, vector<16xi32>], vector<16xf32>,
      %swap3A_204 = arith.index_cast %add3A_193 : i32 to index
      %swap3A_205 = arith.constant 0 : index
      %swap3A_206 = tpu.vector_load %arg11[%swap3A_204, %swap3A_205] {strides = array<i32>} : memref<512x64xf32, #tpu.memory_space<vmem>>, vector<16xf32>,
      tpu.vector_store %arg11[%swap3A_204, %swap3A_205], %gather3A_203 {strides = array<i32>} : memref<512x64xf32, #tpu.memory_space<vmem>>, vector<16xf32>,
      %gather3A_207 = tpu.vector_load_idx %arg10[%broadcast_in_dim3A_196, %add3A_15] : memref<94x32xf32, #tpu.memory_space<vmem>>[vector<16xi32>, vector<16xi32>], vector<16xf32>,
      %swap3A_208 = arith.index_cast %add3A_193 : i32 to index
      %swap3A_209 = arith.constant 16 : index
      %swap3A_210 = tpu.vector_load %arg11[%swap3A_208, %swap3A_209] {strides = array<i32>} : memref<512x64xf32, #tpu.memory_space<vmem>>, vector<16xf32>,
      tpu.vector_store %arg11[%swap3A_208, %swap3A_209], %gather3A_207 {strides = array<i32>} : memref<512x64xf32, #tpu.memory_space<vmem>>, vector<16xf32>,
      %gather3A_211 = tpu.vector_load_idx %arg10[%broadcast_in_dim3A_199, %iota3A] : memref<94x32xf32, #tpu.memory_space<vmem>>[vector<16xi32>, vector<16xi32>], vector<16xf32>,
      %swap3A_212 = arith.index_cast %add3A_193 : i32 to index
      %swap3A_213 = arith.constant 32 : index
      %swap3A_214 = tpu.vector_load %arg11[%swap3A_212, %swap3A_213] {strides = array<i32>} : memref<512x64xf32, #tpu.memory_space<vmem>>, vector<16xf32>,
      tpu.vector_store %arg11[%swap3A_212, %swap3A_213], %gather3A_211 {strides = array<i32>} : memref<512x64xf32, #tpu.memory_space<vmem>>, vector<16xf32>,
      %gather3A_215 = tpu.vector_load_idx %arg10[%broadcast_in_dim3A_202, %iota3A] : memref<94x32xf32, #tpu.memory_space<vmem>>[vector<16xi32>, vector<16xi32>], vector<16xf32>,
      %swap3A_216 = arith.index_cast %add3A_193 : i32 to index
      %swap3A_217 = arith.constant 48 : index
      %swap3A_218 = tpu.vector_load %arg11[%swap3A_216, %swap3A_217] {strides = array<i32>} : memref<512x64xf32, #tpu.memory_space<vmem>>, vector<16xf32>,
      tpu.vector_store %arg11[%swap3A_216, %swap3A_217], %gather3A_215 {strides = array<i32>} : memref<512x64xf32, #tpu.memory_space<vmem>>, vector<16xf32>,
      %add3A_219 = arith.constant 3 : i32
      %add3A_220 = arith.addi %add3A_131, %add3A_219 : i32
      %slice3A_221 = vector.extract_strided_slice %get3A_132 {offsets = [3], sizes = [1], strides = [1]} : vector<16xi32> to vector<1xi32>
      %squeeze3A_222 = vector.extract %slice3A_221[0] : i32 from vector<1xi32>
      %broadcast_in_dim3A_223 = vector.broadcast %squeeze3A_222 : i32 to vector<16xi32>
      %slice3A_224 = vector.extract_strided_slice %add3A_137 {offsets = [3], sizes = [1], strides = [1]} : vector<16xi32> to vector<1xi32>
      %squeeze3A_225 = vector.extract %slice3A_224[0] : i32 from vector<1xi32>
      %broadcast_in_dim3A_226 = vector.broadcast %squeeze3A_225 : i32 to vector<16xi32>
      %slice3A_227 = vector.extract_strided_slice %add3A_142 {offsets = [3], sizes = [1], strides = [1]} : vector<16xi32> to vector<1xi32>
      %squeeze3A_228 = vector.extract %slice3A_227[0] : i32 from vector<1xi32>
      %broadcast_in_dim3A_229 = vector.broadcast %squeeze3A_228 : i32 to vector<16xi32>
      %gather3A_230 = tpu.vector_load_idx %arg10[%broadcast_in_dim3A_223, %iota3A] : memref<94x32xf32, #tpu.memory_space<vmem>>[vector<16xi32>, vector<16xi32>], vector<16xf32>,
      %swap3A_231 = arith.index_cast %add3A_220 : i32 to index
      %swap3A_232 = arith.constant 0 : index
      %swap3A_233 = tpu.vector_load %arg11[%swap3A_231, %swap3A_232] {strides = array<i32>} : memref<512x64xf32, #tpu.memory_space<vmem>>, vector<16xf32>,
      tpu.vector_store %arg11[%swap3A_231, %swap3A_232], %gather3A_230 {strides = array<i32>} : memref<512x64xf32, #tpu.memory_space<vmem>>, vector<16xf32>,
      %gather3A_234 = tpu.vector_load_idx %arg10[%broadcast_in_dim3A_223, %add3A_15] : memref<94x32xf32, #tpu.memory_space<vmem>>[vector<16xi32>, vector<16xi32>], vector<16xf32>,
      %swap3A_235 = arith.index_cast %add3A_220 : i32 to index
      %swap3A_236 = arith.constant 16 : index
      %swap3A_237 = tpu.vector_load %arg11[%swap3A_235, %swap3A_236] {strides = array<i32>} : memref<512x64xf32, #tpu.memory_space<vmem>>, vector<16xf32>,
      tpu.vector_store %arg11[%swap3A_235, %swap3A_236], %gather3A_234 {strides = array<i32>} : memref<512x64xf32, #tpu.memory_space<vmem>>, vector<16xf32>,
      %gather3A_238 = tpu.vector_load_idx %arg10[%broadcast_in_dim3A_226, %iota3A] : memref<94x32xf32, #tpu.memory_space<vmem>>[vector<16xi32>, vector<16xi32>], vector<16xf32>,
      %swap3A_239 = arith.index_cast %add3A_220 : i32 to index
      %swap3A_240 = arith.constant 32 : index
      %swap3A_241 = tpu.vector_load %arg11[%swap3A_239, %swap3A_240] {strides = array<i32>} : memref<512x64xf32, #tpu.memory_space<vmem>>, vector<16xf32>,
      tpu.vector_store %arg11[%swap3A_239, %swap3A_240], %gather3A_238 {strides = array<i32>} : memref<512x64xf32, #tpu.memory_space<vmem>>, vector<16xf32>,
      %gather3A_242 = tpu.vector_load_idx %arg10[%broadcast_in_dim3A_229, %iota3A] : memref<94x32xf32, #tpu.memory_space<vmem>>[vector<16xi32>, vector<16xi32>], vector<16xf32>,
      %swap3A_243 = arith.index_cast %add3A_220 : i32 to index
      %swap3A_244 = arith.constant 48 : index
      %swap3A_245 = tpu.vector_load %arg11[%swap3A_243, %swap3A_244] {strides = array<i32>} : memref<512x64xf32, #tpu.memory_space<vmem>>, vector<16xf32>,
      tpu.vector_store %arg11[%swap3A_243, %swap3A_244], %gather3A_242 {strides = array<i32>} : memref<512x64xf32, #tpu.memory_space<vmem>>, vector<16xf32>,
      %add3A_246 = arith.constant 4 : i32
      %add3A_247 = arith.addi %add3A_131, %add3A_246 : i32
      %slice3A_248 = vector.extract_strided_slice %get3A_132 {offsets = [4], sizes = [1], strides = [1]} : vector<16xi32> to vector<1xi32>
      %squeeze3A_249 = vector.extract %slice3A_248[0] : i32 from vector<1xi32>
      %broadcast_in_dim3A_250 = vector.broadcast %squeeze3A_249 : i32 to vector<16xi32>
      %slice3A_251 = vector.extract_strided_slice %add3A_137 {offsets = [4], sizes = [1], strides = [1]} : vector<16xi32> to vector<1xi32>
      %squeeze3A_252 = vector.extract %slice3A_251[0] : i32 from vector<1xi32>
      %broadcast_in_dim3A_253 = vector.broadcast %squeeze3A_252 : i32 to vector<16xi32>
      %slice3A_254 = vector.extract_strided_slice %add3A_142 {offsets = [4], sizes = [1], strides = [1]} : vector<16xi32> to vector<1xi32>
      %squeeze3A_255 = vector.extract %slice3A_254[0] : i32 from vector<1xi32>
      %broadcast_in_dim3A_256 = vector.broadcast %squeeze3A_255 : i32 to vector<16xi32>
      %gather3A_257 = tpu.vector_load_idx %arg10[%broadcast_in_dim3A_250, %iota3A] : memref<94x32xf32, #tpu.memory_space<vmem>>[vector<16xi32>, vector<16xi32>], vector<16xf32>,
      %swap3A_258 = arith.index_cast %add3A_247 : i32 to index
      %swap3A_259 = arith.constant 0 : index
      %swap3A_260 = tpu.vector_load %arg11[%swap3A_258, %swap3A_259] {strides = array<i32>} : memref<512x64xf32, #tpu.memory_space<vmem>>, vector<16xf32>,
      tpu.vector_store %arg11[%swap3A_258, %swap3A_259], %gather3A_257 {strides = array<i32>} : memref<512x64xf32, #tpu.memory_space<vmem>>, vector<16xf32>,
      %gather3A_261 = tpu.vector_load_idx %arg10[%broadcast_in_dim3A_250, %add3A_15] : memref<94x32xf32, #tpu.memory_space<vmem>>[vector<16xi32>, vector<16xi32>], vector<16xf32>,
      %swap3A_262 = arith.index_cast %add3A_247 : i32 to index
      %swap3A_263 = arith.constant 16 : index
      %swap3A_264 = tpu.vector_load %arg11[%swap3A_262, %swap3A_263] {strides = array<i32>} : memref<512x64xf32, #tpu.memory_space<vmem>>, vector<16xf32>,
      tpu.vector_store %arg11[%swap3A_262, %swap3A_263], %gather3A_261 {strides = array<i32>} : memref<512x64xf32, #tpu.memory_space<vmem>>, vector<16xf32>,
      %gather3A_265 = tpu.vector_load_idx %arg10[%broadcast_in_dim3A_253, %iota3A] : memref<94x32xf32, #tpu.memory_space<vmem>>[vector<16xi32>, vector<16xi32>], vector<16xf32>,
      %swap3A_266 = arith.index_cast %add3A_247 : i32 to index
      %swap3A_267 = arith.constant 32 : index
      %swap3A_268 = tpu.vector_load %arg11[%swap3A_266, %swap3A_267] {strides = array<i32>} : memref<512x64xf32, #tpu.memory_space<vmem>>, vector<16xf32>,
      tpu.vector_store %arg11[%swap3A_266, %swap3A_267], %gather3A_265 {strides = array<i32>} : memref<512x64xf32, #tpu.memory_space<vmem>>, vector<16xf32>,
      %gather3A_269 = tpu.vector_load_idx %arg10[%broadcast_in_dim3A_256, %iota3A] : memref<94x32xf32, #tpu.memory_space<vmem>>[vector<16xi32>, vector<16xi32>], vector<16xf32>,
      %swap3A_270 = arith.index_cast %add3A_247 : i32 to index
      %swap3A_271 = arith.constant 48 : index
      %swap3A_272 = tpu.vector_load %arg11[%swap3A_270, %swap3A_271] {strides = array<i32>} : memref<512x64xf32, #tpu.memory_space<vmem>>, vector<16xf32>,
      tpu.vector_store %arg11[%swap3A_270, %swap3A_271], %gather3A_269 {strides = array<i32>} : memref<512x64xf32, #tpu.memory_space<vmem>>, vector<16xf32>,
      %add3A_273 = arith.constant 5 : i32
      %add3A_274 = arith.addi %add3A_131, %add3A_273 : i32
      %slice3A_275 = vector.extract_strided_slice %get3A_132 {offsets = [5], sizes = [1], strides = [1]} : vector<16xi32> to vector<1xi32>
      %squeeze3A_276 = vector.extract %slice3A_275[0] : i32 from vector<1xi32>
      %broadcast_in_dim3A_277 = vector.broadcast %squeeze3A_276 : i32 to vector<16xi32>
      %slice3A_278 = vector.extract_strided_slice %add3A_137 {offsets = [5], sizes = [1], strides = [1]} : vector<16xi32> to vector<1xi32>
      %squeeze3A_279 = vector.extract %slice3A_278[0] : i32 from vector<1xi32>
      %broadcast_in_dim3A_280 = vector.broadcast %squeeze3A_279 : i32 to vector<16xi32>
      %slice3A_281 = vector.extract_strided_slice %add3A_142 {offsets = [5], sizes = [1], strides = [1]} : vector<16xi32> to vector<1xi32>
      %squeeze3A_282 = vector.extract %slice3A_281[0] : i32 from vector<1xi32>
      %broadcast_in_dim3A_283 = vector.broadcast %squeeze3A_282 : i32 to vector<16xi32>
      %gather3A_284 = tpu.vector_load_idx %arg10[%broadcast_in_dim3A_277, %iota3A] : memref<94x32xf32, #tpu.memory_space<vmem>>[vector<16xi32>, vector<16xi32>], vector<16xf32>,
      %swap3A_285 = arith.index_cast %add3A_274 : i32 to index
      %swap3A_286 = arith.constant 0 : index
      %swap3A_287 = tpu.vector_load %arg11[%swap3A_285, %swap3A_286] {strides = array<i32>} : memref<512x64xf32, #tpu.memory_space<vmem>>, vector<16xf32>,
      tpu.vector_store %arg11[%swap3A_285, %swap3A_286], %gather3A_284 {strides = array<i32>} : memref<512x64xf32, #tpu.memory_space<vmem>>, vector<16xf32>,
      %gather3A_288 = tpu.vector_load_idx %arg10[%broadcast_in_dim3A_277, %add3A_15] : memref<94x32xf32, #tpu.memory_space<vmem>>[vector<16xi32>, vector<16xi32>], vector<16xf32>,
      %swap3A_289 = arith.index_cast %add3A_274 : i32 to index
      %swap3A_290 = arith.constant 16 : index
      %swap3A_291 = tpu.vector_load %arg11[%swap3A_289, %swap3A_290] {strides = array<i32>} : memref<512x64xf32, #tpu.memory_space<vmem>>, vector<16xf32>,
      tpu.vector_store %arg11[%swap3A_289, %swap3A_290], %gather3A_288 {strides = array<i32>} : memref<512x64xf32, #tpu.memory_space<vmem>>, vector<16xf32>,
      %gather3A_292 = tpu.vector_load_idx %arg10[%broadcast_in_dim3A_280, %iota3A] : memref<94x32xf32, #tpu.memory_space<vmem>>[vector<16xi32>, vector<16xi32>], vector<16xf32>,
      %swap3A_293 = arith.index_cast %add3A_274 : i32 to index
      %swap3A_294 = arith.constant 32 : index
      %swap3A_295 = tpu.vector_load %arg11[%swap3A_293, %swap3A_294] {strides = array<i32>} : memref<512x64xf32, #tpu.memory_space<vmem>>, vector<16xf32>,
      tpu.vector_store %arg11[%swap3A_293, %swap3A_294], %gather3A_292 {strides = array<i32>} : memref<512x64xf32, #tpu.memory_space<vmem>>, vector<16xf32>,
      %gather3A_296 = tpu.vector_load_idx %arg10[%broadcast_in_dim3A_283, %iota3A] : memref<94x32xf32, #tpu.memory_space<vmem>>[vector<16xi32>, vector<16xi32>], vector<16xf32>,
      %swap3A_297 = arith.index_cast %add3A_274 : i32 to index
      %swap3A_298 = arith.constant 48 : index
      %swap3A_299 = tpu.vector_load %arg11[%swap3A_297, %swap3A_298] {strides = array<i32>} : memref<512x64xf32, #tpu.memory_space<vmem>>, vector<16xf32>,
      tpu.vector_store %arg11[%swap3A_297, %swap3A_298], %gather3A_296 {strides = array<i32>} : memref<512x64xf32, #tpu.memory_space<vmem>>, vector<16xf32>,
      %add3A_300 = arith.constant 6 : i32
      %add3A_301 = arith.addi %add3A_131, %add3A_300 : i32
      %slice3A_302 = vector.extract_strided_slice %get3A_132 {offsets = [6], sizes = [1], strides = [1]} : vector<16xi32> to vector<1xi32>
      %squeeze3A_303 = vector.extract %slice3A_302[0] : i32 from vector<1xi32>
      %broadcast_in_dim3A_304 = vector.broadcast %squeeze3A_303 : i32 to vector<16xi32>
      %slice3A_305 = vector.extract_strided_slice %add3A_137 {offsets = [6], sizes = [1], strides = [1]} : vector<16xi32> to vector<1xi32>
      %squeeze3A_306 = vector.extract %slice3A_305[0] : i32 from vector<1xi32>
      %broadcast_in_dim3A_307 = vector.broadcast %squeeze3A_306 : i32 to vector<16xi32>
      %slice3A_308 = vector.extract_strided_slice %add3A_142 {offsets = [6], sizes = [1], strides = [1]} : vector<16xi32> to vector<1xi32>
      %squeeze3A_309 = vector.extract %slice3A_308[0] : i32 from vector<1xi32>
      %broadcast_in_dim3A_310 = vector.broadcast %squeeze3A_309 : i32 to vector<16xi32>
      %gather3A_311 = tpu.vector_load_idx %arg10[%broadcast_in_dim3A_304, %iota3A] : memref<94x32xf32, #tpu.memory_space<vmem>>[vector<16xi32>, vector<16xi32>], vector<16xf32>,
      %swap3A_312 = arith.index_cast %add3A_301 : i32 to index
      %swap3A_313 = arith.constant 0 : index
      %swap3A_314 = tpu.vector_load %arg11[%swap3A_312, %swap3A_313] {strides = array<i32>} : memref<512x64xf32, #tpu.memory_space<vmem>>, vector<16xf32>,
      tpu.vector_store %arg11[%swap3A_312, %swap3A_313], %gather3A_311 {strides = array<i32>} : memref<512x64xf32, #tpu.memory_space<vmem>>, vector<16xf32>,
      %gather3A_315 = tpu.vector_load_idx %arg10[%broadcast_in_dim3A_304, %add3A_15] : memref<94x32xf32, #tpu.memory_space<vmem>>[vector<16xi32>, vector<16xi32>], vector<16xf32>,
      %swap3A_316 = arith.index_cast %add3A_301 : i32 to index
      %swap3A_317 = arith.constant 16 : index
      %swap3A_318 = tpu.vector_load %arg11[%swap3A_316, %swap3A_317] {strides = array<i32>} : memref<512x64xf32, #tpu.memory_space<vmem>>, vector<16xf32>,
      tpu.vector_store %arg11[%swap3A_316, %swap3A_317], %gather3A_315 {strides = array<i32>} : memref<512x64xf32, #tpu.memory_space<vmem>>, vector<16xf32>,
      %gather3A_319 = tpu.vector_load_idx %arg10[%broadcast_in_dim3A_307, %iota3A] : memref<94x32xf32, #tpu.memory_space<vmem>>[vector<16xi32>, vector<16xi32>], vector<16xf32>,
      %swap3A_320 = arith.index_cast %add3A_301 : i32 to index
      %swap3A_321 = arith.constant 32 : index
      %swap3A_322 = tpu.vector_load %arg11[%swap3A_320, %swap3A_321] {strides = array<i32>} : memref<512x64xf32, #tpu.memory_space<vmem>>, vector<16xf32>,
      tpu.vector_store %arg11[%swap3A_320, %swap3A_321], %gather3A_319 {strides = array<i32>} : memref<512x64xf32, #tpu.memory_space<vmem>>, vector<16xf32>,
      %gather3A_323 = tpu.vector_load_idx %arg10[%broadcast_in_dim3A_310, %iota3A] : memref<94x32xf32, #tpu.memory_space<vmem>>[vector<16xi32>, vector<16xi32>], vector<16xf32>,
      %swap3A_324 = arith.index_cast %add3A_301 : i32 to index
      %swap3A_325 = arith.constant 48 : index
      %swap3A_326 = tpu.vector_load %arg11[%swap3A_324, %swap3A_325] {strides = array<i32>} : memref<512x64xf32, #tpu.memory_space<vmem>>, vector<16xf32>,
      tpu.vector_store %arg11[%swap3A_324, %swap3A_325], %gather3A_323 {strides = array<i32>} : memref<512x64xf32, #tpu.memory_space<vmem>>, vector<16xf32>,
      %add3A_327 = arith.constant 7 : i32
      %add3A_328 = arith.addi %add3A_131, %add3A_327 : i32
      %slice3A_329 = vector.extract_strided_slice %get3A_132 {offsets = [7], sizes = [1], strides = [1]} : vector<16xi32> to vector<1xi32>
      %squeeze3A_330 = vector.extract %slice3A_329[0] : i32 from vector<1xi32>
      %broadcast_in_dim3A_331 = vector.broadcast %squeeze3A_330 : i32 to vector<16xi32>
      %slice3A_332 = vector.extract_strided_slice %add3A_137 {offsets = [7], sizes = [1], strides = [1]} : vector<16xi32> to vector<1xi32>
      %squeeze3A_333 = vector.extract %slice3A_332[0] : i32 from vector<1xi32>
      %broadcast_in_dim3A_334 = vector.broadcast %squeeze3A_333 : i32 to vector<16xi32>
      %slice3A_335 = vector.extract_strided_slice %add3A_142 {offsets = [7], sizes = [1], strides = [1]} : vector<16xi32> to vector<1xi32>
      %squeeze3A_336 = vector.extract %slice3A_335[0] : i32 from vector<1xi32>
      %broadcast_in_dim3A_337 = vector.broadcast %squeeze3A_336 : i32 to vector<16xi32>
      %gather3A_338 = tpu.vector_load_idx %arg10[%broadcast_in_dim3A_331, %iota3A] : memref<94x32xf32, #tpu.memory_space<vmem>>[vector<16xi32>, vector<16xi32>], vector<16xf32>,
      %swap3A_339 = arith.index_cast %add3A_328 : i32 to index
      %swap3A_340 = arith.constant 0 : index
      %swap3A_341 = tpu.vector_load %arg11[%swap3A_339, %swap3A_340] {strides = array<i32>} : memref<512x64xf32, #tpu.memory_space<vmem>>, vector<16xf32>,
      tpu.vector_store %arg11[%swap3A_339, %swap3A_340], %gather3A_338 {strides = array<i32>} : memref<512x64xf32, #tpu.memory_space<vmem>>, vector<16xf32>,
      %gather3A_342 = tpu.vector_load_idx %arg10[%broadcast_in_dim3A_331, %add3A_15] : memref<94x32xf32, #tpu.memory_space<vmem>>[vector<16xi32>, vector<16xi32>], vector<16xf32>,
      %swap3A_343 = arith.index_cast %add3A_328 : i32 to index
      %swap3A_344 = arith.constant 16 : index
      %swap3A_345 = tpu.vector_load %arg11[%swap3A_343, %swap3A_344] {strides = array<i32>} : memref<512x64xf32, #tpu.memory_space<vmem>>, vector<16xf32>,
      tpu.vector_store %arg11[%swap3A_343, %swap3A_344], %gather3A_342 {strides = array<i32>} : memref<512x64xf32, #tpu.memory_space<vmem>>, vector<16xf32>,
      %gather3A_346 = tpu.vector_load_idx %arg10[%broadcast_in_dim3A_334, %iota3A] : memref<94x32xf32, #tpu.memory_space<vmem>>[vector<16xi32>, vector<16xi32>], vector<16xf32>,
      %swap3A_347 = arith.index_cast %add3A_328 : i32 to index
      %swap3A_348 = arith.constant 32 : index
      %swap3A_349 = tpu.vector_load %arg11[%swap3A_347, %swap3A_348] {strides = array<i32>} : memref<512x64xf32, #tpu.memory_space<vmem>>, vector<16xf32>,
      tpu.vector_store %arg11[%swap3A_347, %swap3A_348], %gather3A_346 {strides = array<i32>} : memref<512x64xf32, #tpu.memory_space<vmem>>, vector<16xf32>,
      %gather3A_350 = tpu.vector_load_idx %arg10[%broadcast_in_dim3A_337, %iota3A] : memref<94x32xf32, #tpu.memory_space<vmem>>[vector<16xi32>, vector<16xi32>], vector<16xf32>,
      %swap3A_351 = arith.index_cast %add3A_328 : i32 to index
      %swap3A_352 = arith.constant 48 : index
      %swap3A_353 = tpu.vector_load %arg11[%swap3A_351, %swap3A_352] {strides = array<i32>} : memref<512x64xf32, #tpu.memory_space<vmem>>, vector<16xf32>,
      tpu.vector_store %arg11[%swap3A_351, %swap3A_352], %gather3A_350 {strides = array<i32>} : memref<512x64xf32, #tpu.memory_space<vmem>>, vector<16xf32>,
      %add3A_354 = arith.constant 8 : i32
      %add3A_355 = arith.addi %add3A_131, %add3A_354 : i32
      %slice3A_356 = vector.extract_strided_slice %get3A_132 {offsets = [8], sizes = [1], strides = [1]} : vector<16xi32> to vector<1xi32>
      %squeeze3A_357 = vector.extract %slice3A_356[0] : i32 from vector<1xi32>
      %broadcast_in_dim3A_358 = vector.broadcast %squeeze3A_357 : i32 to vector<16xi32>
      %slice3A_359 = vector.extract_strided_slice %add3A_137 {offsets = [8], sizes = [1], strides = [1]} : vector<16xi32> to vector<1xi32>
      %squeeze3A_360 = vector.extract %slice3A_359[0] : i32 from vector<1xi32>
      %broadcast_in_dim3A_361 = vector.broadcast %squeeze3A_360 : i32 to vector<16xi32>
      %slice3A_362 = vector.extract_strided_slice %add3A_142 {offsets = [8], sizes = [1], strides = [1]} : vector<16xi32> to vector<1xi32>
      %squeeze3A_363 = vector.extract %slice3A_362[0] : i32 from vector<1xi32>
      %broadcast_in_dim3A_364 = vector.broadcast %squeeze3A_363 : i32 to vector<16xi32>
      %gather3A_365 = tpu.vector_load_idx %arg10[%broadcast_in_dim3A_358, %iota3A] : memref<94x32xf32, #tpu.memory_space<vmem>>[vector<16xi32>, vector<16xi32>], vector<16xf32>,
      %swap3A_366 = arith.index_cast %add3A_355 : i32 to index
      %swap3A_367 = arith.constant 0 : index
      %swap3A_368 = tpu.vector_load %arg11[%swap3A_366, %swap3A_367] {strides = array<i32>} : memref<512x64xf32, #tpu.memory_space<vmem>>, vector<16xf32>,
      tpu.vector_store %arg11[%swap3A_366, %swap3A_367], %gather3A_365 {strides = array<i32>} : memref<512x64xf32, #tpu.memory_space<vmem>>, vector<16xf32>,
      %gather3A_369 = tpu.vector_load_idx %arg10[%broadcast_in_dim3A_358, %add3A_15] : memref<94x32xf32, #tpu.memory_space<vmem>>[vector<16xi32>, vector<16xi32>], vector<16xf32>,
      %swap3A_370 = arith.index_cast %add3A_355 : i32 to index
      %swap3A_371 = arith.constant 16 : index
      %swap3A_372 = tpu.vector_load %arg11[%swap3A_370, %swap3A_371] {strides = array<i32>} : memref<512x64xf32, #tpu.memory_space<vmem>>, vector<16xf32>,
      tpu.vector_store %arg11[%swap3A_370, %swap3A_371], %gather3A_369 {strides = array<i32>} : memref<512x64xf32, #tpu.memory_space<vmem>>, vector<16xf32>,
      %gather3A_373 = tpu.vector_load_idx %arg10[%broadcast_in_dim3A_361, %iota3A] : memref<94x32xf32, #tpu.memory_space<vmem>>[vector<16xi32>, vector<16xi32>], vector<16xf32>,
      %swap3A_374 = arith.index_cast %add3A_355 : i32 to index
      %swap3A_375 = arith.constant 32 : index
      %swap3A_376 = tpu.vector_load %arg11[%swap3A_374, %swap3A_375] {strides = array<i32>} : memref<512x64xf32, #tpu.memory_space<vmem>>, vector<16xf32>,
      tpu.vector_store %arg11[%swap3A_374, %swap3A_375], %gather3A_373 {strides = array<i32>} : memref<512x64xf32, #tpu.memory_space<vmem>>, vector<16xf32>,
      %gather3A_377 = tpu.vector_load_idx %arg10[%broadcast_in_dim3A_364, %iota3A] : memref<94x32xf32, #tpu.memory_space<vmem>>[vector<16xi32>, vector<16xi32>], vector<16xf32>,
      %swap3A_378 = arith.index_cast %add3A_355 : i32 to index
      %swap3A_379 = arith.constant 48 : index
      %swap3A_380 = tpu.vector_load %arg11[%swap3A_378, %swap3A_379] {strides = array<i32>} : memref<512x64xf32, #tpu.memory_space<vmem>>, vector<16xf32>,
      tpu.vector_store %arg11[%swap3A_378, %swap3A_379], %gather3A_377 {strides = array<i32>} : memref<512x64xf32, #tpu.memory_space<vmem>>, vector<16xf32>,
      %add3A_381 = arith.constant 9 : i32
      %add3A_382 = arith.addi %add3A_131, %add3A_381 : i32
      %slice3A_383 = vector.extract_strided_slice %get3A_132 {offsets = [9], sizes = [1], strides = [1]} : vector<16xi32> to vector<1xi32>
      %squeeze3A_384 = vector.extract %slice3A_383[0] : i32 from vector<1xi32>
      %broadcast_in_dim3A_385 = vector.broadcast %squeeze3A_384 : i32 to vector<16xi32>
      %slice3A_386 = vector.extract_strided_slice %add3A_137 {offsets = [9], sizes = [1], strides = [1]} : vector<16xi32> to vector<1xi32>
      %squeeze3A_387 = vector.extract %slice3A_386[0] : i32 from vector<1xi32>
      %broadcast_in_dim3A_388 = vector.broadcast %squeeze3A_387 : i32 to vector<16xi32>
      %slice3A_389 = vector.extract_strided_slice %add3A_142 {offsets = [9], sizes = [1], strides = [1]} : vector<16xi32> to vector<1xi32>
      %squeeze3A_390 = vector.extract %slice3A_389[0] : i32 from vector<1xi32>
      %broadcast_in_dim3A_391 = vector.broadcast %squeeze3A_390 : i32 to vector<16xi32>
      %gather3A_392 = tpu.vector_load_idx %arg10[%broadcast_in_dim3A_385, %iota3A] : memref<94x32xf32, #tpu.memory_space<vmem>>[vector<16xi32>, vector<16xi32>], vector<16xf32>,
      %swap3A_393 = arith.index_cast %add3A_382 : i32 to index
      %swap3A_394 = arith.constant 0 : index
      %swap3A_395 = tpu.vector_load %arg11[%swap3A_393, %swap3A_394] {strides = array<i32>} : memref<512x64xf32, #tpu.memory_space<vmem>>, vector<16xf32>,
      tpu.vector_store %arg11[%swap3A_393, %swap3A_394], %gather3A_392 {strides = array<i32>} : memref<512x64xf32, #tpu.memory_space<vmem>>, vector<16xf32>,
      %gather3A_396 = tpu.vector_load_idx %arg10[%broadcast_in_dim3A_385, %add3A_15] : memref<94x32xf32, #tpu.memory_space<vmem>>[vector<16xi32>, vector<16xi32>], vector<16xf32>,
      %swap3A_397 = arith.index_cast %add3A_382 : i32 to index
      %swap3A_398 = arith.constant 16 : index
      %swap3A_399 = tpu.vector_load %arg11[%swap3A_397, %swap3A_398] {strides = array<i32>} : memref<512x64xf32, #tpu.memory_space<vmem>>, vector<16xf32>,
      tpu.vector_store %arg11[%swap3A_397, %swap3A_398], %gather3A_396 {strides = array<i32>} : memref<512x64xf32, #tpu.memory_space<vmem>>, vector<16xf32>,
      %gather3A_400 = tpu.vector_load_idx %arg10[%broadcast_in_dim3A_388, %iota3A] : memref<94x32xf32, #tpu.memory_space<vmem>>[vector<16xi32>, vector<16xi32>], vector<16xf32>,
      %swap3A_401 = arith.index_cast %add3A_382 : i32 to index
      %swap3A_402 = arith.constant 32 : index
      %swap3A_403 = tpu.vector_load %arg11[%swap3A_401, %swap3A_402] {strides = array<i32>} : memref<512x64xf32, #tpu.memory_space<vmem>>, vector<16xf32>,
      tpu.vector_store %arg11[%swap3A_401, %swap3A_402], %gather3A_400 {strides = array<i32>} : memref<512x64xf32, #tpu.memory_space<vmem>>, vector<16xf32>,
      %gather3A_404 = tpu.vector_load_idx %arg10[%broadcast_in_dim3A_391, %iota3A] : memref<94x32xf32, #tpu.memory_space<vmem>>[vector<16xi32>, vector<16xi32>], vector<16xf32>,
      %swap3A_405 = arith.index_cast %add3A_382 : i32 to index
      %swap3A_406 = arith.constant 48 : index
      %swap3A_407 = tpu.vector_load %arg11[%swap3A_405, %swap3A_406] {strides = array<i32>} : memref<512x64xf32, #tpu.memory_space<vmem>>, vector<16xf32>,
      tpu.vector_store %arg11[%swap3A_405, %swap3A_406], %gather3A_404 {strides = array<i32>} : memref<512x64xf32, #tpu.memory_space<vmem>>, vector<16xf32>,
      %add3A_408 = arith.constant 10 : i32
      %add3A_409 = arith.addi %add3A_131, %add3A_408 : i32
      %slice3A_410 = vector.extract_strided_slice %get3A_132 {offsets = [10], sizes = [1], strides = [1]} : vector<16xi32> to vector<1xi32>
      %squeeze3A_411 = vector.extract %slice3A_410[0] : i32 from vector<1xi32>
      %broadcast_in_dim3A_412 = vector.broadcast %squeeze3A_411 : i32 to vector<16xi32>
      %slice3A_413 = vector.extract_strided_slice %add3A_137 {offsets = [10], sizes = [1], strides = [1]} : vector<16xi32> to vector<1xi32>
      %squeeze3A_414 = vector.extract %slice3A_413[0] : i32 from vector<1xi32>
      %broadcast_in_dim3A_415 = vector.broadcast %squeeze3A_414 : i32 to vector<16xi32>
      %slice3A_416 = vector.extract_strided_slice %add3A_142 {offsets = [10], sizes = [1], strides = [1]} : vector<16xi32> to vector<1xi32>
      %squeeze3A_417 = vector.extract %slice3A_416[0] : i32 from vector<1xi32>
      %broadcast_in_dim3A_418 = vector.broadcast %squeeze3A_417 : i32 to vector<16xi32>
      %gather3A_419 = tpu.vector_load_idx %arg10[%broadcast_in_dim3A_412, %iota3A] : memref<94x32xf32, #tpu.memory_space<vmem>>[vector<16xi32>, vector<16xi32>], vector<16xf32>,
      %swap3A_420 = arith.index_cast %add3A_409 : i32 to index
      %swap3A_421 = arith.constant 0 : index
      %swap3A_422 = tpu.vector_load %arg11[%swap3A_420, %swap3A_421] {strides = array<i32>} : memref<512x64xf32, #tpu.memory_space<vmem>>, vector<16xf32>,
      tpu.vector_store %arg11[%swap3A_420, %swap3A_421], %gather3A_419 {strides = array<i32>} : memref<512x64xf32, #tpu.memory_space<vmem>>, vector<16xf32>,
      %gather3A_423 = tpu.vector_load_idx %arg10[%broadcast_in_dim3A_412, %add3A_15] : memref<94x32xf32, #tpu.memory_space<vmem>>[vector<16xi32>, vector<16xi32>], vector<16xf32>,
      %swap3A_424 = arith.index_cast %add3A_409 : i32 to index
      %swap3A_425 = arith.constant 16 : index
      %swap3A_426 = tpu.vector_load %arg11[%swap3A_424, %swap3A_425] {strides = array<i32>} : memref<512x64xf32, #tpu.memory_space<vmem>>, vector<16xf32>,
      tpu.vector_store %arg11[%swap3A_424, %swap3A_425], %gather3A_423 {strides = array<i32>} : memref<512x64xf32, #tpu.memory_space<vmem>>, vector<16xf32>,
      %gather3A_427 = tpu.vector_load_idx %arg10[%broadcast_in_dim3A_415, %iota3A] : memref<94x32xf32, #tpu.memory_space<vmem>>[vector<16xi32>, vector<16xi32>], vector<16xf32>,
      %swap3A_428 = arith.index_cast %add3A_409 : i32 to index
      %swap3A_429 = arith.constant 32 : index
      %swap3A_430 = tpu.vector_load %arg11[%swap3A_428, %swap3A_429] {strides = array<i32>} : memref<512x64xf32, #tpu.memory_space<vmem>>, vector<16xf32>,
      tpu.vector_store %arg11[%swap3A_428, %swap3A_429], %gather3A_427 {strides = array<i32>} : memref<512x64xf32, #tpu.memory_space<vmem>>, vector<16xf32>,
      %gather3A_431 = tpu.vector_load_idx %arg10[%broadcast_in_dim3A_418, %iota3A] : memref<94x32xf32, #tpu.memory_space<vmem>>[vector<16xi32>, vector<16xi32>], vector<16xf32>,
      %swap3A_432 = arith.index_cast %add3A_409 : i32 to index
      %swap3A_433 = arith.constant 48 : index
      %swap3A_434 = tpu.vector_load %arg11[%swap3A_432, %swap3A_433] {strides = array<i32>} : memref<512x64xf32, #tpu.memory_space<vmem>>, vector<16xf32>,
      tpu.vector_store %arg11[%swap3A_432, %swap3A_433], %gather3A_431 {strides = array<i32>} : memref<512x64xf32, #tpu.memory_space<vmem>>, vector<16xf32>,
      %add3A_435 = arith.constant 11 : i32
      %add3A_436 = arith.addi %add3A_131, %add3A_435 : i32
      %slice3A_437 = vector.extract_strided_slice %get3A_132 {offsets = [11], sizes = [1], strides = [1]} : vector<16xi32> to vector<1xi32>
      %squeeze3A_438 = vector.extract %slice3A_437[0] : i32 from vector<1xi32>
      %broadcast_in_dim3A_439 = vector.broadcast %squeeze3A_438 : i32 to vector<16xi32>
      %slice3A_440 = vector.extract_strided_slice %add3A_137 {offsets = [11], sizes = [1], strides = [1]} : vector<16xi32> to vector<1xi32>
      %squeeze3A_441 = vector.extract %slice3A_440[0] : i32 from vector<1xi32>
      %broadcast_in_dim3A_442 = vector.broadcast %squeeze3A_441 : i32 to vector<16xi32>
      %slice3A_443 = vector.extract_strided_slice %add3A_142 {offsets = [11], sizes = [1], strides = [1]} : vector<16xi32> to vector<1xi32>
      %squeeze3A_444 = vector.extract %slice3A_443[0] : i32 from vector<1xi32>
      %broadcast_in_dim3A_445 = vector.broadcast %squeeze3A_444 : i32 to vector<16xi32>
      %gather3A_446 = tpu.vector_load_idx %arg10[%broadcast_in_dim3A_439, %iota3A] : memref<94x32xf32, #tpu.memory_space<vmem>>[vector<16xi32>, vector<16xi32>], vector<16xf32>,
      %swap3A_447 = arith.index_cast %add3A_436 : i32 to index
      %swap3A_448 = arith.constant 0 : index
      %swap3A_449 = tpu.vector_load %arg11[%swap3A_447, %swap3A_448] {strides = array<i32>} : memref<512x64xf32, #tpu.memory_space<vmem>>, vector<16xf32>,
      tpu.vector_store %arg11[%swap3A_447, %swap3A_448], %gather3A_446 {strides = array<i32>} : memref<512x64xf32, #tpu.memory_space<vmem>>, vector<16xf32>,
      %gather3A_450 = tpu.vector_load_idx %arg10[%broadcast_in_dim3A_439, %add3A_15] : memref<94x32xf32, #tpu.memory_space<vmem>>[vector<16xi32>, vector<16xi32>], vector<16xf32>,
      %swap3A_451 = arith.index_cast %add3A_436 : i32 to index
      %swap3A_452 = arith.constant 16 : index
      %swap3A_453 = tpu.vector_load %arg11[%swap3A_451, %swap3A_452] {strides = array<i32>} : memref<512x64xf32, #tpu.memory_space<vmem>>, vector<16xf32>,
      tpu.vector_store %arg11[%swap3A_451, %swap3A_452], %gather3A_450 {strides = array<i32>} : memref<512x64xf32, #tpu.memory_space<vmem>>, vector<16xf32>,
      %gather3A_454 = tpu.vector_load_idx %arg10[%broadcast_in_dim3A_442, %iota3A] : memref<94x32xf32, #tpu.memory_space<vmem>>[vector<16xi32>, vector<16xi32>], vector<16xf32>,
      %swap3A_455 = arith.index_cast %add3A_436 : i32 to index
      %swap3A_456 = arith.constant 32 : index
      %swap3A_457 = tpu.vector_load %arg11[%swap3A_455, %swap3A_456] {strides = array<i32>} : memref<512x64xf32, #tpu.memory_space<vmem>>, vector<16xf32>,
      tpu.vector_store %arg11[%swap3A_455, %swap3A_456], %gather3A_454 {strides = array<i32>} : memref<512x64xf32, #tpu.memory_space<vmem>>, vector<16xf32>,
      %gather3A_458 = tpu.vector_load_idx %arg10[%broadcast_in_dim3A_445, %iota3A] : memref<94x32xf32, #tpu.memory_space<vmem>>[vector<16xi32>, vector<16xi32>], vector<16xf32>,
      %swap3A_459 = arith.index_cast %add3A_436 : i32 to index
      %swap3A_460 = arith.constant 48 : index
      %swap3A_461 = tpu.vector_load %arg11[%swap3A_459, %swap3A_460] {strides = array<i32>} : memref<512x64xf32, #tpu.memory_space<vmem>>, vector<16xf32>,
      tpu.vector_store %arg11[%swap3A_459, %swap3A_460], %gather3A_458 {strides = array<i32>} : memref<512x64xf32, #tpu.memory_space<vmem>>, vector<16xf32>,
      %add3A_462 = arith.constant 12 : i32
      %add3A_463 = arith.addi %add3A_131, %add3A_462 : i32
      %slice3A_464 = vector.extract_strided_slice %get3A_132 {offsets = [12], sizes = [1], strides = [1]} : vector<16xi32> to vector<1xi32>
      %squeeze3A_465 = vector.extract %slice3A_464[0] : i32 from vector<1xi32>
      %broadcast_in_dim3A_466 = vector.broadcast %squeeze3A_465 : i32 to vector<16xi32>
      %slice3A_467 = vector.extract_strided_slice %add3A_137 {offsets = [12], sizes = [1], strides = [1]} : vector<16xi32> to vector<1xi32>
      %squeeze3A_468 = vector.extract %slice3A_467[0] : i32 from vector<1xi32>
      %broadcast_in_dim3A_469 = vector.broadcast %squeeze3A_468 : i32 to vector<16xi32>
      %slice3A_470 = vector.extract_strided_slice %add3A_142 {offsets = [12], sizes = [1], strides = [1]} : vector<16xi32> to vector<1xi32>
      %squeeze3A_471 = vector.extract %slice3A_470[0] : i32 from vector<1xi32>
      %broadcast_in_dim3A_472 = vector.broadcast %squeeze3A_471 : i32 to vector<16xi32>
      %gather3A_473 = tpu.vector_load_idx %arg10[%broadcast_in_dim3A_466, %iota3A] : memref<94x32xf32, #tpu.memory_space<vmem>>[vector<16xi32>, vector<16xi32>], vector<16xf32>,
      %swap3A_474 = arith.index_cast %add3A_463 : i32 to index
      %swap3A_475 = arith.constant 0 : index
      %swap3A_476 = tpu.vector_load %arg11[%swap3A_474, %swap3A_475] {strides = array<i32>} : memref<512x64xf32, #tpu.memory_space<vmem>>, vector<16xf32>,
      tpu.vector_store %arg11[%swap3A_474, %swap3A_475], %gather3A_473 {strides = array<i32>} : memref<512x64xf32, #tpu.memory_space<vmem>>, vector<16xf32>,
      %gather3A_477 = tpu.vector_load_idx %arg10[%broadcast_in_dim3A_466, %add3A_15] : memref<94x32xf32, #tpu.memory_space<vmem>>[vector<16xi32>, vector<16xi32>], vector<16xf32>,
      %swap3A_478 = arith.index_cast %add3A_463 : i32 to index
      %swap3A_479 = arith.constant 16 : index
      %swap3A_480 = tpu.vector_load %arg11[%swap3A_478, %swap3A_479] {strides = array<i32>} : memref<512x64xf32, #tpu.memory_space<vmem>>, vector<16xf32>,
      tpu.vector_store %arg11[%swap3A_478, %swap3A_479], %gather3A_477 {strides = array<i32>} : memref<512x64xf32, #tpu.memory_space<vmem>>, vector<16xf32>,
      %gather3A_481 = tpu.vector_load_idx %arg10[%broadcast_in_dim3A_469, %iota3A] : memref<94x32xf32, #tpu.memory_space<vmem>>[vector<16xi32>, vector<16xi32>], vector<16xf32>,
      %swap3A_482 = arith.index_cast %add3A_463 : i32 to index
      %swap3A_483 = arith.constant 32 : index
      %swap3A_484 = tpu.vector_load %arg11[%swap3A_482, %swap3A_483] {strides = array<i32>} : memref<512x64xf32, #tpu.memory_space<vmem>>, vector<16xf32>,
      tpu.vector_store %arg11[%swap3A_482, %swap3A_483], %gather3A_481 {strides = array<i32>} : memref<512x64xf32, #tpu.memory_space<vmem>>, vector<16xf32>,
      %gather3A_485 = tpu.vector_load_idx %arg10[%broadcast_in_dim3A_472, %iota3A] : memref<94x32xf32, #tpu.memory_space<vmem>>[vector<16xi32>, vector<16xi32>], vector<16xf32>,
      %swap3A_486 = arith.index_cast %add3A_463 : i32 to index
      %swap3A_487 = arith.constant 48 : index
      %swap3A_488 = tpu.vector_load %arg11[%swap3A_486, %swap3A_487] {strides = array<i32>} : memref<512x64xf32, #tpu.memory_space<vmem>>, vector<16xf32>,
      tpu.vector_store %arg11[%swap3A_486, %swap3A_487], %gather3A_485 {strides = array<i32>} : memref<512x64xf32, #tpu.memory_space<vmem>>, vector<16xf32>,
      %add3A_489 = arith.constant 13 : i32
      %add3A_490 = arith.addi %add3A_131, %add3A_489 : i32
      %slice3A_491 = vector.extract_strided_slice %get3A_132 {offsets = [13], sizes = [1], strides = [1]} : vector<16xi32> to vector<1xi32>
      %squeeze3A_492 = vector.extract %slice3A_491[0] : i32 from vector<1xi32>
      %broadcast_in_dim3A_493 = vector.broadcast %squeeze3A_492 : i32 to vector<16xi32>
      %slice3A_494 = vector.extract_strided_slice %add3A_137 {offsets = [13], sizes = [1], strides = [1]} : vector<16xi32> to vector<1xi32>
      %squeeze3A_495 = vector.extract %slice3A_494[0] : i32 from vector<1xi32>
      %broadcast_in_dim3A_496 = vector.broadcast %squeeze3A_495 : i32 to vector<16xi32>
      %slice3A_497 = vector.extract_strided_slice %add3A_142 {offsets = [13], sizes = [1], strides = [1]} : vector<16xi32> to vector<1xi32>
      %squeeze3A_498 = vector.extract %slice3A_497[0] : i32 from vector<1xi32>
      %broadcast_in_dim3A_499 = vector.broadcast %squeeze3A_498 : i32 to vector<16xi32>
      %gather3A_500 = tpu.vector_load_idx %arg10[%broadcast_in_dim3A_493, %iota3A] : memref<94x32xf32, #tpu.memory_space<vmem>>[vector<16xi32>, vector<16xi32>], vector<16xf32>,
      %swap3A_501 = arith.index_cast %add3A_490 : i32 to index
      %swap3A_502 = arith.constant 0 : index
      %swap3A_503 = tpu.vector_load %arg11[%swap3A_501, %swap3A_502] {strides = array<i32>} : memref<512x64xf32, #tpu.memory_space<vmem>>, vector<16xf32>,
      tpu.vector_store %arg11[%swap3A_501, %swap3A_502], %gather3A_500 {strides = array<i32>} : memref<512x64xf32, #tpu.memory_space<vmem>>, vector<16xf32>,
      %gather3A_504 = tpu.vector_load_idx %arg10[%broadcast_in_dim3A_493, %add3A_15] : memref<94x32xf32, #tpu.memory_space<vmem>>[vector<16xi32>, vector<16xi32>], vector<16xf32>,
      %swap3A_505 = arith.index_cast %add3A_490 : i32 to index
      %swap3A_506 = arith.constant 16 : index
      %swap3A_507 = tpu.vector_load %arg11[%swap3A_505, %swap3A_506] {strides = array<i32>} : memref<512x64xf32, #tpu.memory_space<vmem>>, vector<16xf32>,
      tpu.vector_store %arg11[%swap3A_505, %swap3A_506], %gather3A_504 {strides = array<i32>} : memref<512x64xf32, #tpu.memory_space<vmem>>, vector<16xf32>,
      %gather3A_508 = tpu.vector_load_idx %arg10[%broadcast_in_dim3A_496, %iota3A] : memref<94x32xf32, #tpu.memory_space<vmem>>[vector<16xi32>, vector<16xi32>], vector<16xf32>,
      %swap3A_509 = arith.index_cast %add3A_490 : i32 to index
      %swap3A_510 = arith.constant 32 : index
      %swap3A_511 = tpu.vector_load %arg11[%swap3A_509, %swap3A_510] {strides = array<i32>} : memref<512x64xf32, #tpu.memory_space<vmem>>, vector<16xf32>,
      tpu.vector_store %arg11[%swap3A_509, %swap3A_510], %gather3A_508 {strides = array<i32>} : memref<512x64xf32, #tpu.memory_space<vmem>>, vector<16xf32>,
      %gather3A_512 = tpu.vector_load_idx %arg10[%broadcast_in_dim3A_499, %iota3A] : memref<94x32xf32, #tpu.memory_space<vmem>>[vector<16xi32>, vector<16xi32>], vector<16xf32>,
      %swap3A_513 = arith.index_cast %add3A_490 : i32 to index
      %swap3A_514 = arith.constant 48 : index
      %swap3A_515 = tpu.vector_load %arg11[%swap3A_513, %swap3A_514] {strides = array<i32>} : memref<512x64xf32, #tpu.memory_space<vmem>>, vector<16xf32>,
      tpu.vector_store %arg11[%swap3A_513, %swap3A_514], %gather3A_512 {strides = array<i32>} : memref<512x64xf32, #tpu.memory_space<vmem>>, vector<16xf32>,
      %add3A_516 = arith.constant 14 : i32
      %add3A_517 = arith.addi %add3A_131, %add3A_516 : i32
      %slice3A_518 = vector.extract_strided_slice %get3A_132 {offsets = [14], sizes = [1], strides = [1]} : vector<16xi32> to vector<1xi32>
      %squeeze3A_519 = vector.extract %slice3A_518[0] : i32 from vector<1xi32>
      %broadcast_in_dim3A_520 = vector.broadcast %squeeze3A_519 : i32 to vector<16xi32>
      %slice3A_521 = vector.extract_strided_slice %add3A_137 {offsets = [14], sizes = [1], strides = [1]} : vector<16xi32> to vector<1xi32>
      %squeeze3A_522 = vector.extract %slice3A_521[0] : i32 from vector<1xi32>
      %broadcast_in_dim3A_523 = vector.broadcast %squeeze3A_522 : i32 to vector<16xi32>
      %slice3A_524 = vector.extract_strided_slice %add3A_142 {offsets = [14], sizes = [1], strides = [1]} : vector<16xi32> to vector<1xi32>
      %squeeze3A_525 = vector.extract %slice3A_524[0] : i32 from vector<1xi32>
      %broadcast_in_dim3A_526 = vector.broadcast %squeeze3A_525 : i32 to vector<16xi32>
      %gather3A_527 = tpu.vector_load_idx %arg10[%broadcast_in_dim3A_520, %iota3A] : memref<94x32xf32, #tpu.memory_space<vmem>>[vector<16xi32>, vector<16xi32>], vector<16xf32>,
      %swap3A_528 = arith.index_cast %add3A_517 : i32 to index
      %swap3A_529 = arith.constant 0 : index
      %swap3A_530 = tpu.vector_load %arg11[%swap3A_528, %swap3A_529] {strides = array<i32>} : memref<512x64xf32, #tpu.memory_space<vmem>>, vector<16xf32>,
      tpu.vector_store %arg11[%swap3A_528, %swap3A_529], %gather3A_527 {strides = array<i32>} : memref<512x64xf32, #tpu.memory_space<vmem>>, vector<16xf32>,
      %gather3A_531 = tpu.vector_load_idx %arg10[%broadcast_in_dim3A_520, %add3A_15] : memref<94x32xf32, #tpu.memory_space<vmem>>[vector<16xi32>, vector<16xi32>], vector<16xf32>,
      %swap3A_532 = arith.index_cast %add3A_517 : i32 to index
      %swap3A_533 = arith.constant 16 : index
      %swap3A_534 = tpu.vector_load %arg11[%swap3A_532, %swap3A_533] {strides = array<i32>} : memref<512x64xf32, #tpu.memory_space<vmem>>, vector<16xf32>,
      tpu.vector_store %arg11[%swap3A_532, %swap3A_533], %gather3A_531 {strides = array<i32>} : memref<512x64xf32, #tpu.memory_space<vmem>>, vector<16xf32>,
      %gather3A_535 = tpu.vector_load_idx %arg10[%broadcast_in_dim3A_523, %iota3A] : memref<94x32xf32, #tpu.memory_space<vmem>>[vector<16xi32>, vector<16xi32>], vector<16xf32>,
      %swap3A_536 = arith.index_cast %add3A_517 : i32 to index
      %swap3A_537 = arith.constant 32 : index
      %swap3A_538 = tpu.vector_load %arg11[%swap3A_536, %swap3A_537] {strides = array<i32>} : memref<512x64xf32, #tpu.memory_space<vmem>>, vector<16xf32>,
      tpu.vector_store %arg11[%swap3A_536, %swap3A_537], %gather3A_535 {strides = array<i32>} : memref<512x64xf32, #tpu.memory_space<vmem>>, vector<16xf32>,
      %gather3A_539 = tpu.vector_load_idx %arg10[%broadcast_in_dim3A_526, %iota3A] : memref<94x32xf32, #tpu.memory_space<vmem>>[vector<16xi32>, vector<16xi32>], vector<16xf32>,
      %swap3A_540 = arith.index_cast %add3A_517 : i32 to index
      %swap3A_541 = arith.constant 48 : index
      %swap3A_542 = tpu.vector_load %arg11[%swap3A_540, %swap3A_541] {strides = array<i32>} : memref<512x64xf32, #tpu.memory_space<vmem>>, vector<16xf32>,
      tpu.vector_store %arg11[%swap3A_540, %swap3A_541], %gather3A_539 {strides = array<i32>} : memref<512x64xf32, #tpu.memory_space<vmem>>, vector<16xf32>,
      %add3A_543 = arith.constant 15 : i32
      %add3A_544 = arith.addi %add3A_131, %add3A_543 : i32
      %slice3A_545 = vector.extract_strided_slice %get3A_132 {offsets = [15], sizes = [1], strides = [1]} : vector<16xi32> to vector<1xi32>
      %squeeze3A_546 = vector.extract %slice3A_545[0] : i32 from vector<1xi32>
      %broadcast_in_dim3A_547 = vector.broadcast %squeeze3A_546 : i32 to vector<16xi32>
      %slice3A_548 = vector.extract_strided_slice %add3A_137 {offsets = [15], sizes = [1], strides = [1]} : vector<16xi32> to vector<1xi32>
      %squeeze3A_549 = vector.extract %slice3A_548[0] : i32 from vector<1xi32>
      %broadcast_in_dim3A_550 = vector.broadcast %squeeze3A_549 : i32 to vector<16xi32>
      %slice3A_551 = vector.extract_strided_slice %add3A_142 {offsets = [15], sizes = [1], strides = [1]} : vector<16xi32> to vector<1xi32>
      %squeeze3A_552 = vector.extract %slice3A_551[0] : i32 from vector<1xi32>
      %broadcast_in_dim3A_553 = vector.broadcast %squeeze3A_552 : i32 to vector<16xi32>
      %gather3A_554 = tpu.vector_load_idx %arg10[%broadcast_in_dim3A_547, %iota3A] : memref<94x32xf32, #tpu.memory_space<vmem>>[vector<16xi32>, vector<16xi32>], vector<16xf32>,
      %swap3A_555 = arith.index_cast %add3A_544 : i32 to index
      %swap3A_556 = arith.constant 0 : index
      %swap3A_557 = tpu.vector_load %arg11[%swap3A_555, %swap3A_556] {strides = array<i32>} : memref<512x64xf32, #tpu.memory_space<vmem>>, vector<16xf32>,
      tpu.vector_store %arg11[%swap3A_555, %swap3A_556], %gather3A_554 {strides = array<i32>} : memref<512x64xf32, #tpu.memory_space<vmem>>, vector<16xf32>,
      %gather3A_558 = tpu.vector_load_idx %arg10[%broadcast_in_dim3A_547, %add3A_15] : memref<94x32xf32, #tpu.memory_space<vmem>>[vector<16xi32>, vector<16xi32>], vector<16xf32>,
      %swap3A_559 = arith.index_cast %add3A_544 : i32 to index
      %swap3A_560 = arith.constant 16 : index
      %swap3A_561 = tpu.vector_load %arg11[%swap3A_559, %swap3A_560] {strides = array<i32>} : memref<512x64xf32, #tpu.memory_space<vmem>>, vector<16xf32>,
      tpu.vector_store %arg11[%swap3A_559, %swap3A_560], %gather3A_558 {strides = array<i32>} : memref<512x64xf32, #tpu.memory_space<vmem>>, vector<16xf32>,
      %gather3A_562 = tpu.vector_load_idx %arg10[%broadcast_in_dim3A_550, %iota3A] : memref<94x32xf32, #tpu.memory_space<vmem>>[vector<16xi32>, vector<16xi32>], vector<16xf32>,
      %swap3A_563 = arith.index_cast %add3A_544 : i32 to index
      %swap3A_564 = arith.constant 32 : index
      %swap3A_565 = tpu.vector_load %arg11[%swap3A_563, %swap3A_564] {strides = array<i32>} : memref<512x64xf32, #tpu.memory_space<vmem>>, vector<16xf32>,
      tpu.vector_store %arg11[%swap3A_563, %swap3A_564], %gather3A_562 {strides = array<i32>} : memref<512x64xf32, #tpu.memory_space<vmem>>, vector<16xf32>,
      %gather3A_566 = tpu.vector_load_idx %arg10[%broadcast_in_dim3A_553, %iota3A] : memref<94x32xf32, #tpu.memory_space<vmem>>[vector<16xi32>, vector<16xi32>], vector<16xf32>,
      %swap3A_567 = arith.index_cast %add3A_544 : i32 to index
      %swap3A_568 = arith.constant 48 : index
      %swap3A_569 = tpu.vector_load %arg11[%swap3A_567, %swap3A_568] {strides = array<i32>} : memref<512x64xf32, #tpu.memory_space<vmem>>, vector<16xf32>,
      tpu.vector_store %arg11[%swap3A_567, %swap3A_568], %gather3A_566 {strides = array<i32>} : memref<512x64xf32, #tpu.memory_space<vmem>>, vector<16xf32>,
    }
    %scan3A_56 = arith.constant 8 : i32
    %add3A_57 = arith.constant 256 : i32
    %add3A_58 = arith.addi %mul3A_2, %add3A_57 : i32
    %dma_start3A_59 = arith.constant 256 : i32
    %dma_start3A_60 = arith.constant 0 : i32
    %dma_start3A_61 = tpu.memref_slice %arg11[%dma_start3A_59, %dma_start3A_60] : memref<512x64xf32, #tpu.memory_space<vmem>> -> memref<128x64xf32, #tpu.memory_space<vmem>>
    %dma_start3A_62 = arith.constant 0 : i32
    %dma_start3A_63 = tpu.memref_slice %arg6[%add3A_58, %dma_start3A_62] : memref<16384x64xf32, #tpu.memory_space<hbm>> -> memref<128x64xf32, #tpu.memory_space<hbm>>
    %dma_start3A_64 = arith.constant 0 : i32
    %dma_start3A_65 = tpu.memref_slice %arg6[%add3A_58, %dma_start3A_64] : memref<16384x64xf32, #tpu.memory_space<hbm>> -> memref<128x64xf32, #tpu.memory_space<hbm>>
    %dma_start3A_66 = arith.constant 256 : i32
    %dma_start3A_67 = arith.constant 0 : i32
    %dma_start3A_68 = tpu.memref_slice %arg11[%dma_start3A_66, %dma_start3A_67] : memref<512x64xf32, #tpu.memory_space<vmem>> -> memref<128x64xf32, #tpu.memory_space<vmem>>
    tpu.enqueue_dma source(%dma_start3A_68 : memref<128x64xf32, #tpu.memory_space<vmem>>) target(%dma_start3A_65 : memref<128x64xf32, #tpu.memory_space<hbm>>) target_semaphore(%arg13 : memref<!tpu.dma_semaphore, #tpu.memory_space<semaphore_mem>>)
    %scan3A_69 = arith.constant 0 : i32
    %scan3A_70 = arith.constant 0 : i32
    %scan3A_71 = arith.constant 8 : i32
    %scan3A_72 = arith.addi %scan3A_70, %scan3A_71 : i32
    %scan3A_73 = arith.constant 1 : i32
    scf.for %scan3A_127 = %scan3A_70 to %scan3A_72 step %scan3A_73  : i32 {
      %mul3A_128 = arith.constant 16 : i32
      %mul3A_129 = arith.muli %scan3A_127, %mul3A_128 : i32
      %add3A_130 = arith.constant 384 : i32
      %add3A_131 = arith.addi %add3A_130, %mul3A_129 : i32
      %get3A = arith.index_cast %add3A_131 : i32 to index
      %get3A_132 = tpu.vector_load %arg7[%get3A] {strides = array<i32>} : memref<512xi32, #tpu.memory_space<vmem>>, vector<16xi32>,
      %get3A_133 = arith.index_cast %add3A_131 : i32 to index
      %get3A_134 = tpu.vector_load %arg8[%get3A_133] {strides = array<i32>} : memref<512xi32, #tpu.memory_space<vmem>>, vector<16xi32>,
      %add3A_135 = arith.constant 50 : i32
      %add3A_136 = vector.broadcast %add3A_135 : i32 to vector<16xi32>
      %add3A_137 = arith.addi %get3A_134, %add3A_136 : vector<16xi32>
      %get3A_138 = arith.index_cast %add3A_131 : i32 to index
      %get3A_139 = tpu.vector_load %arg9[%get3A_138] {strides = array<i32>} : memref<512xi32, #tpu.memory_space<vmem>>, vector<16xi32>,
      %add3A_140 = arith.constant 74 : i32
      %add3A_141 = vector.broadcast %add3A_140 : i32 to vector<16xi32>
      %add3A_142 = arith.addi %get3A_139, %add3A_141 : vector<16xi32>
      %add3A_143 = arith.constant 0 : i32
      %add3A_144 = arith.addi %add3A_131, %add3A_143 : i32
      %slice3A = vector.extract_strided_slice %get3A_132 {offsets = [0], sizes = [1], strides = [1]} : vector<16xi32> to vector<1xi32>
      %squeeze3A = vector.extract %slice3A[0] : i32 from vector<1xi32>
      %broadcast_in_dim3A = vector.broadcast %squeeze3A : i32 to vector<16xi32>
      %slice3A_145 = vector.extract_strided_slice %add3A_137 {offsets = [0], sizes = [1], strides = [1]} : vector<16xi32> to vector<1xi32>
      %squeeze3A_146 = vector.extract %slice3A_145[0] : i32 from vector<1xi32>
      %broadcast_in_dim3A_147 = vector.broadcast %squeeze3A_146 : i32 to vector<16xi32>
      %slice3A_148 = vector.extract_strided_slice %add3A_142 {offsets = [0], sizes = [1], strides = [1]} : vector<16xi32> to vector<1xi32>
      %squeeze3A_149 = vector.extract %slice3A_148[0] : i32 from vector<1xi32>
      %broadcast_in_dim3A_150 = vector.broadcast %squeeze3A_149 : i32 to vector<16xi32>
      %gather3A = tpu.vector_load_idx %arg10[%broadcast_in_dim3A, %iota3A] : memref<94x32xf32, #tpu.memory_space<vmem>>[vector<16xi32>, vector<16xi32>], vector<16xf32>,
      %swap3A = arith.index_cast %add3A_144 : i32 to index
      %swap3A_151 = arith.constant 0 : index
      %swap3A_152 = tpu.vector_load %arg11[%swap3A, %swap3A_151] {strides = array<i32>} : memref<512x64xf32, #tpu.memory_space<vmem>>, vector<16xf32>,
      tpu.vector_store %arg11[%swap3A, %swap3A_151], %gather3A {strides = array<i32>} : memref<512x64xf32, #tpu.memory_space<vmem>>, vector<16xf32>,
      %gather3A_153 = tpu.vector_load_idx %arg10[%broadcast_in_dim3A, %add3A_15] : memref<94x32xf32, #tpu.memory_space<vmem>>[vector<16xi32>, vector<16xi32>], vector<16xf32>,
      %swap3A_154 = arith.index_cast %add3A_144 : i32 to index
      %swap3A_155 = arith.constant 16 : index
      %swap3A_156 = tpu.vector_load %arg11[%swap3A_154, %swap3A_155] {strides = array<i32>} : memref<512x64xf32, #tpu.memory_space<vmem>>, vector<16xf32>,
      tpu.vector_store %arg11[%swap3A_154, %swap3A_155], %gather3A_153 {strides = array<i32>} : memref<512x64xf32, #tpu.memory_space<vmem>>, vector<16xf32>,
      %gather3A_157 = tpu.vector_load_idx %arg10[%broadcast_in_dim3A_147, %iota3A] : memref<94x32xf32, #tpu.memory_space<vmem>>[vector<16xi32>, vector<16xi32>], vector<16xf32>,
      %swap3A_158 = arith.index_cast %add3A_144 : i32 to index
      %swap3A_159 = arith.constant 32 : index
      %swap3A_160 = tpu.vector_load %arg11[%swap3A_158, %swap3A_159] {strides = array<i32>} : memref<512x64xf32, #tpu.memory_space<vmem>>, vector<16xf32>,
      tpu.vector_store %arg11[%swap3A_158, %swap3A_159], %gather3A_157 {strides = array<i32>} : memref<512x64xf32, #tpu.memory_space<vmem>>, vector<16xf32>,
      %gather3A_161 = tpu.vector_load_idx %arg10[%broadcast_in_dim3A_150, %iota3A] : memref<94x32xf32, #tpu.memory_space<vmem>>[vector<16xi32>, vector<16xi32>], vector<16xf32>,
      %swap3A_162 = arith.index_cast %add3A_144 : i32 to index
      %swap3A_163 = arith.constant 48 : index
      %swap3A_164 = tpu.vector_load %arg11[%swap3A_162, %swap3A_163] {strides = array<i32>} : memref<512x64xf32, #tpu.memory_space<vmem>>, vector<16xf32>,
      tpu.vector_store %arg11[%swap3A_162, %swap3A_163], %gather3A_161 {strides = array<i32>} : memref<512x64xf32, #tpu.memory_space<vmem>>, vector<16xf32>,
      %add3A_165 = arith.constant 1 : i32
      %add3A_166 = arith.addi %add3A_131, %add3A_165 : i32
      %slice3A_167 = vector.extract_strided_slice %get3A_132 {offsets = [1], sizes = [1], strides = [1]} : vector<16xi32> to vector<1xi32>
      %squeeze3A_168 = vector.extract %slice3A_167[0] : i32 from vector<1xi32>
      %broadcast_in_dim3A_169 = vector.broadcast %squeeze3A_168 : i32 to vector<16xi32>
      %slice3A_170 = vector.extract_strided_slice %add3A_137 {offsets = [1], sizes = [1], strides = [1]} : vector<16xi32> to vector<1xi32>
      %squeeze3A_171 = vector.extract %slice3A_170[0] : i32 from vector<1xi32>
      %broadcast_in_dim3A_172 = vector.broadcast %squeeze3A_171 : i32 to vector<16xi32>
      %slice3A_173 = vector.extract_strided_slice %add3A_142 {offsets = [1], sizes = [1], strides = [1]} : vector<16xi32> to vector<1xi32>
      %squeeze3A_174 = vector.extract %slice3A_173[0] : i32 from vector<1xi32>
      %broadcast_in_dim3A_175 = vector.broadcast %squeeze3A_174 : i32 to vector<16xi32>
      %gather3A_176 = tpu.vector_load_idx %arg10[%broadcast_in_dim3A_169, %iota3A] : memref<94x32xf32, #tpu.memory_space<vmem>>[vector<16xi32>, vector<16xi32>], vector<16xf32>,
      %swap3A_177 = arith.index_cast %add3A_166 : i32 to index
      %swap3A_178 = arith.constant 0 : index
      %swap3A_179 = tpu.vector_load %arg11[%swap3A_177, %swap3A_178] {strides = array<i32>} : memref<512x64xf32, #tpu.memory_space<vmem>>, vector<16xf32>,
      tpu.vector_store %arg11[%swap3A_177, %swap3A_178], %gather3A_176 {strides = array<i32>} : memref<512x64xf32, #tpu.memory_space<vmem>>, vector<16xf32>,
      %gather3A_180 = tpu.vector_load_idx %arg10[%broadcast_in_dim3A_169, %add3A_15] : memref<94x32xf32, #tpu.memory_space<vmem>>[vector<16xi32>, vector<16xi32>], vector<16xf32>,
      %swap3A_181 = arith.index_cast %add3A_166 : i32 to index
      %swap3A_182 = arith.constant 16 : index
      %swap3A_183 = tpu.vector_load %arg11[%swap3A_181, %swap3A_182] {strides = array<i32>} : memref<512x64xf32, #tpu.memory_space<vmem>>, vector<16xf32>,
      tpu.vector_store %arg11[%swap3A_181, %swap3A_182], %gather3A_180 {strides = array<i32>} : memref<512x64xf32, #tpu.memory_space<vmem>>, vector<16xf32>,
      %gather3A_184 = tpu.vector_load_idx %arg10[%broadcast_in_dim3A_172, %iota3A] : memref<94x32xf32, #tpu.memory_space<vmem>>[vector<16xi32>, vector<16xi32>], vector<16xf32>,
      %swap3A_185 = arith.index_cast %add3A_166 : i32 to index
      %swap3A_186 = arith.constant 32 : index
      %swap3A_187 = tpu.vector_load %arg11[%swap3A_185, %swap3A_186] {strides = array<i32>} : memref<512x64xf32, #tpu.memory_space<vmem>>, vector<16xf32>,
      tpu.vector_store %arg11[%swap3A_185, %swap3A_186], %gather3A_184 {strides = array<i32>} : memref<512x64xf32, #tpu.memory_space<vmem>>, vector<16xf32>,
      %gather3A_188 = tpu.vector_load_idx %arg10[%broadcast_in_dim3A_175, %iota3A] : memref<94x32xf32, #tpu.memory_space<vmem>>[vector<16xi32>, vector<16xi32>], vector<16xf32>,
      %swap3A_189 = arith.index_cast %add3A_166 : i32 to index
      %swap3A_190 = arith.constant 48 : index
      %swap3A_191 = tpu.vector_load %arg11[%swap3A_189, %swap3A_190] {strides = array<i32>} : memref<512x64xf32, #tpu.memory_space<vmem>>, vector<16xf32>,
      tpu.vector_store %arg11[%swap3A_189, %swap3A_190], %gather3A_188 {strides = array<i32>} : memref<512x64xf32, #tpu.memory_space<vmem>>, vector<16xf32>,
      %add3A_192 = arith.constant 2 : i32
      %add3A_193 = arith.addi %add3A_131, %add3A_192 : i32
      %slice3A_194 = vector.extract_strided_slice %get3A_132 {offsets = [2], sizes = [1], strides = [1]} : vector<16xi32> to vector<1xi32>
      %squeeze3A_195 = vector.extract %slice3A_194[0] : i32 from vector<1xi32>
      %broadcast_in_dim3A_196 = vector.broadcast %squeeze3A_195 : i32 to vector<16xi32>
      %slice3A_197 = vector.extract_strided_slice %add3A_137 {offsets = [2], sizes = [1], strides = [1]} : vector<16xi32> to vector<1xi32>
      %squeeze3A_198 = vector.extract %slice3A_197[0] : i32 from vector<1xi32>
      %broadcast_in_dim3A_199 = vector.broadcast %squeeze3A_198 : i32 to vector<16xi32>
      %slice3A_200 = vector.extract_strided_slice %add3A_142 {offsets = [2], sizes = [1], strides = [1]} : vector<16xi32> to vector<1xi32>
      %squeeze3A_201 = vector.extract %slice3A_200[0] : i32 from vector<1xi32>
      %broadcast_in_dim3A_202 = vector.broadcast %squeeze3A_201 : i32 to vector<16xi32>
      %gather3A_203 = tpu.vector_load_idx %arg10[%broadcast_in_dim3A_196, %iota3A] : memref<94x32xf32, #tpu.memory_space<vmem>>[vector<16xi32>, vector<16xi32>], vector<16xf32>,
      %swap3A_204 = arith.index_cast %add3A_193 : i32 to index
      %swap3A_205 = arith.constant 0 : index
      %swap3A_206 = tpu.vector_load %arg11[%swap3A_204, %swap3A_205] {strides = array<i32>} : memref<512x64xf32, #tpu.memory_space<vmem>>, vector<16xf32>,
      tpu.vector_store %arg11[%swap3A_204, %swap3A_205], %gather3A_203 {strides = array<i32>} : memref<512x64xf32, #tpu.memory_space<vmem>>, vector<16xf32>,
      %gather3A_207 = tpu.vector_load_idx %arg10[%broadcast_in_dim3A_196, %add3A_15] : memref<94x32xf32, #tpu.memory_space<vmem>>[vector<16xi32>, vector<16xi32>], vector<16xf32>,
      %swap3A_208 = arith.index_cast %add3A_193 : i32 to index
      %swap3A_209 = arith.constant 16 : index
      %swap3A_210 = tpu.vector_load %arg11[%swap3A_208, %swap3A_209] {strides = array<i32>} : memref<512x64xf32, #tpu.memory_space<vmem>>, vector<16xf32>,
      tpu.vector_store %arg11[%swap3A_208, %swap3A_209], %gather3A_207 {strides = array<i32>} : memref<512x64xf32, #tpu.memory_space<vmem>>, vector<16xf32>,
      %gather3A_211 = tpu.vector_load_idx %arg10[%broadcast_in_dim3A_199, %iota3A] : memref<94x32xf32, #tpu.memory_space<vmem>>[vector<16xi32>, vector<16xi32>], vector<16xf32>,
      %swap3A_212 = arith.index_cast %add3A_193 : i32 to index
      %swap3A_213 = arith.constant 32 : index
      %swap3A_214 = tpu.vector_load %arg11[%swap3A_212, %swap3A_213] {strides = array<i32>} : memref<512x64xf32, #tpu.memory_space<vmem>>, vector<16xf32>,
      tpu.vector_store %arg11[%swap3A_212, %swap3A_213], %gather3A_211 {strides = array<i32>} : memref<512x64xf32, #tpu.memory_space<vmem>>, vector<16xf32>,
      %gather3A_215 = tpu.vector_load_idx %arg10[%broadcast_in_dim3A_202, %iota3A] : memref<94x32xf32, #tpu.memory_space<vmem>>[vector<16xi32>, vector<16xi32>], vector<16xf32>,
      %swap3A_216 = arith.index_cast %add3A_193 : i32 to index
      %swap3A_217 = arith.constant 48 : index
      %swap3A_218 = tpu.vector_load %arg11[%swap3A_216, %swap3A_217] {strides = array<i32>} : memref<512x64xf32, #tpu.memory_space<vmem>>, vector<16xf32>,
      tpu.vector_store %arg11[%swap3A_216, %swap3A_217], %gather3A_215 {strides = array<i32>} : memref<512x64xf32, #tpu.memory_space<vmem>>, vector<16xf32>,
      %add3A_219 = arith.constant 3 : i32
      %add3A_220 = arith.addi %add3A_131, %add3A_219 : i32
      %slice3A_221 = vector.extract_strided_slice %get3A_132 {offsets = [3], sizes = [1], strides = [1]} : vector<16xi32> to vector<1xi32>
      %squeeze3A_222 = vector.extract %slice3A_221[0] : i32 from vector<1xi32>
      %broadcast_in_dim3A_223 = vector.broadcast %squeeze3A_222 : i32 to vector<16xi32>
      %slice3A_224 = vector.extract_strided_slice %add3A_137 {offsets = [3], sizes = [1], strides = [1]} : vector<16xi32> to vector<1xi32>
      %squeeze3A_225 = vector.extract %slice3A_224[0] : i32 from vector<1xi32>
      %broadcast_in_dim3A_226 = vector.broadcast %squeeze3A_225 : i32 to vector<16xi32>
      %slice3A_227 = vector.extract_strided_slice %add3A_142 {offsets = [3], sizes = [1], strides = [1]} : vector<16xi32> to vector<1xi32>
      %squeeze3A_228 = vector.extract %slice3A_227[0] : i32 from vector<1xi32>
      %broadcast_in_dim3A_229 = vector.broadcast %squeeze3A_228 : i32 to vector<16xi32>
      %gather3A_230 = tpu.vector_load_idx %arg10[%broadcast_in_dim3A_223, %iota3A] : memref<94x32xf32, #tpu.memory_space<vmem>>[vector<16xi32>, vector<16xi32>], vector<16xf32>,
      %swap3A_231 = arith.index_cast %add3A_220 : i32 to index
      %swap3A_232 = arith.constant 0 : index
      %swap3A_233 = tpu.vector_load %arg11[%swap3A_231, %swap3A_232] {strides = array<i32>} : memref<512x64xf32, #tpu.memory_space<vmem>>, vector<16xf32>,
      tpu.vector_store %arg11[%swap3A_231, %swap3A_232], %gather3A_230 {strides = array<i32>} : memref<512x64xf32, #tpu.memory_space<vmem>>, vector<16xf32>,
      %gather3A_234 = tpu.vector_load_idx %arg10[%broadcast_in_dim3A_223, %add3A_15] : memref<94x32xf32, #tpu.memory_space<vmem>>[vector<16xi32>, vector<16xi32>], vector<16xf32>,
      %swap3A_235 = arith.index_cast %add3A_220 : i32 to index
      %swap3A_236 = arith.constant 16 : index
      %swap3A_237 = tpu.vector_load %arg11[%swap3A_235, %swap3A_236] {strides = array<i32>} : memref<512x64xf32, #tpu.memory_space<vmem>>, vector<16xf32>,
      tpu.vector_store %arg11[%swap3A_235, %swap3A_236], %gather3A_234 {strides = array<i32>} : memref<512x64xf32, #tpu.memory_space<vmem>>, vector<16xf32>,
      %gather3A_238 = tpu.vector_load_idx %arg10[%broadcast_in_dim3A_226, %iota3A] : memref<94x32xf32, #tpu.memory_space<vmem>>[vector<16xi32>, vector<16xi32>], vector<16xf32>,
      %swap3A_239 = arith.index_cast %add3A_220 : i32 to index
      %swap3A_240 = arith.constant 32 : index
      %swap3A_241 = tpu.vector_load %arg11[%swap3A_239, %swap3A_240] {strides = array<i32>} : memref<512x64xf32, #tpu.memory_space<vmem>>, vector<16xf32>,
      tpu.vector_store %arg11[%swap3A_239, %swap3A_240], %gather3A_238 {strides = array<i32>} : memref<512x64xf32, #tpu.memory_space<vmem>>, vector<16xf32>,
      %gather3A_242 = tpu.vector_load_idx %arg10[%broadcast_in_dim3A_229, %iota3A] : memref<94x32xf32, #tpu.memory_space<vmem>>[vector<16xi32>, vector<16xi32>], vector<16xf32>,
      %swap3A_243 = arith.index_cast %add3A_220 : i32 to index
      %swap3A_244 = arith.constant 48 : index
      %swap3A_245 = tpu.vector_load %arg11[%swap3A_243, %swap3A_244] {strides = array<i32>} : memref<512x64xf32, #tpu.memory_space<vmem>>, vector<16xf32>,
      tpu.vector_store %arg11[%swap3A_243, %swap3A_244], %gather3A_242 {strides = array<i32>} : memref<512x64xf32, #tpu.memory_space<vmem>>, vector<16xf32>,
      %add3A_246 = arith.constant 4 : i32
      %add3A_247 = arith.addi %add3A_131, %add3A_246 : i32
      %slice3A_248 = vector.extract_strided_slice %get3A_132 {offsets = [4], sizes = [1], strides = [1]} : vector<16xi32> to vector<1xi32>
      %squeeze3A_249 = vector.extract %slice3A_248[0] : i32 from vector<1xi32>
      %broadcast_in_dim3A_250 = vector.broadcast %squeeze3A_249 : i32 to vector<16xi32>
      %slice3A_251 = vector.extract_strided_slice %add3A_137 {offsets = [4], sizes = [1], strides = [1]} : vector<16xi32> to vector<1xi32>
      %squeeze3A_252 = vector.extract %slice3A_251[0] : i32 from vector<1xi32>
      %broadcast_in_dim3A_253 = vector.broadcast %squeeze3A_252 : i32 to vector<16xi32>
      %slice3A_254 = vector.extract_strided_slice %add3A_142 {offsets = [4], sizes = [1], strides = [1]} : vector<16xi32> to vector<1xi32>
      %squeeze3A_255 = vector.extract %slice3A_254[0] : i32 from vector<1xi32>
      %broadcast_in_dim3A_256 = vector.broadcast %squeeze3A_255 : i32 to vector<16xi32>
      %gather3A_257 = tpu.vector_load_idx %arg10[%broadcast_in_dim3A_250, %iota3A] : memref<94x32xf32, #tpu.memory_space<vmem>>[vector<16xi32>, vector<16xi32>], vector<16xf32>,
      %swap3A_258 = arith.index_cast %add3A_247 : i32 to index
      %swap3A_259 = arith.constant 0 : index
      %swap3A_260 = tpu.vector_load %arg11[%swap3A_258, %swap3A_259] {strides = array<i32>} : memref<512x64xf32, #tpu.memory_space<vmem>>, vector<16xf32>,
      tpu.vector_store %arg11[%swap3A_258, %swap3A_259], %gather3A_257 {strides = array<i32>} : memref<512x64xf32, #tpu.memory_space<vmem>>, vector<16xf32>,
      %gather3A_261 = tpu.vector_load_idx %arg10[%broadcast_in_dim3A_250, %add3A_15] : memref<94x32xf32, #tpu.memory_space<vmem>>[vector<16xi32>, vector<16xi32>], vector<16xf32>,
      %swap3A_262 = arith.index_cast %add3A_247 : i32 to index
      %swap3A_263 = arith.constant 16 : index
      %swap3A_264 = tpu.vector_load %arg11[%swap3A_262, %swap3A_263] {strides = array<i32>} : memref<512x64xf32, #tpu.memory_space<vmem>>, vector<16xf32>,
      tpu.vector_store %arg11[%swap3A_262, %swap3A_263], %gather3A_261 {strides = array<i32>} : memref<512x64xf32, #tpu.memory_space<vmem>>, vector<16xf32>,
      %gather3A_265 = tpu.vector_load_idx %arg10[%broadcast_in_dim3A_253, %iota3A] : memref<94x32xf32, #tpu.memory_space<vmem>>[vector<16xi32>, vector<16xi32>], vector<16xf32>,
      %swap3A_266 = arith.index_cast %add3A_247 : i32 to index
      %swap3A_267 = arith.constant 32 : index
      %swap3A_268 = tpu.vector_load %arg11[%swap3A_266, %swap3A_267] {strides = array<i32>} : memref<512x64xf32, #tpu.memory_space<vmem>>, vector<16xf32>,
      tpu.vector_store %arg11[%swap3A_266, %swap3A_267], %gather3A_265 {strides = array<i32>} : memref<512x64xf32, #tpu.memory_space<vmem>>, vector<16xf32>,
      %gather3A_269 = tpu.vector_load_idx %arg10[%broadcast_in_dim3A_256, %iota3A] : memref<94x32xf32, #tpu.memory_space<vmem>>[vector<16xi32>, vector<16xi32>], vector<16xf32>,
      %swap3A_270 = arith.index_cast %add3A_247 : i32 to index
      %swap3A_271 = arith.constant 48 : index
      %swap3A_272 = tpu.vector_load %arg11[%swap3A_270, %swap3A_271] {strides = array<i32>} : memref<512x64xf32, #tpu.memory_space<vmem>>, vector<16xf32>,
      tpu.vector_store %arg11[%swap3A_270, %swap3A_271], %gather3A_269 {strides = array<i32>} : memref<512x64xf32, #tpu.memory_space<vmem>>, vector<16xf32>,
      %add3A_273 = arith.constant 5 : i32
      %add3A_274 = arith.addi %add3A_131, %add3A_273 : i32
      %slice3A_275 = vector.extract_strided_slice %get3A_132 {offsets = [5], sizes = [1], strides = [1]} : vector<16xi32> to vector<1xi32>
      %squeeze3A_276 = vector.extract %slice3A_275[0] : i32 from vector<1xi32>
      %broadcast_in_dim3A_277 = vector.broadcast %squeeze3A_276 : i32 to vector<16xi32>
      %slice3A_278 = vector.extract_strided_slice %add3A_137 {offsets = [5], sizes = [1], strides = [1]} : vector<16xi32> to vector<1xi32>
      %squeeze3A_279 = vector.extract %slice3A_278[0] : i32 from vector<1xi32>
      %broadcast_in_dim3A_280 = vector.broadcast %squeeze3A_279 : i32 to vector<16xi32>
      %slice3A_281 = vector.extract_strided_slice %add3A_142 {offsets = [5], sizes = [1], strides = [1]} : vector<16xi32> to vector<1xi32>
      %squeeze3A_282 = vector.extract %slice3A_281[0] : i32 from vector<1xi32>
      %broadcast_in_dim3A_283 = vector.broadcast %squeeze3A_282 : i32 to vector<16xi32>
      %gather3A_284 = tpu.vector_load_idx %arg10[%broadcast_in_dim3A_277, %iota3A] : memref<94x32xf32, #tpu.memory_space<vmem>>[vector<16xi32>, vector<16xi32>], vector<16xf32>,
      %swap3A_285 = arith.index_cast %add3A_274 : i32 to index
      %swap3A_286 = arith.constant 0 : index
      %swap3A_287 = tpu.vector_load %arg11[%swap3A_285, %swap3A_286] {strides = array<i32>} : memref<512x64xf32, #tpu.memory_space<vmem>>, vector<16xf32>,
      tpu.vector_store %arg11[%swap3A_285, %swap3A_286], %gather3A_284 {strides = array<i32>} : memref<512x64xf32, #tpu.memory_space<vmem>>, vector<16xf32>,
      %gather3A_288 = tpu.vector_load_idx %arg10[%broadcast_in_dim3A_277, %add3A_15] : memref<94x32xf32, #tpu.memory_space<vmem>>[vector<16xi32>, vector<16xi32>], vector<16xf32>,
      %swap3A_289 = arith.index_cast %add3A_274 : i32 to index
      %swap3A_290 = arith.constant 16 : index
      %swap3A_291 = tpu.vector_load %arg11[%swap3A_289, %swap3A_290] {strides = array<i32>} : memref<512x64xf32, #tpu.memory_space<vmem>>, vector<16xf32>,
      tpu.vector_store %arg11[%swap3A_289, %swap3A_290], %gather3A_288 {strides = array<i32>} : memref<512x64xf32, #tpu.memory_space<vmem>>, vector<16xf32>,
      %gather3A_292 = tpu.vector_load_idx %arg10[%broadcast_in_dim3A_280, %iota3A] : memref<94x32xf32, #tpu.memory_space<vmem>>[vector<16xi32>, vector<16xi32>], vector<16xf32>,
      %swap3A_293 = arith.index_cast %add3A_274 : i32 to index
      %swap3A_294 = arith.constant 32 : index
      %swap3A_295 = tpu.vector_load %arg11[%swap3A_293, %swap3A_294] {strides = array<i32>} : memref<512x64xf32, #tpu.memory_space<vmem>>, vector<16xf32>,
      tpu.vector_store %arg11[%swap3A_293, %swap3A_294], %gather3A_292 {strides = array<i32>} : memref<512x64xf32, #tpu.memory_space<vmem>>, vector<16xf32>,
      %gather3A_296 = tpu.vector_load_idx %arg10[%broadcast_in_dim3A_283, %iota3A] : memref<94x32xf32, #tpu.memory_space<vmem>>[vector<16xi32>, vector<16xi32>], vector<16xf32>,
      %swap3A_297 = arith.index_cast %add3A_274 : i32 to index
      %swap3A_298 = arith.constant 48 : index
      %swap3A_299 = tpu.vector_load %arg11[%swap3A_297, %swap3A_298] {strides = array<i32>} : memref<512x64xf32, #tpu.memory_space<vmem>>, vector<16xf32>,
      tpu.vector_store %arg11[%swap3A_297, %swap3A_298], %gather3A_296 {strides = array<i32>} : memref<512x64xf32, #tpu.memory_space<vmem>>, vector<16xf32>,
      %add3A_300 = arith.constant 6 : i32
      %add3A_301 = arith.addi %add3A_131, %add3A_300 : i32
      %slice3A_302 = vector.extract_strided_slice %get3A_132 {offsets = [6], sizes = [1], strides = [1]} : vector<16xi32> to vector<1xi32>
      %squeeze3A_303 = vector.extract %slice3A_302[0] : i32 from vector<1xi32>
      %broadcast_in_dim3A_304 = vector.broadcast %squeeze3A_303 : i32 to vector<16xi32>
      %slice3A_305 = vector.extract_strided_slice %add3A_137 {offsets = [6], sizes = [1], strides = [1]} : vector<16xi32> to vector<1xi32>
      %squeeze3A_306 = vector.extract %slice3A_305[0] : i32 from vector<1xi32>
      %broadcast_in_dim3A_307 = vector.broadcast %squeeze3A_306 : i32 to vector<16xi32>
      %slice3A_308 = vector.extract_strided_slice %add3A_142 {offsets = [6], sizes = [1], strides = [1]} : vector<16xi32> to vector<1xi32>
      %squeeze3A_309 = vector.extract %slice3A_308[0] : i32 from vector<1xi32>
      %broadcast_in_dim3A_310 = vector.broadcast %squeeze3A_309 : i32 to vector<16xi32>
      %gather3A_311 = tpu.vector_load_idx %arg10[%broadcast_in_dim3A_304, %iota3A] : memref<94x32xf32, #tpu.memory_space<vmem>>[vector<16xi32>, vector<16xi32>], vector<16xf32>,
      %swap3A_312 = arith.index_cast %add3A_301 : i32 to index
      %swap3A_313 = arith.constant 0 : index
      %swap3A_314 = tpu.vector_load %arg11[%swap3A_312, %swap3A_313] {strides = array<i32>} : memref<512x64xf32, #tpu.memory_space<vmem>>, vector<16xf32>,
      tpu.vector_store %arg11[%swap3A_312, %swap3A_313], %gather3A_311 {strides = array<i32>} : memref<512x64xf32, #tpu.memory_space<vmem>>, vector<16xf32>,
      %gather3A_315 = tpu.vector_load_idx %arg10[%broadcast_in_dim3A_304, %add3A_15] : memref<94x32xf32, #tpu.memory_space<vmem>>[vector<16xi32>, vector<16xi32>], vector<16xf32>,
      %swap3A_316 = arith.index_cast %add3A_301 : i32 to index
      %swap3A_317 = arith.constant 16 : index
      %swap3A_318 = tpu.vector_load %arg11[%swap3A_316, %swap3A_317] {strides = array<i32>} : memref<512x64xf32, #tpu.memory_space<vmem>>, vector<16xf32>,
      tpu.vector_store %arg11[%swap3A_316, %swap3A_317], %gather3A_315 {strides = array<i32>} : memref<512x64xf32, #tpu.memory_space<vmem>>, vector<16xf32>,
      %gather3A_319 = tpu.vector_load_idx %arg10[%broadcast_in_dim3A_307, %iota3A] : memref<94x32xf32, #tpu.memory_space<vmem>>[vector<16xi32>, vector<16xi32>], vector<16xf32>,
      %swap3A_320 = arith.index_cast %add3A_301 : i32 to index
      %swap3A_321 = arith.constant 32 : index
      %swap3A_322 = tpu.vector_load %arg11[%swap3A_320, %swap3A_321] {strides = array<i32>} : memref<512x64xf32, #tpu.memory_space<vmem>>, vector<16xf32>,
      tpu.vector_store %arg11[%swap3A_320, %swap3A_321], %gather3A_319 {strides = array<i32>} : memref<512x64xf32, #tpu.memory_space<vmem>>, vector<16xf32>,
      %gather3A_323 = tpu.vector_load_idx %arg10[%broadcast_in_dim3A_310, %iota3A] : memref<94x32xf32, #tpu.memory_space<vmem>>[vector<16xi32>, vector<16xi32>], vector<16xf32>,
      %swap3A_324 = arith.index_cast %add3A_301 : i32 to index
      %swap3A_325 = arith.constant 48 : index
      %swap3A_326 = tpu.vector_load %arg11[%swap3A_324, %swap3A_325] {strides = array<i32>} : memref<512x64xf32, #tpu.memory_space<vmem>>, vector<16xf32>,
      tpu.vector_store %arg11[%swap3A_324, %swap3A_325], %gather3A_323 {strides = array<i32>} : memref<512x64xf32, #tpu.memory_space<vmem>>, vector<16xf32>,
      %add3A_327 = arith.constant 7 : i32
      %add3A_328 = arith.addi %add3A_131, %add3A_327 : i32
      %slice3A_329 = vector.extract_strided_slice %get3A_132 {offsets = [7], sizes = [1], strides = [1]} : vector<16xi32> to vector<1xi32>
      %squeeze3A_330 = vector.extract %slice3A_329[0] : i32 from vector<1xi32>
      %broadcast_in_dim3A_331 = vector.broadcast %squeeze3A_330 : i32 to vector<16xi32>
      %slice3A_332 = vector.extract_strided_slice %add3A_137 {offsets = [7], sizes = [1], strides = [1]} : vector<16xi32> to vector<1xi32>
      %squeeze3A_333 = vector.extract %slice3A_332[0] : i32 from vector<1xi32>
      %broadcast_in_dim3A_334 = vector.broadcast %squeeze3A_333 : i32 to vector<16xi32>
      %slice3A_335 = vector.extract_strided_slice %add3A_142 {offsets = [7], sizes = [1], strides = [1]} : vector<16xi32> to vector<1xi32>
      %squeeze3A_336 = vector.extract %slice3A_335[0] : i32 from vector<1xi32>
      %broadcast_in_dim3A_337 = vector.broadcast %squeeze3A_336 : i32 to vector<16xi32>
      %gather3A_338 = tpu.vector_load_idx %arg10[%broadcast_in_dim3A_331, %iota3A] : memref<94x32xf32, #tpu.memory_space<vmem>>[vector<16xi32>, vector<16xi32>], vector<16xf32>,
      %swap3A_339 = arith.index_cast %add3A_328 : i32 to index
      %swap3A_340 = arith.constant 0 : index
      %swap3A_341 = tpu.vector_load %arg11[%swap3A_339, %swap3A_340] {strides = array<i32>} : memref<512x64xf32, #tpu.memory_space<vmem>>, vector<16xf32>,
      tpu.vector_store %arg11[%swap3A_339, %swap3A_340], %gather3A_338 {strides = array<i32>} : memref<512x64xf32, #tpu.memory_space<vmem>>, vector<16xf32>,
      %gather3A_342 = tpu.vector_load_idx %arg10[%broadcast_in_dim3A_331, %add3A_15] : memref<94x32xf32, #tpu.memory_space<vmem>>[vector<16xi32>, vector<16xi32>], vector<16xf32>,
      %swap3A_343 = arith.index_cast %add3A_328 : i32 to index
      %swap3A_344 = arith.constant 16 : index
      %swap3A_345 = tpu.vector_load %arg11[%swap3A_343, %swap3A_344] {strides = array<i32>} : memref<512x64xf32, #tpu.memory_space<vmem>>, vector<16xf32>,
      tpu.vector_store %arg11[%swap3A_343, %swap3A_344], %gather3A_342 {strides = array<i32>} : memref<512x64xf32, #tpu.memory_space<vmem>>, vector<16xf32>,
      %gather3A_346 = tpu.vector_load_idx %arg10[%broadcast_in_dim3A_334, %iota3A] : memref<94x32xf32, #tpu.memory_space<vmem>>[vector<16xi32>, vector<16xi32>], vector<16xf32>,
      %swap3A_347 = arith.index_cast %add3A_328 : i32 to index
      %swap3A_348 = arith.constant 32 : index
      %swap3A_349 = tpu.vector_load %arg11[%swap3A_347, %swap3A_348] {strides = array<i32>} : memref<512x64xf32, #tpu.memory_space<vmem>>, vector<16xf32>,
      tpu.vector_store %arg11[%swap3A_347, %swap3A_348], %gather3A_346 {strides = array<i32>} : memref<512x64xf32, #tpu.memory_space<vmem>>, vector<16xf32>,
      %gather3A_350 = tpu.vector_load_idx %arg10[%broadcast_in_dim3A_337, %iota3A] : memref<94x32xf32, #tpu.memory_space<vmem>>[vector<16xi32>, vector<16xi32>], vector<16xf32>,
      %swap3A_351 = arith.index_cast %add3A_328 : i32 to index
      %swap3A_352 = arith.constant 48 : index
      %swap3A_353 = tpu.vector_load %arg11[%swap3A_351, %swap3A_352] {strides = array<i32>} : memref<512x64xf32, #tpu.memory_space<vmem>>, vector<16xf32>,
      tpu.vector_store %arg11[%swap3A_351, %swap3A_352], %gather3A_350 {strides = array<i32>} : memref<512x64xf32, #tpu.memory_space<vmem>>, vector<16xf32>,
      %add3A_354 = arith.constant 8 : i32
      %add3A_355 = arith.addi %add3A_131, %add3A_354 : i32
      %slice3A_356 = vector.extract_strided_slice %get3A_132 {offsets = [8], sizes = [1], strides = [1]} : vector<16xi32> to vector<1xi32>
      %squeeze3A_357 = vector.extract %slice3A_356[0] : i32 from vector<1xi32>
      %broadcast_in_dim3A_358 = vector.broadcast %squeeze3A_357 : i32 to vector<16xi32>
      %slice3A_359 = vector.extract_strided_slice %add3A_137 {offsets = [8], sizes = [1], strides = [1]} : vector<16xi32> to vector<1xi32>
      %squeeze3A_360 = vector.extract %slice3A_359[0] : i32 from vector<1xi32>
      %broadcast_in_dim3A_361 = vector.broadcast %squeeze3A_360 : i32 to vector<16xi32>
      %slice3A_362 = vector.extract_strided_slice %add3A_142 {offsets = [8], sizes = [1], strides = [1]} : vector<16xi32> to vector<1xi32>
      %squeeze3A_363 = vector.extract %slice3A_362[0] : i32 from vector<1xi32>
      %broadcast_in_dim3A_364 = vector.broadcast %squeeze3A_363 : i32 to vector<16xi32>
      %gather3A_365 = tpu.vector_load_idx %arg10[%broadcast_in_dim3A_358, %iota3A] : memref<94x32xf32, #tpu.memory_space<vmem>>[vector<16xi32>, vector<16xi32>], vector<16xf32>,
      %swap3A_366 = arith.index_cast %add3A_355 : i32 to index
      %swap3A_367 = arith.constant 0 : index
      %swap3A_368 = tpu.vector_load %arg11[%swap3A_366, %swap3A_367] {strides = array<i32>} : memref<512x64xf32, #tpu.memory_space<vmem>>, vector<16xf32>,
      tpu.vector_store %arg11[%swap3A_366, %swap3A_367], %gather3A_365 {strides = array<i32>} : memref<512x64xf32, #tpu.memory_space<vmem>>, vector<16xf32>,
      %gather3A_369 = tpu.vector_load_idx %arg10[%broadcast_in_dim3A_358, %add3A_15] : memref<94x32xf32, #tpu.memory_space<vmem>>[vector<16xi32>, vector<16xi32>], vector<16xf32>,
      %swap3A_370 = arith.index_cast %add3A_355 : i32 to index
      %swap3A_371 = arith.constant 16 : index
      %swap3A_372 = tpu.vector_load %arg11[%swap3A_370, %swap3A_371] {strides = array<i32>} : memref<512x64xf32, #tpu.memory_space<vmem>>, vector<16xf32>,
      tpu.vector_store %arg11[%swap3A_370, %swap3A_371], %gather3A_369 {strides = array<i32>} : memref<512x64xf32, #tpu.memory_space<vmem>>, vector<16xf32>,
      %gather3A_373 = tpu.vector_load_idx %arg10[%broadcast_in_dim3A_361, %iota3A] : memref<94x32xf32, #tpu.memory_space<vmem>>[vector<16xi32>, vector<16xi32>], vector<16xf32>,
      %swap3A_374 = arith.index_cast %add3A_355 : i32 to index
      %swap3A_375 = arith.constant 32 : index
      %swap3A_376 = tpu.vector_load %arg11[%swap3A_374, %swap3A_375] {strides = array<i32>} : memref<512x64xf32, #tpu.memory_space<vmem>>, vector<16xf32>,
      tpu.vector_store %arg11[%swap3A_374, %swap3A_375], %gather3A_373 {strides = array<i32>} : memref<512x64xf32, #tpu.memory_space<vmem>>, vector<16xf32>,
      %gather3A_377 = tpu.vector_load_idx %arg10[%broadcast_in_dim3A_364, %iota3A] : memref<94x32xf32, #tpu.memory_space<vmem>>[vector<16xi32>, vector<16xi32>], vector<16xf32>,
      %swap3A_378 = arith.index_cast %add3A_355 : i32 to index
      %swap3A_379 = arith.constant 48 : index
      %swap3A_380 = tpu.vector_load %arg11[%swap3A_378, %swap3A_379] {strides = array<i32>} : memref<512x64xf32, #tpu.memory_space<vmem>>, vector<16xf32>,
      tpu.vector_store %arg11[%swap3A_378, %swap3A_379], %gather3A_377 {strides = array<i32>} : memref<512x64xf32, #tpu.memory_space<vmem>>, vector<16xf32>,
      %add3A_381 = arith.constant 9 : i32
      %add3A_382 = arith.addi %add3A_131, %add3A_381 : i32
      %slice3A_383 = vector.extract_strided_slice %get3A_132 {offsets = [9], sizes = [1], strides = [1]} : vector<16xi32> to vector<1xi32>
      %squeeze3A_384 = vector.extract %slice3A_383[0] : i32 from vector<1xi32>
      %broadcast_in_dim3A_385 = vector.broadcast %squeeze3A_384 : i32 to vector<16xi32>
      %slice3A_386 = vector.extract_strided_slice %add3A_137 {offsets = [9], sizes = [1], strides = [1]} : vector<16xi32> to vector<1xi32>
      %squeeze3A_387 = vector.extract %slice3A_386[0] : i32 from vector<1xi32>
      %broadcast_in_dim3A_388 = vector.broadcast %squeeze3A_387 : i32 to vector<16xi32>
      %slice3A_389 = vector.extract_strided_slice %add3A_142 {offsets = [9], sizes = [1], strides = [1]} : vector<16xi32> to vector<1xi32>
      %squeeze3A_390 = vector.extract %slice3A_389[0] : i32 from vector<1xi32>
      %broadcast_in_dim3A_391 = vector.broadcast %squeeze3A_390 : i32 to vector<16xi32>
      %gather3A_392 = tpu.vector_load_idx %arg10[%broadcast_in_dim3A_385, %iota3A] : memref<94x32xf32, #tpu.memory_space<vmem>>[vector<16xi32>, vector<16xi32>], vector<16xf32>,
      %swap3A_393 = arith.index_cast %add3A_382 : i32 to index
      %swap3A_394 = arith.constant 0 : index
      %swap3A_395 = tpu.vector_load %arg11[%swap3A_393, %swap3A_394] {strides = array<i32>} : memref<512x64xf32, #tpu.memory_space<vmem>>, vector<16xf32>,
      tpu.vector_store %arg11[%swap3A_393, %swap3A_394], %gather3A_392 {strides = array<i32>} : memref<512x64xf32, #tpu.memory_space<vmem>>, vector<16xf32>,
      %gather3A_396 = tpu.vector_load_idx %arg10[%broadcast_in_dim3A_385, %add3A_15] : memref<94x32xf32, #tpu.memory_space<vmem>>[vector<16xi32>, vector<16xi32>], vector<16xf32>,
      %swap3A_397 = arith.index_cast %add3A_382 : i32 to index
      %swap3A_398 = arith.constant 16 : index
      %swap3A_399 = tpu.vector_load %arg11[%swap3A_397, %swap3A_398] {strides = array<i32>} : memref<512x64xf32, #tpu.memory_space<vmem>>, vector<16xf32>,
      tpu.vector_store %arg11[%swap3A_397, %swap3A_398], %gather3A_396 {strides = array<i32>} : memref<512x64xf32, #tpu.memory_space<vmem>>, vector<16xf32>,
      %gather3A_400 = tpu.vector_load_idx %arg10[%broadcast_in_dim3A_388, %iota3A] : memref<94x32xf32, #tpu.memory_space<vmem>>[vector<16xi32>, vector<16xi32>], vector<16xf32>,
      %swap3A_401 = arith.index_cast %add3A_382 : i32 to index
      %swap3A_402 = arith.constant 32 : index
      %swap3A_403 = tpu.vector_load %arg11[%swap3A_401, %swap3A_402] {strides = array<i32>} : memref<512x64xf32, #tpu.memory_space<vmem>>, vector<16xf32>,
      tpu.vector_store %arg11[%swap3A_401, %swap3A_402], %gather3A_400 {strides = array<i32>} : memref<512x64xf32, #tpu.memory_space<vmem>>, vector<16xf32>,
      %gather3A_404 = tpu.vector_load_idx %arg10[%broadcast_in_dim3A_391, %iota3A] : memref<94x32xf32, #tpu.memory_space<vmem>>[vector<16xi32>, vector<16xi32>], vector<16xf32>,
      %swap3A_405 = arith.index_cast %add3A_382 : i32 to index
      %swap3A_406 = arith.constant 48 : index
      %swap3A_407 = tpu.vector_load %arg11[%swap3A_405, %swap3A_406] {strides = array<i32>} : memref<512x64xf32, #tpu.memory_space<vmem>>, vector<16xf32>,
      tpu.vector_store %arg11[%swap3A_405, %swap3A_406], %gather3A_404 {strides = array<i32>} : memref<512x64xf32, #tpu.memory_space<vmem>>, vector<16xf32>,
      %add3A_408 = arith.constant 10 : i32
      %add3A_409 = arith.addi %add3A_131, %add3A_408 : i32
      %slice3A_410 = vector.extract_strided_slice %get3A_132 {offsets = [10], sizes = [1], strides = [1]} : vector<16xi32> to vector<1xi32>
      %squeeze3A_411 = vector.extract %slice3A_410[0] : i32 from vector<1xi32>
      %broadcast_in_dim3A_412 = vector.broadcast %squeeze3A_411 : i32 to vector<16xi32>
      %slice3A_413 = vector.extract_strided_slice %add3A_137 {offsets = [10], sizes = [1], strides = [1]} : vector<16xi32> to vector<1xi32>
      %squeeze3A_414 = vector.extract %slice3A_413[0] : i32 from vector<1xi32>
      %broadcast_in_dim3A_415 = vector.broadcast %squeeze3A_414 : i32 to vector<16xi32>
      %slice3A_416 = vector.extract_strided_slice %add3A_142 {offsets = [10], sizes = [1], strides = [1]} : vector<16xi32> to vector<1xi32>
      %squeeze3A_417 = vector.extract %slice3A_416[0] : i32 from vector<1xi32>
      %broadcast_in_dim3A_418 = vector.broadcast %squeeze3A_417 : i32 to vector<16xi32>
      %gather3A_419 = tpu.vector_load_idx %arg10[%broadcast_in_dim3A_412, %iota3A] : memref<94x32xf32, #tpu.memory_space<vmem>>[vector<16xi32>, vector<16xi32>], vector<16xf32>,
      %swap3A_420 = arith.index_cast %add3A_409 : i32 to index
      %swap3A_421 = arith.constant 0 : index
      %swap3A_422 = tpu.vector_load %arg11[%swap3A_420, %swap3A_421] {strides = array<i32>} : memref<512x64xf32, #tpu.memory_space<vmem>>, vector<16xf32>,
      tpu.vector_store %arg11[%swap3A_420, %swap3A_421], %gather3A_419 {strides = array<i32>} : memref<512x64xf32, #tpu.memory_space<vmem>>, vector<16xf32>,
      %gather3A_423 = tpu.vector_load_idx %arg10[%broadcast_in_dim3A_412, %add3A_15] : memref<94x32xf32, #tpu.memory_space<vmem>>[vector<16xi32>, vector<16xi32>], vector<16xf32>,
      %swap3A_424 = arith.index_cast %add3A_409 : i32 to index
      %swap3A_425 = arith.constant 16 : index
      %swap3A_426 = tpu.vector_load %arg11[%swap3A_424, %swap3A_425] {strides = array<i32>} : memref<512x64xf32, #tpu.memory_space<vmem>>, vector<16xf32>,
      tpu.vector_store %arg11[%swap3A_424, %swap3A_425], %gather3A_423 {strides = array<i32>} : memref<512x64xf32, #tpu.memory_space<vmem>>, vector<16xf32>,
      %gather3A_427 = tpu.vector_load_idx %arg10[%broadcast_in_dim3A_415, %iota3A] : memref<94x32xf32, #tpu.memory_space<vmem>>[vector<16xi32>, vector<16xi32>], vector<16xf32>,
      %swap3A_428 = arith.index_cast %add3A_409 : i32 to index
      %swap3A_429 = arith.constant 32 : index
      %swap3A_430 = tpu.vector_load %arg11[%swap3A_428, %swap3A_429] {strides = array<i32>} : memref<512x64xf32, #tpu.memory_space<vmem>>, vector<16xf32>,
      tpu.vector_store %arg11[%swap3A_428, %swap3A_429], %gather3A_427 {strides = array<i32>} : memref<512x64xf32, #tpu.memory_space<vmem>>, vector<16xf32>,
      %gather3A_431 = tpu.vector_load_idx %arg10[%broadcast_in_dim3A_418, %iota3A] : memref<94x32xf32, #tpu.memory_space<vmem>>[vector<16xi32>, vector<16xi32>], vector<16xf32>,
      %swap3A_432 = arith.index_cast %add3A_409 : i32 to index
      %swap3A_433 = arith.constant 48 : index
      %swap3A_434 = tpu.vector_load %arg11[%swap3A_432, %swap3A_433] {strides = array<i32>} : memref<512x64xf32, #tpu.memory_space<vmem>>, vector<16xf32>,
      tpu.vector_store %arg11[%swap3A_432, %swap3A_433], %gather3A_431 {strides = array<i32>} : memref<512x64xf32, #tpu.memory_space<vmem>>, vector<16xf32>,
      %add3A_435 = arith.constant 11 : i32
      %add3A_436 = arith.addi %add3A_131, %add3A_435 : i32
      %slice3A_437 = vector.extract_strided_slice %get3A_132 {offsets = [11], sizes = [1], strides = [1]} : vector<16xi32> to vector<1xi32>
      %squeeze3A_438 = vector.extract %slice3A_437[0] : i32 from vector<1xi32>
      %broadcast_in_dim3A_439 = vector.broadcast %squeeze3A_438 : i32 to vector<16xi32>
      %slice3A_440 = vector.extract_strided_slice %add3A_137 {offsets = [11], sizes = [1], strides = [1]} : vector<16xi32> to vector<1xi32>
      %squeeze3A_441 = vector.extract %slice3A_440[0] : i32 from vector<1xi32>
      %broadcast_in_dim3A_442 = vector.broadcast %squeeze3A_441 : i32 to vector<16xi32>
      %slice3A_443 = vector.extract_strided_slice %add3A_142 {offsets = [11], sizes = [1], strides = [1]} : vector<16xi32> to vector<1xi32>
      %squeeze3A_444 = vector.extract %slice3A_443[0] : i32 from vector<1xi32>
      %broadcast_in_dim3A_445 = vector.broadcast %squeeze3A_444 : i32 to vector<16xi32>
      %gather3A_446 = tpu.vector_load_idx %arg10[%broadcast_in_dim3A_439, %iota3A] : memref<94x32xf32, #tpu.memory_space<vmem>>[vector<16xi32>, vector<16xi32>], vector<16xf32>,
      %swap3A_447 = arith.index_cast %add3A_436 : i32 to index
      %swap3A_448 = arith.constant 0 : index
      %swap3A_449 = tpu.vector_load %arg11[%swap3A_447, %swap3A_448] {strides = array<i32>} : memref<512x64xf32, #tpu.memory_space<vmem>>, vector<16xf32>,
      tpu.vector_store %arg11[%swap3A_447, %swap3A_448], %gather3A_446 {strides = array<i32>} : memref<512x64xf32, #tpu.memory_space<vmem>>, vector<16xf32>,
      %gather3A_450 = tpu.vector_load_idx %arg10[%broadcast_in_dim3A_439, %add3A_15] : memref<94x32xf32, #tpu.memory_space<vmem>>[vector<16xi32>, vector<16xi32>], vector<16xf32>,
      %swap3A_451 = arith.index_cast %add3A_436 : i32 to index
      %swap3A_452 = arith.constant 16 : index
      %swap3A_453 = tpu.vector_load %arg11[%swap3A_451, %swap3A_452] {strides = array<i32>} : memref<512x64xf32, #tpu.memory_space<vmem>>, vector<16xf32>,
      tpu.vector_store %arg11[%swap3A_451, %swap3A_452], %gather3A_450 {strides = array<i32>} : memref<512x64xf32, #tpu.memory_space<vmem>>, vector<16xf32>,
      %gather3A_454 = tpu.vector_load_idx %arg10[%broadcast_in_dim3A_442, %iota3A] : memref<94x32xf32, #tpu.memory_space<vmem>>[vector<16xi32>, vector<16xi32>], vector<16xf32>,
      %swap3A_455 = arith.index_cast %add3A_436 : i32 to index
      %swap3A_456 = arith.constant 32 : index
      %swap3A_457 = tpu.vector_load %arg11[%swap3A_455, %swap3A_456] {strides = array<i32>} : memref<512x64xf32, #tpu.memory_space<vmem>>, vector<16xf32>,
      tpu.vector_store %arg11[%swap3A_455, %swap3A_456], %gather3A_454 {strides = array<i32>} : memref<512x64xf32, #tpu.memory_space<vmem>>, vector<16xf32>,
      %gather3A_458 = tpu.vector_load_idx %arg10[%broadcast_in_dim3A_445, %iota3A] : memref<94x32xf32, #tpu.memory_space<vmem>>[vector<16xi32>, vector<16xi32>], vector<16xf32>,
      %swap3A_459 = arith.index_cast %add3A_436 : i32 to index
      %swap3A_460 = arith.constant 48 : index
      %swap3A_461 = tpu.vector_load %arg11[%swap3A_459, %swap3A_460] {strides = array<i32>} : memref<512x64xf32, #tpu.memory_space<vmem>>, vector<16xf32>,
      tpu.vector_store %arg11[%swap3A_459, %swap3A_460], %gather3A_458 {strides = array<i32>} : memref<512x64xf32, #tpu.memory_space<vmem>>, vector<16xf32>,
      %add3A_462 = arith.constant 12 : i32
      %add3A_463 = arith.addi %add3A_131, %add3A_462 : i32
      %slice3A_464 = vector.extract_strided_slice %get3A_132 {offsets = [12], sizes = [1], strides = [1]} : vector<16xi32> to vector<1xi32>
      %squeeze3A_465 = vector.extract %slice3A_464[0] : i32 from vector<1xi32>
      %broadcast_in_dim3A_466 = vector.broadcast %squeeze3A_465 : i32 to vector<16xi32>
      %slice3A_467 = vector.extract_strided_slice %add3A_137 {offsets = [12], sizes = [1], strides = [1]} : vector<16xi32> to vector<1xi32>
      %squeeze3A_468 = vector.extract %slice3A_467[0] : i32 from vector<1xi32>
      %broadcast_in_dim3A_469 = vector.broadcast %squeeze3A_468 : i32 to vector<16xi32>
      %slice3A_470 = vector.extract_strided_slice %add3A_142 {offsets = [12], sizes = [1], strides = [1]} : vector<16xi32> to vector<1xi32>
      %squeeze3A_471 = vector.extract %slice3A_470[0] : i32 from vector<1xi32>
      %broadcast_in_dim3A_472 = vector.broadcast %squeeze3A_471 : i32 to vector<16xi32>
      %gather3A_473 = tpu.vector_load_idx %arg10[%broadcast_in_dim3A_466, %iota3A] : memref<94x32xf32, #tpu.memory_space<vmem>>[vector<16xi32>, vector<16xi32>], vector<16xf32>,
      %swap3A_474 = arith.index_cast %add3A_463 : i32 to index
      %swap3A_475 = arith.constant 0 : index
      %swap3A_476 = tpu.vector_load %arg11[%swap3A_474, %swap3A_475] {strides = array<i32>} : memref<512x64xf32, #tpu.memory_space<vmem>>, vector<16xf32>,
      tpu.vector_store %arg11[%swap3A_474, %swap3A_475], %gather3A_473 {strides = array<i32>} : memref<512x64xf32, #tpu.memory_space<vmem>>, vector<16xf32>,
      %gather3A_477 = tpu.vector_load_idx %arg10[%broadcast_in_dim3A_466, %add3A_15] : memref<94x32xf32, #tpu.memory_space<vmem>>[vector<16xi32>, vector<16xi32>], vector<16xf32>,
      %swap3A_478 = arith.index_cast %add3A_463 : i32 to index
      %swap3A_479 = arith.constant 16 : index
      %swap3A_480 = tpu.vector_load %arg11[%swap3A_478, %swap3A_479] {strides = array<i32>} : memref<512x64xf32, #tpu.memory_space<vmem>>, vector<16xf32>,
      tpu.vector_store %arg11[%swap3A_478, %swap3A_479], %gather3A_477 {strides = array<i32>} : memref<512x64xf32, #tpu.memory_space<vmem>>, vector<16xf32>,
      %gather3A_481 = tpu.vector_load_idx %arg10[%broadcast_in_dim3A_469, %iota3A] : memref<94x32xf32, #tpu.memory_space<vmem>>[vector<16xi32>, vector<16xi32>], vector<16xf32>,
      %swap3A_482 = arith.index_cast %add3A_463 : i32 to index
      %swap3A_483 = arith.constant 32 : index
      %swap3A_484 = tpu.vector_load %arg11[%swap3A_482, %swap3A_483] {strides = array<i32>} : memref<512x64xf32, #tpu.memory_space<vmem>>, vector<16xf32>,
      tpu.vector_store %arg11[%swap3A_482, %swap3A_483], %gather3A_481 {strides = array<i32>} : memref<512x64xf32, #tpu.memory_space<vmem>>, vector<16xf32>,
      %gather3A_485 = tpu.vector_load_idx %arg10[%broadcast_in_dim3A_472, %iota3A] : memref<94x32xf32, #tpu.memory_space<vmem>>[vector<16xi32>, vector<16xi32>], vector<16xf32>,
      %swap3A_486 = arith.index_cast %add3A_463 : i32 to index
      %swap3A_487 = arith.constant 48 : index
      %swap3A_488 = tpu.vector_load %arg11[%swap3A_486, %swap3A_487] {strides = array<i32>} : memref<512x64xf32, #tpu.memory_space<vmem>>, vector<16xf32>,
      tpu.vector_store %arg11[%swap3A_486, %swap3A_487], %gather3A_485 {strides = array<i32>} : memref<512x64xf32, #tpu.memory_space<vmem>>, vector<16xf32>,
      %add3A_489 = arith.constant 13 : i32
      %add3A_490 = arith.addi %add3A_131, %add3A_489 : i32
      %slice3A_491 = vector.extract_strided_slice %get3A_132 {offsets = [13], sizes = [1], strides = [1]} : vector<16xi32> to vector<1xi32>
      %squeeze3A_492 = vector.extract %slice3A_491[0] : i32 from vector<1xi32>
      %broadcast_in_dim3A_493 = vector.broadcast %squeeze3A_492 : i32 to vector<16xi32>
      %slice3A_494 = vector.extract_strided_slice %add3A_137 {offsets = [13], sizes = [1], strides = [1]} : vector<16xi32> to vector<1xi32>
      %squeeze3A_495 = vector.extract %slice3A_494[0] : i32 from vector<1xi32>
      %broadcast_in_dim3A_496 = vector.broadcast %squeeze3A_495 : i32 to vector<16xi32>
      %slice3A_497 = vector.extract_strided_slice %add3A_142 {offsets = [13], sizes = [1], strides = [1]} : vector<16xi32> to vector<1xi32>
      %squeeze3A_498 = vector.extract %slice3A_497[0] : i32 from vector<1xi32>
      %broadcast_in_dim3A_499 = vector.broadcast %squeeze3A_498 : i32 to vector<16xi32>
      %gather3A_500 = tpu.vector_load_idx %arg10[%broadcast_in_dim3A_493, %iota3A] : memref<94x32xf32, #tpu.memory_space<vmem>>[vector<16xi32>, vector<16xi32>], vector<16xf32>,
      %swap3A_501 = arith.index_cast %add3A_490 : i32 to index
      %swap3A_502 = arith.constant 0 : index
      %swap3A_503 = tpu.vector_load %arg11[%swap3A_501, %swap3A_502] {strides = array<i32>} : memref<512x64xf32, #tpu.memory_space<vmem>>, vector<16xf32>,
      tpu.vector_store %arg11[%swap3A_501, %swap3A_502], %gather3A_500 {strides = array<i32>} : memref<512x64xf32, #tpu.memory_space<vmem>>, vector<16xf32>,
      %gather3A_504 = tpu.vector_load_idx %arg10[%broadcast_in_dim3A_493, %add3A_15] : memref<94x32xf32, #tpu.memory_space<vmem>>[vector<16xi32>, vector<16xi32>], vector<16xf32>,
      %swap3A_505 = arith.index_cast %add3A_490 : i32 to index
      %swap3A_506 = arith.constant 16 : index
      %swap3A_507 = tpu.vector_load %arg11[%swap3A_505, %swap3A_506] {strides = array<i32>} : memref<512x64xf32, #tpu.memory_space<vmem>>, vector<16xf32>,
      tpu.vector_store %arg11[%swap3A_505, %swap3A_506], %gather3A_504 {strides = array<i32>} : memref<512x64xf32, #tpu.memory_space<vmem>>, vector<16xf32>,
      %gather3A_508 = tpu.vector_load_idx %arg10[%broadcast_in_dim3A_496, %iota3A] : memref<94x32xf32, #tpu.memory_space<vmem>>[vector<16xi32>, vector<16xi32>], vector<16xf32>,
      %swap3A_509 = arith.index_cast %add3A_490 : i32 to index
      %swap3A_510 = arith.constant 32 : index
      %swap3A_511 = tpu.vector_load %arg11[%swap3A_509, %swap3A_510] {strides = array<i32>} : memref<512x64xf32, #tpu.memory_space<vmem>>, vector<16xf32>,
      tpu.vector_store %arg11[%swap3A_509, %swap3A_510], %gather3A_508 {strides = array<i32>} : memref<512x64xf32, #tpu.memory_space<vmem>>, vector<16xf32>,
      %gather3A_512 = tpu.vector_load_idx %arg10[%broadcast_in_dim3A_499, %iota3A] : memref<94x32xf32, #tpu.memory_space<vmem>>[vector<16xi32>, vector<16xi32>], vector<16xf32>,
      %swap3A_513 = arith.index_cast %add3A_490 : i32 to index
      %swap3A_514 = arith.constant 48 : index
      %swap3A_515 = tpu.vector_load %arg11[%swap3A_513, %swap3A_514] {strides = array<i32>} : memref<512x64xf32, #tpu.memory_space<vmem>>, vector<16xf32>,
      tpu.vector_store %arg11[%swap3A_513, %swap3A_514], %gather3A_512 {strides = array<i32>} : memref<512x64xf32, #tpu.memory_space<vmem>>, vector<16xf32>,
      %add3A_516 = arith.constant 14 : i32
      %add3A_517 = arith.addi %add3A_131, %add3A_516 : i32
      %slice3A_518 = vector.extract_strided_slice %get3A_132 {offsets = [14], sizes = [1], strides = [1]} : vector<16xi32> to vector<1xi32>
      %squeeze3A_519 = vector.extract %slice3A_518[0] : i32 from vector<1xi32>
      %broadcast_in_dim3A_520 = vector.broadcast %squeeze3A_519 : i32 to vector<16xi32>
      %slice3A_521 = vector.extract_strided_slice %add3A_137 {offsets = [14], sizes = [1], strides = [1]} : vector<16xi32> to vector<1xi32>
      %squeeze3A_522 = vector.extract %slice3A_521[0] : i32 from vector<1xi32>
      %broadcast_in_dim3A_523 = vector.broadcast %squeeze3A_522 : i32 to vector<16xi32>
      %slice3A_524 = vector.extract_strided_slice %add3A_142 {offsets = [14], sizes = [1], strides = [1]} : vector<16xi32> to vector<1xi32>
      %squeeze3A_525 = vector.extract %slice3A_524[0] : i32 from vector<1xi32>
      %broadcast_in_dim3A_526 = vector.broadcast %squeeze3A_525 : i32 to vector<16xi32>
      %gather3A_527 = tpu.vector_load_idx %arg10[%broadcast_in_dim3A_520, %iota3A] : memref<94x32xf32, #tpu.memory_space<vmem>>[vector<16xi32>, vector<16xi32>], vector<16xf32>,
      %swap3A_528 = arith.index_cast %add3A_517 : i32 to index
      %swap3A_529 = arith.constant 0 : index
      %swap3A_530 = tpu.vector_load %arg11[%swap3A_528, %swap3A_529] {strides = array<i32>} : memref<512x64xf32, #tpu.memory_space<vmem>>, vector<16xf32>,
      tpu.vector_store %arg11[%swap3A_528, %swap3A_529], %gather3A_527 {strides = array<i32>} : memref<512x64xf32, #tpu.memory_space<vmem>>, vector<16xf32>,
      %gather3A_531 = tpu.vector_load_idx %arg10[%broadcast_in_dim3A_520, %add3A_15] : memref<94x32xf32, #tpu.memory_space<vmem>>[vector<16xi32>, vector<16xi32>], vector<16xf32>,
      %swap3A_532 = arith.index_cast %add3A_517 : i32 to index
      %swap3A_533 = arith.constant 16 : index
      %swap3A_534 = tpu.vector_load %arg11[%swap3A_532, %swap3A_533] {strides = array<i32>} : memref<512x64xf32, #tpu.memory_space<vmem>>, vector<16xf32>,
      tpu.vector_store %arg11[%swap3A_532, %swap3A_533], %gather3A_531 {strides = array<i32>} : memref<512x64xf32, #tpu.memory_space<vmem>>, vector<16xf32>,
      %gather3A_535 = tpu.vector_load_idx %arg10[%broadcast_in_dim3A_523, %iota3A] : memref<94x32xf32, #tpu.memory_space<vmem>>[vector<16xi32>, vector<16xi32>], vector<16xf32>,
      %swap3A_536 = arith.index_cast %add3A_517 : i32 to index
      %swap3A_537 = arith.constant 32 : index
      %swap3A_538 = tpu.vector_load %arg11[%swap3A_536, %swap3A_537] {strides = array<i32>} : memref<512x64xf32, #tpu.memory_space<vmem>>, vector<16xf32>,
      tpu.vector_store %arg11[%swap3A_536, %swap3A_537], %gather3A_535 {strides = array<i32>} : memref<512x64xf32, #tpu.memory_space<vmem>>, vector<16xf32>,
      %gather3A_539 = tpu.vector_load_idx %arg10[%broadcast_in_dim3A_526, %iota3A] : memref<94x32xf32, #tpu.memory_space<vmem>>[vector<16xi32>, vector<16xi32>], vector<16xf32>,
      %swap3A_540 = arith.index_cast %add3A_517 : i32 to index
      %swap3A_541 = arith.constant 48 : index
      %swap3A_542 = tpu.vector_load %arg11[%swap3A_540, %swap3A_541] {strides = array<i32>} : memref<512x64xf32, #tpu.memory_space<vmem>>, vector<16xf32>,
      tpu.vector_store %arg11[%swap3A_540, %swap3A_541], %gather3A_539 {strides = array<i32>} : memref<512x64xf32, #tpu.memory_space<vmem>>, vector<16xf32>,
      %add3A_543 = arith.constant 15 : i32
      %add3A_544 = arith.addi %add3A_131, %add3A_543 : i32
      %slice3A_545 = vector.extract_strided_slice %get3A_132 {offsets = [15], sizes = [1], strides = [1]} : vector<16xi32> to vector<1xi32>
      %squeeze3A_546 = vector.extract %slice3A_545[0] : i32 from vector<1xi32>
      %broadcast_in_dim3A_547 = vector.broadcast %squeeze3A_546 : i32 to vector<16xi32>
      %slice3A_548 = vector.extract_strided_slice %add3A_137 {offsets = [15], sizes = [1], strides = [1]} : vector<16xi32> to vector<1xi32>
      %squeeze3A_549 = vector.extract %slice3A_548[0] : i32 from vector<1xi32>
      %broadcast_in_dim3A_550 = vector.broadcast %squeeze3A_549 : i32 to vector<16xi32>
      %slice3A_551 = vector.extract_strided_slice %add3A_142 {offsets = [15], sizes = [1], strides = [1]} : vector<16xi32> to vector<1xi32>
      %squeeze3A_552 = vector.extract %slice3A_551[0] : i32 from vector<1xi32>
      %broadcast_in_dim3A_553 = vector.broadcast %squeeze3A_552 : i32 to vector<16xi32>
      %gather3A_554 = tpu.vector_load_idx %arg10[%broadcast_in_dim3A_547, %iota3A] : memref<94x32xf32, #tpu.memory_space<vmem>>[vector<16xi32>, vector<16xi32>], vector<16xf32>,
      %swap3A_555 = arith.index_cast %add3A_544 : i32 to index
      %swap3A_556 = arith.constant 0 : index
      %swap3A_557 = tpu.vector_load %arg11[%swap3A_555, %swap3A_556] {strides = array<i32>} : memref<512x64xf32, #tpu.memory_space<vmem>>, vector<16xf32>,
      tpu.vector_store %arg11[%swap3A_555, %swap3A_556], %gather3A_554 {strides = array<i32>} : memref<512x64xf32, #tpu.memory_space<vmem>>, vector<16xf32>,
      %gather3A_558 = tpu.vector_load_idx %arg10[%broadcast_in_dim3A_547, %add3A_15] : memref<94x32xf32, #tpu.memory_space<vmem>>[vector<16xi32>, vector<16xi32>], vector<16xf32>,
      %swap3A_559 = arith.index_cast %add3A_544 : i32 to index
      %swap3A_560 = arith.constant 16 : index
      %swap3A_561 = tpu.vector_load %arg11[%swap3A_559, %swap3A_560] {strides = array<i32>} : memref<512x64xf32, #tpu.memory_space<vmem>>, vector<16xf32>,
      tpu.vector_store %arg11[%swap3A_559, %swap3A_560], %gather3A_558 {strides = array<i32>} : memref<512x64xf32, #tpu.memory_space<vmem>>, vector<16xf32>,
      %gather3A_562 = tpu.vector_load_idx %arg10[%broadcast_in_dim3A_550, %iota3A] : memref<94x32xf32, #tpu.memory_space<vmem>>[vector<16xi32>, vector<16xi32>], vector<16xf32>,
      %swap3A_563 = arith.index_cast %add3A_544 : i32 to index
      %swap3A_564 = arith.constant 32 : index
      %swap3A_565 = tpu.vector_load %arg11[%swap3A_563, %swap3A_564] {strides = array<i32>} : memref<512x64xf32, #tpu.memory_space<vmem>>, vector<16xf32>,
      tpu.vector_store %arg11[%swap3A_563, %swap3A_564], %gather3A_562 {strides = array<i32>} : memref<512x64xf32, #tpu.memory_space<vmem>>, vector<16xf32>,
      %gather3A_566 = tpu.vector_load_idx %arg10[%broadcast_in_dim3A_553, %iota3A] : memref<94x32xf32, #tpu.memory_space<vmem>>[vector<16xi32>, vector<16xi32>], vector<16xf32>,
      %swap3A_567 = arith.index_cast %add3A_544 : i32 to index
      %swap3A_568 = arith.constant 48 : index
      %swap3A_569 = tpu.vector_load %arg11[%swap3A_567, %swap3A_568] {strides = array<i32>} : memref<512x64xf32, #tpu.memory_space<vmem>>, vector<16xf32>,
      tpu.vector_store %arg11[%swap3A_567, %swap3A_568], %gather3A_566 {strides = array<i32>} : memref<512x64xf32, #tpu.memory_space<vmem>>, vector<16xf32>,
    }
    %scan3A_74 = arith.constant 8 : i32
    %add3A_75 = arith.constant 384 : i32
    %add3A_76 = arith.addi %mul3A_2, %add3A_75 : i32
    %dma_start3A_77 = arith.constant 384 : i32
    %dma_start3A_78 = arith.constant 0 : i32
    %dma_start3A_79 = tpu.memref_slice %arg11[%dma_start3A_77, %dma_start3A_78] : memref<512x64xf32, #tpu.memory_space<vmem>> -> memref<128x64xf32, #tpu.memory_space<vmem>>
    %dma_start3A_80 = arith.constant 0 : i32
    %dma_start3A_81 = tpu.memref_slice %arg6[%add3A_76, %dma_start3A_80] : memref<16384x64xf32, #tpu.memory_space<hbm>> -> memref<128x64xf32, #tpu.memory_space<hbm>>
    %dma_start3A_82 = arith.constant 0 : i32
    %dma_start3A_83 = tpu.memref_slice %arg6[%add3A_76, %dma_start3A_82] : memref<16384x64xf32, #tpu.memory_space<hbm>> -> memref<128x64xf32, #tpu.memory_space<hbm>>
    %dma_start3A_84 = arith.constant 384 : i32
    %dma_start3A_85 = arith.constant 0 : i32
    %dma_start3A_86 = tpu.memref_slice %arg11[%dma_start3A_84, %dma_start3A_85] : memref<512x64xf32, #tpu.memory_space<vmem>> -> memref<128x64xf32, #tpu.memory_space<vmem>>
    tpu.enqueue_dma source(%dma_start3A_86 : memref<128x64xf32, #tpu.memory_space<vmem>>) target(%dma_start3A_83 : memref<128x64xf32, #tpu.memory_space<hbm>>) target_semaphore(%arg13 : memref<!tpu.dma_semaphore, #tpu.memory_space<semaphore_mem>>)
    %dma_wait3A_87 = arith.constant 0 : i32
    %dma_wait3A_88 = arith.constant 0 : i32
    %dma_wait3A_89 = tpu.memref_slice %arg11[%dma_wait3A_87, %dma_wait3A_88] : memref<512x64xf32, #tpu.memory_space<vmem>> -> memref<128x64xf32, #tpu.memory_space<vmem>>
    %dma_wait3A_90 = arith.constant 0 : i32
    %dma_wait3A_91 = tpu.memref_slice %arg6[%add3A_22, %dma_wait3A_90] : memref<16384x64xf32, #tpu.memory_space<hbm>> -> memref<128x64xf32, #tpu.memory_space<hbm>>
    %dma_wait3A_92 = arith.constant 0 : i32
    %dma_wait3A_93 = tpu.memref_slice %arg6[%add3A_22, %dma_wait3A_92] : memref<16384x64xf32, #tpu.memory_space<hbm>> -> memref<128x64xf32, #tpu.memory_space<hbm>>
    %dma_wait3A_94 = arith.constant 0 : i32
    %dma_wait3A_95 = arith.constant 0 : i32
    %dma_wait3A_96 = tpu.memref_slice %arg11[%dma_wait3A_94, %dma_wait3A_95] : memref<512x64xf32, #tpu.memory_space<vmem>> -> memref<128x64xf32, #tpu.memory_space<vmem>>
    tpu.wait_dma2 semaphore(%arg13 : memref<!tpu.dma_semaphore, #tpu.memory_space<semaphore_mem>>) src(%dma_wait3A_96 : memref<128x64xf32, #tpu.memory_space<vmem>>) dst(%dma_wait3A_93 : memref<128x64xf32, #tpu.memory_space<hbm>>)
    %dma_wait3A_97 = arith.constant 128 : i32
    %dma_wait3A_98 = arith.constant 0 : i32
    %dma_wait3A_99 = tpu.memref_slice %arg11[%dma_wait3A_97, %dma_wait3A_98] : memref<512x64xf32, #tpu.memory_space<vmem>> -> memref<128x64xf32, #tpu.memory_space<vmem>>
    %dma_wait3A_100 = arith.constant 0 : i32
    %dma_wait3A_101 = tpu.memref_slice %arg6[%add3A_40, %dma_wait3A_100] : memref<16384x64xf32, #tpu.memory_space<hbm>> -> memref<128x64xf32, #tpu.memory_space<hbm>>
    %dma_wait3A_102 = arith.constant 0 : i32
    %dma_wait3A_103 = tpu.memref_slice %arg6[%add3A_40, %dma_wait3A_102] : memref<16384x64xf32, #tpu.memory_space<hbm>> -> memref<128x64xf32, #tpu.memory_space<hbm>>
    %dma_wait3A_104 = arith.constant 128 : i32
    %dma_wait3A_105 = arith.constant 0 : i32
    %dma_wait3A_106 = tpu.memref_slice %arg11[%dma_wait3A_104, %dma_wait3A_105] : memref<512x64xf32, #tpu.memory_space<vmem>> -> memref<128x64xf32, #tpu.memory_space<vmem>>
    tpu.wait_dma2 semaphore(%arg13 : memref<!tpu.dma_semaphore, #tpu.memory_space<semaphore_mem>>) src(%dma_wait3A_106 : memref<128x64xf32, #tpu.memory_space<vmem>>) dst(%dma_wait3A_103 : memref<128x64xf32, #tpu.memory_space<hbm>>)
    %dma_wait3A_107 = arith.constant 256 : i32
    %dma_wait3A_108 = arith.constant 0 : i32
    %dma_wait3A_109 = tpu.memref_slice %arg11[%dma_wait3A_107, %dma_wait3A_108] : memref<512x64xf32, #tpu.memory_space<vmem>> -> memref<128x64xf32, #tpu.memory_space<vmem>>
    %dma_wait3A_110 = arith.constant 0 : i32
    %dma_wait3A_111 = tpu.memref_slice %arg6[%add3A_58, %dma_wait3A_110] : memref<16384x64xf32, #tpu.memory_space<hbm>> -> memref<128x64xf32, #tpu.memory_space<hbm>>
    %dma_wait3A_112 = arith.constant 0 : i32
    %dma_wait3A_113 = tpu.memref_slice %arg6[%add3A_58, %dma_wait3A_112] : memref<16384x64xf32, #tpu.memory_space<hbm>> -> memref<128x64xf32, #tpu.memory_space<hbm>>
    %dma_wait3A_114 = arith.constant 256 : i32
    %dma_wait3A_115 = arith.constant 0 : i32
    %dma_wait3A_116 = tpu.memref_slice %arg11[%dma_wait3A_114, %dma_wait3A_115] : memref<512x64xf32, #tpu.memory_space<vmem>> -> memref<128x64xf32, #tpu.memory_space<vmem>>
    tpu.wait_dma2 semaphore(%arg13 : memref<!tpu.dma_semaphore, #tpu.memory_space<semaphore_mem>>) src(%dma_wait3A_116 : memref<128x64xf32, #tpu.memory_space<vmem>>) dst(%dma_wait3A_113 : memref<128x64xf32, #tpu.memory_space<hbm>>)
    %dma_wait3A_117 = arith.constant 384 : i32
    %dma_wait3A_118 = arith.constant 0 : i32
    %dma_wait3A_119 = tpu.memref_slice %arg11[%dma_wait3A_117, %dma_wait3A_118] : memref<512x64xf32, #tpu.memory_space<vmem>> -> memref<128x64xf32, #tpu.memory_space<vmem>>
    %dma_wait3A_120 = arith.constant 0 : i32
    %dma_wait3A_121 = tpu.memref_slice %arg6[%add3A_76, %dma_wait3A_120] : memref<16384x64xf32, #tpu.memory_space<hbm>> -> memref<128x64xf32, #tpu.memory_space<hbm>>
    %dma_wait3A_122 = arith.constant 0 : i32
    %dma_wait3A_123 = tpu.memref_slice %arg6[%add3A_76, %dma_wait3A_122] : memref<16384x64xf32, #tpu.memory_space<hbm>> -> memref<128x64xf32, #tpu.memory_space<hbm>>
    %dma_wait3A_124 = arith.constant 384 : i32
    %dma_wait3A_125 = arith.constant 0 : i32
    %dma_wait3A_126 = tpu.memref_slice %arg11[%dma_wait3A_124, %dma_wait3A_125] : memref<512x64xf32, #tpu.memory_space<vmem>> -> memref<128x64xf32, #tpu.memory_space<vmem>>
    tpu.wait_dma2 semaphore(%arg13 : memref<!tpu.dma_semaphore, #tpu.memory_space<semaphore_mem>>) src(%dma_wait3A_126 : memref<128x64xf32, #tpu.memory_space<vmem>>) dst(%dma_wait3A_123 : memref<128x64xf32, #tpu.memory_space<hbm>>)
    return
  }
}

module attributes {stable_mosaic.version = 14 : i64} {
  func.func @_tc_body(%arg0: i32, %arg1: memref<8192x64xf32, #tpu.memory_space<vmem>>, %arg2: memref<1x1x8192xf32, #tpu.memory_space<vmem>>, %arg3: memref<10x8192xf32, #tpu.memory_space<vmem>>, %arg4: memref<16x1xf32, #tpu.memory_space<vmem>>, %arg5: memref<1x16xf32, #tpu.memory_space<vmem>>, %arg6: memref<32x10xf32, #tpu.memory_space<vmem>>, %arg7: memref<1x32xf32, #tpu.memory_space<vmem>>, %arg8: memref<128x112xf32, #tpu.memory_space<vmem>>, %arg9: memref<1x128xf32, #tpu.memory_space<vmem>>, %arg10: memref<8192x128xf32, #tpu.memory_space<vmem>>) attributes {dimension_semantics = [#tpu.dimension_semantics<arbitrary>], iteration_bounds = array<i64: 2>, scalar_prefetch = 0 : i64, scratch_operands = 0 : i64, tpu.core_type = #tpu.core_type<tc>, window_params = [{transform_indices = @transform_0, window_bounds = array<i64: 8192, 64>}, {transform_indices = @transform_1, window_bounds = array<i64: 1, 1, 8192>}, {transform_indices = @transform_2, window_bounds = array<i64: 10, 8192>}, {pipeline_mode = #tpu.pipeline_mode<synchronous>, transform_indices = @transform_3, window_bounds = array<i64: 16, 1>}, {pipeline_mode = #tpu.pipeline_mode<synchronous>, transform_indices = @transform_4, window_bounds = array<i64: 1, 16>}, {pipeline_mode = #tpu.pipeline_mode<synchronous>, transform_indices = @transform_5, window_bounds = array<i64: 32, 10>}, {pipeline_mode = #tpu.pipeline_mode<synchronous>, transform_indices = @transform_6, window_bounds = array<i64: 1, 32>}, {pipeline_mode = #tpu.pipeline_mode<synchronous>, transform_indices = @transform_7, window_bounds = array<i64: 128, 112>}, {pipeline_mode = #tpu.pipeline_mode<synchronous>, transform_indices = @transform_8, window_bounds = array<i64: 1, 128>}, {transform_indices = @transform_9, window_bounds = array<i64: 8192, 128>}]} {
    %get3A = arith.constant 0 : index
    %get3A_0 = arith.constant 0 : index
    %get3A_1 = vector.load %arg8[%get3A, %get3A_0] : memref<128x112xf32, #tpu.memory_space<vmem>>, vector<128x112xf32>
    %slice3A = vector.extract_strided_slice %get3A_1 {offsets = [0, 0], sizes = [128, 64], strides = [1, 1]} : vector<128x112xf32> to vector<128x64xf32>
    %slice3A_2 = vector.extract_strided_slice %get3A_1 {offsets = [0, 64], sizes = [128, 16], strides = [1, 1]} : vector<128x112xf32> to vector<128x16xf32>
    %slice3A_3 = vector.extract_strided_slice %get3A_1 {offsets = [0, 80], sizes = [128, 32], strides = [1, 1]} : vector<128x112xf32> to vector<128x32xf32>
    %get3A_4 = arith.constant 0 : index
    %get3A_5 = arith.constant 0 : index
    %get3A_6 = vector.load %arg4[%get3A_4, %get3A_5] : memref<16x1xf32, #tpu.memory_space<vmem>>, vector<16x1xf32>
    %transpose3A = tpu.transpose %get3A_6, [1, 0] : vector<16x1xf32> -> vector<1x16xf32>
    %transpose3A_7 = tpu.transpose %slice3A_2, [1, 0] : vector<128x16xf32> -> vector<16x128xf32>
    %dot_general3A = arith.constant dense<0.000000e+00> : vector<1x128xf32>
    %dot_general3A_8 = tpu.matmul %transpose3A, %transpose3A_7, %dot_general3A {dimension_numbers = #tpu.dot_dimension_numbers<[1], [0], [0], [1], [0, 0, 1, 1], [], []>, transpose_lhs_hint = false} : vector<1x16xf32>, vector<16x128xf32>, vector<1x128xf32> -> vector<1x128xf32>
    %get3A_9 = arith.constant 0 : index
    %get3A_10 = arith.constant 0 : index
    %get3A_11 = vector.load %arg6[%get3A_9, %get3A_10] : memref<32x10xf32, #tpu.memory_space<vmem>>, vector<32x10xf32>
    %transpose3A_12 = tpu.transpose %get3A_11, [1, 0] : vector<32x10xf32> -> vector<10x32xf32>
    %transpose3A_13 = tpu.transpose %slice3A_3, [1, 0] : vector<128x32xf32> -> vector<32x128xf32>
    %dot_general3A_14 = arith.constant dense<0.000000e+00> : vector<10x128xf32>
    %dot_general3A_15 = tpu.matmul %transpose3A_12, %transpose3A_13, %dot_general3A_14 {dimension_numbers = #tpu.dot_dimension_numbers<[1], [0], [0], [1], [0, 0, 1, 1], [], []>, transpose_lhs_hint = false} : vector<10x32xf32>, vector<32x128xf32>, vector<10x128xf32> -> vector<10x128xf32>
    %get3A_16 = arith.constant 0 : index
    %get3A_17 = arith.constant 0 : index
    %get3A_18 = vector.load %arg9[%get3A_16, %get3A_17] : memref<1x128xf32, #tpu.memory_space<vmem>>, vector<1x128xf32>
    %get3A_19 = arith.constant 0 : index
    %get3A_20 = arith.constant 0 : index
    %get3A_21 = vector.load %arg5[%get3A_19, %get3A_20] : memref<1x16xf32, #tpu.memory_space<vmem>>, vector<1x16xf32>
    %transpose3A_22 = tpu.transpose %slice3A_2, [1, 0] : vector<128x16xf32> -> vector<16x128xf32>
    %dot_general3A_23 = arith.constant dense<0.000000e+00> : vector<1x128xf32>
    %dot_general3A_24 = tpu.matmul %get3A_21, %transpose3A_22, %dot_general3A_23 {dimension_numbers = #tpu.dot_dimension_numbers<[1], [0], [0], [1], [0, 0, 1, 1], [], []>, transpose_lhs_hint = false} : vector<1x16xf32>, vector<16x128xf32>, vector<1x128xf32> -> vector<1x128xf32>
    %add3A = arith.addf %get3A_18, %dot_general3A_24 : vector<1x128xf32>
    %get3A_25 = arith.constant 0 : index
    %get3A_26 = arith.constant 0 : index
    %get3A_27 = vector.load %arg7[%get3A_25, %get3A_26] : memref<1x32xf32, #tpu.memory_space<vmem>>, vector<1x32xf32>
    %transpose3A_28 = tpu.transpose %slice3A_3, [1, 0] : vector<128x32xf32> -> vector<32x128xf32>
    %dot_general3A_29 = arith.constant dense<0.000000e+00> : vector<1x128xf32>
    %dot_general3A_30 = tpu.matmul %get3A_27, %transpose3A_28, %dot_general3A_29 {dimension_numbers = #tpu.dot_dimension_numbers<[1], [0], [0], [1], [0, 0, 1, 1], [], []>, transpose_lhs_hint = false} : vector<1x32xf32>, vector<32x128xf32>, vector<1x128xf32> -> vector<1x128xf32>
    %add3A_31 = arith.addf %add3A, %dot_general3A_30 : vector<1x128xf32>
    %get3A_32 = arith.constant 0 : index
    %get3A_33 = arith.constant 0 : index
    %get3A_34 = vector.load %arg1[%get3A_32, %get3A_33] : memref<8192x64xf32, #tpu.memory_space<vmem>>, vector<8192x64xf32>
    %transpose3A_35 = tpu.transpose %slice3A, [1, 0] : vector<128x64xf32> -> vector<64x128xf32>
    %dot_general3A_36 = arith.constant dense<0.000000e+00> : vector<8192x128xf32>
    %dot_general3A_37 = tpu.matmul %get3A_34, %transpose3A_35, %dot_general3A_36 {dimension_numbers = #tpu.dot_dimension_numbers<[1], [0], [0], [1], [0, 0, 1, 1], [], []>, transpose_lhs_hint = false} : vector<8192x64xf32>, vector<64x128xf32>, vector<8192x128xf32> -> vector<8192x128xf32>
    %get3A_38 = arith.constant 0 : index
    %get3A_39 = arith.constant 0 : index
    %get3A_40 = vector.load %arg3[%get3A_38, %get3A_39] : memref<10x8192xf32, #tpu.memory_space<vmem>>, vector<10x8192xf32>
    %dot_general3A_41 = arith.constant dense<0.000000e+00> : vector<8192x128xf32>
    %dot_general3A_42 = tpu.matmul %get3A_40, %dot_general3A_15, %dot_general3A_41 {dimension_numbers = #tpu.dot_dimension_numbers<[0], [0], [1], [1], [0, 1, 1, 1], [], []>, transpose_lhs_hint = false} : vector<10x8192xf32>, vector<10x128xf32>, vector<8192x128xf32> -> vector<8192x128xf32>
    %add3A_43 = arith.addf %dot_general3A_37, %dot_general3A_42 : vector<8192x128xf32>
    %get3A_44 = arith.constant 0 : index
    %get3A_45 = arith.constant 0 : index
    %get3A_46 = arith.constant 0 : index
    %get3A_47 = vector.load %arg2[%get3A_44, %get3A_45, %get3A_46] : memref<1x1x8192xf32, #tpu.memory_space<vmem>>, vector<1x1x8192xf32>
    %get3A_48 = vector.shape_cast %get3A_47 : vector<1x1x8192xf32> to vector<8192xf32>
    %broadcast_in_dim3A = vector.shape_cast %get3A_48 : vector<8192xf32> to vector<8192x1xf32>
    %mul3A = vector.broadcast %broadcast_in_dim3A : vector<8192x1xf32> to vector<8192x128xf32>
    %mul3A_49 = vector.broadcast %dot_general3A_8 : vector<1x128xf32> to vector<8192x128xf32>
    %mul3A_50 = arith.mulf %mul3A, %mul3A_49 : vector<8192x128xf32>
    %add3A_51 = arith.addf %add3A_43, %mul3A_50 : vector<8192x128xf32>
    %add3A_52 = vector.broadcast %add3A_31 : vector<1x128xf32> to vector<8192x128xf32>
    %add3A_53 = arith.addf %add3A_51, %add3A_52 : vector<8192x128xf32>
    %swap3A = arith.constant 0 : index
    %swap3A_54 = arith.constant 0 : index
    %swap3A_55 = vector.load %arg10[%swap3A, %swap3A_54] : memref<8192x128xf32, #tpu.memory_space<vmem>>, vector<8192x128xf32>
    tpu.vector_store %arg10[%swap3A, %swap3A_54], %add3A_53 {strides = array<i32>} : memref<8192x128xf32, #tpu.memory_space<vmem>>, vector<8192x128xf32>,
    return
  }
  func.func @transform_0(%arg0: i32) -> (i32, i32) {
    %c0_i32 = arith.constant 0 : i32
    %c0_i32_0 = arith.constant 0 : i32
    return %arg0, %c0_i32 : i32, i32
  }
  func.func @transform_1(%arg0: i32) -> (i32, i32, i32) {
    %c0_i32 = arith.constant 0 : i32
    %c0_i32_0 = arith.constant 0 : i32
    %c0_i32_1 = arith.constant 0 : i32
    return %arg0, %c0_i32, %c0_i32_0 : i32, i32, i32
  }
  func.func @transform_2(%arg0: i32) -> (i32, i32) {
    %c0_i32 = arith.constant 0 : i32
    %c0_i32_0 = arith.constant 0 : i32
    return %c0_i32, %arg0 : i32, i32
  }
  func.func @transform_3(%arg0: i32) -> (i32, i32) {
    %c0_i32 = arith.constant 0 : i32
    %c0_i32_0 = arith.constant 0 : i32
    %c0_i32_1 = arith.constant 0 : i32
    return %c0_i32, %c0_i32_0 : i32, i32
  }
  func.func @transform_4(%arg0: i32) -> (i32, i32) {
    %c0_i32 = arith.constant 0 : i32
    %c0_i32_0 = arith.constant 0 : i32
    %c0_i32_1 = arith.constant 0 : i32
    return %c0_i32, %c0_i32_0 : i32, i32
  }
  func.func @transform_5(%arg0: i32) -> (i32, i32) {
    %c0_i32 = arith.constant 0 : i32
    %c0_i32_0 = arith.constant 0 : i32
    %c0_i32_1 = arith.constant 0 : i32
    return %c0_i32, %c0_i32_0 : i32, i32
  }
  func.func @transform_6(%arg0: i32) -> (i32, i32) {
    %c0_i32 = arith.constant 0 : i32
    %c0_i32_0 = arith.constant 0 : i32
    %c0_i32_1 = arith.constant 0 : i32
    return %c0_i32, %c0_i32_0 : i32, i32
  }
  func.func @transform_7(%arg0: i32) -> (i32, i32) {
    %c0_i32 = arith.constant 0 : i32
    %c0_i32_0 = arith.constant 0 : i32
    %c0_i32_1 = arith.constant 0 : i32
    return %c0_i32, %c0_i32_0 : i32, i32
  }
  func.func @transform_8(%arg0: i32) -> (i32, i32) {
    %c0_i32 = arith.constant 0 : i32
    %c0_i32_0 = arith.constant 0 : i32
    %c0_i32_1 = arith.constant 0 : i32
    return %c0_i32, %c0_i32_0 : i32, i32
  }
  func.func @transform_9(%arg0: i32) -> (i32, i32) {
    %c0_i32 = arith.constant 0 : i32
    %c0_i32_0 = arith.constant 0 : i32
    return %arg0, %c0_i32 : i32, i32
  }
}

</mosaic_0001>

<sc_bundles>
// kernel: kernel.4.cloned.1.call-start
scs
__scs_entry_jumppad:
0x0: {  	(pc) =	sbr.rel $0x88, $3  }
0x1: {  	(tag) =	ssettag $0x0;
	lr =	simm.s32 $0x1  }
0x2: {  	[smem:$0x3F93] =	sst lr;
	_ =	strace $0xD0000000  }
0x3: {  	_ = 	snop  }
0x4: {  	_ = 	snop  }
0x5: {  	_ = 	snop  }
0x6: {  	_ = 	snop  }
0x7: {  	_ = 	snop  }
__scs_overlays_trampoline_lowered:
0x8: {  	[smem:$0x3FA2] =	sst s0  }
0x9: {  	[smem:$0x3FA3] =	sst s1  }
0xa: {  	[smem:$0x3FA4] =	sst s2  }
0xb: {  	[smem:$0x3FA5] =	sst s3  }
0xc: {  	[smem:$0x3FA6] =	sst s4  }
0xd: {  	[smem:$0x3FA7] =	sst s5  }
0xe: {  	[smem:$0x3FA8] =	sst s6  }
0xf: {  	[smem:$0x3FA9] =	sst s7  }
0x10: {  	[smem:$0x3FAA] =	sst s8  }
0x11: {  	[smem:$0x3FAB] =	sst s9;
	s0 =	simm.s32 @!p0 $0x0  }
0x12: {  	s1 =	sld [smem:$0x3F91];
	s0 =	simm.s32 @p0 $0x1  }
0x13: {  	[smem:$0x3FAC] =	sst s0;
	s0 =	simm.s32 @!p1 $0x0  }
0x14: {  	s2 =	sld [smem:$0x3F90];
	s0 =	simm.s32 @p1 $0x1  }
0x15: {  	[smem:$0x3FAD] =	sst s0;
	s0 =	simm.s32 @!p2 $0x0  }
0x16: {  	s3 =	sld [smem:$0x3FDB];
	s0 =	simm.s32 @p2 $0x1  }
0x17: {  	s4 =	simm.s32 $0x1BF5;
	[smem:$0x3FAF] =	sst s0  }
0x18: {  	s0 =	sld [smem:$0x3F92];
	_ =	swait.ge [sflag:s4], $0x0  }
0x19: {  	s7 =	sld [smem:$0x3F93]  }
0x1a: {  	s8 =	sadd.s32 $0xFFFFE003, lr  }
0x1b: {  	s9 =	sadd.s32 $0xFFFFFEF7, lr;
	s5 =	simm.s32 $0xFFFFFFFF;
	p2 =	slt.u32 s8, $0xFFFFF086  }
0x1c: {  	p1 =	slt.u32 s9, $0xF7A;
	s5 =	simm.s32 @!p2 $0x0  }
0x1d: {  	s5 =	simm.s32 @p1 $0x1;
	p0 =	seq.s32 s7, s2  }
0x1e: {  	s7 =	smul.u32 @!p0 $0xF7A, s2;
	p2 =	seq.s32 @!p0 s5, $0x0  }
0x1f: {  	s9 =	smul.u32 $0xF7A, s1;
	s8 =	simm.s32 @!p0 $0x1BF5;
	p2 =	por !p2, p0  }
0x20: {  	[sflag:s8] =	ssyncset.s32 @!p0 $0xFFFFF086;
	s6 =	sadd.s32 @!p0 s3, s7;
	s7 =	simm.s32 @!p0 $0x108  }
0x21: {  	s3 =	sadd.s32 s3, s9;
	s6 =	sadd.s32 @!p0 $0x88, s6;
	s7 =	simm.s32 @p2 $0x1082  }
0x22: {  	[simem:s7], [sflag:s8] =	dma.local @!p0 [hbm:s6], $0xF7A  }
0x23: {  	s9 =	sor.u32 $0xD0000000, s2;
	s6 =	simm.s32 $0x108;
	_ =	swait.ge @!p0 [sflag:s8], $0x0  }
0x24: {  	s3 =	sadd.s32 $0x88, s3;
	s6 =	simm.s32 @!p1 $0x1082;
	[sflag:s4] =	ssyncset.s32 $0xFFFFF086  }
0x25: {  	[simem:s6], [sflag:s4] =	dma.local [hbm:s3], $0xF7A  }
0x26: {  	[smem:$0x3F93] =	sst s1;
	(tag) =	ssettag s2;
	_ =	strace s9  }
0x27: {  	s1 =	sld [smem:$0x3FA3]  }
0x28: {  	s2 =	sld [smem:$0x3FA4]  }
0x29: {  	s4 =	sld [smem:$0x3FA6]  }
0x2a: {  	p0 =	seq.s32 s5, $0x0;
	s5 =	sld [smem:$0x3FA7]  }
0x2b: {  	s6 =	sld [smem:$0x3FA8]  }
0x2c: {  	s7 =	sld [smem:$0x3FA9]  }
0x2d: {  	s3 =	simm.s32 $0x108;
	s8 =	sld [smem:$0x3FAA]  }
0x2e: {  	s3 =	simm.s32 @!p0 $0x1082;
	s9 =	sld [smem:$0x3FAB]  }
0x2f: {  	lr =	sadd.s32 s0, s3;
	s0 =	sld [smem:$0x3FA2]  }
0x30: {  	s3 =	sld [smem:$0x3FA5]  }
0x31: {  	[smem:$0x3FAE] =	sst s10  }
0x32: {  	s10 =	sld [smem:$0x3FAC];
	_ =	sdelay $0x3  }
0x33: {  	p0 =	seq.s32 s10, $0x1;
	s10 =	sld [smem:$0x3FAE];
	_ =	sdelay $0x3  }
0x34: {  	[smem:$0x3FAE] =	sst s10  }
0x35: {  	s10 =	sld [smem:$0x3FAD];
	_ =	sdelay $0x3  }
0x36: {  	p1 =	seq.s32 s10, $0x1;
	s10 =	sld [smem:$0x3FAE];
	_ =	sdelay $0x3  }
0x37: {  	[smem:$0x3FAE] =	sst s10  }
0x38: {  	s10 =	sld [smem:$0x3FAF]  }
0x39: {  	_ = 	snop;
	(pc) =	sbr.ind lr, $3  }
0x3a: {  	_ = 	snop  }
0x3b: {  	_ = 	snop  }
0x3c: {  	p2 =	seq.s32 s10, $0x1;
	s10 =	sld [smem:$0x3FAE]  }
0x3d: {  	_ =	shalt  }
0x3e: {  	_ =	shalt  }
0x3f: {  	_ =	shalt  }
0x40: {  	_ =	shalt  }
0x41: {  	_ =	shalt  }
0x42: {  	_ =	shalt  }
0x43: {  	_ =	shalt  }
0x44: {  	_ =	shalt  }
0x45: {  	_ =	shalt  }
0x46: {  	_ =	shalt  }
0x47: {  	_ =	shalt  }
0x48: {  	_ =	shalt  }
0x49: {  	_ =	shalt  }
0x4a: {  	_ =	shalt  }
0x4b: {  	_ =	shalt  }
0x4c: {  	_ =	shalt  }
0x4d: {  	_ =	shalt  }
0x4e: {  	_ =	shalt  }
0x4f: {  	_ =	shalt  }
0x50: {  	_ =	shalt  }
0x51: {  	_ =	shalt  }
0x52: {  	_ =	shalt  }
0x53: {  	_ =	shalt  }
0x54: {  	_ =	shalt  }
0x55: {  	_ =	shalt  }
0x56: {  	_ =	shalt  }
0x57: {  	_ =	shalt  }
0x58: {  	_ =	shalt  }
0x59: {  	_ =	shalt  }
0x5a: {  	_ =	shalt  }
0x5b: {  	_ =	shalt  }
0x5c: {  	_ =	shalt  }
0x5d: {  	_ =	shalt  }
0x5e: {  	_ =	shalt  }
0x5f: {  	_ =	shalt  }
0x60: {  	_ =	shalt  }
0x61: {  	_ =	shalt  }
0x62: {  	_ =	shalt  }
0x63: {  	_ =	shalt  }
0x64: {  	_ =	shalt  }
0x65: {  	_ =	shalt  }
0x66: {  	_ =	shalt  }
0x67: {  	_ =	shalt  }
0x68: {  	_ =	shalt  }
0x69: {  	_ =	shalt  }
0x6a: {  	_ =	shalt  }
0x6b: {  	_ =	shalt  }
0x6c: {  	_ =	shalt  }
0x6d: {  	_ =	shalt  }
0x6e: {  	_ =	shalt  }
0x6f: {  	_ =	shalt  }
0x70: {  	_ =	shalt  }
0x71: {  	_ =	shalt  }
0x72: {  	_ =	shalt  }
0x73: {  	_ =	shalt  }
0x74: {  	_ =	shalt  }
0x75: {  	_ =	shalt  }
0x76: {  	_ =	shalt  }
0x77: {  	_ =	shalt  }
0x78: {  	_ =	shalt  }
0x79: {  	_ =	shalt  }
0x7a: {  	_ =	shalt  }
0x7b: {  	_ =	shalt  }
0x7c: {  	_ =	shalt  }
0x7d: {  	_ =	shalt  }
0x7e: {  	_ =	shalt  }
0x7f: {  	_ =	shalt  }
0x80: {  	_ =	shalt  }
0x81: {  	_ =	shalt  }
0x82: {  	_ =	shalt  }
0x83: {  	_ =	shalt  }
0x84: {  	_ =	shalt  }
0x85: {  	_ =	shalt  }
0x86: {  	_ =	shalt  }
0x87: {  	_ =	shalt  }
.Lfunc_end0:
.L_simem_size_0:
called_computation_lowered:
.L_overlay_start_0:
0x88: {  	s2 =	sld [smem:$0x3FD9]  }
0x89: {  	s3 =	sld [smem:$0x3FFE];
	_ =	sdelay $0x1  }
0x8a: {  	s1 =	srdreg.scid  }
0x8b: {  	s0 =	sand.u32 $0x1, s1  }
0x8c: {  	s17 =	sshll.u32 s0, $0xA;
	s2 =	sadd.s32 s3, s2  }
0x8d: {  	s2 =	sadd.s32 s2, s17  }
0x8e: {  	[smem:$0x3FBA] =	sst s2  }
0x8f: {  	_ = 	snop  }
0x90: {  	s2 =	sld [smem:$0x3FC9]  }
0x91: {  	s18 =	sld [smem:$0x3FC8]  }
0x92: {  	s4 =	sld [smem:$0x3FC7]  }
0x93: {  	s5 =	sld [smem:$0x3FD0];
	(tm) =	ssettm $0x1  }
0x94: {  	s6 =	sld [smem:$0x3FFB];
	_ =	sdelay $0x3  }
0x95: {  	_ =	strace s6  }
0x96: {  	s6 =	sld [smem:$0x3FFC];
	_ =	sdelay $0x3  }
0x97: {  	_ =	strace s6  }
0x98: {  	s6 =	sld [smem:$0x3FFD];
	_ =	sdelay $0x3  }
0x99: {  	_ =	strace s6  }
0x9a: {  	_ =	strace $0x8FFFFFFF  }
0x9b: {  	s19 =	sld [smem:$0x3FDB];
	_ =	sdelay $0x1  }
0x9c: {  	s7 =	simm.s32 $_scs_section_size  }
0x9d: {  	s8 =	simm.s32 $_size__tile_overlayer_lowered;
	s9 =	simm.s32 $_tile_overlayer_lowered  }
0x9e: {  	s22 =	simm.s32 $0x1BFF;
	s21 =	sshll.u32 s9, $0x1;
	s6 =	sadd.s32 s7, s19  }
0x9f: {  	s10 =	simm.s32 $0x0;
	s20 =	sshll.u32 s8, $0x1;
	s8 =	sadd.s32 s21, s6  }
0xa0: {  	[timem:s10], [sflag:s22] =	dma.local [hbm:s8], s20  }
0xa1: {  	_ =	swait.ge [sflag:s22], s20  }
0xa2: {  	s7 =	ssub.s32 $0x0, s20;
	[sflag:s22] =	ssyncset.done $0x0  }
0xa3: {  	[sflag:s22] =	ssyncadd.s32 s7;
	_ =	sdelay $0x1  }
0xa4: {  	s23 =	simm.s32 $0x1B8B  }
0xa5: {  	_ =	swait.ge [sflag:s23], $0x1  }
0xa6: {  	[sflag:s23] =	ssyncset.done $0x0  }
0xa7: {  	s25 =	simm.s32 $0x1B8E;
	s24 =	sld [smem:$0x3FFE];
	[sflag:s23] =	ssyncadd.s32 $0xFFFFFFFF  }
0xa8: {  	s26 =	simm.s32 $execute0_lowered;
	[smem:$0x3FD2] =	sst s25  }
0xa9: {  	s8 =	sshll.u32 s26, $0x1;
	_ =	strace $0x80000046;
	[dreg:$0x1] =	wrdreg $0xFFFFFFFF  }
0xaa: {  	s28 =	simm.s32 $_size_execute0_lowered;
	s6 =	sadd.s32 s6, s8;
	[dreg:$0x0] =	wrdreg $0x0  }
0xab: {  	s8 =	sshll.u32 s28, $0x1;
	[dreg:$0x2] =	wrdreg s6  }
0xac: {  	[dreg:$0x3] =	wrdreg s8  }
0xad: {  	[dreg:$0x4] =	wrdreg $0xC0  }
0xae: {  	_ =	task [dreg:s10], $0x5FFFF  }
0xaf: {  	[dreg:$0x1] =	wrdreg $0xFFFFFFFF  }
0xb0: {  	[dreg:$0x0] =	wrdreg $0x60  }
0xb1: {  	[dreg:$0x2] =	wrdreg s2  }
0xb2: {  	[dreg:$0x3] =	wrdreg s18  }
0xb3: {  	[dreg:$0x4] =	wrdreg s4  }
0xb4: {  	[dreg:$0x5] =	wrdreg s24  }
0xb5: {  	[dreg:$0x6] =	wrdreg s5  }
0xb6: {  	[dreg:$0x7] =	wrdreg $0x9  }
0xb7: {  	_ =	task.clear_ibuf [dreg:s10], $0x8FFFF;
	_ =	strace $0x90000046  }
0xb8: {  	s29 =	simm.s32 $0x9;
	_ =	strace $0x80000048  }
0xb9: {  	_ =	swait.ge [sflag:s29], $0x1  }
0xba: {  	[sflag:s29] =	ssyncadd.s32 $0xFFFFFFFF  }
0xbb: {  	_ =	strace $0x90000048  }
0xbc: {  	_ =	sfence  }
0xbd: {  	s30 =	sld [smem:$0x0];
	_ =	sdelay $0x2  }
0xbe: {  	s31 =	sshll.u32 s1, $0xD;
	s1 =	sshrl.u32 s1, $0x2  }
0xbf: {  	s3 =	sand.u32 $0x4000, s31;
	s1 =	sadd.s32 s1, s30  }
0xc0: {  	s0 =	sor.u32 s3, s0;
	s1 =	sshll.u32 s1, $0x11  }
0xc1: {  	s0 =	sor.u32 s1, s0  }
0xc2: {  	s0 =	sadd.s32 $0x8F2B, s0  }
0xc3: {  	[sflag:s0] =	ssyncadd.remote.s32 $0x1  }
0xc4: {  	_ =	sfence.sel $0xFFFF  }
0xc5: {  	[dreg:$0x0] =	wrdreg $0xFFFFFFFF;
	(pc) =	sbr.abs _section_cstart, $3  }
0xc6: {  	[dreg:$0x1] =	wrdreg $0xFFFFFFFF  }
0xc7: {  	_ =	task.clear_ibuf [dreg:s10], $0x2FFFF;
	_ =	strace $0x9FFFFFFF  }
0xc8: {  	(tm) =	ssettm $0x7FFFFFFF  }
0xc9: {  	_ =	shalt  }
tec
execute0_lowered:
.L_overlay_start_1:
0x0: {  	(tag) =	ssettag $0x1  }
0x1: {  	s4 =	rddreg [dreg:$0x0]  }
0x2: {  	s5 =	rddreg [dreg:$0x1]  }
0x3: {  	s7 =	rddreg [dreg:$0x2]  }
0x4: {  	s3 =	rddreg [dreg:$0x3]  }
0x5: {  	s6 =	rddreg [dreg:$0x4]  }
0x6: {  	s0 =	rddreg [dreg:$0x5];
	vm0 =	vcmask $0x300;
	v15 =	vimm.s32 $0x0;
	vm1 =	vcmask $0x704  }
0x7: {  	s1 =	simm.s32 $0x0;
	s8 =	srdreg.scid;
	vm14 =	vcmask $0xB08;
	s2 =	stileid.u32;
	vm15 =	vcmask $0xF0C;
	vm4 =	vcmask $0x1310  }
0x8: {  	vm5 =	vcmask $0x1714;
	vm6 =	vcmask $0x1B18;
	vm7 =	vcmask $0x1F1C;
	s12 =	simm.s32 $0x200;
	s13 =	simm.s32 $0x400;
	s14 =	simm.s32 $0x600  }
0x9: {  	vm8 =	vcmask $0x2320;
	vm9 =	vcmask $0x2724;
	vm10 =	vcmask $0x2B28;
	s15 =	simm.s32 $0x1;
	s16 =	simm.s32 $0x3600;
	s17 =	simm.s32 $0x7600  }
0xa: {  	vm11 =	vcmask $0x2F2C;
	vm12 =	vcmask $0x3330;
	vm13 =	vcmask $0x3734;
	s18 =	simm.s32 $0xB600;
	s19 =	simm.s32 $0xF600;
	s20 =	simm.s32 $0x2  }
0xb: {  	v12 =	vlaneseq.u32;
	v17 =	vimm.s32 $0x7;
	s21 =	simm.s32 $0x0;
	[smem:$0x7FF] =	sst s1;
	v0 =	vsel vm0, $0x7, v15;
	s8 =	sand.u32 $0x1, s8  }
0xc: {  	v1 =	vsel vm1, $0x7, v15;
	v2 =	vsel vm14, $0x7, v15;
	s10 =	sshll.u32 s2, $0xA;
	v3 =	vsel vm15, $0x7, v15;
	s9 =	ssub.s32 $0x2, s8;
	s8 =	sshll.u32 s8, $0x9  }
0xd: {  	v4 =	vsel vm4, $0x7, v15;
	s3 =	sadd.s32 $0x1600, s3;
	v5 =	vsel vm5, $0x7, v15;
	v6 =	vsel vm6, $0x7, v15;
	s11 =	sshrl.u32 s9, $0x1;
	s8 =	sor.u32 s8, s10  }
0xe: {  	v7 =	vsel vm7, $0x7, v15;
	v8 =	vsel vm8, $0x7, v15;
	v9 =	vsel vm9, $0x7, v15;
	_ =	strace $0x80000047;
	s11 =	ssub.s32 s9, s11;
	s31 =	sshrl.u32 s8, $0x3  }
0xf: {  	v10 =	vsel vm10, $0x7, v15;
	v11 =	vsel vm11, $0x7, v15;
	v13 =	vsel vm12, $0x7, v15;
	s8 =	sshll.u32 s8, $0x4;
	s4 =	sadd.s32 s4, s31;
	s5 =	sadd.s32 s5, s31  }
0x10: {  	v14 =	vsel vm13, $0x7, v15;
	vm14 =	vcmask $0x3B38;
	vm15 =	vcmask $0x3B00;
	s6 =	sadd.s32 s6, s8;
	s7 =	sadd.s32 s7, s31;
	s11 =	smax.u32 s11, $0x1  }
0x11: {  	v16 =	vor.u32 $0x10, v12;
	v15 =	vsel vm14, $0x7, v15;
	v17 =	vsel vm15, $0x0, v17;
	s8 =	sadd.s32 $0x800, s6;
	s9 =	sadd.s32 $0x1000, s6;
	s10 =	sadd.s32 $0x1800, s6  }
.LBB2_1:
0x12: {  	[tilespmem:s1], [sflag:$0x1] =	stream.linear.gather [hbm4b:s4+s1], $0x200, $0x38;
	[tilespmem:$0x13600] =	vst v63  }
0x13: {  	_ = 	snop  }
0x14: {  	[tilespmem:s12], [sflag:$0x1] =	stream.linear.gather [hbm4b:s5+s1], $0x200, $0x38;
	[tilespmem:$0x13600] =	vst v63  }
0x15: {  	_ = 	snop  }
0x16: {  	[tilespmem:s13], [sflag:$0x1] =	stream.linear.gather [hbm4b:s7+s1], $0x200, $0x38;
	[tilespmem:$0x13600] =	vst v63  }
0x17: {  	_ = 	snop  }
0x18: {  	[tilespmem:s14], [sflag:$0x1] =	stream.linear.gather [hbm4b:s3+s1], $0x2F00, $0x38;
	[tilespmem:$0x13600] =	vst v63  }
0x19: {  	_ =	swait.ge [sflag:s15], $0x200  }
0x1a: {  	[sflag:s15] =	ssyncset.done $0x0  }
0x1b: {  	[sflag:s15] =	ssyncadd.s32 $0xFFFFFE00  }
0x1c: {  	_ =	swait.ge [sflag:s15], $0x200  }
0x1d: {  	[sflag:s15] =	ssyncset.done $0x0  }
0x1e: {  	[sflag:s15] =	ssyncadd.s32 $0xFFFFFE00  }
0x1f: {  	_ =	swait.ge [sflag:s15], $0x200  }
0x20: {  	[sflag:s15] =	ssyncset.done $0x0  }
0x21: {  	[sflag:s15] =	ssyncadd.s32 $0xFFFFFE00  }
0x22: {  	_ =	swait.ge [sflag:s15], $0x2F00  }
0x23: {  	[sflag:s15] =	ssyncset.done $0x0  }
0x24: {  	s22 =	simm.s32 $0x3A00;
	s23 =	simm.s32 $0x0;
	[sflag:s15] =	ssyncadd.s32 $0xFFFFD100  }
.LBB2_2:
0x25: {  	s24 =	sshra.s32 s23, $0x2  }
0x26: {  	v19 =	vld [tilespmem:s24+$0x0];
	_ =	sdelay $0x4  }
0x27: {  	v18 =	vshll.u32 v19, v0  }
0x28: {  	v18 =	vbroadcast v18, $0x0;
	_ =	sdelay $0x1  }
0x29: {  	v20 =	vor.u32 v12, v18;
	_ =	sdelay $0x2  }
0x2a: {  	v21 =	vld [tilespmem:s24+$0x200];
	_ =	sdelay $0x1  }
0x2b: {  	v20 =	vld.idx.msk [tilespmem:v20+s14+$0x0], $0xffff  }
0x2c: {  	v22 =	vor.u32 v16, v18;
	_ =	sdelay $0x1  }
0x2d: {  	v18 =	vadd.s32 $0x32, v21  }
0x2e: {  	v57 =	vld [tilespmem:s24+$0x400];
	v23 =	vshll.u32 v18, v0  }
0x2f: {  	v58 =	vbroadcast v23, $0x0;
	[tilespmem:s22+$0xFFFFFC00] =	vst v20  }
0x30: {  	v22 =	vld.idx.msk [tilespmem:v22+s14+$0x0], $0xffff  }
0x31: {  	v23 =	vor.u32 v12, v58;
	_ =	sdelay $0x1  }
0x32: {  	v20 =	vadd.s32 $0x4A, v57  }
0x33: {  	v21 =	vshll.u32 v20, v0  }
0x34: {  	v21 =	vbroadcast v21, $0x0;
	[tilespmem:s22+$0xFFFFFC10] =	vst v22  }
0x35: {  	v22 =	vld.idx.msk [tilespmem:v23+s14+$0x0], $0xffff  }
0x36: {  	v21 =	vor.u32 v12, v21;
	_ =	sdelay $0x2  }
0x37: {  	v59 =	vshll.u32 v19, v1  }
0x38: {  	v60 =	vbroadcast v59, $0x1;
	[tilespmem:s22+$0xFFFFFC20] =	vst v22  }
0x39: {  	v21 =	vld.idx.msk [tilespmem:v21+s14+$0x0], $0xffff  }
0x3a: {  	v23 =	vor.u32 v12, v60;
	_ =	sdelay $0x3  }
0x3b: {  	[tilespmem:s22+$0xFFFFFC30] =	vst v21  }
0x3c: {  	v21 =	vld.idx.msk [tilespmem:v23+s14+$0x0], $0xffff  }
0x3d: {  	v22 =	vor.u32 v16, v60;
	_ =	sdelay $0x2  }
0x3e: {  	v61 =	vshll.u32 v18, v1  }
0x3f: {  	v62 =	vbroadcast v61, $0x1;
	[tilespmem:s22+$0xFFFFFC80] =	vst v21  }
0x40: {  	v22 =	vld.idx.msk [tilespmem:v22+s14+$0x0], $0xffff  }
0x41: {  	v21 =	vor.u32 v12, v62;
	_ =	sdelay $0x2  }
0x42: {  	v63 =	vshll.u32 v20, v1  }
0x43: {  	v24 =	vbroadcast v63, $0x1;
	[tilespmem:s22+$0xFFFFFC90] =	vst v22  }
0x44: {  	v21 =	vld.idx.msk [tilespmem:v21+s14+$0x0], $0xffff  }
0x45: {  	v22 =	vor.u32 v12, v24;
	_ =	sdelay $0x2  }
0x46: {  	v25 =	vshll.u32 v19, v2  }
0x47: {  	v26 =	vbroadcast v25, $0x2;
	[tilespmem:s22+$0xFFFFFCA0] =	vst v21  }
0x48: {  	v22 =	vld.idx.msk [tilespmem:v22+s14+$0x0], $0xffff  }
0x49: {  	v23 =	vor.u32 v12, v26;
	_ =	sdelay $0x3  }
0x4a: {  	[tilespmem:s22+$0xFFFFFCB0] =	vst v22  }
0x4b: {  	v22 =	vld.idx.msk [tilespmem:v23+s14+$0x0], $0xffff  }
0x4c: {  	v21 =	vor.u32 v16, v26;
	_ =	sdelay $0x2  }
0x4d: {  	v27 =	vshll.u32 v18, v2  }
0x4e: {  	v28 =	vbroadcast v27, $0x2;
	[tilespmem:s22+$0xFFFFFD00] =	vst v22  }
0x4f: {  	v21 =	vld.idx.msk [tilespmem:v21+s14+$0x0], $0xffff  }
0x50: {  	v22 =	vor.u32 v12, v28;
	_ =	sdelay $0x2  }
0x51: {  	v29 =	vshll.u32 v20, v2  }
0x52: {  	v30 =	vbroadcast v29, $0x2;
	[tilespmem:s22+$0xFFFFFD10] =	vst v21  }
0x53: {  	v22 =	vld.idx.msk [tilespmem:v22+s14+$0x0], $0xffff  }
0x54: {  	v21 =	vor.u32 v12, v30;
	_ =	sdelay $0x2  }
0x55: {  	v31 =	vshll.u32 v19, v3  }
0x56: {  	v32 =	vbroadcast v31, $0x3;
	[tilespmem:s22+$0xFFFFFD20] =	vst v22  }
0x57: {  	v21 =	vld.idx.msk [tilespmem:v21+s14+$0x0], $0xffff  }
0x58: {  	v23 =	vor.u32 v12, v32;
	_ =	sdelay $0x3  }
0x59: {  	[tilespmem:s22+$0xFFFFFD30] =	vst v21  }
0x5a: {  	v21 =	vld.idx.msk [tilespmem:v23+s14+$0x0], $0xffff  }
0x5b: {  	v22 =	vor.u32 v16, v32;
	_ =	sdelay $0x2  }
0x5c: {  	v33 =	vshll.u32 v18, v3  }
0x5d: {  	v34 =	vbroadcast v33, $0x3;
	[tilespmem:s22+$0xFFFFFD80] =	vst v21  }
0x5e: {  	v22 =	vld.idx.msk [tilespmem:v22+s14+$0x0], $0xffff  }
0x5f: {  	v21 =	vor.u32 v12, v34;
	_ =	sdelay $0x2  }
0x60: {  	v35 =	vshll.u32 v20, v3  }
0x61: {  	v36 =	vbroadcast v35, $0x3;
	[tilespmem:s22+$0xFFFFFD90] =	vst v22  }
0x62: {  	v21 =	vld.idx.msk [tilespmem:v21+s14+$0x0], $0xffff  }
0x63: {  	v22 =	vor.u32 v12, v36;
	_ =	sdelay $0x2  }
0x64: {  	v37 =	vshll.u32 v19, v4  }
0x65: {  	v38 =	vbroadcast v37, $0x4;
	[tilespmem:s22+$0xFFFFFDA0] =	vst v21  }
0x66: {  	v22 =	vld.idx.msk [tilespmem:v22+s14+$0x0], $0xffff  }
0x67: {  	v23 =	vor.u32 v12, v38;
	_ =	sdelay $0x3  }
0x68: {  	[tilespmem:s22+$0xFFFFFDB0] =	vst v22  }
0x69: {  	v22 =	vld.idx.msk [tilespmem:v23+s14+$0x0], $0xffff  }
0x6a: {  	v21 =	vor.u32 v16, v38;
	_ =	sdelay $0x2  }
0x6b: {  	v39 =	vshll.u32 v18, v4  }
0x6c: {  	v40 =	vbroadcast v39, $0x4;
	[tilespmem:s22+$0xFFFFFE00] =	vst v22  }
0x6d: {  	v21 =	vld.idx.msk [tilespmem:v21+s14+$0x0], $0xffff  }
0x6e: {  	v22 =	vor.u32 v12, v40;
	_ =	sdelay $0x2  }
0x6f: {  	v41 =	vshll.u32 v20, v4  }
0x70: {  	v42 =	vbroadcast v41, $0x4;
	[tilespmem:s22+$0xFFFFFE10] =	vst v21  }
0x71: {  	v22 =	vld.idx.msk [tilespmem:v22+s14+$0x0], $0xffff  }
0x72: {  	v21 =	vor.u32 v12, v42;
	_ =	sdelay $0x2  }
0x73: {  	v43 =	vshll.u32 v19, v5  }
0x74: {  	v44 =	vbroadcast v43, $0x5;
	[tilespmem:s22+$0xFFFFFE20] =	vst v22  }
0x75: {  	v21 =	vld.idx.msk [tilespmem:v21+s14+$0x0], $0xffff  }
0x76: {  	v23 =	vor.u32 v12, v44;
	_ =	sdelay $0x3  }
0x77: {  	[tilespmem:s22+$0xFFFFFE30] =	vst v21  }
0x78: {  	v21 =	vld.idx.msk [tilespmem:v23+s14+$0x0], $0xffff  }
0x79: {  	v22 =	vor.u32 v16, v44;
	_ =	sdelay $0x2  }
0x7a: {  	v45 =	vshll.u32 v18, v5  }
0x7b: {  	v46 =	vbroadcast v45, $0x5;
	[tilespmem:s22+$0xFFFFFE80] =	vst v21  }
0x7c: {  	v22 =	vld.idx.msk [tilespmem:v22+s14+$0x0], $0xffff  }
0x7d: {  	v21 =	vor.u32 v12, v46;
	_ =	sdelay $0x2  }
0x7e: {  	v47 =	vshll.u32 v20, v5  }
0x7f: {  	v48 =	vbroadcast v47, $0x5;
	[tilespmem:s22+$0xFFFFFE90] =	vst v22  }
0x80: {  	v21 =	vld.idx.msk [tilespmem:v21+s14+$0x0], $0xffff  }
0x81: {  	v22 =	vor.u32 v12, v48;
	_ =	sdelay $0x2  }
0x82: {  	v49 =	vshll.u32 v19, v6  }
0x83: {  	v50 =	vbroadcast v49, $0x6;
	[tilespmem:s22+$0xFFFFFEA0] =	vst v21  }
0x84: {  	v22 =	vld.idx.msk [tilespmem:v22+s14+$0x0], $0xffff  }
0x85: {  	v23 =	vor.u32 v12, v50;
	_ =	sdelay $0x3  }
0x86: {  	[tilespmem:s22+$0xFFFFFEB0] =	vst v22  }
0x87: {  	v22 =	vld.idx.msk [tilespmem:v23+s14+$0x0], $0xffff  }
0x88: {  	v21 =	vor.u32 v16, v50;
	_ =	sdelay $0x2  }
0x89: {  	v51 =	vshll.u32 v18, v6  }
0x8a: {  	v52 =	vbroadcast v51, $0x6;
	[tilespmem:s22+$0xFFFFFF00] =	vst v22  }
0x8b: {  	v21 =	vld.idx.msk [tilespmem:v21+s14+$0x0], $0xffff  }
0x8c: {  	v22 =	vor.u32 v12, v52;
	_ =	sdelay $0x2  }
0x8d: {  	v53 =	vshll.u32 v20, v6  }
0x8e: {  	v54 =	vbroadcast v53, $0x6;
	[tilespmem:s22+$0xFFFFFF10] =	vst v21  }
0x8f: {  	v22 =	vld.idx.msk [tilespmem:v22+s14+$0x0], $0xffff  }
0x90: {  	v21 =	vor.u32 v12, v54;
	_ =	sdelay $0x2  }
0x91: {  	v55 =	vshll.u32 v19, v7  }
0x92: {  	v56 =	vbroadcast v55, $0x7;
	[tilespmem:s22+$0xFFFFFF20] =	vst v22  }
0x93: {  	v21 =	vld.idx.msk [tilespmem:v21+s14+$0x0], $0xffff  }
0x94: {  	v23 =	vor.u32 v12, v56;
	_ =	sdelay $0x3  }
0x95: {  	[tilespmem:s22+$0xFFFFFF30] =	vst v21  }
0x96: {  	v21 =	vld.idx.msk [tilespmem:v23+s14+$0x0], $0xffff  }
0x97: {  	v22 =	vor.u32 v16, v56;
	_ =	sdelay $0x2  }
0x98: {  	v57 =	vshll.u32 v18, v7  }
0x99: {  	v58 =	vbroadcast v57, $0x7;
	[tilespmem:s22+$0xFFFFFF80] =	vst v21  }
0x9a: {  	v22 =	vld.idx.msk [tilespmem:v22+s14+$0x0], $0xffff  }
0x9b: {  	v21 =	vor.u32 v12, v58;
	_ =	sdelay $0x2  }
0x9c: {  	v59 =	vshll.u32 v20, v7  }
0x9d: {  	v60 =	vbroadcast v59, $0x7;
	[tilespmem:s22+$0xFFFFFF90] =	vst v22  }
0x9e: {  	v21 =	vld.idx.msk [tilespmem:v21+s14+$0x0], $0xffff  }
0x9f: {  	v22 =	vor.u32 v12, v60;
	_ =	sdelay $0x2  }
0xa0: {  	v61 =	vshll.u32 v19, v8  }
0xa1: {  	v62 =	vbroadcast v61, $0x8;
	[tilespmem:s22+$0xFFFFFFA0] =	vst v21  }
0xa2: {  	v22 =	vld.idx.msk [tilespmem:v22+s14+$0x0], $0xffff  }
0xa3: {  	v23 =	vor.u32 v12, v62;
	_ =	sdelay $0x3  }
0xa4: {  	[tilespmem:s22+$0xFFFFFFB0] =	vst v22  }
0xa5: {  	v22 =	vld.idx.msk [tilespmem:v23+s14+$0x0], $0xffff  }
0xa6: {  	v21 =	vor.u32 v16, v62;
	_ =	sdelay $0x2  }
0xa7: {  	v63 =	vshll.u32 v18, v8  }
0xa8: {  	v24 =	vbroadcast v63, $0x8;
	[tilespmem:s22+$0x0] =	vst v22  }
0xa9: {  	v21 =	vld.idx.msk [tilespmem:v21+s14+$0x0], $0xffff  }
0xaa: {  	v22 =	vor.u32 v12, v24;
	_ =	sdelay $0x2  }
0xab: {  	v25 =	vshll.u32 v20, v8  }
0xac: {  	v26 =	vbroadcast v25, $0x8;
	[tilespmem:s22+$0x10] =	vst v21  }
0xad: {  	v22 =	vld.idx.msk [tilespmem:v22+s14+$0x0], $0xffff  }
0xae: {  	v21 =	vor.u32 v12, v26;
	_ =	sdelay $0x2  }
0xaf: {  	v27 =	vshll.u32 v19, v9  }
0xb0: {  	v28 =	vbroadcast v27, $0x9;
	[tilespmem:s22+$0x20] =	vst v22  }
0xb1: {  	v21 =	vld.idx.msk [tilespmem:v21+s14+$0x0], $0xffff  }
0xb2: {  	v23 =	vor.u32 v12, v28;
	_ =	sdelay $0x3  }
0xb3: {  	[tilespmem:s22+$0x30] =	vst v21  }
0xb4: {  	v21 =	vld.idx.msk [tilespmem:v23+s14+$0x0], $0xffff  }
0xb5: {  	v22 =	vor.u32 v16, v28;
	_ =	sdelay $0x2  }
0xb6: {  	v29 =	vshll.u32 v18, v9  }
0xb7: {  	v30 =	vbroadcast v29, $0x9;
	[tilespmem:s22+$0x80] =	vst v21  }
0xb8: {  	v22 =	vld.idx.msk [tilespmem:v22+s14+$0x0], $0xffff  }
0xb9: {  	v21 =	vor.u32 v12, v30;
	_ =	sdelay $0x2  }
0xba: {  	v31 =	vshll.u32 v20, v9  }
0xbb: {  	v32 =	vbroadcast v31, $0x9;
	[tilespmem:s22+$0x90] =	vst v22  }
0xbc: {  	v21 =	vld.idx.msk [tilespmem:v21+s14+$0x0], $0xffff  }
0xbd: {  	v22 =	vor.u32 v12, v32;
	_ =	sdelay $0x2  }
0xbe: {  	v33 =	vshll.u32 v19, v10  }
0xbf: {  	v34 =	vbroadcast v33, $0xA;
	[tilespmem:s22+$0xA0] =	vst v21  }
0xc0: {  	v22 =	vld.idx.msk [tilespmem:v22+s14+$0x0], $0xffff  }
0xc1: {  	v23 =	vor.u32 v12, v34;
	_ =	sdelay $0x3  }
0xc2: {  	[tilespmem:s22+$0xB0] =	vst v22  }
0xc3: {  	v22 =	vld.idx.msk [tilespmem:v23+s14+$0x0], $0xffff  }
0xc4: {  	v21 =	vor.u32 v16, v34;
	_ =	sdelay $0x2  }
0xc5: {  	v35 =	vshll.u32 v18, v10  }
0xc6: {  	v36 =	vbroadcast v35, $0xA;
	[tilespmem:s22+$0x100] =	vst v22  }
0xc7: {  	v21 =	vld.idx.msk [tilespmem:v21+s14+$0x0], $0xffff  }
0xc8: {  	v22 =	vor.u32 v12, v36;
	_ =	sdelay $0x2  }
0xc9: {  	v37 =	vshll.u32 v20, v10  }
0xca: {  	v38 =	vbroadcast v37, $0xA;
	[tilespmem:s22+$0x110] =	vst v21  }
0xcb: {  	v22 =	vld.idx.msk [tilespmem:v22+s14+$0x0], $0xffff  }
0xcc: {  	v21 =	vor.u32 v12, v38;
	_ =	sdelay $0x2  }
0xcd: {  	v39 =	vshll.u32 v19, v11  }
0xce: {  	v40 =	vbroadcast v39, $0xB;
	[tilespmem:s22+$0x120] =	vst v22  }
0xcf: {  	v21 =	vld.idx.msk [tilespmem:v21+s14+$0x0], $0xffff  }
0xd0: {  	v23 =	vor.u32 v12, v40;
	_ =	sdelay $0x3  }
0xd1: {  	[tilespmem:s22+$0x130] =	vst v21  }
0xd2: {  	v21 =	vld.idx.msk [tilespmem:v23+s14+$0x0], $0xffff  }
0xd3: {  	v22 =	vor.u32 v16, v40;
	_ =	sdelay $0x2  }
0xd4: {  	v41 =	vshll.u32 v18, v11  }
0xd5: {  	v42 =	vbroadcast v41, $0xB;
	[tilespmem:s22+$0x180] =	vst v21  }
0xd6: {  	v22 =	vld.idx.msk [tilespmem:v22+s14+$0x0], $0xffff  }
0xd7: {  	v21 =	vor.u32 v12, v42;
	_ =	sdelay $0x2  }
0xd8: {  	v43 =	vshll.u32 v20, v11  }
0xd9: {  	v44 =	vbroadcast v43, $0xB;
	[tilespmem:s22+$0x190] =	vst v22  }
0xda: {  	v21 =	vld.idx.msk [tilespmem:v21+s14+$0x0], $0xffff  }
0xdb: {  	v22 =	vor.u32 v12, v44;
	_ =	sdelay $0x2  }
0xdc: {  	v45 =	vshll.u32 v19, v13  }
0xdd: {  	v46 =	vbroadcast v45, $0xC;
	[tilespmem:s22+$0x1A0] =	vst v21  }
0xde: {  	v22 =	vld.idx.msk [tilespmem:v22+s14+$0x0], $0xffff  }
0xdf: {  	v23 =	vor.u32 v12, v46;
	_ =	sdelay $0x3  }
0xe0: {  	[tilespmem:s22+$0x1B0] =	vst v22  }
0xe1: {  	v22 =	vld.idx.msk [tilespmem:v23+s14+$0x0], $0xffff  }
0xe2: {  	v21 =	vor.u32 v16, v46;
	_ =	sdelay $0x2  }
0xe3: {  	v47 =	vshll.u32 v18, v13  }
0xe4: {  	v48 =	vbroadcast v47, $0xC;
	[tilespmem:s22+$0x200] =	vst v22  }
0xe5: {  	v21 =	vld.idx.msk [tilespmem:v21+s14+$0x0], $0xffff  }
0xe6: {  	v22 =	vor.u32 v12, v48;
	_ =	sdelay $0x2  }
0xe7: {  	v49 =	vshll.u32 v20, v13  }
0xe8: {  	v50 =	vbroadcast v49, $0xC;
	[tilespmem:s22+$0x210] =	vst v21  }
0xe9: {  	v22 =	vld.idx.msk [tilespmem:v22+s14+$0x0], $0xffff  }
0xea: {  	v21 =	vor.u32 v12, v50;
	_ =	sdelay $0x2  }
0xeb: {  	v51 =	vshll.u32 v19, v14  }
0xec: {  	v52 =	vbroadcast v51, $0xD;
	[tilespmem:s22+$0x220] =	vst v22  }
0xed: {  	v21 =	vld.idx.msk [tilespmem:v21+s14+$0x0], $0xffff  }
0xee: {  	v23 =	vor.u32 v12, v52;
	_ =	sdelay $0x3  }
0xef: {  	[tilespmem:s22+$0x230] =	vst v21  }
0xf0: {  	v21 =	vld.idx.msk [tilespmem:v23+s14+$0x0], $0xffff  }
0xf1: {  	v22 =	vor.u32 v16, v52;
	_ =	sdelay $0x2  }
0xf2: {  	v53 =	vshll.u32 v18, v14  }
0xf3: {  	v54 =	vbroadcast v53, $0xD;
	[tilespmem:s22+$0x280] =	vst v21  }
0xf4: {  	v22 =	vld.idx.msk [tilespmem:v22+s14+$0x0], $0xffff  }
0xf5: {  	v21 =	vor.u32 v12, v54;
	_ =	sdelay $0x2  }
0xf6: {  	v55 =	vshll.u32 v20, v14  }
0xf7: {  	v56 =	vbroadcast v55, $0xD;
	[tilespmem:s22+$0x290] =	vst v22  }
0xf8: {  	v21 =	vld.idx.msk [tilespmem:v21+s14+$0x0], $0xffff  }
0xf9: {  	v22 =	vor.u32 v12, v56;
	_ =	sdelay $0x2  }
0xfa: {  	v57 =	vshll.u32 v19, v15  }
0xfb: {  	v58 =	vbroadcast v57, $0xE;
	[tilespmem:s22+$0x2A0] =	vst v21  }
0xfc: {  	v22 =	vld.idx.msk [tilespmem:v22+s14+$0x0], $0xffff  }
0xfd: {  	v23 =	vor.u32 v12, v58;
	_ =	sdelay $0x3  }
0xfe: {  	[tilespmem:s22+$0x2B0] =	vst v22  }
0xff: {  	v22 =	vld.idx.msk [tilespmem:v23+s14+$0x0], $0xffff  }
0x100: {  	v21 =	vor.u32 v16, v58;
	_ =	sdelay $0x2  }
0x101: {  	v59 =	vshll.u32 v18, v15  }
0x102: {  	v60 =	vbroadcast v59, $0xE;
	[tilespmem:s22+$0x300] =	vst v22  }
0x103: {  	v21 =	vld.idx.msk [tilespmem:v21+s14+$0x0], $0xffff  }
0x104: {  	v22 =	vor.u32 v12, v60;
	_ =	sdelay $0x2  }
0x105: {  	v61 =	vshll.u32 v20, v15  }
0x106: {  	v62 =	vbroadcast v61, $0xE;
	[tilespmem:s22+$0x310] =	vst v21  }
0x107: {  	v22 =	vld.idx.msk [tilespmem:v22+s14+$0x0], $0xffff  }
0x108: {  	v21 =	vor.u32 v12, v62;
	_ =	sdelay $0x2  }
0x109: {  	v19 =	vshll.u32 v19, v17  }
0x10a: {  	v19 =	vbroadcast v19, $0xF;
	[tilespmem:s22+$0x320] =	vst v22  }
0x10b: {  	v21 =	vld.idx.msk [tilespmem:v21+s14+$0x0], $0xffff  }
0x10c: {  	v63 =	vor.u32 v12, v19;
	_ =	sdelay $0x3  }
0x10d: {  	[tilespmem:s22+$0x330] =	vst v21  }
0x10e: {  	v21 =	vld.idx.msk [tilespmem:v63+s14+$0x0], $0xffff  }
0x10f: {  	v19 =	vor.u32 v16, v19;
	_ =	sdelay $0x2  }
0x110: {  	v18 =	vshll.u32 v18, v17  }
0x111: {  	v18 =	vbroadcast v18, $0xF;
	[tilespmem:s22+$0x380] =	vst v21  }
0x112: {  	v19 =	vld.idx.msk [tilespmem:v19+s14+$0x0], $0xffff  }
0x113: {  	v18 =	vor.u32 v12, v18;
	_ =	sdelay $0x2  }
0x114: {  	v20 =	vshll.u32 v20, v17  }
0x115: {  	[tilespmem:s22+$0x390] =	vst v19;
	v19 =	vbroadcast v20, $0xF  }
0x116: {  	v18 =	vld.idx.msk [tilespmem:v18+s14+$0x0], $0xffff  }
0x117: {  	v19 =	vor.u32 v12, v19;
	_ =	sdelay $0x3  }
0x118: {  	[tilespmem:s22+$0x3A0] =	vst v18  }
0x119: {  	p0 =	sne.s32 s23, $0x1C0;
	v18 =	vld.idx.msk [tilespmem:v19+s14+$0x0], $0xffff  }
.Ltmp0:
0x11a: {  	_ = 	snop;
	(pc) =	sbr.rel @p0 .LBB2_2-.Ltmp0, $2  }
0x11b: {  	_ =	sdelay $0x2  }
0x11c: {  	s23 =	sadd.s32 $0x40, s23;
	[tilespmem:s22+$0x3B0] =	vst v18;
	s22 =	sadd.s32 $0x800, s22  }
0x11d: {  	s22 =	simm.s32 $0x0  }
0x11e: {  	s23 =	simm.s32 $0x480;
	s24 =	simm.s32 $0x280;
	s25 =	simm.s32 $0x80  }
0x11f: {  	[hbm4b:s6+s22] =	stream.linear.scatter [tilespmem:s16], [sflag:$0x2], $0x4000, $0x38;
	[tilespmem:$0x13600] =	vst v63  }
.LBB2_4:
0x120: {  	v19 =	vld [tilespmem:s25+$0x0];
	_ =	sdelay $0x4  }
0x121: {  	v18 =	vshll.u32 v19, v0  }
0x122: {  	v18 =	vbroadcast v18, $0x0;
	_ =	sdelay $0x1  }
0x123: {  	v20 =	vor.u32 v12, v18;
	_ =	sdelay $0x2  }
0x124: {  	v21 =	vld [tilespmem:s24+$0x0];
	_ =	sdelay $0x1  }
0x125: {  	v20 =	vld.idx.msk [tilespmem:v20+s14+$0x0], $0xffff  }
0x126: {  	v22 =	vor.u32 v16, v18;
	_ =	sdelay $0x1  }
0x127: {  	v18 =	vadd.s32 $0x32, v21  }
0x128: {  	v57 =	vld [tilespmem:s23+$0x0];
	s26 =	sshra.s32 s22, $0x2;
	v23 =	vshll.u32 v18, v0  }
0x129: {  	v58 =	vbroadcast v23, $0x0;
	[tilespmem:s26+$0x7600] =	vst v20  }
0x12a: {  	v22 =	vld.idx.msk [tilespmem:v22+s14+$0x0], $0xffff  }
0x12b: {  	v23 =	vor.u32 v12, v58;
	_ =	sdelay $0x1  }
0x12c: {  	v20 =	vadd.s32 $0x4A, v57  }
0x12d: {  	v21 =	vshll.u32 v20, v0  }
0x12e: {  	v21 =	vbroadcast v21, $0x0;
	[tilespmem:s26+$0x7610] =	vst v22  }
0x12f: {  	v22 =	vld.idx.msk [tilespmem:v23+s14+$0x0], $0xffff  }
0x130: {  	v21 =	vor.u32 v12, v21;
	_ =	sdelay $0x2  }
0x131: {  	v59 =	vshll.u32 v19, v1  }
0x132: {  	v60 =	vbroadcast v59, $0x1;
	[tilespmem:s26+$0x7620] =	vst v22  }
0x133: {  	v21 =	vld.idx.msk [tilespmem:v21+s14+$0x0], $0xffff  }
0x134: {  	v23 =	vor.u32 v12, v60;
	_ =	sdelay $0x3  }
0x135: {  	[tilespmem:s26+$0x7630] =	vst v21  }
0x136: {  	v21 =	vld.idx.msk [tilespmem:v23+s14+$0x0], $0xffff  }
0x137: {  	v22 =	vor.u32 v16, v60;
	_ =	sdelay $0x2  }
0x138: {  	v61 =	vshll.u32 v18, v1  }
0x139: {  	v62 =	vbroadcast v61, $0x1;
	[tilespmem:s26+$0x7680] =	vst v21  }
0x13a: {  	v22 =	vld.idx.msk [tilespmem:v22+s14+$0x0], $0xffff  }
0x13b: {  	v21 =	vor.u32 v12, v62;
	_ =	sdelay $0x2  }
0x13c: {  	v63 =	vshll.u32 v20, v1  }
0x13d: {  	v24 =	vbroadcast v63, $0x1;
	[tilespmem:s26+$0x7690] =	vst v22  }
0x13e: {  	v21 =	vld.idx.msk [tilespmem:v21+s14+$0x0], $0xffff  }
0x13f: {  	v22 =	vor.u32 v12, v24;
	_ =	sdelay $0x2  }
0x140: {  	v25 =	vshll.u32 v19, v2  }
0x141: {  	v26 =	vbroadcast v25, $0x2;
	[tilespmem:s26+$0x76A0] =	vst v21  }
0x142: {  	v22 =	vld.idx.msk [tilespmem:v22+s14+$0x0], $0xffff  }
0x143: {  	v23 =	vor.u32 v12, v26;
	_ =	sdelay $0x3  }
0x144: {  	[tilespmem:s26+$0x76B0] =	vst v22  }
0x145: {  	v22 =	vld.idx.msk [tilespmem:v23+s14+$0x0], $0xffff  }
0x146: {  	v21 =	vor.u32 v16, v26;
	_ =	sdelay $0x2  }
0x147: {  	v27 =	vshll.u32 v18, v2  }
0x148: {  	v28 =	vbroadcast v27, $0x2;
	[tilespmem:s26+$0x7700] =	vst v22  }
0x149: {  	v21 =	vld.idx.msk [tilespmem:v21+s14+$0x0], $0xffff  }
0x14a: {  	v22 =	vor.u32 v12, v28;
	_ =	sdelay $0x2  }
0x14b: {  	v29 =	vshll.u32 v20, v2  }
0x14c: {  	v30 =	vbroadcast v29, $0x2;
	[tilespmem:s26+$0x7710] =	vst v21  }
0x14d: {  	v22 =	vld.idx.msk [tilespmem:v22+s14+$0x0], $0xffff  }
0x14e: {  	v21 =	vor.u32 v12, v30;
	_ =	sdelay $0x2  }
0x14f: {  	v31 =	vshll.u32 v19, v3  }
0x150: {  	v32 =	vbroadcast v31, $0x3;
	[tilespmem:s26+$0x7720] =	vst v22  }
0x151: {  	v21 =	vld.idx.msk [tilespmem:v21+s14+$0x0], $0xffff  }
0x152: {  	v23 =	vor.u32 v12, v32;
	_ =	sdelay $0x3  }
0x153: {  	[tilespmem:s26+$0x7730] =	vst v21  }
0x154: {  	v21 =	vld.idx.msk [tilespmem:v23+s14+$0x0], $0xffff  }
0x155: {  	v22 =	vor.u32 v16, v32;
	_ =	sdelay $0x2  }
0x156: {  	v33 =	vshll.u32 v18, v3  }
0x157: {  	v34 =	vbroadcast v33, $0x3;
	[tilespmem:s26+$0x7780] =	vst v21  }
0x158: {  	v22 =	vld.idx.msk [tilespmem:v22+s14+$0x0], $0xffff  }
0x159: {  	v21 =	vor.u32 v12, v34;
	_ =	sdelay $0x2  }
0x15a: {  	v35 =	vshll.u32 v20, v3  }
0x15b: {  	v36 =	vbroadcast v35, $0x3;
	[tilespmem:s26+$0x7790] =	vst v22  }
0x15c: {  	v21 =	vld.idx.msk [tilespmem:v21+s14+$0x0], $0xffff  }
0x15d: {  	v22 =	vor.u32 v12, v36;
	_ =	sdelay $0x2  }
0x15e: {  	v37 =	vshll.u32 v19, v4  }
0x15f: {  	v38 =	vbroadcast v37, $0x4;
	[tilespmem:s26+$0x77A0] =	vst v21  }
0x160: {  	v22 =	vld.idx.msk [tilespmem:v22+s14+$0x0], $0xffff  }
0x161: {  	v23 =	vor.u32 v12, v38;
	_ =	sdelay $0x3  }
0x162: {  	[tilespmem:s26+$0x77B0] =	vst v22  }
0x163: {  	v22 =	vld.idx.msk [tilespmem:v23+s14+$0x0], $0xffff  }
0x164: {  	v21 =	vor.u32 v16, v38;
	_ =	sdelay $0x2  }
0x165: {  	v39 =	vshll.u32 v18, v4  }
0x166: {  	v40 =	vbroadcast v39, $0x4;
	[tilespmem:s26+$0x7800] =	vst v22  }
0x167: {  	v21 =	vld.idx.msk [tilespmem:v21+s14+$0x0], $0xffff  }
0x168: {  	v22 =	vor.u32 v12, v40;
	_ =	sdelay $0x2  }
0x169: {  	v41 =	vshll.u32 v20, v4  }
0x16a: {  	v42 =	vbroadcast v41, $0x4;
	[tilespmem:s26+$0x7810] =	vst v21  }
0x16b: {  	v22 =	vld.idx.msk [tilespmem:v22+s14+$0x0], $0xffff  }
0x16c: {  	v21 =	vor.u32 v12, v42;
	_ =	sdelay $0x2  }
0x16d: {  	v43 =	vshll.u32 v19, v5  }
0x16e: {  	v44 =	vbroadcast v43, $0x5;
	[tilespmem:s26+$0x7820] =	vst v22  }
0x16f: {  	v21 =	vld.idx.msk [tilespmem:v21+s14+$0x0], $0xffff  }
0x170: {  	v23 =	vor.u32 v12, v44;
	_ =	sdelay $0x3  }
0x171: {  	[tilespmem:s26+$0x7830] =	vst v21  }
0x172: {  	v21 =	vld.idx.msk [tilespmem:v23+s14+$0x0], $0xffff  }
0x173: {  	v22 =	vor.u32 v16, v44;
	_ =	sdelay $0x2  }
0x174: {  	v45 =	vshll.u32 v18, v5  }
0x175: {  	v46 =	vbroadcast v45, $0x5;
	[tilespmem:s26+$0x7880] =	vst v21  }
0x176: {  	v22 =	vld.idx.msk [tilespmem:v22+s14+$0x0], $0xffff  }
0x177: {  	v21 =	vor.u32 v12, v46;
	_ =	sdelay $0x2  }
0x178: {  	v47 =	vshll.u32 v20, v5  }
0x179: {  	v48 =	vbroadcast v47, $0x5;
	[tilespmem:s26+$0x7890] =	vst v22  }
0x17a: {  	v21 =	vld.idx.msk [tilespmem:v21+s14+$0x0], $0xffff  }
0x17b: {  	v22 =	vor.u32 v12, v48;
	_ =	sdelay $0x2  }
0x17c: {  	v49 =	vshll.u32 v19, v6  }
0x17d: {  	v50 =	vbroadcast v49, $0x6;
	[tilespmem:s26+$0x78A0] =	vst v21  }
0x17e: {  	v22 =	vld.idx.msk [tilespmem:v22+s14+$0x0], $0xffff  }
0x17f: {  	v23 =	vor.u32 v12, v50;
	_ =	sdelay $0x3  }
0x180: {  	[tilespmem:s26+$0x78B0] =	vst v22  }
0x181: {  	v22 =	vld.idx.msk [tilespmem:v23+s14+$0x0], $0xffff  }
0x182: {  	v21 =	vor.u32 v16, v50;
	_ =	sdelay $0x2  }
0x183: {  	v51 =	vshll.u32 v18, v6  }
0x184: {  	v52 =	vbroadcast v51, $0x6;
	[tilespmem:s26+$0x7900] =	vst v22  }
0x185: {  	v21 =	vld.idx.msk [tilespmem:v21+s14+$0x0], $0xffff  }
0x186: {  	v22 =	vor.u32 v12, v52;
	_ =	sdelay $0x2  }
0x187: {  	v53 =	vshll.u32 v20, v6  }
0x188: {  	v54 =	vbroadcast v53, $0x6;
	[tilespmem:s26+$0x7910] =	vst v21  }
0x189: {  	v22 =	vld.idx.msk [tilespmem:v22+s14+$0x0], $0xffff  }
0x18a: {  	v21 =	vor.u32 v12, v54;
	_ =	sdelay $0x2  }
0x18b: {  	v55 =	vshll.u32 v19, v7  }
0x18c: {  	v56 =	vbroadcast v55, $0x7;
	[tilespmem:s26+$0x7920] =	vst v22  }
0x18d: {  	v21 =	vld.idx.msk [tilespmem:v21+s14+$0x0], $0xffff  }
0x18e: {  	v23 =	vor.u32 v12, v56;
	_ =	sdelay $0x3  }
0x18f: {  	[tilespmem:s26+$0x7930] =	vst v21  }
0x190: {  	v21 =	vld.idx.msk [tilespmem:v23+s14+$0x0], $0xffff  }
0x191: {  	v22 =	vor.u32 v16, v56;
	_ =	sdelay $0x2  }
0x192: {  	v57 =	vshll.u32 v18, v7  }
0x193: {  	v58 =	vbroadcast v57, $0x7;
	[tilespmem:s26+$0x7980] =	vst v21  }
0x194: {  	v22 =	vld.idx.msk [tilespmem:v22+s14+$0x0], $0xffff  }
0x195: {  	v21 =	vor.u32 v12, v58;
	_ =	sdelay $0x2  }
0x196: {  	v59 =	vshll.u32 v20, v7  }
0x197: {  	v60 =	vbroadcast v59, $0x7;
	[tilespmem:s26+$0x7990] =	vst v22  }
0x198: {  	v21 =	vld.idx.msk [tilespmem:v21+s14+$0x0], $0xffff  }
0x199: {  	v22 =	vor.u32 v12, v60;
	_ =	sdelay $0x2  }
0x19a: {  	v61 =	vshll.u32 v19, v8  }
0x19b: {  	v62 =	vbroadcast v61, $0x8;
	[tilespmem:s26+$0x79A0] =	vst v21  }
0x19c: {  	v22 =	vld.idx.msk [tilespmem:v22+s14+$0x0], $0xffff  }
0x19d: {  	v23 =	vor.u32 v12, v62;
	_ =	sdelay $0x3  }
0x19e: {  	[tilespmem:s26+$0x79B0] =	vst v22  }
0x19f: {  	v22 =	vld.idx.msk [tilespmem:v23+s14+$0x0], $0xffff  }
0x1a0: {  	v21 =	vor.u32 v16, v62;
	_ =	sdelay $0x2  }
0x1a1: {  	v63 =	vshll.u32 v18, v8  }
0x1a2: {  	v24 =	vbroadcast v63, $0x8;
	[tilespmem:s26+$0x7A00] =	vst v22  }
0x1a3: {  	v21 =	vld.idx.msk [tilespmem:v21+s14+$0x0], $0xffff  }
0x1a4: {  	v22 =	vor.u32 v12, v24;
	_ =	sdelay $0x2  }
0x1a5: {  	v25 =	vshll.u32 v20, v8  }
0x1a6: {  	v26 =	vbroadcast v25, $0x8;
	[tilespmem:s26+$0x7A10] =	vst v21  }
0x1a7: {  	v22 =	vld.idx.msk [tilespmem:v22+s14+$0x0], $0xffff  }
0x1a8: {  	v21 =	vor.u32 v12, v26;
	_ =	sdelay $0x2  }
0x1a9: {  	v27 =	vshll.u32 v19, v9  }
0x1aa: {  	v28 =	vbroadcast v27, $0x9;
	[tilespmem:s26+$0x7A20] =	vst v22  }
0x1ab: {  	v21 =	vld.idx.msk [tilespmem:v21+s14+$0x0], $0xffff  }
0x1ac: {  	v23 =	vor.u32 v12, v28;
	_ =	sdelay $0x3  }
0x1ad: {  	[tilespmem:s26+$0x7A30] =	vst v21  }
0x1ae: {  	v21 =	vld.idx.msk [tilespmem:v23+s14+$0x0], $0xffff  }
0x1af: {  	v22 =	vor.u32 v16, v28;
	_ =	sdelay $0x2  }
0x1b0: {  	v29 =	vshll.u32 v18, v9  }
0x1b1: {  	v30 =	vbroadcast v29, $0x9;
	[tilespmem:s26+$0x7A80] =	vst v21  }
0x1b2: {  	v22 =	vld.idx.msk [tilespmem:v22+s14+$0x0], $0xffff  }
0x1b3: {  	v21 =	vor.u32 v12, v30;
	_ =	sdelay $0x2  }
0x1b4: {  	v31 =	vshll.u32 v20, v9  }
0x1b5: {  	v32 =	vbroadcast v31, $0x9;
	[tilespmem:s26+$0x7A90] =	vst v22  }
0x1b6: {  	v21 =	vld.idx.msk [tilespmem:v21+s14+$0x0], $0xffff  }
0x1b7: {  	v22 =	vor.u32 v12, v32;
	_ =	sdelay $0x2  }
0x1b8: {  	v33 =	vshll.u32 v19, v10  }
0x1b9: {  	v34 =	vbroadcast v33, $0xA;
	[tilespmem:s26+$0x7AA0] =	vst v21  }
0x1ba: {  	v22 =	vld.idx.msk [tilespmem:v22+s14+$0x0], $0xffff  }
0x1bb: {  	v23 =	vor.u32 v12, v34;
	_ =	sdelay $0x3  }
0x1bc: {  	[tilespmem:s26+$0x7AB0] =	vst v22  }
0x1bd: {  	v22 =	vld.idx.msk [tilespmem:v23+s14+$0x0], $0xffff  }
0x1be: {  	v21 =	vor.u32 v16, v34;
	_ =	sdelay $0x2  }
0x1bf: {  	v35 =	vshll.u32 v18, v10  }
0x1c0: {  	v36 =	vbroadcast v35, $0xA;
	[tilespmem:s26+$0x7B00] =	vst v22  }
0x1c1: {  	v21 =	vld.idx.msk [tilespmem:v21+s14+$0x0], $0xffff  }
0x1c2: {  	v22 =	vor.u32 v12, v36;
	_ =	sdelay $0x2  }
0x1c3: {  	v37 =	vshll.u32 v20, v10  }
0x1c4: {  	v38 =	vbroadcast v37, $0xA;
	[tilespmem:s26+$0x7B10] =	vst v21  }
0x1c5: {  	v22 =	vld.idx.msk [tilespmem:v22+s14+$0x0], $0xffff  }
0x1c6: {  	v21 =	vor.u32 v12, v38;
	_ =	sdelay $0x2  }
0x1c7: {  	v39 =	vshll.u32 v19, v11  }
0x1c8: {  	v40 =	vbroadcast v39, $0xB;
	[tilespmem:s26+$0x7B20] =	vst v22  }
0x1c9: {  	v21 =	vld.idx.msk [tilespmem:v21+s14+$0x0], $0xffff  }
0x1ca: {  	v23 =	vor.u32 v12, v40;
	_ =	sdelay $0x3  }
0x1cb: {  	[tilespmem:s26+$0x7B30] =	vst v21  }
0x1cc: {  	v21 =	vld.idx.msk [tilespmem:v23+s14+$0x0], $0xffff  }
0x1cd: {  	v22 =	vor.u32 v16, v40;
	_ =	sdelay $0x2  }
0x1ce: {  	v41 =	vshll.u32 v18, v11  }
0x1cf: {  	v42 =	vbroadcast v41, $0xB;
	[tilespmem:s26+$0x7B80] =	vst v21  }
0x1d0: {  	v22 =	vld.idx.msk [tilespmem:v22+s14+$0x0], $0xffff  }
0x1d1: {  	v21 =	vor.u32 v12, v42;
	_ =	sdelay $0x2  }
0x1d2: {  	v43 =	vshll.u32 v20, v11  }
0x1d3: {  	v44 =	vbroadcast v43, $0xB;
	[tilespmem:s26+$0x7B90] =	vst v22  }
0x1d4: {  	v21 =	vld.idx.msk [tilespmem:v21+s14+$0x0], $0xffff  }
0x1d5: {  	v22 =	vor.u32 v12, v44;
	_ =	sdelay $0x2  }
0x1d6: {  	v45 =	vshll.u32 v19, v13  }
0x1d7: {  	v46 =	vbroadcast v45, $0xC;
	[tilespmem:s26+$0x7BA0] =	vst v21  }
0x1d8: {  	v22 =	vld.idx.msk [tilespmem:v22+s14+$0x0], $0xffff  }
0x1d9: {  	v23 =	vor.u32 v12, v46;
	_ =	sdelay $0x3  }
0x1da: {  	[tilespmem:s26+$0x7BB0] =	vst v22  }
0x1db: {  	v22 =	vld.idx.msk [tilespmem:v23+s14+$0x0], $0xffff  }
0x1dc: {  	v21 =	vor.u32 v16, v46;
	_ =	sdelay $0x2  }
0x1dd: {  	v47 =	vshll.u32 v18, v13  }
0x1de: {  	v48 =	vbroadcast v47, $0xC;
	[tilespmem:s26+$0x7C00] =	vst v22  }
0x1df: {  	v21 =	vld.idx.msk [tilespmem:v21+s14+$0x0], $0xffff  }
0x1e0: {  	v22 =	vor.u32 v12, v48;
	_ =	sdelay $0x2  }
0x1e1: {  	v49 =	vshll.u32 v20, v13  }
0x1e2: {  	v50 =	vbroadcast v49, $0xC;
	[tilespmem:s26+$0x7C10] =	vst v21  }
0x1e3: {  	v22 =	vld.idx.msk [tilespmem:v22+s14+$0x0], $0xffff  }
0x1e4: {  	v21 =	vor.u32 v12, v50;
	_ =	sdelay $0x2  }
0x1e5: {  	v51 =	vshll.u32 v19, v14  }
0x1e6: {  	v52 =	vbroadcast v51, $0xD;
	[tilespmem:s26+$0x7C20] =	vst v22  }
0x1e7: {  	v21 =	vld.idx.msk [tilespmem:v21+s14+$0x0], $0xffff  }
0x1e8: {  	v23 =	vor.u32 v12, v52;
	_ =	sdelay $0x3  }
0x1e9: {  	[tilespmem:s26+$0x7C30] =	vst v21  }
0x1ea: {  	v21 =	vld.idx.msk [tilespmem:v23+s14+$0x0], $0xffff  }
0x1eb: {  	v22 =	vor.u32 v16, v52;
	_ =	sdelay $0x2  }
0x1ec: {  	v53 =	vshll.u32 v18, v14  }
0x1ed: {  	v54 =	vbroadcast v53, $0xD;
	[tilespmem:s26+$0x7C80] =	vst v21  }
0x1ee: {  	v22 =	vld.idx.msk [tilespmem:v22+s14+$0x0], $0xffff  }
0x1ef: {  	v21 =	vor.u32 v12, v54;
	_ =	sdelay $0x2  }
0x1f0: {  	v55 =	vshll.u32 v20, v14  }
0x1f1: {  	v56 =	vbroadcast v55, $0xD;
	[tilespmem:s26+$0x7C90] =	vst v22  }
0x1f2: {  	v21 =	vld.idx.msk [tilespmem:v21+s14+$0x0], $0xffff  }
0x1f3: {  	v22 =	vor.u32 v12, v56;
	_ =	sdelay $0x2  }
0x1f4: {  	v57 =	vshll.u32 v19, v15  }
0x1f5: {  	v58 =	vbroadcast v57, $0xE;
	[tilespmem:s26+$0x7CA0] =	vst v21  }
0x1f6: {  	v22 =	vld.idx.msk [tilespmem:v22+s14+$0x0], $0xffff  }
0x1f7: {  	v23 =	vor.u32 v12, v58;
	_ =	sdelay $0x3  }
0x1f8: {  	[tilespmem:s26+$0x7CB0] =	vst v22  }
0x1f9: {  	v22 =	vld.idx.msk [tilespmem:v23+s14+$0x0], $0xffff  }
0x1fa: {  	v21 =	vor.u32 v16, v58;
	_ =	sdelay $0x2  }
0x1fb: {  	v59 =	vshll.u32 v18, v15  }
0x1fc: {  	v60 =	vbroadcast v59, $0xE;
	[tilespmem:s26+$0x7D00] =	vst v22  }
0x1fd: {  	v21 =	vld.idx.msk [tilespmem:v21+s14+$0x0], $0xffff  }
0x1fe: {  	v22 =	vor.u32 v12, v60;
	_ =	sdelay $0x2  }
0x1ff: {  	v61 =	vshll.u32 v20, v15  }
0x200: {  	v62 =	vbroadcast v61, $0xE;
	[tilespmem:s26+$0x7D10] =	vst v21  }
0x201: {  	v22 =	vld.idx.msk [tilespmem:v22+s14+$0x0], $0xffff  }
0x202: {  	v21 =	vor.u32 v12, v62;
	_ =	sdelay $0x2  }
0x203: {  	v19 =	vshll.u32 v19, v17  }
0x204: {  	v19 =	vbroadcast v19, $0xF;
	[tilespmem:s26+$0x7D20] =	vst v22  }
0x205: {  	v21 =	vld.idx.msk [tilespmem:v21+s14+$0x0], $0xffff  }
0x206: {  	v63 =	vor.u32 v12, v19;
	_ =	sdelay $0x3  }
0x207: {  	[tilespmem:s26+$0x7D30] =	vst v21  }
0x208: {  	v21 =	vld.idx.msk [tilespmem:v63+s14+$0x0], $0xffff  }
0x209: {  	v19 =	vor.u32 v16, v19;
	_ =	sdelay $0x2  }
0x20a: {  	v18 =	vshll.u32 v18, v17  }
0x20b: {  	v18 =	vbroadcast v18, $0xF;
	[tilespmem:s26+$0x7D80] =	vst v21  }
0x20c: {  	v19 =	vld.idx.msk [tilespmem:v19+s14+$0x0], $0xffff  }
0x20d: {  	v18 =	vor.u32 v12, v18;
	_ =	sdelay $0x2  }
0x20e: {  	v20 =	vshll.u32 v20, v17  }
0x20f: {  	[tilespmem:s26+$0x7D90] =	vst v19;
	v19 =	vbroadcast v20, $0xF  }
0x210: {  	v18 =	vld.idx.msk [tilespmem:v18+s14+$0x0], $0xffff  }
0x211: {  	v19 =	vor.u32 v12, v19;
	_ =	sdelay $0x3  }
0x212: {  	[tilespmem:s26+$0x7DA0] =	vst v18  }
0x213: {  	p0 =	sne.s32 s22, $0xE000;
	v18 =	vld.idx.msk [tilespmem:v19+s14+$0x0], $0xffff  }
.Ltmp1:
0x214: {  	_ = 	snop;
	(pc) =	sbr.rel @p0 .LBB2_4-.Ltmp1, $3  }
0x215: {  	_ =	sdelay $0x1  }
0x216: {  	s23 =	sadd.s32 $0x10, s23  }
0x217: {  	s24 =	sadd.s32 $0x10, s24;
	s25 =	sadd.s32 $0x10, s25;
	s22 =	sadd.s32 $0x2000, s22;
	[tilespmem:s26+$0x7DB0] =	vst v18  }
0x218: {  	s22 =	simm.s32 $0x0  }
0x219: {  	s23 =	simm.s32 $0x500;
	s24 =	simm.s32 $0x300;
	s25 =	simm.s32 $0x100  }
0x21a: {  	[hbm4b:s8+s22] =	stream.linear.scatter [tilespmem:s17], [sflag:$0x2], $0x4000, $0x38;
	[tilespmem:$0x13600] =	vst v63  }
.LBB2_6:
0x21b: {  	v19 =	vld [tilespmem:s25+$0x0];
	_ =	sdelay $0x4  }
0x21c: {  	v18 =	vshll.u32 v19, v0  }
0x21d: {  	v18 =	vbroadcast v18, $0x0;
	_ =	sdelay $0x1  }
0x21e: {  	v20 =	vor.u32 v12, v18;
	_ =	sdelay $0x2  }
0x21f: {  	v21 =	vld [tilespmem:s24+$0x0];
	_ =	sdelay $0x1  }
0x220: {  	v20 =	vld.idx.msk [tilespmem:v20+s14+$0x0], $0xffff  }
0x221: {  	v22 =	vor.u32 v16, v18;
	_ =	sdelay $0x1  }
0x222: {  	v18 =	vadd.s32 $0x32, v21  }
0x223: {  	v57 =	vld [tilespmem:s23+$0x0];
	s26 =	sshra.s32 s22, $0x2;
	v23 =	vshll.u32 v18, v0  }
0x224: {  	v58 =	vbroadcast v23, $0x0;
	[tilespmem:s26+$0xB600] =	vst v20  }
0x225: {  	v22 =	vld.idx.msk [tilespmem:v22+s14+$0x0], $0xffff  }
0x226: {  	v23 =	vor.u32 v12, v58;
	_ =	sdelay $0x1  }
0x227: {  	v20 =	vadd.s32 $0x4A, v57  }
0x228: {  	v21 =	vshll.u32 v20, v0  }
0x229: {  	v21 =	vbroadcast v21, $0x0;
	[tilespmem:s26+$0xB610] =	vst v22  }
0x22a: {  	v22 =	vld.idx.msk [tilespmem:v23+s14+$0x0], $0xffff  }
0x22b: {  	v21 =	vor.u32 v12, v21;
	_ =	sdelay $0x2  }
0x22c: {  	v59 =	vshll.u32 v19, v1  }
0x22d: {  	v60 =	vbroadcast v59, $0x1;
	[tilespmem:s26+$0xB620] =	vst v22  }
0x22e: {  	v21 =	vld.idx.msk [tilespmem:v21+s14+$0x0], $0xffff  }
0x22f: {  	v23 =	vor.u32 v12, v60;
	_ =	sdelay $0x3  }
0x230: {  	[tilespmem:s26+$0xB630] =	vst v21  }
0x231: {  	v21 =	vld.idx.msk [tilespmem:v23+s14+$0x0], $0xffff  }
0x232: {  	v22 =	vor.u32 v16, v60;
	_ =	sdelay $0x2  }
0x233: {  	v61 =	vshll.u32 v18, v1  }
0x234: {  	v62 =	vbroadcast v61, $0x1;
	[tilespmem:s26+$0xB680] =	vst v21  }
0x235: {  	v22 =	vld.idx.msk [tilespmem:v22+s14+$0x0], $0xffff  }
0x236: {  	v21 =	vor.u32 v12, v62;
	_ =	sdelay $0x2  }
0x237: {  	v63 =	vshll.u32 v20, v1  }
0x238: {  	v24 =	vbroadcast v63, $0x1;
	[tilespmem:s26+$0xB690] =	vst v22  }
0x239: {  	v21 =	vld.idx.msk [tilespmem:v21+s14+$0x0], $0xffff  }
0x23a: {  	v22 =	vor.u32 v12, v24;
	_ =	sdelay $0x2  }
0x23b: {  	v25 =	vshll.u32 v19, v2  }
0x23c: {  	v26 =	vbroadcast v25, $0x2;
	[tilespmem:s26+$0xB6A0] =	vst v21  }
0x23d: {  	v22 =	vld.idx.msk [tilespmem:v22+s14+$0x0], $0xffff  }
0x23e: {  	v23 =	vor.u32 v12, v26;
	_ =	sdelay $0x3  }
0x23f: {  	[tilespmem:s26+$0xB6B0] =	vst v22  }
0x240: {  	v22 =	vld.idx.msk [tilespmem:v23+s14+$0x0], $0xffff  }
0x241: {  	v21 =	vor.u32 v16, v26;
	_ =	sdelay $0x2  }
0x242: {  	v27 =	vshll.u32 v18, v2  }
0x243: {  	v28 =	vbroadcast v27, $0x2;
	[tilespmem:s26+$0xB700] =	vst v22  }
0x244: {  	v21 =	vld.idx.msk [tilespmem:v21+s14+$0x0], $0xffff  }
0x245: {  	v22 =	vor.u32 v12, v28;
	_ =	sdelay $0x2  }
0x246: {  	v29 =	vshll.u32 v20, v2  }
0x247: {  	v30 =	vbroadcast v29, $0x2;
	[tilespmem:s26+$0xB710] =	vst v21  }
0x248: {  	v22 =	vld.idx.msk [tilespmem:v22+s14+$0x0], $0xffff  }
0x249: {  	v21 =	vor.u32 v12, v30;
	_ =	sdelay $0x2  }
0x24a: {  	v31 =	vshll.u32 v19, v3  }
0x24b: {  	v32 =	vbroadcast v31, $0x3;
	[tilespmem:s26+$0xB720] =	vst v22  }
0x24c: {  	v21 =	vld.idx.msk [tilespmem:v21+s14+$0x0], $0xffff  }
0x24d: {  	v23 =	vor.u32 v12, v32;
	_ =	sdelay $0x3  }
0x24e: {  	[tilespmem:s26+$0xB730] =	vst v21  }
0x24f: {  	v21 =	vld.idx.msk [tilespmem:v23+s14+$0x0], $0xffff  }
0x250: {  	v22 =	vor.u32 v16, v32;
	_ =	sdelay $0x2  }
0x251: {  	v33 =	vshll.u32 v18, v3  }
0x252: {  	v34 =	vbroadcast v33, $0x3;
	[tilespmem:s26+$0xB780] =	vst v21  }
0x253: {  	v22 =	vld.idx.msk [tilespmem:v22+s14+$0x0], $0xffff  }
0x254: {  	v21 =	vor.u32 v12, v34;
	_ =	sdelay $0x2  }
0x255: {  	v35 =	vshll.u32 v20, v3  }
0x256: {  	v36 =	vbroadcast v35, $0x3;
	[tilespmem:s26+$0xB790] =	vst v22  }
0x257: {  	v21 =	vld.idx.msk [tilespmem:v21+s14+$0x0], $0xffff  }
0x258: {  	v22 =	vor.u32 v12, v36;
	_ =	sdelay $0x2  }
0x259: {  	v37 =	vshll.u32 v19, v4  }
0x25a: {  	v38 =	vbroadcast v37, $0x4;
	[tilespmem:s26+$0xB7A0] =	vst v21  }
0x25b: {  	v22 =	vld.idx.msk [tilespmem:v22+s14+$0x0], $0xffff  }
0x25c: {  	v23 =	vor.u32 v12, v38;
	_ =	sdelay $0x3  }
0x25d: {  	[tilespmem:s26+$0xB7B0] =	vst v22  }
0x25e: {  	v22 =	vld.idx.msk [tilespmem:v23+s14+$0x0], $0xffff  }
0x25f: {  	v21 =	vor.u32 v16, v38;
	_ =	sdelay $0x2  }
0x260: {  	v39 =	vshll.u32 v18, v4  }
0x261: {  	v40 =	vbroadcast v39, $0x4;
	[tilespmem:s26+$0xB800] =	vst v22  }
0x262: {  	v21 =	vld.idx.msk [tilespmem:v21+s14+$0x0], $0xffff  }
0x263: {  	v22 =	vor.u32 v12, v40;
	_ =	sdelay $0x2  }
0x264: {  	v41 =	vshll.u32 v20, v4  }
0x265: {  	v42 =	vbroadcast v41, $0x4;
	[tilespmem:s26+$0xB810] =	vst v21  }
0x266: {  	v22 =	vld.idx.msk [tilespmem:v22+s14+$0x0], $0xffff  }
0x267: {  	v21 =	vor.u32 v12, v42;
	_ =	sdelay $0x2  }
0x268: {  	v43 =	vshll.u32 v19, v5  }
0x269: {  	v44 =	vbroadcast v43, $0x5;
	[tilespmem:s26+$0xB820] =	vst v22  }
0x26a: {  	v21 =	vld.idx.msk [tilespmem:v21+s14+$0x0], $0xffff  }
0x26b: {  	v23 =	vor.u32 v12, v44;
	_ =	sdelay $0x3  }
0x26c: {  	[tilespmem:s26+$0xB830] =	vst v21  }
0x26d: {  	v21 =	vld.idx.msk [tilespmem:v23+s14+$0x0], $0xffff  }
0x26e: {  	v22 =	vor.u32 v16, v44;
	_ =	sdelay $0x2  }
0x26f: {  	v45 =	vshll.u32 v18, v5  }
0x270: {  	v46 =	vbroadcast v45, $0x5;
	[tilespmem:s26+$0xB880] =	vst v21  }
0x271: {  	v22 =	vld.idx.msk [tilespmem:v22+s14+$0x0], $0xffff  }
0x272: {  	v21 =	vor.u32 v12, v46;
	_ =	sdelay $0x2  }
0x273: {  	v47 =	vshll.u32 v20, v5  }
0x274: {  	v48 =	vbroadcast v47, $0x5;
	[tilespmem:s26+$0xB890] =	vst v22  }
0x275: {  	v21 =	vld.idx.msk [tilespmem:v21+s14+$0x0], $0xffff  }
0x276: {  	v22 =	vor.u32 v12, v48;
	_ =	sdelay $0x2  }
0x277: {  	v49 =	vshll.u32 v19, v6  }
0x278: {  	v50 =	vbroadcast v49, $0x6;
	[tilespmem:s26+$0xB8A0] =	vst v21  }
0x279: {  	v22 =	vld.idx.msk [tilespmem:v22+s14+$0x0], $0xffff  }
0x27a: {  	v23 =	vor.u32 v12, v50;
	_ =	sdelay $0x3  }
0x27b: {  	[tilespmem:s26+$0xB8B0] =	vst v22  }
0x27c: {  	v22 =	vld.idx.msk [tilespmem:v23+s14+$0x0], $0xffff  }
0x27d: {  	v21 =	vor.u32 v16, v50;
	_ =	sdelay $0x2  }
0x27e: {  	v51 =	vshll.u32 v18, v6  }
0x27f: {  	v52 =	vbroadcast v51, $0x6;
	[tilespmem:s26+$0xB900] =	vst v22  }
0x280: {  	v21 =	vld.idx.msk [tilespmem:v21+s14+$0x0], $0xffff  }
0x281: {  	v22 =	vor.u32 v12, v52;
	_ =	sdelay $0x2  }
0x282: {  	v53 =	vshll.u32 v20, v6  }
0x283: {  	v54 =	vbroadcast v53, $0x6;
	[tilespmem:s26+$0xB910] =	vst v21  }
0x284: {  	v22 =	vld.idx.msk [tilespmem:v22+s14+$0x0], $0xffff  }
0x285: {  	v21 =	vor.u32 v12, v54;
	_ =	sdelay $0x2  }
0x286: {  	v55 =	vshll.u32 v19, v7  }
0x287: {  	v56 =	vbroadcast v55, $0x7;
	[tilespmem:s26+$0xB920] =	vst v22  }
0x288: {  	v21 =	vld.idx.msk [tilespmem:v21+s14+$0x0], $0xffff  }
0x289: {  	v23 =	vor.u32 v12, v56;
	_ =	sdelay $0x3  }
0x28a: {  	[tilespmem:s26+$0xB930] =	vst v21  }
0x28b: {  	v21 =	vld.idx.msk [tilespmem:v23+s14+$0x0], $0xffff  }
0x28c: {  	v22 =	vor.u32 v16, v56;
	_ =	sdelay $0x2  }
0x28d: {  	v57 =	vshll.u32 v18, v7  }
0x28e: {  	v58 =	vbroadcast v57, $0x7;
	[tilespmem:s26+$0xB980] =	vst v21  }
0x28f: {  	v22 =	vld.idx.msk [tilespmem:v22+s14+$0x0], $0xffff  }
0x290: {  	v21 =	vor.u32 v12, v58;
	_ =	sdelay $0x2  }
0x291: {  	v59 =	vshll.u32 v20, v7  }
0x292: {  	v60 =	vbroadcast v59, $0x7;
	[tilespmem:s26+$0xB990] =	vst v22  }
0x293: {  	v21 =	vld.idx.msk [tilespmem:v21+s14+$0x0], $0xffff  }
0x294: {  	v22 =	vor.u32 v12, v60;
	_ =	sdelay $0x2  }
0x295: {  	v61 =	vshll.u32 v19, v8  }
0x296: {  	v62 =	vbroadcast v61, $0x8;
	[tilespmem:s26+$0xB9A0] =	vst v21  }
0x297: {  	v22 =	vld.idx.msk [tilespmem:v22+s14+$0x0], $0xffff  }
0x298: {  	v23 =	vor.u32 v12, v62;
	_ =	sdelay $0x3  }
0x299: {  	[tilespmem:s26+$0xB9B0] =	vst v22  }
0x29a: {  	v22 =	vld.idx.msk [tilespmem:v23+s14+$0x0], $0xffff  }
0x29b: {  	v21 =	vor.u32 v16, v62;
	_ =	sdelay $0x2  }
0x29c: {  	v63 =	vshll.u32 v18, v8  }
0x29d: {  	v24 =	vbroadcast v63, $0x8;
	[tilespmem:s26+$0xBA00] =	vst v22  }
0x29e: {  	v21 =	vld.idx.msk [tilespmem:v21+s14+$0x0], $0xffff  }
0x29f: {  	v22 =	vor.u32 v12, v24;
	_ =	sdelay $0x2  }
0x2a0: {  	v25 =	vshll.u32 v20, v8  }
0x2a1: {  	v26 =	vbroadcast v25, $0x8;
	[tilespmem:s26+$0xBA10] =	vst v21  }
0x2a2: {  	v22 =	vld.idx.msk [tilespmem:v22+s14+$0x0], $0xffff  }
0x2a3: {  	v21 =	vor.u32 v12, v26;
	_ =	sdelay $0x2  }
0x2a4: {  	v27 =	vshll.u32 v19, v9  }
0x2a5: {  	v28 =	vbroadcast v27, $0x9;
	[tilespmem:s26+$0xBA20] =	vst v22  }
0x2a6: {  	v21 =	vld.idx.msk [tilespmem:v21+s14+$0x0], $0xffff  }
0x2a7: {  	v23 =	vor.u32 v12, v28;
	_ =	sdelay $0x3  }
0x2a8: {  	[tilespmem:s26+$0xBA30] =	vst v21  }
0x2a9: {  	v21 =	vld.idx.msk [tilespmem:v23+s14+$0x0], $0xffff  }
0x2aa: {  	v22 =	vor.u32 v16, v28;
	_ =	sdelay $0x2  }
0x2ab: {  	v29 =	vshll.u32 v18, v9  }
0x2ac: {  	v30 =	vbroadcast v29, $0x9;
	[tilespmem:s26+$0xBA80] =	vst v21  }
0x2ad: {  	v22 =	vld.idx.msk [tilespmem:v22+s14+$0x0], $0xffff  }
0x2ae: {  	v21 =	vor.u32 v12, v30;
	_ =	sdelay $0x2  }
0x2af: {  	v31 =	vshll.u32 v20, v9  }
0x2b0: {  	v32 =	vbroadcast v31, $0x9;
	[tilespmem:s26+$0xBA90] =	vst v22  }
0x2b1: {  	v21 =	vld.idx.msk [tilespmem:v21+s14+$0x0], $0xffff  }
0x2b2: {  	v22 =	vor.u32 v12, v32;
	_ =	sdelay $0x2  }
0x2b3: {  	v33 =	vshll.u32 v19, v10  }
0x2b4: {  	v34 =	vbroadcast v33, $0xA;
	[tilespmem:s26+$0xBAA0] =	vst v21  }
0x2b5: {  	v22 =	vld.idx.msk [tilespmem:v22+s14+$0x0], $0xffff  }
0x2b6: {  	v23 =	vor.u32 v12, v34;
	_ =	sdelay $0x3  }
0x2b7: {  	[tilespmem:s26+$0xBAB0] =	vst v22  }
0x2b8: {  	v22 =	vld.idx.msk [tilespmem:v23+s14+$0x0], $0xffff  }
0x2b9: {  	v21 =	vor.u32 v16, v34;
	_ =	sdelay $0x2  }
0x2ba: {  	v35 =	vshll.u32 v18, v10  }
0x2bb: {  	v36 =	vbroadcast v35, $0xA;
	[tilespmem:s26+$0xBB00] =	vst v22  }
0x2bc: {  	v21 =	vld.idx.msk [tilespmem:v21+s14+$0x0], $0xffff  }
0x2bd: {  	v22 =	vor.u32 v12, v36;
	_ =	sdelay $0x2  }
0x2be: {  	v37 =	vshll.u32 v20, v10  }
0x2bf: {  	v38 =	vbroadcast v37, $0xA;
	[tilespmem:s26+$0xBB10] =	vst v21  }
0x2c0: {  	v22 =	vld.idx.msk [tilespmem:v22+s14+$0x0], $0xffff  }
0x2c1: {  	v21 =	vor.u32 v12, v38;
	_ =	sdelay $0x2  }
0x2c2: {  	v39 =	vshll.u32 v19, v11  }
0x2c3: {  	v40 =	vbroadcast v39, $0xB;
	[tilespmem:s26+$0xBB20] =	vst v22  }
0x2c4: {  	v21 =	vld.idx.msk [tilespmem:v21+s14+$0x0], $0xffff  }
0x2c5: {  	v23 =	vor.u32 v12, v40;
	_ =	sdelay $0x3  }
0x2c6: {  	[tilespmem:s26+$0xBB30] =	vst v21  }
0x2c7: {  	v21 =	vld.idx.msk [tilespmem:v23+s14+$0x0], $0xffff  }
0x2c8: {  	v22 =	vor.u32 v16, v40;
	_ =	sdelay $0x2  }
0x2c9: {  	v41 =	vshll.u32 v18, v11  }
0x2ca: {  	v42 =	vbroadcast v41, $0xB;
	[tilespmem:s26+$0xBB80] =	vst v21  }
0x2cb: {  	v22 =	vld.idx.msk [tilespmem:v22+s14+$0x0], $0xffff  }
0x2cc: {  	v21 =	vor.u32 v12, v42;
	_ =	sdelay $0x2  }
0x2cd: {  	v43 =	vshll.u32 v20, v11  }
0x2ce: {  	v44 =	vbroadcast v43, $0xB;
	[tilespmem:s26+$0xBB90] =	vst v22  }
0x2cf: {  	v21 =	vld.idx.msk [tilespmem:v21+s14+$0x0], $0xffff  }
0x2d0: {  	v22 =	vor.u32 v12, v44;
	_ =	sdelay $0x2  }
0x2d1: {  	v45 =	vshll.u32 v19, v13  }
0x2d2: {  	v46 =	vbroadcast v45, $0xC;
	[tilespmem:s26+$0xBBA0] =	vst v21  }
0x2d3: {  	v22 =	vld.idx.msk [tilespmem:v22+s14+$0x0], $0xffff  }
0x2d4: {  	v23 =	vor.u32 v12, v46;
	_ =	sdelay $0x3  }
0x2d5: {  	[tilespmem:s26+$0xBBB0] =	vst v22  }
0x2d6: {  	v22 =	vld.idx.msk [tilespmem:v23+s14+$0x0], $0xffff  }
0x2d7: {  	v21 =	vor.u32 v16, v46;
	_ =	sdelay $0x2  }
0x2d8: {  	v47 =	vshll.u32 v18, v13  }
0x2d9: {  	v48 =	vbroadcast v47, $0xC;
	[tilespmem:s26+$0xBC00] =	vst v22  }
0x2da: {  	v21 =	vld.idx.msk [tilespmem:v21+s14+$0x0], $0xffff  }
0x2db: {  	v22 =	vor.u32 v12, v48;
	_ =	sdelay $0x2  }
0x2dc: {  	v49 =	vshll.u32 v20, v13  }
0x2dd: {  	v50 =	vbroadcast v49, $0xC;
	[tilespmem:s26+$0xBC10] =	vst v21  }
0x2de: {  	v22 =	vld.idx.msk [tilespmem:v22+s14+$0x0], $0xffff  }
0x2df: {  	v21 =	vor.u32 v12, v50;
	_ =	sdelay $0x2  }
0x2e0: {  	v51 =	vshll.u32 v19, v14  }
0x2e1: {  	v52 =	vbroadcast v51, $0xD;
	[tilespmem:s26+$0xBC20] =	vst v22  }
0x2e2: {  	v21 =	vld.idx.msk [tilespmem:v21+s14+$0x0], $0xffff  }
0x2e3: {  	v23 =	vor.u32 v12, v52;
	_ =	sdelay $0x3  }
0x2e4: {  	[tilespmem:s26+$0xBC30] =	vst v21  }
0x2e5: {  	v21 =	vld.idx.msk [tilespmem:v23+s14+$0x0], $0xffff  }
0x2e6: {  	v22 =	vor.u32 v16, v52;
	_ =	sdelay $0x2  }
0x2e7: {  	v53 =	vshll.u32 v18, v14  }
0x2e8: {  	v54 =	vbroadcast v53, $0xD;
	[tilespmem:s26+$0xBC80] =	vst v21  }
0x2e9: {  	v22 =	vld.idx.msk [tilespmem:v22+s14+$0x0], $0xffff  }
0x2ea: {  	v21 =	vor.u32 v12, v54;
	_ =	sdelay $0x2  }
0x2eb: {  	v55 =	vshll.u32 v20, v14  }
0x2ec: {  	v56 =	vbroadcast v55, $0xD;
	[tilespmem:s26+$0xBC90] =	vst v22  }
0x2ed: {  	v21 =	vld.idx.msk [tilespmem:v21+s14+$0x0], $0xffff  }
0x2ee: {  	v22 =	vor.u32 v12, v56;
	_ =	sdelay $0x2  }
0x2ef: {  	v57 =	vshll.u32 v19, v15  }
0x2f0: {  	v58 =	vbroadcast v57, $0xE;
	[tilespmem:s26+$0xBCA0] =	vst v21  }
0x2f1: {  	v22 =	vld.idx.msk [tilespmem:v22+s14+$0x0], $0xffff  }
0x2f2: {  	v23 =	vor.u32 v12, v58;
	_ =	sdelay $0x3  }
0x2f3: {  	[tilespmem:s26+$0xBCB0] =	vst v22  }
0x2f4: {  	v22 =	vld.idx.msk [tilespmem:v23+s14+$0x0], $0xffff  }
0x2f5: {  	v21 =	vor.u32 v16, v58;
	_ =	sdelay $0x2  }
0x2f6: {  	v59 =	vshll.u32 v18, v15  }
0x2f7: {  	v60 =	vbroadcast v59, $0xE;
	[tilespmem:s26+$0xBD00] =	vst v22  }
0x2f8: {  	v21 =	vld.idx.msk [tilespmem:v21+s14+$0x0], $0xffff  }
0x2f9: {  	v22 =	vor.u32 v12, v60;
	_ =	sdelay $0x2  }
0x2fa: {  	v61 =	vshll.u32 v20, v15  }
0x2fb: {  	v62 =	vbroadcast v61, $0xE;
	[tilespmem:s26+$0xBD10] =	vst v21  }
0x2fc: {  	v22 =	vld.idx.msk [tilespmem:v22+s14+$0x0], $0xffff  }
0x2fd: {  	v21 =	vor.u32 v12, v62;
	_ =	sdelay $0x2  }
0x2fe: {  	v19 =	vshll.u32 v19, v17  }
0x2ff: {  	v19 =	vbroadcast v19, $0xF;
	[tilespmem:s26+$0xBD20] =	vst v22  }
0x300: {  	v21 =	vld.idx.msk [tilespmem:v21+s14+$0x0], $0xffff  }
0x301: {  	v63 =	vor.u32 v12, v19;
	_ =	sdelay $0x3  }
0x302: {  	[tilespmem:s26+$0xBD30] =	vst v21  }
0x303: {  	v21 =	vld.idx.msk [tilespmem:v63+s14+$0x0], $0xffff  }
0x304: {  	v19 =	vor.u32 v16, v19;
	_ =	sdelay $0x2  }
0x305: {  	v18 =	vshll.u32 v18, v17  }
0x306: {  	v18 =	vbroadcast v18, $0xF;
	[tilespmem:s26+$0xBD80] =	vst v21  }
0x307: {  	v19 =	vld.idx.msk [tilespmem:v19+s14+$0x0], $0xffff  }
0x308: {  	v18 =	vor.u32 v12, v18;
	_ =	sdelay $0x2  }
0x309: {  	v20 =	vshll.u32 v20, v17  }
0x30a: {  	[tilespmem:s26+$0xBD90] =	vst v19;
	v19 =	vbroadcast v20, $0xF  }
0x30b: {  	v18 =	vld.idx.msk [tilespmem:v18+s14+$0x0], $0xffff  }
0x30c: {  	v19 =	vor.u32 v12, v19;
	_ =	sdelay $0x3  }
0x30d: {  	[tilespmem:s26+$0xBDA0] =	vst v18  }
0x30e: {  	p0 =	sne.s32 s22, $0xE000;
	v18 =	vld.idx.msk [tilespmem:v19+s14+$0x0], $0xffff  }
.Ltmp2:
0x30f: {  	_ = 	snop;
	(pc) =	sbr.rel @p0 .LBB2_6-.Ltmp2, $3  }
0x310: {  	_ =	sdelay $0x1  }
0x311: {  	s23 =	sadd.s32 $0x10, s23  }
0x312: {  	s24 =	sadd.s32 $0x10, s24;
	s25 =	sadd.s32 $0x10, s25;
	s22 =	sadd.s32 $0x2000, s22;
	[tilespmem:s26+$0xBDB0] =	vst v18  }
0x313: {  	s22 =	simm.s32 $0x0  }
0x314: {  	s23 =	simm.s32 $0x580;
	s24 =	simm.s32 $0x380;
	s25 =	simm.s32 $0x180  }
0x315: {  	[hbm4b:s9+s22] =	stream.linear.scatter [tilespmem:s18], [sflag:$0x2], $0x4000, $0x38;
	[tilespmem:$0x13600] =	vst v63  }
.LBB2_8:
0x316: {  	v19 =	vld [tilespmem:s25+$0x0];
	_ =	sdelay $0x4  }
0x317: {  	v18 =	vshll.u32 v19, v0  }
0x318: {  	v18 =	vbroadcast v18, $0x0;
	_ =	sdelay $0x1  }
0x319: {  	v20 =	vor.u32 v12, v18;
	_ =	sdelay $0x2  }
0x31a: {  	v21 =	vld [tilespmem:s24+$0x0];
	_ =	sdelay $0x1  }
0x31b: {  	v20 =	vld.idx.msk [tilespmem:v20+s14+$0x0], $0xffff  }
0x31c: {  	v22 =	vor.u32 v16, v18;
	_ =	sdelay $0x1  }
0x31d: {  	v18 =	vadd.s32 $0x32, v21  }
0x31e: {  	v57 =	vld [tilespmem:s23+$0x0];
	s26 =	sshra.s32 s22, $0x2;
	v23 =	vshll.u32 v18, v0  }
0x31f: {  	v58 =	vbroadcast v23, $0x0;
	[tilespmem:s26+$0xF600] =	vst v20  }
0x320: {  	v22 =	vld.idx.msk [tilespmem:v22+s14+$0x0], $0xffff  }
0x321: {  	v23 =	vor.u32 v12, v58;
	_ =	sdelay $0x1  }
0x322: {  	v20 =	vadd.s32 $0x4A, v57  }
0x323: {  	v21 =	vshll.u32 v20, v0  }
0x324: {  	v21 =	vbroadcast v21, $0x0;
	[tilespmem:s26+$0xF610] =	vst v22  }
0x325: {  	v22 =	vld.idx.msk [tilespmem:v23+s14+$0x0], $0xffff  }
0x326: {  	v21 =	vor.u32 v12, v21;
	_ =	sdelay $0x2  }
0x327: {  	v59 =	vshll.u32 v19, v1  }
0x328: {  	v60 =	vbroadcast v59, $0x1;
	[tilespmem:s26+$0xF620] =	vst v22  }
0x329: {  	v21 =	vld.idx.msk [tilespmem:v21+s14+$0x0], $0xffff  }
0x32a: {  	v23 =	vor.u32 v12, v60;
	_ =	sdelay $0x3  }
0x32b: {  	[tilespmem:s26+$0xF630] =	vst v21  }
0x32c: {  	v21 =	vld.idx.msk [tilespmem:v23+s14+$0x0], $0xffff  }
0x32d: {  	v22 =	vor.u32 v16, v60;
	_ =	sdelay $0x2  }
0x32e: {  	v61 =	vshll.u32 v18, v1  }
0x32f: {  	v62 =	vbroadcast v61, $0x1;
	[tilespmem:s26+$0xF680] =	vst v21  }
0x330: {  	v22 =	vld.idx.msk [tilespmem:v22+s14+$0x0], $0xffff  }
0x331: {  	v21 =	vor.u32 v12, v62;
	_ =	sdelay $0x2  }
0x332: {  	v63 =	vshll.u32 v20, v1  }
0x333: {  	v24 =	vbroadcast v63, $0x1;
	[tilespmem:s26+$0xF690] =	vst v22  }
0x334: {  	v21 =	vld.idx.msk [tilespmem:v21+s14+$0x0], $0xffff  }
0x335: {  	v22 =	vor.u32 v12, v24;
	_ =	sdelay $0x2  }
0x336: {  	v25 =	vshll.u32 v19, v2  }
0x337: {  	v26 =	vbroadcast v25, $0x2;
	[tilespmem:s26+$0xF6A0] =	vst v21  }
0x338: {  	v22 =	vld.idx.msk [tilespmem:v22+s14+$0x0], $0xffff  }
0x339: {  	v23 =	vor.u32 v12, v26;
	_ =	sdelay $0x3  }
0x33a: {  	[tilespmem:s26+$0xF6B0] =	vst v22  }
0x33b: {  	v22 =	vld.idx.msk [tilespmem:v23+s14+$0x0], $0xffff  }
0x33c: {  	v21 =	vor.u32 v16, v26;
	_ =	sdelay $0x2  }
0x33d: {  	v27 =	vshll.u32 v18, v2  }
0x33e: {  	v28 =	vbroadcast v27, $0x2;
	[tilespmem:s26+$0xF700] =	vst v22  }
0x33f: {  	v21 =	vld.idx.msk [tilespmem:v21+s14+$0x0], $0xffff  }
0x340: {  	v22 =	vor.u32 v12, v28;
	_ =	sdelay $0x2  }
0x341: {  	v29 =	vshll.u32 v20, v2  }
0x342: {  	v30 =	vbroadcast v29, $0x2;
	[tilespmem:s26+$0xF710] =	vst v21  }
0x343: {  	v22 =	vld.idx.msk [tilespmem:v22+s14+$0x0], $0xffff  }
0x344: {  	v21 =	vor.u32 v12, v30;
	_ =	sdelay $0x2  }
0x345: {  	v31 =	vshll.u32 v19, v3  }
0x346: {  	v32 =	vbroadcast v31, $0x3;
	[tilespmem:s26+$0xF720] =	vst v22  }
0x347: {  	v21 =	vld.idx.msk [tilespmem:v21+s14+$0x0], $0xffff  }
0x348: {  	v23 =	vor.u32 v12, v32;
	_ =	sdelay $0x3  }
0x349: {  	[tilespmem:s26+$0xF730] =	vst v21  }
0x34a: {  	v21 =	vld.idx.msk [tilespmem:v23+s14+$0x0], $0xffff  }
0x34b: {  	v22 =	vor.u32 v16, v32;
	_ =	sdelay $0x2  }
0x34c: {  	v33 =	vshll.u32 v18, v3  }
0x34d: {  	v34 =	vbroadcast v33, $0x3;
	[tilespmem:s26+$0xF780] =	vst v21  }
0x34e: {  	v22 =	vld.idx.msk [tilespmem:v22+s14+$0x0], $0xffff  }
0x34f: {  	v21 =	vor.u32 v12, v34;
	_ =	sdelay $0x2  }
0x350: {  	v35 =	vshll.u32 v20, v3  }
0x351: {  	v36 =	vbroadcast v35, $0x3;
	[tilespmem:s26+$0xF790] =	vst v22  }
0x352: {  	v21 =	vld.idx.msk [tilespmem:v21+s14+$0x0], $0xffff  }
0x353: {  	v22 =	vor.u32 v12, v36;
	_ =	sdelay $0x2  }
0x354: {  	v37 =	vshll.u32 v19, v4  }
0x355: {  	v38 =	vbroadcast v37, $0x4;
	[tilespmem:s26+$0xF7A0] =	vst v21  }
0x356: {  	v22 =	vld.idx.msk [tilespmem:v22+s14+$0x0], $0xffff  }
0x357: {  	v23 =	vor.u32 v12, v38;
	_ =	sdelay $0x3  }
0x358: {  	[tilespmem:s26+$0xF7B0] =	vst v22  }
0x359: {  	v22 =	vld.idx.msk [tilespmem:v23+s14+$0x0], $0xffff  }
0x35a: {  	v21 =	vor.u32 v16, v38;
	_ =	sdelay $0x2  }
0x35b: {  	v39 =	vshll.u32 v18, v4  }
0x35c: {  	v40 =	vbroadcast v39, $0x4;
	[tilespmem:s26+$0xF800] =	vst v22  }
0x35d: {  	v21 =	vld.idx.msk [tilespmem:v21+s14+$0x0], $0xffff  }
0x35e: {  	v22 =	vor.u32 v12, v40;
	_ =	sdelay $0x2  }
0x35f: {  	v41 =	vshll.u32 v20, v4  }
0x360: {  	v42 =	vbroadcast v41, $0x4;
	[tilespmem:s26+$0xF810] =	vst v21  }
0x361: {  	v22 =	vld.idx.msk [tilespmem:v22+s14+$0x0], $0xffff  }
0x362: {  	v21 =	vor.u32 v12, v42;
	_ =	sdelay $0x2  }
0x363: {  	v43 =	vshll.u32 v19, v5  }
0x364: {  	v44 =	vbroadcast v43, $0x5;
	[tilespmem:s26+$0xF820] =	vst v22  }
0x365: {  	v21 =	vld.idx.msk [tilespmem:v21+s14+$0x0], $0xffff  }
0x366: {  	v23 =	vor.u32 v12, v44;
	_ =	sdelay $0x3  }
0x367: {  	[tilespmem:s26+$0xF830] =	vst v21  }
0x368: {  	v21 =	vld.idx.msk [tilespmem:v23+s14+$0x0], $0xffff  }
0x369: {  	v22 =	vor.u32 v16, v44;
	_ =	sdelay $0x2  }
0x36a: {  	v45 =	vshll.u32 v18, v5  }
0x36b: {  	v46 =	vbroadcast v45, $0x5;
	[tilespmem:s26+$0xF880] =	vst v21  }
0x36c: {  	v22 =	vld.idx.msk [tilespmem:v22+s14+$0x0], $0xffff  }
0x36d: {  	v21 =	vor.u32 v12, v46;
	_ =	sdelay $0x2  }
0x36e: {  	v47 =	vshll.u32 v20, v5  }
0x36f: {  	v48 =	vbroadcast v47, $0x5;
	[tilespmem:s26+$0xF890] =	vst v22  }
0x370: {  	v21 =	vld.idx.msk [tilespmem:v21+s14+$0x0], $0xffff  }
0x371: {  	v22 =	vor.u32 v12, v48;
	_ =	sdelay $0x2  }
0x372: {  	v49 =	vshll.u32 v19, v6  }
0x373: {  	v50 =	vbroadcast v49, $0x6;
	[tilespmem:s26+$0xF8A0] =	vst v21  }
0x374: {  	v22 =	vld.idx.msk [tilespmem:v22+s14+$0x0], $0xffff  }
0x375: {  	v23 =	vor.u32 v12, v50;
	_ =	sdelay $0x3  }
0x376: {  	[tilespmem:s26+$0xF8B0] =	vst v22  }
0x377: {  	v22 =	vld.idx.msk [tilespmem:v23+s14+$0x0], $0xffff  }
0x378: {  	v21 =	vor.u32 v16, v50;
	_ =	sdelay $0x2  }
0x379: {  	v51 =	vshll.u32 v18, v6  }
0x37a: {  	v52 =	vbroadcast v51, $0x6;
	[tilespmem:s26+$0xF900] =	vst v22  }
0x37b: {  	v21 =	vld.idx.msk [tilespmem:v21+s14+$0x0], $0xffff  }
0x37c: {  	v22 =	vor.u32 v12, v52;
	_ =	sdelay $0x2  }
0x37d: {  	v53 =	vshll.u32 v20, v6  }
0x37e: {  	v54 =	vbroadcast v53, $0x6;
	[tilespmem:s26+$0xF910] =	vst v21  }
0x37f: {  	v22 =	vld.idx.msk [tilespmem:v22+s14+$0x0], $0xffff  }
0x380: {  	v21 =	vor.u32 v12, v54;
	_ =	sdelay $0x2  }
0x381: {  	v55 =	vshll.u32 v19, v7  }
0x382: {  	v56 =	vbroadcast v55, $0x7;
	[tilespmem:s26+$0xF920] =	vst v22  }
0x383: {  	v21 =	vld.idx.msk [tilespmem:v21+s14+$0x0], $0xffff  }
0x384: {  	v23 =	vor.u32 v12, v56;
	_ =	sdelay $0x3  }
0x385: {  	[tilespmem:s26+$0xF930] =	vst v21  }
0x386: {  	v21 =	vld.idx.msk [tilespmem:v23+s14+$0x0], $0xffff  }
0x387: {  	v22 =	vor.u32 v16, v56;
	_ =	sdelay $0x2  }
0x388: {  	v57 =	vshll.u32 v18, v7  }
0x389: {  	v58 =	vbroadcast v57, $0x7;
	[tilespmem:s26+$0xF980] =	vst v21  }
0x38a: {  	v22 =	vld.idx.msk [tilespmem:v22+s14+$0x0], $0xffff  }
0x38b: {  	v21 =	vor.u32 v12, v58;
	_ =	sdelay $0x2  }
0x38c: {  	v59 =	vshll.u32 v20, v7  }
0x38d: {  	v60 =	vbroadcast v59, $0x7;
	[tilespmem:s26+$0xF990] =	vst v22  }
0x38e: {  	v21 =	vld.idx.msk [tilespmem:v21+s14+$0x0], $0xffff  }
0x38f: {  	v22 =	vor.u32 v12, v60;
	_ =	sdelay $0x2  }
0x390: {  	v61 =	vshll.u32 v19, v8  }
0x391: {  	v62 =	vbroadcast v61, $0x8;
	[tilespmem:s26+$0xF9A0] =	vst v21  }
0x392: {  	v22 =	vld.idx.msk [tilespmem:v22+s14+$0x0], $0xffff  }
0x393: {  	v23 =	vor.u32 v12, v62;
	_ =	sdelay $0x3  }
0x394: {  	[tilespmem:s26+$0xF9B0] =	vst v22  }
0x395: {  	v22 =	vld.idx.msk [tilespmem:v23+s14+$0x0], $0xffff  }
0x396: {  	v21 =	vor.u32 v16, v62;
	_ =	sdelay $0x2  }
0x397: {  	v63 =	vshll.u32 v18, v8  }
0x398: {  	v24 =	vbroadcast v63, $0x8;
	[tilespmem:s26+$0xFA00] =	vst v22  }
0x399: {  	v21 =	vld.idx.msk [tilespmem:v21+s14+$0x0], $0xffff  }
0x39a: {  	v22 =	vor.u32 v12, v24;
	_ =	sdelay $0x2  }
0x39b: {  	v25 =	vshll.u32 v20, v8  }
0x39c: {  	v26 =	vbroadcast v25, $0x8;
	[tilespmem:s26+$0xFA10] =	vst v21  }
0x39d: {  	v22 =	vld.idx.msk [tilespmem:v22+s14+$0x0], $0xffff  }
0x39e: {  	v21 =	vor.u32 v12, v26;
	_ =	sdelay $0x2  }
0x39f: {  	v27 =	vshll.u32 v19, v9  }
0x3a0: {  	v28 =	vbroadcast v27, $0x9;
	[tilespmem:s26+$0xFA20] =	vst v22  }
0x3a1: {  	v21 =	vld.idx.msk [tilespmem:v21+s14+$0x0], $0xffff  }
0x3a2: {  	v23 =	vor.u32 v12, v28;
	_ =	sdelay $0x3  }
0x3a3: {  	[tilespmem:s26+$0xFA30] =	vst v21  }
0x3a4: {  	v21 =	vld.idx.msk [tilespmem:v23+s14+$0x0], $0xffff  }
0x3a5: {  	v22 =	vor.u32 v16, v28;
	_ =	sdelay $0x2  }
0x3a6: {  	v29 =	vshll.u32 v18, v9  }
0x3a7: {  	v30 =	vbroadcast v29, $0x9;
	[tilespmem:s26+$0xFA80] =	vst v21  }
0x3a8: {  	v22 =	vld.idx.msk [tilespmem:v22+s14+$0x0], $0xffff  }
0x3a9: {  	v21 =	vor.u32 v12, v30;
	_ =	sdelay $0x2  }
0x3aa: {  	v31 =	vshll.u32 v20, v9  }
0x3ab: {  	v32 =	vbroadcast v31, $0x9;
	[tilespmem:s26+$0xFA90] =	vst v22  }
0x3ac: {  	v21 =	vld.idx.msk [tilespmem:v21+s14+$0x0], $0xffff  }
0x3ad: {  	v22 =	vor.u32 v12, v32;
	_ =	sdelay $0x2  }
0x3ae: {  	v33 =	vshll.u32 v19, v10  }
0x3af: {  	v34 =	vbroadcast v33, $0xA;
	[tilespmem:s26+$0xFAA0] =	vst v21  }
0x3b0: {  	v22 =	vld.idx.msk [tilespmem:v22+s14+$0x0], $0xffff  }
0x3b1: {  	v23 =	vor.u32 v12, v34;
	_ =	sdelay $0x3  }
0x3b2: {  	[tilespmem:s26+$0xFAB0] =	vst v22  }
0x3b3: {  	v22 =	vld.idx.msk [tilespmem:v23+s14+$0x0], $0xffff  }
0x3b4: {  	v21 =	vor.u32 v16, v34;
	_ =	sdelay $0x2  }
0x3b5: {  	v35 =	vshll.u32 v18, v10  }
0x3b6: {  	v36 =	vbroadcast v35, $0xA;
	[tilespmem:s26+$0xFB00] =	vst v22  }
0x3b7: {  	v21 =	vld.idx.msk [tilespmem:v21+s14+$0x0], $0xffff  }
0x3b8: {  	v22 =	vor.u32 v12, v36;
	_ =	sdelay $0x2  }
0x3b9: {  	v37 =	vshll.u32 v20, v10  }
0x3ba: {  	v38 =	vbroadcast v37, $0xA;
	[tilespmem:s26+$0xFB10] =	vst v21  }
0x3bb: {  	v22 =	vld.idx.msk [tilespmem:v22+s14+$0x0], $0xffff  }
0x3bc: {  	v21 =	vor.u32 v12, v38;
	_ =	sdelay $0x2  }
0x3bd: {  	v39 =	vshll.u32 v19, v11  }
0x3be: {  	v40 =	vbroadcast v39, $0xB;
	[tilespmem:s26+$0xFB20] =	vst v22  }
0x3bf: {  	v21 =	vld.idx.msk [tilespmem:v21+s14+$0x0], $0xffff  }
0x3c0: {  	v23 =	vor.u32 v12, v40;
	_ =	sdelay $0x3  }
0x3c1: {  	[tilespmem:s26+$0xFB30] =	vst v21  }
0x3c2: {  	v21 =	vld.idx.msk [tilespmem:v23+s14+$0x0], $0xffff  }
0x3c3: {  	v22 =	vor.u32 v16, v40;
	_ =	sdelay $0x2  }
0x3c4: {  	v41 =	vshll.u32 v18, v11  }
0x3c5: {  	v42 =	vbroadcast v41, $0xB;
	[tilespmem:s26+$0xFB80] =	vst v21  }
0x3c6: {  	v22 =	vld.idx.msk [tilespmem:v22+s14+$0x0], $0xffff  }
0x3c7: {  	v21 =	vor.u32 v12, v42;
	_ =	sdelay $0x2  }
0x3c8: {  	v43 =	vshll.u32 v20, v11  }
0x3c9: {  	v44 =	vbroadcast v43, $0xB;
	[tilespmem:s26+$0xFB90] =	vst v22  }
0x3ca: {  	v21 =	vld.idx.msk [tilespmem:v21+s14+$0x0], $0xffff  }
0x3cb: {  	v22 =	vor.u32 v12, v44;
	_ =	sdelay $0x2  }
0x3cc: {  	v45 =	vshll.u32 v19, v13  }
0x3cd: {  	v46 =	vbroadcast v45, $0xC;
	[tilespmem:s26+$0xFBA0] =	vst v21  }
0x3ce: {  	v22 =	vld.idx.msk [tilespmem:v22+s14+$0x0], $0xffff  }
0x3cf: {  	v23 =	vor.u32 v12, v46;
	_ =	sdelay $0x3  }
0x3d0: {  	[tilespmem:s26+$0xFBB0] =	vst v22  }
0x3d1: {  	v22 =	vld.idx.msk [tilespmem:v23+s14+$0x0], $0xffff  }
0x3d2: {  	v21 =	vor.u32 v16, v46;
	_ =	sdelay $0x2  }
0x3d3: {  	v47 =	vshll.u32 v18, v13  }
0x3d4: {  	v48 =	vbroadcast v47, $0xC;
	[tilespmem:s26+$0xFC00] =	vst v22  }
0x3d5: {  	v21 =	vld.idx.msk [tilespmem:v21+s14+$0x0], $0xffff  }
0x3d6: {  	v22 =	vor.u32 v12, v48;
	_ =	sdelay $0x2  }
0x3d7: {  	v49 =	vshll.u32 v20, v13  }
0x3d8: {  	v50 =	vbroadcast v49, $0xC;
	[tilespmem:s26+$0xFC10] =	vst v21  }
0x3d9: {  	v22 =	vld.idx.msk [tilespmem:v22+s14+$0x0], $0xffff  }
0x3da: {  	v21 =	vor.u32 v12, v50;
	_ =	sdelay $0x2  }
0x3db: {  	v51 =	vshll.u32 v19, v14  }
0x3dc: {  	v52 =	vbroadcast v51, $0xD;
	[tilespmem:s26+$0xFC20] =	vst v22  }
0x3dd: {  	v21 =	vld.idx.msk [tilespmem:v21+s14+$0x0], $0xffff  }
0x3de: {  	v23 =	vor.u32 v12, v52;
	_ =	sdelay $0x3  }
0x3df: {  	[tilespmem:s26+$0xFC30] =	vst v21  }
0x3e0: {  	v21 =	vld.idx.msk [tilespmem:v23+s14+$0x0], $0xffff  }
0x3e1: {  	v22 =	vor.u32 v16, v52;
	_ =	sdelay $0x2  }
0x3e2: {  	v53 =	vshll.u32 v18, v14  }
0x3e3: {  	v54 =	vbroadcast v53, $0xD;
	[tilespmem:s26+$0xFC80] =	vst v21  }
0x3e4: {  	v22 =	vld.idx.msk [tilespmem:v22+s14+$0x0], $0xffff  }
0x3e5: {  	v21 =	vor.u32 v12, v54;
	_ =	sdelay $0x2  }
0x3e6: {  	v55 =	vshll.u32 v20, v14  }
0x3e7: {  	v56 =	vbroadcast v55, $0xD;
	[tilespmem:s26+$0xFC90] =	vst v22  }
0x3e8: {  	v21 =	vld.idx.msk [tilespmem:v21+s14+$0x0], $0xffff  }
0x3e9: {  	v22 =	vor.u32 v12, v56;
	_ =	sdelay $0x2  }
0x3ea: {  	v57 =	vshll.u32 v19, v15  }
0x3eb: {  	v58 =	vbroadcast v57, $0xE;
	[tilespmem:s26+$0xFCA0] =	vst v21  }
0x3ec: {  	v22 =	vld.idx.msk [tilespmem:v22+s14+$0x0], $0xffff  }
0x3ed: {  	v23 =	vor.u32 v12, v58;
	_ =	sdelay $0x3  }
0x3ee: {  	[tilespmem:s26+$0xFCB0] =	vst v22  }
0x3ef: {  	v22 =	vld.idx.msk [tilespmem:v23+s14+$0x0], $0xffff  }
0x3f0: {  	v21 =	vor.u32 v16, v58;
	_ =	sdelay $0x2  }
0x3f1: {  	v59 =	vshll.u32 v18, v15  }
0x3f2: {  	v60 =	vbroadcast v59, $0xE;
	[tilespmem:s26+$0xFD00] =	vst v22  }
0x3f3: {  	v21 =	vld.idx.msk [tilespmem:v21+s14+$0x0], $0xffff  }
0x3f4: {  	v22 =	vor.u32 v12, v60;
	_ =	sdelay $0x2  }
0x3f5: {  	v61 =	vshll.u32 v20, v15  }
0x3f6: {  	v62 =	vbroadcast v61, $0xE;
	[tilespmem:s26+$0xFD10] =	vst v21  }
0x3f7: {  	v22 =	vld.idx.msk [tilespmem:v22+s14+$0x0], $0xffff  }
0x3f8: {  	v21 =	vor.u32 v12, v62;
	_ =	sdelay $0x2  }
0x3f9: {  	v19 =	vshll.u32 v19, v17  }
0x3fa: {  	v19 =	vbroadcast v19, $0xF;
	[tilespmem:s26+$0xFD20] =	vst v22  }
0x3fb: {  	v21 =	vld.idx.msk [tilespmem:v21+s14+$0x0], $0xffff  }
0x3fc: {  	v63 =	vor.u32 v12, v19;
	_ =	sdelay $0x3  }
0x3fd: {  	[tilespmem:s26+$0xFD30] =	vst v21  }
0x3fe: {  	v21 =	vld.idx.msk [tilespmem:v63+s14+$0x0], $0xffff  }
0x3ff: {  	v19 =	vor.u32 v16, v19;
	_ =	sdelay $0x2  }
0x400: {  	v18 =	vshll.u32 v18, v17  }
0x401: {  	v18 =	vbroadcast v18, $0xF;
	[tilespmem:s26+$0xFD80] =	vst v21  }
0x402: {  	v19 =	vld.idx.msk [tilespmem:v19+s14+$0x0], $0xffff  }
0x403: {  	v18 =	vor.u32 v12, v18;
	_ =	sdelay $0x2  }
0x404: {  	v20 =	vshll.u32 v20, v17  }
0x405: {  	[tilespmem:s26+$0xFD90] =	vst v19;
	v19 =	vbroadcast v20, $0xF  }
0x406: {  	v18 =	vld.idx.msk [tilespmem:v18+s14+$0x0], $0xffff  }
0x407: {  	v19 =	vor.u32 v12, v19;
	_ =	sdelay $0x3  }
0x408: {  	[tilespmem:s26+$0xFDA0] =	vst v18  }
0x409: {  	p0 =	sne.s32 s22, $0xE000;
	v18 =	vld.idx.msk [tilespmem:v19+s14+$0x0], $0xffff  }
.Ltmp3:
0x40a: {  	_ = 	snop;
	(pc) =	sbr.rel @p0 .LBB2_8-.Ltmp3, $3  }
0x40b: {  	_ =	sdelay $0x1  }
0x40c: {  	s23 =	sadd.s32 $0x10, s23  }
0x40d: {  	s24 =	sadd.s32 $0x10, s24;
	s25 =	sadd.s32 $0x10, s25;
	s22 =	sadd.s32 $0x2000, s22;
	[tilespmem:s26+$0xFDB0] =	vst v18  }
0x40e: {  	[hbm4b:s10+s1] =	stream.linear.scatter [tilespmem:s19], [sflag:$0x2], $0x4000, $0x38;
	[tilespmem:$0x13600] =	vst v63  }
0x40f: {  	_ =	swait.ge [sflag:s20], $0x4000  }
0x410: {  	[sflag:s20] =	ssyncset.done $0x0  }
0x411: {  	[sflag:s20] =	ssyncadd.s32 $0xFFFFC000  }
0x412: {  	_ =	swait.ge [sflag:s20], $0x4000  }
0x413: {  	[sflag:s20] =	ssyncset.done $0x0  }
0x414: {  	s21 =	sadd.s32 $0x1, s21;
	[sflag:s20] =	ssyncadd.s32 $0xFFFFC000  }
0x415: {  	p0 =	sne.s32 s21, s11;
	_ =	swait.ge [sflag:s20], $0x4000  }
.Ltmp4:
0x416: {  	[sflag:s20] =	ssyncset.done $0x0;
	(pc) =	sbr.rel @p0 .LBB2_1-.Ltmp4, $4  }
0x417: {  	[sflag:s20] =	ssyncadd.s32 $0xFFFFC000  }
0x418: {  	_ =	swait.ge [sflag:s20], $0x4000  }
0x419: {  	[sflag:s20] =	ssyncset.done $0x0  }
0x41a: {  	[sflag:s20] =	ssyncadd.s32 $0xFFFFC000  }
0x41b: {  	_ =	sfence.sel $0x180000  }
0x41c: {  	[bflag:$0x0] =	sbarrier.arrive $0xFFFF  }
0x41d: {  	p0 =	sne.s32 s2, $0x0;
	_ =	strace $0x90000047  }
0x41e: {  	s0 =	sadd.s32 @!p0 $0x100000, s0;
	[bflag:$0x2] =	sbarrier.arrive $0xFFFF  }
0x41f: {  	[sflag:s0] =	ssyncadd.tile.s32 @!p0 $0x1;
	_ =	shalt  }
.Lfunc_end2:
_tile_overlayer_lowered:
.L_overlay_start_2:
0x420: {  	(tag) =	ssettag $0x2  }
0x421: {  	s0 =	rddreg [dreg:$0x0];
	s2 =	stileid.u32  }
0x422: {  	s1 =	rddreg [dreg:$0x1];
	p0 =	sne.s32 s2, $0x0  }
0x423: {  	s3 =	rddreg [dreg:$0x2];
	[bflag:$0x3] =	sbarrier.arrive $0xFFFF;
	s2 =	simm.s32 @!p0 $0x1C03  }
0x424: {  	[timem:s3], [sflag:s2] =	dma.local @!p0 [hbm:s0], s1  }
0x425: {  	s0 =	simm.s32 @!p0 $0x3  }
0x426: {  	_ =	swait.ge @!p0 [sflag:s0], s1  }
0x427: {  	s1 =	ssub.s32 @!p0 $0x0, s1;
	[sflag:s0] =	ssyncset.done @!p0 $0x0  }
0x428: {  	[sflag:s0] =	ssyncadd.s32 @!p0 s1  }
0x429: {  	[bflag:$0x3] =	sbarrier.arrive $0xFFFF  }
0x42a: {  	_ =	shalt  }

</sc_bundles>
